<compile_context>
chip_gen: v7x
topology: tpu7x:2x2x1
jax: 0.10.2.dev20260603
libtpu: 0.0.44.dev20260713+nightly
codegen_flags: <defaults>
</compile_context>

<pallas_src>
import functools

import jax
import jax.numpy as jnp
from jax import lax
from jax.experimental import pallas as pl
from jax.experimental.pallas import tpu as pltpu
from jax.experimental.pallas import tpu_sc as plsc

_VOCAB = 50257
_B = 1024
_S = 1024
_D = 16

_NC = 2
_NS = 16
_NW = _NC * _NS
_ROWS_PER_W = _B // _NW
_IDX_MINOR = 128
_IDX_MAJOR = _S // _IDX_MINOR

_ROW_ELEMS = _S * _D
_TB = 280


def _emb_body(x_hbm, emb_hbm, pos_hbm, out_hbm, ibuf, rbuf, sbuf, pos_v,
              tbuf, isems, gsems, osems):
    wid = lax.axis_index("s") * _NC + lax.axis_index("c")
    base = wid * _ROWS_PER_W

    pltpu.sync_copy(pos_hbm, pos_v)

    lane = lax.broadcasted_iota(jnp.int32, (16,), 0)
    idx17 = lane * 17

    def fire_idx(sub, c):
        pltpu.async_copy(
            x_hbm.at[base + c],
            ibuf.at[pl.ds(sub * _IDX_MAJOR, _IDX_MAJOR)],
            isems[sub],
        )

    def wait_idx(sub):
        pltpu.make_async_copy(
            x_hbm.at[base],
            ibuf.at[pl.ds(sub * _IDX_MAJOR, _IDX_MAJOR)],
            isems[sub],
        ).wait()

    def fire_gathers(sub):
        for j in range(_IDX_MAJOR):
            pltpu.async_copy(
                emb_hbm.at[ibuf.at[sub * _IDX_MAJOR + j]],
                rbuf.at[sub].at[pl.ds(j * _IDX_MINOR, _IDX_MINOR)],
                gsems[sub],
            )

    def wait_gathers(sub):
        pltpu.make_async_copy(
            emb_hbm.at[pl.ds(0, _S)], rbuf.at[sub], gsems[sub]
        ).wait()

    def fire_out(sub, c):
        pltpu.async_copy(sbuf.at[sub], out_hbm.at[base + c], osems[sub])

    def wait_out(sub):
        pltpu.make_async_copy(
            out_hbm.at[base], sbuf.at[sub], osems[sub]
        ).wait()

    def xpose(sub):
        rb = rbuf.at[sub]
        sb = sbuf.at[sub % 2]

        def block(k, acc):
            s0 = k * 16
            sums = [rb[s0 + j, :] + pos_v[s0 + j, :] for j in range(16)]
            for j in range(16):
                tbuf[pl.ds(j * 17, 16)] = sums[j]
            dyn = (k >> 3) * 1024 + (k & 7) * 16
            cols = [plsc.load_gather(tbuf, [idx17 + d]) for d in range(16)]
            for d in range(16):
                sb[pl.ds(dyn + (d // 8) * (8 * _S) + (d % 8) * 128, 16)] = (
                    cols[d]
                )
            return acc

        lax.fori_loop(0, _S // 16, block, 0)

    for n in range(4):
        fire_idx(n, n)
    wait_idx(0)
    fire_gathers(0)
    wait_idx(1)
    fire_gathers(1)

    def quad(m, acc):
        c0 = m * 4
        for sub in range(4):
            c = c0 + sub
            wait_gathers(sub)

            @pl.when(c + 4 < _ROWS_PER_W)
            def _():
                fire_idx(sub, c + 4)

            @pl.when(c + 2 < _ROWS_PER_W)
            def _():
                wait_idx((sub + 2) % 4)
                fire_gathers((sub + 2) % 4)

            @pl.when(c >= 2)
            def _():
                wait_out(sub % 2)

            xpose(sub)
            fire_out(sub % 2, c)

        return acc

    lax.fori_loop(0, _ROWS_PER_W // 4, quad, 0)

    wait_out(0)
    wait_out(1)


@functools.partial(
    pl.kernel,
    out_type=jax.ShapeDtypeStruct((_B, _ROW_ELEMS), jnp.float32),
    mesh=plsc.VectorSubcoreMesh(core_axis_name="c", subcore_axis_name="s"),
    scratch_types=[
        pltpu.VMEM((4 * _IDX_MAJOR, _IDX_MINOR), jnp.int32),
        pltpu.VMEM((4, _S, _D), jnp.float32),
        pltpu.VMEM((2, _ROW_ELEMS), jnp.float32),
        pltpu.VMEM((_S, _D), jnp.float32),
        pltpu.VMEM((_TB,), jnp.float32),
        [pltpu.SemaphoreType.DMA] * 4,
        [pltpu.SemaphoreType.DMA] * 4,
        [pltpu.SemaphoreType.DMA] * 2,
    ],
    compiler_params=pltpu.CompilerParams(
        use_tc_tiling_on_sc=False, needs_layout_passes=False
    ),
)
def _emb_kernel(x_hbm, emb_hbm, pos_hbm, out_hbm, ibuf, rbuf, sbuf, pos_v,
                tbuf, isems, gsems, osems):
    _emb_body(x_hbm, emb_hbm, pos_hbm, out_hbm, ibuf, rbuf, sbuf, pos_v,
              tbuf, isems, gsems, osems)


def kernel(x, token_emb, token_pos):
    out = _emb_kernel(
        x.astype(jnp.int32).reshape(_B, _IDX_MAJOR, _IDX_MINOR),
        token_emb,
        token_pos,
    )
    return (
        out.reshape(_B, _D // 8, _S // 128, 8, 128)
        .transpose(0, 2, 4, 1, 3)
        .reshape(_B, _S, _D)
    )

# --- scband reference (transcript-rebuilt; emitter-appended) ---
"""Pipeline reference for scband-emb-andpos-50560355008797 (READ-ONLY COPY).

The authoritative reference and input builder live on the scoring server;
editing this copy changes nothing except your own understanding.
"""

import jax, jax.numpy as jnp
import numpy as np

VOCAB_SIZE = 50257
BLOCK_SIZE = 1024
N_EMBD = 16

def setup_inputs(seed: int = 0) -> dict:
    key = jax.random.key(seed)
    k1, k2, k3 = jax.random.split(key, 3)
    x = jax.random.randint(k1, (1024, 1024), 0, VOCAB_SIZE, dtype=jnp.int64 if jax.config.jax_enable_x64 else jnp.int32)
    token_emb = jax.random.normal(k2, (VOCAB_SIZE, N_EMBD), dtype=jnp.float32)
    token_pos = jax.random.normal(k3, (BLOCK_SIZE, N_EMBD), dtype=jnp.float32)
    return {"x": x, "token_emb": token_emb, "token_pos": token_pos}

def reference(x, token_emb, token_pos):
    batch_size, seq_len = x.shape
    tok = jnp.take(token_emb, x, axis=0)            # [B, S, E] gather
    pos = jnp.take(token_pos, jnp.arange(BLOCK_SIZE), axis=0)[:seq_len]  # [S, E]
    return tok + pos[None, :, :]

if __name__ == "__main__":
    import jax
    _d = setup_inputs()
    print(jax.jit(kernel)(*tuple(_d.values())))

</pallas_src>

<mosaic_0001>
#map = affine_map<(d0, d1) -> (0, 0, 0)>
#map1 = affine_map<(d0, d1) -> (0, 0)>
module attributes {stable_mosaic.version = 14 : i64} {
  func.func @_emb_kernel(%arg0: i32, %arg1: i32, %arg2: memref<1024x8x128xi32, #tpu.memory_space<hbm>>, %arg3: memref<50257x16xf32, #tpu.memory_space<hbm>>, %arg4: memref<1024x16xf32, #tpu.memory_space<hbm>>, %arg5: memref<1024x16384xf32, #tpu.memory_space<hbm>>, %arg6: memref<32x128xi32, #tpu.memory_space<vmem>>, %arg7: memref<4x1024x16xf32, #tpu.memory_space<vmem>>, %arg8: memref<2x16384xf32, #tpu.memory_space<vmem>>, %arg9: memref<1024x16xf32, #tpu.memory_space<vmem>>, %arg10: memref<280xf32, #tpu.memory_space<vmem>>, %arg11: memref<!tpu.dma_semaphore, #tpu.memory_space<semaphore_mem>>, %arg12: memref<!tpu.dma_semaphore, #tpu.memory_space<semaphore_mem>>, %arg13: memref<!tpu.dma_semaphore, #tpu.memory_space<semaphore_mem>>, %arg14: memref<!tpu.dma_semaphore, #tpu.memory_space<semaphore_mem>>, %arg15: memref<!tpu.dma_semaphore, #tpu.memory_space<semaphore_mem>>, %arg16: memref<!tpu.dma_semaphore, #tpu.memory_space<semaphore_mem>>, %arg17: memref<!tpu.dma_semaphore, #tpu.memory_space<semaphore_mem>>, %arg18: memref<!tpu.dma_semaphore, #tpu.memory_space<semaphore_mem>>, %arg19: memref<!tpu.dma_semaphore, #tpu.memory_space<semaphore_mem>>, %arg20: memref<!tpu.dma_semaphore, #tpu.memory_space<semaphore_mem>>) attributes {dimension_semantics = [#tpu.dimension_semantics<core_parallel>, #tpu.dimension_semantics<subcore_parallel>], iteration_bounds = array<i64: 2, 16>, scalar_prefetch = 0 : i64, scratch_operands = 15 : i64, tpu.core_type = #tpu.core_type<sc_vector_subcore>, window_params = [{transform_indices = #map}, {transform_indices = #map1}, {transform_indices = #map1}, {transform_indices = #map1}]} {
    %mul3A = arith.constant 2 : i32
    %mul3A_0 = arith.muli %arg1, %mul3A : i32
    %add3A = arith.addi %mul3A_0, %arg0 : i32
    %mul3A_1 = arith.constant 32 : i32
    %mul3A_2 = arith.muli %add3A, %mul3A_1 : i32
    "tpu.region"() ({
      %run_scoped3A = tpu.sem_alloc : memref<!tpu.dma_semaphore, #tpu.memory_space<semaphore_mem>>
      tpu.enqueue_dma source(%arg4 : memref<1024x16xf32, #tpu.memory_space<hbm>>) target(%arg9 : memref<1024x16xf32, #tpu.memory_space<vmem>>) target_semaphore(%run_scoped3A : memref<!tpu.dma_semaphore, #tpu.memory_space<semaphore_mem>>)
      tpu.wait_dma2 semaphore(%run_scoped3A : memref<!tpu.dma_semaphore, #tpu.memory_space<semaphore_mem>>) src(%arg4 : memref<1024x16xf32, #tpu.memory_space<hbm>>) dst(%arg9 : memref<1024x16xf32, #tpu.memory_space<vmem>>)
      tpu.yield
    }) : () -> ()
    %iota3A = tpu.iota {dimensions = array<i32: 0>} : vector<16xi32>
    %mul3A_3 = arith.constant 17 : i32
    %mul3A_4 = vector.broadcast %mul3A_3 : i32 to vector<16xi32>
    %mul3A_5 = arith.muli %iota3A, %mul3A_4 : vector<16xi32>
    %add3A_6 = arith.constant 0 : i32
    %add3A_7 = arith.addi %mul3A_2, %add3A_6 : i32
    %dma_start3A = arith.constant 0 : i32
    %dma_start3A_8 = arith.constant 0 : i32
    %dma_start3A_9 = tpu.memref_slice %arg6[%dma_start3A, %dma_start3A_8] : memref<32x128xi32, #tpu.memory_space<vmem>> -> memref<8x128xi32, #tpu.memory_space<vmem>>
    %dma_start3A_10 = arith.constant 0 : i32
    %dma_start3A_11 = arith.constant 0 : i32
    %dma_start3A_12 = tpu.memref_slice %arg2[%add3A_7, %dma_start3A_10, %dma_start3A_11] : memref<1024x8x128xi32, #tpu.memory_space<hbm>> -> memref<1x8x128xi32, #tpu.memory_space<hbm>>
    %dma_start3A_13 = tpu.memref_squeeze %dma_start3A_12 : memref<1x8x128xi32, #tpu.memory_space<hbm>> -> memref<8x128xi32, #tpu.memory_space<hbm>>
    %dma_start3A_14 = arith.constant 0 : i32
    %dma_start3A_15 = arith.constant 0 : i32
    %dma_start3A_16 = tpu.memref_slice %arg6[%dma_start3A_14, %dma_start3A_15] : memref<32x128xi32, #tpu.memory_space<vmem>> -> memref<8x128xi32, #tpu.memory_space<vmem>>
    %dma_start3A_17 = arith.constant 0 : i32
    %dma_start3A_18 = arith.constant 0 : i32
    %dma_start3A_19 = tpu.memref_slice %arg2[%add3A_7, %dma_start3A_17, %dma_start3A_18] : memref<1024x8x128xi32, #tpu.memory_space<hbm>> -> memref<1x8x128xi32, #tpu.memory_space<hbm>>
    %dma_start3A_20 = tpu.memref_squeeze %dma_start3A_19 : memref<1x8x128xi32, #tpu.memory_space<hbm>> -> memref<8x128xi32, #tpu.memory_space<hbm>>
    tpu.enqueue_dma source(%dma_start3A_20 : memref<8x128xi32, #tpu.memory_space<hbm>>) target(%dma_start3A_16 : memref<8x128xi32, #tpu.memory_space<vmem>>) target_semaphore(%arg11 : memref<!tpu.dma_semaphore, #tpu.memory_space<semaphore_mem>>)
    %add3A_21 = arith.constant 1 : i32
    %add3A_22 = arith.addi %mul3A_2, %add3A_21 : i32
    %dma_start3A_23 = arith.constant 8 : i32
    %dma_start3A_24 = arith.constant 0 : i32
    %dma_start3A_25 = tpu.memref_slice %arg6[%dma_start3A_23, %dma_start3A_24] : memref<32x128xi32, #tpu.memory_space<vmem>> -> memref<8x128xi32, #tpu.memory_space<vmem>>
    %dma_start3A_26 = arith.constant 0 : i32
    %dma_start3A_27 = arith.constant 0 : i32
    %dma_start3A_28 = tpu.memref_slice %arg2[%add3A_22, %dma_start3A_26, %dma_start3A_27] : memref<1024x8x128xi32, #tpu.memory_space<hbm>> -> memref<1x8x128xi32, #tpu.memory_space<hbm>>
    %dma_start3A_29 = tpu.memref_squeeze %dma_start3A_28 : memref<1x8x128xi32, #tpu.memory_space<hbm>> -> memref<8x128xi32, #tpu.memory_space<hbm>>
    %dma_start3A_30 = arith.constant 8 : i32
    %dma_start3A_31 = arith.constant 0 : i32
    %dma_start3A_32 = tpu.memref_slice %arg6[%dma_start3A_30, %dma_start3A_31] : memref<32x128xi32, #tpu.memory_space<vmem>> -> memref<8x128xi32, #tpu.memory_space<vmem>>
    %dma_start3A_33 = arith.constant 0 : i32
    %dma_start3A_34 = arith.constant 0 : i32
    %dma_start3A_35 = tpu.memref_slice %arg2[%add3A_22, %dma_start3A_33, %dma_start3A_34] : memref<1024x8x128xi32, #tpu.memory_space<hbm>> -> memref<1x8x128xi32, #tpu.memory_space<hbm>>
    %dma_start3A_36 = tpu.memref_squeeze %dma_start3A_35 : memref<1x8x128xi32, #tpu.memory_space<hbm>> -> memref<8x128xi32, #tpu.memory_space<hbm>>
    tpu.enqueue_dma source(%dma_start3A_36 : memref<8x128xi32, #tpu.memory_space<hbm>>) target(%dma_start3A_32 : memref<8x128xi32, #tpu.memory_space<vmem>>) target_semaphore(%arg12 : memref<!tpu.dma_semaphore, #tpu.memory_space<semaphore_mem>>)
    %add3A_37 = arith.constant 2 : i32
    %add3A_38 = arith.addi %mul3A_2, %add3A_37 : i32
    %dma_start3A_39 = arith.constant 16 : i32
    %dma_start3A_40 = arith.constant 0 : i32
    %dma_start3A_41 = tpu.memref_slice %arg6[%dma_start3A_39, %dma_start3A_40] : memref<32x128xi32, #tpu.memory_space<vmem>> -> memref<8x128xi32, #tpu.memory_space<vmem>>
    %dma_start3A_42 = arith.constant 0 : i32
    %dma_start3A_43 = arith.constant 0 : i32
    %dma_start3A_44 = tpu.memref_slice %arg2[%add3A_38, %dma_start3A_42, %dma_start3A_43] : memref<1024x8x128xi32, #tpu.memory_space<hbm>> -> memref<1x8x128xi32, #tpu.memory_space<hbm>>
    %dma_start3A_45 = tpu.memref_squeeze %dma_start3A_44 : memref<1x8x128xi32, #tpu.memory_space<hbm>> -> memref<8x128xi32, #tpu.memory_space<hbm>>
    %dma_start3A_46 = arith.constant 16 : i32
    %dma_start3A_47 = arith.constant 0 : i32
    %dma_start3A_48 = tpu.memref_slice %arg6[%dma_start3A_46, %dma_start3A_47] : memref<32x128xi32, #tpu.memory_space<vmem>> -> memref<8x128xi32, #tpu.memory_space<vmem>>
    %dma_start3A_49 = arith.constant 0 : i32
    %dma_start3A_50 = arith.constant 0 : i32
    %dma_start3A_51 = tpu.memref_slice %arg2[%add3A_38, %dma_start3A_49, %dma_start3A_50] : memref<1024x8x128xi32, #tpu.memory_space<hbm>> -> memref<1x8x128xi32, #tpu.memory_space<hbm>>
    %dma_start3A_52 = tpu.memref_squeeze %dma_start3A_51 : memref<1x8x128xi32, #tpu.memory_space<hbm>> -> memref<8x128xi32, #tpu.memory_space<hbm>>
    tpu.enqueue_dma source(%dma_start3A_52 : memref<8x128xi32, #tpu.memory_space<hbm>>) target(%dma_start3A_48 : memref<8x128xi32, #tpu.memory_space<vmem>>) target_semaphore(%arg13 : memref<!tpu.dma_semaphore, #tpu.memory_space<semaphore_mem>>)
    %add3A_53 = arith.constant 3 : i32
    %add3A_54 = arith.addi %mul3A_2, %add3A_53 : i32
    %dma_start3A_55 = arith.constant 24 : i32
    %dma_start3A_56 = arith.constant 0 : i32
    %dma_start3A_57 = tpu.memref_slice %arg6[%dma_start3A_55, %dma_start3A_56] : memref<32x128xi32, #tpu.memory_space<vmem>> -> memref<8x128xi32, #tpu.memory_space<vmem>>
    %dma_start3A_58 = arith.constant 0 : i32
    %dma_start3A_59 = arith.constant 0 : i32
    %dma_start3A_60 = tpu.memref_slice %arg2[%add3A_54, %dma_start3A_58, %dma_start3A_59] : memref<1024x8x128xi32, #tpu.memory_space<hbm>> -> memref<1x8x128xi32, #tpu.memory_space<hbm>>
    %dma_start3A_61 = tpu.memref_squeeze %dma_start3A_60 : memref<1x8x128xi32, #tpu.memory_space<hbm>> -> memref<8x128xi32, #tpu.memory_space<hbm>>
    %dma_start3A_62 = arith.constant 24 : i32
    %dma_start3A_63 = arith.constant 0 : i32
    %dma_start3A_64 = tpu.memref_slice %arg6[%dma_start3A_62, %dma_start3A_63] : memref<32x128xi32, #tpu.memory_space<vmem>> -> memref<8x128xi32, #tpu.memory_space<vmem>>
    %dma_start3A_65 = arith.constant 0 : i32
    %dma_start3A_66 = arith.constant 0 : i32
    %dma_start3A_67 = tpu.memref_slice %arg2[%add3A_54, %dma_start3A_65, %dma_start3A_66] : memref<1024x8x128xi32, #tpu.memory_space<hbm>> -> memref<1x8x128xi32, #tpu.memory_space<hbm>>
    %dma_start3A_68 = tpu.memref_squeeze %dma_start3A_67 : memref<1x8x128xi32, #tpu.memory_space<hbm>> -> memref<8x128xi32, #tpu.memory_space<hbm>>
    tpu.enqueue_dma source(%dma_start3A_68 : memref<8x128xi32, #tpu.memory_space<hbm>>) target(%dma_start3A_64 : memref<8x128xi32, #tpu.memory_space<vmem>>) target_semaphore(%arg14 : memref<!tpu.dma_semaphore, #tpu.memory_space<semaphore_mem>>)
    %dma_wait3A = arith.constant 0 : i32
    %dma_wait3A_69 = arith.constant 0 : i32
    %dma_wait3A_70 = tpu.memref_slice %arg6[%dma_wait3A, %dma_wait3A_69] : memref<32x128xi32, #tpu.memory_space<vmem>> -> memref<8x128xi32, #tpu.memory_space<vmem>>
    %dma_wait3A_71 = arith.constant 0 : i32
    %dma_wait3A_72 = arith.constant 0 : i32
    %dma_wait3A_73 = tpu.memref_slice %arg2[%mul3A_2, %dma_wait3A_71, %dma_wait3A_72] : memref<1024x8x128xi32, #tpu.memory_space<hbm>> -> memref<1x8x128xi32, #tpu.memory_space<hbm>>
    %dma_wait3A_74 = tpu.memref_squeeze %dma_wait3A_73 : memref<1x8x128xi32, #tpu.memory_space<hbm>> -> memref<8x128xi32, #tpu.memory_space<hbm>>
    %dma_wait3A_75 = arith.constant 0 : i32
    %dma_wait3A_76 = arith.constant 0 : i32
    %dma_wait3A_77 = tpu.memref_slice %arg6[%dma_wait3A_75, %dma_wait3A_76] : memref<32x128xi32, #tpu.memory_space<vmem>> -> memref<8x128xi32, #tpu.memory_space<vmem>>
    %dma_wait3A_78 = arith.constant 0 : i32
    %dma_wait3A_79 = arith.constant 0 : i32
    %dma_wait3A_80 = tpu.memref_slice %arg2[%mul3A_2, %dma_wait3A_78, %dma_wait3A_79] : memref<1024x8x128xi32, #tpu.memory_space<hbm>> -> memref<1x8x128xi32, #tpu.memory_space<hbm>>
    %dma_wait3A_81 = tpu.memref_squeeze %dma_wait3A_80 : memref<1x8x128xi32, #tpu.memory_space<hbm>> -> memref<8x128xi32, #tpu.memory_space<hbm>>
    tpu.wait_dma2 semaphore(%arg11 : memref<!tpu.dma_semaphore, #tpu.memory_space<semaphore_mem>>) src(%dma_wait3A_81 : memref<8x128xi32, #tpu.memory_space<hbm>>) dst(%dma_wait3A_77 : memref<8x128xi32, #tpu.memory_space<vmem>>)
    %dma_start3A_82 = arith.constant 0 : i32
    %dma_start3A_83 = arith.constant 0 : i32
    %dma_start3A_84 = arith.constant 0 : i32
    %dma_start3A_85 = arith.constant 0 : i32
    %dma_start3A_86 = tpu.memref_slice %arg7[%dma_start3A_83, %dma_start3A_84, %dma_start3A_85] : memref<4x1024x16xf32, #tpu.memory_space<vmem>> -> memref<1x1024x16xf32, #tpu.memory_space<vmem>>
    %dma_start3A_87 = tpu.memref_squeeze %dma_start3A_86 : memref<1x1024x16xf32, #tpu.memory_space<vmem>> -> memref<1024x16xf32, #tpu.memory_space<vmem>>
    %dma_start3A_88 = arith.constant 0 : i32
    %dma_start3A_89 = arith.constant 0 : i32
    %dma_start3A_90 = tpu.memref_slice %dma_start3A_87[%dma_start3A_88, %dma_start3A_89] : memref<1024x16xf32, #tpu.memory_space<vmem>> -> memref<128x16xf32, #tpu.memory_space<vmem>>
    %dma_start3A_91 = arith.constant 0 : i32
    %dma_start3A_92 = tpu.memref_slice %arg6[%dma_start3A_82, %dma_start3A_91] : memref<32x128xi32, #tpu.memory_space<vmem>> -> memref<1x128xi32, #tpu.memory_space<vmem>>
    %dma_start3A_93 = tpu.memref_squeeze %dma_start3A_92 : memref<1x128xi32, #tpu.memory_space<vmem>> -> memref<128xi32, #tpu.memory_space<vmem>>
    %dma_start3A_94 = arith.constant 0 : i32
    %dma_start3A_95 = arith.constant 0 : i32
    %dma_start3A_96 = tpu.memref_slice %arg3[%dma_start3A_94, %dma_start3A_95] : memref<50257x16xf32, #tpu.memory_space<hbm>> -> memref<50257x16xf32, #tpu.memory_space<hbm>>
    tpu.enqueue_indirect_dma source(%dma_start3A_96 : memref<50257x16xf32, #tpu.memory_space<hbm>>) target(%dma_start3A_90 : memref<128x16xf32, #tpu.memory_space<vmem>>) offsets(%dma_start3A_93 : memref<128xi32, #tpu.memory_space<vmem>>) semaphore(%arg15 : memref<!tpu.dma_semaphore, #tpu.memory_space<semaphore_mem>>)
    %dma_start3A_97 = arith.constant 1 : i32
    %dma_start3A_98 = arith.constant 0 : i32
    %dma_start3A_99 = arith.constant 0 : i32
    %dma_start3A_100 = arith.constant 0 : i32
    %dma_start3A_101 = tpu.memref_slice %arg7[%dma_start3A_98, %dma_start3A_99, %dma_start3A_100] : memref<4x1024x16xf32, #tpu.memory_space<vmem>> -> memref<1x1024x16xf32, #tpu.memory_space<vmem>>
    %dma_start3A_102 = tpu.memref_squeeze %dma_start3A_101 : memref<1x1024x16xf32, #tpu.memory_space<vmem>> -> memref<1024x16xf32, #tpu.memory_space<vmem>>
    %dma_start3A_103 = arith.constant 128 : i32
    %dma_start3A_104 = arith.constant 0 : i32
    %dma_start3A_105 = tpu.memref_slice %dma_start3A_102[%dma_start3A_103, %dma_start3A_104] : memref<1024x16xf32, #tpu.memory_space<vmem>> -> memref<128x16xf32, #tpu.memory_space<vmem>>
    %dma_start3A_106 = arith.constant 0 : i32
    %dma_start3A_107 = tpu.memref_slice %arg6[%dma_start3A_97, %dma_start3A_106] : memref<32x128xi32, #tpu.memory_space<vmem>> -> memref<1x128xi32, #tpu.memory_space<vmem>>
    %dma_start3A_108 = tpu.memref_squeeze %dma_start3A_107 : memref<1x128xi32, #tpu.memory_space<vmem>> -> memref<128xi32, #tpu.memory_space<vmem>>
    %dma_start3A_109 = arith.constant 0 : i32
    %dma_start3A_110 = arith.constant 0 : i32
    %dma_start3A_111 = tpu.memref_slice %arg3[%dma_start3A_109, %dma_start3A_110] : memref<50257x16xf32, #tpu.memory_space<hbm>> -> memref<50257x16xf32, #tpu.memory_space<hbm>>
    tpu.enqueue_indirect_dma source(%dma_start3A_111 : memref<50257x16xf32, #tpu.memory_space<hbm>>) target(%dma_start3A_105 : memref<128x16xf32, #tpu.memory_space<vmem>>) offsets(%dma_start3A_108 : memref<128xi32, #tpu.memory_space<vmem>>) semaphore(%arg15 : memref<!tpu.dma_semaphore, #tpu.memory_space<semaphore_mem>>)
    %dma_start3A_112 = arith.constant 2 : i32
    %dma_start3A_113 = arith.constant 0 : i32
    %dma_start3A_114 = arith.constant 0 : i32
    %dma_start3A_115 = arith.constant 0 : i32
    %dma_start3A_116 = tpu.memref_slice %arg7[%dma_start3A_113, %dma_start3A_114, %dma_start3A_115] : memref<4x1024x16xf32, #tpu.memory_space<vmem>> -> memref<1x1024x16xf32, #tpu.memory_space<vmem>>
    %dma_start3A_117 = tpu.memref_squeeze %dma_start3A_116 : memref<1x1024x16xf32, #tpu.memory_space<vmem>> -> memref<1024x16xf32, #tpu.memory_space<vmem>>
    %dma_start3A_118 = arith.constant 256 : i32
    %dma_start3A_119 = arith.constant 0 : i32
    %dma_start3A_120 = tpu.memref_slice %dma_start3A_117[%dma_start3A_118, %dma_start3A_119] : memref<1024x16xf32, #tpu.memory_space<vmem>> -> memref<128x16xf32, #tpu.memory_space<vmem>>
    %dma_start3A_121 = arith.constant 0 : i32
    %dma_start3A_122 = tpu.memref_slice %arg6[%dma_start3A_112, %dma_start3A_121] : memref<32x128xi32, #tpu.memory_space<vmem>> -> memref<1x128xi32, #tpu.memory_space<vmem>>
    %dma_start3A_123 = tpu.memref_squeeze %dma_start3A_122 : memref<1x128xi32, #tpu.memory_space<vmem>> -> memref<128xi32, #tpu.memory_space<vmem>>
    %dma_start3A_124 = arith.constant 0 : i32
    %dma_start3A_125 = arith.constant 0 : i32
    %dma_start3A_126 = tpu.memref_slice %arg3[%dma_start3A_124, %dma_start3A_125] : memref<50257x16xf32, #tpu.memory_space<hbm>> -> memref<50257x16xf32, #tpu.memory_space<hbm>>
    tpu.enqueue_indirect_dma source(%dma_start3A_126 : memref<50257x16xf32, #tpu.memory_space<hbm>>) target(%dma_start3A_120 : memref<128x16xf32, #tpu.memory_space<vmem>>) offsets(%dma_start3A_123 : memref<128xi32, #tpu.memory_space<vmem>>) semaphore(%arg15 : memref<!tpu.dma_semaphore, #tpu.memory_space<semaphore_mem>>)
    %dma_start3A_127 = arith.constant 3 : i32
    %dma_start3A_128 = arith.constant 0 : i32
    %dma_start3A_129 = arith.constant 0 : i32
    %dma_start3A_130 = arith.constant 0 : i32
    %dma_start3A_131 = tpu.memref_slice %arg7[%dma_start3A_128, %dma_start3A_129, %dma_start3A_130] : memref<4x1024x16xf32, #tpu.memory_space<vmem>> -> memref<1x1024x16xf32, #tpu.memory_space<vmem>>
    %dma_start3A_132 = tpu.memref_squeeze %dma_start3A_131 : memref<1x1024x16xf32, #tpu.memory_space<vmem>> -> memref<1024x16xf32, #tpu.memory_space<vmem>>
    %dma_start3A_133 = arith.constant 384 : i32
    %dma_start3A_134 = arith.constant 0 : i32
    %dma_start3A_135 = tpu.memref_slice %dma_start3A_132[%dma_start3A_133, %dma_start3A_134] : memref<1024x16xf32, #tpu.memory_space<vmem>> -> memref<128x16xf32, #tpu.memory_space<vmem>>
    %dma_start3A_136 = arith.constant 0 : i32
    %dma_start3A_137 = tpu.memref_slice %arg6[%dma_start3A_127, %dma_start3A_136] : memref<32x128xi32, #tpu.memory_space<vmem>> -> memref<1x128xi32, #tpu.memory_space<vmem>>
    %dma_start3A_138 = tpu.memref_squeeze %dma_start3A_137 : memref<1x128xi32, #tpu.memory_space<vmem>> -> memref<128xi32, #tpu.memory_space<vmem>>
    %dma_start3A_139 = arith.constant 0 : i32
    %dma_start3A_140 = arith.constant 0 : i32
    %dma_start3A_141 = tpu.memref_slice %arg3[%dma_start3A_139, %dma_start3A_140] : memref<50257x16xf32, #tpu.memory_space<hbm>> -> memref<50257x16xf32, #tpu.memory_space<hbm>>
    tpu.enqueue_indirect_dma source(%dma_start3A_141 : memref<50257x16xf32, #tpu.memory_space<hbm>>) target(%dma_start3A_135 : memref<128x16xf32, #tpu.memory_space<vmem>>) offsets(%dma_start3A_138 : memref<128xi32, #tpu.memory_space<vmem>>) semaphore(%arg15 : memref<!tpu.dma_semaphore, #tpu.memory_space<semaphore_mem>>)
    %dma_start3A_142 = arith.constant 4 : i32
    %dma_start3A_143 = arith.constant 0 : i32
    %dma_start3A_144 = arith.constant 0 : i32
    %dma_start3A_145 = arith.constant 0 : i32
    %dma_start3A_146 = tpu.memref_slice %arg7[%dma_start3A_143, %dma_start3A_144, %dma_start3A_145] : memref<4x1024x16xf32, #tpu.memory_space<vmem>> -> memref<1x1024x16xf32, #tpu.memory_space<vmem>>
    %dma_start3A_147 = tpu.memref_squeeze %dma_start3A_146 : memref<1x1024x16xf32, #tpu.memory_space<vmem>> -> memref<1024x16xf32, #tpu.memory_space<vmem>>
    %dma_start3A_148 = arith.constant 512 : i32
    %dma_start3A_149 = arith.constant 0 : i32
    %dma_start3A_150 = tpu.memref_slice %dma_start3A_147[%dma_start3A_148, %dma_start3A_149] : memref<1024x16xf32, #tpu.memory_space<vmem>> -> memref<128x16xf32, #tpu.memory_space<vmem>>
    %dma_start3A_151 = arith.constant 0 : i32
    %dma_start3A_152 = tpu.memref_slice %arg6[%dma_start3A_142, %dma_start3A_151] : memref<32x128xi32, #tpu.memory_space<vmem>> -> memref<1x128xi32, #tpu.memory_space<vmem>>
    %dma_start3A_153 = tpu.memref_squeeze %dma_start3A_152 : memref<1x128xi32, #tpu.memory_space<vmem>> -> memref<128xi32, #tpu.memory_space<vmem>>
    %dma_start3A_154 = arith.constant 0 : i32
    %dma_start3A_155 = arith.constant 0 : i32
    %dma_start3A_156 = tpu.memref_slice %arg3[%dma_start3A_154, %dma_start3A_155] : memref<50257x16xf32, #tpu.memory_space<hbm>> -> memref<50257x16xf32, #tpu.memory_space<hbm>>
    tpu.enqueue_indirect_dma source(%dma_start3A_156 : memref<50257x16xf32, #tpu.memory_space<hbm>>) target(%dma_start3A_150 : memref<128x16xf32, #tpu.memory_space<vmem>>) offsets(%dma_start3A_153 : memref<128xi32, #tpu.memory_space<vmem>>) semaphore(%arg15 : memref<!tpu.dma_semaphore, #tpu.memory_space<semaphore_mem>>)
    %dma_start3A_157 = arith.constant 5 : i32
    %dma_start3A_158 = arith.constant 0 : i32
    %dma_start3A_159 = arith.constant 0 : i32
    %dma_start3A_160 = arith.constant 0 : i32
    %dma_start3A_161 = tpu.memref_slice %arg7[%dma_start3A_158, %dma_start3A_159, %dma_start3A_160] : memref<4x1024x16xf32, #tpu.memory_space<vmem>> -> memref<1x1024x16xf32, #tpu.memory_space<vmem>>
    %dma_start3A_162 = tpu.memref_squeeze %dma_start3A_161 : memref<1x1024x16xf32, #tpu.memory_space<vmem>> -> memref<1024x16xf32, #tpu.memory_space<vmem>>
    %dma_start3A_163 = arith.constant 640 : i32
    %dma_start3A_164 = arith.constant 0 : i32
    %dma_start3A_165 = tpu.memref_slice %dma_start3A_162[%dma_start3A_163, %dma_start3A_164] : memref<1024x16xf32, #tpu.memory_space<vmem>> -> memref<128x16xf32, #tpu.memory_space<vmem>>
    %dma_start3A_166 = arith.constant 0 : i32
    %dma_start3A_167 = tpu.memref_slice %arg6[%dma_start3A_157, %dma_start3A_166] : memref<32x128xi32, #tpu.memory_space<vmem>> -> memref<1x128xi32, #tpu.memory_space<vmem>>
    %dma_start3A_168 = tpu.memref_squeeze %dma_start3A_167 : memref<1x128xi32, #tpu.memory_space<vmem>> -> memref<128xi32, #tpu.memory_space<vmem>>
    %dma_start3A_169 = arith.constant 0 : i32
    %dma_start3A_170 = arith.constant 0 : i32
    %dma_start3A_171 = tpu.memref_slice %arg3[%dma_start3A_169, %dma_start3A_170] : memref<50257x16xf32, #tpu.memory_space<hbm>> -> memref<50257x16xf32, #tpu.memory_space<hbm>>
    tpu.enqueue_indirect_dma source(%dma_start3A_171 : memref<50257x16xf32, #tpu.memory_space<hbm>>) target(%dma_start3A_165 : memref<128x16xf32, #tpu.memory_space<vmem>>) offsets(%dma_start3A_168 : memref<128xi32, #tpu.memory_space<vmem>>) semaphore(%arg15 : memref<!tpu.dma_semaphore, #tpu.memory_space<semaphore_mem>>)
    %dma_start3A_172 = arith.constant 6 : i32
    %dma_start3A_173 = arith.constant 0 : i32
    %dma_start3A_174 = arith.constant 0 : i32
    %dma_start3A_175 = arith.constant 0 : i32
    %dma_start3A_176 = tpu.memref_slice %arg7[%dma_start3A_173, %dma_start3A_174, %dma_start3A_175] : memref<4x1024x16xf32, #tpu.memory_space<vmem>> -> memref<1x1024x16xf32, #tpu.memory_space<vmem>>
    %dma_start3A_177 = tpu.memref_squeeze %dma_start3A_176 : memref<1x1024x16xf32, #tpu.memory_space<vmem>> -> memref<1024x16xf32, #tpu.memory_space<vmem>>
    %dma_start3A_178 = arith.constant 768 : i32
    %dma_start3A_179 = arith.constant 0 : i32
    %dma_start3A_180 = tpu.memref_slice %dma_start3A_177[%dma_start3A_178, %dma_start3A_179] : memref<1024x16xf32, #tpu.memory_space<vmem>> -> memref<128x16xf32, #tpu.memory_space<vmem>>
    %dma_start3A_181 = arith.constant 0 : i32
    %dma_start3A_182 = tpu.memref_slice %arg6[%dma_start3A_172, %dma_start3A_181] : memref<32x128xi32, #tpu.memory_space<vmem>> -> memref<1x128xi32, #tpu.memory_space<vmem>>
    %dma_start3A_183 = tpu.memref_squeeze %dma_start3A_182 : memref<1x128xi32, #tpu.memory_space<vmem>> -> memref<128xi32, #tpu.memory_space<vmem>>
    %dma_start3A_184 = arith.constant 0 : i32
    %dma_start3A_185 = arith.constant 0 : i32
    %dma_start3A_186 = tpu.memref_slice %arg3[%dma_start3A_184, %dma_start3A_185] : memref<50257x16xf32, #tpu.memory_space<hbm>> -> memref<50257x16xf32, #tpu.memory_space<hbm>>
    tpu.enqueue_indirect_dma source(%dma_start3A_186 : memref<50257x16xf32, #tpu.memory_space<hbm>>) target(%dma_start3A_180 : memref<128x16xf32, #tpu.memory_space<vmem>>) offsets(%dma_start3A_183 : memref<128xi32, #tpu.memory_space<vmem>>) semaphore(%arg15 : memref<!tpu.dma_semaphore, #tpu.memory_space<semaphore_mem>>)
    %dma_start3A_187 = arith.constant 7 : i32
    %dma_start3A_188 = arith.constant 0 : i32
    %dma_start3A_189 = arith.constant 0 : i32
    %dma_start3A_190 = arith.constant 0 : i32
    %dma_start3A_191 = tpu.memref_slice %arg7[%dma_start3A_188, %dma_start3A_189, %dma_start3A_190] : memref<4x1024x16xf32, #tpu.memory_space<vmem>> -> memref<1x1024x16xf32, #tpu.memory_space<vmem>>
    %dma_start3A_192 = tpu.memref_squeeze %dma_start3A_191 : memref<1x1024x16xf32, #tpu.memory_space<vmem>> -> memref<1024x16xf32, #tpu.memory_space<vmem>>
    %dma_start3A_193 = arith.constant 896 : i32
    %dma_start3A_194 = arith.constant 0 : i32
    %dma_start3A_195 = tpu.memref_slice %dma_start3A_192[%dma_start3A_193, %dma_start3A_194] : memref<1024x16xf32, #tpu.memory_space<vmem>> -> memref<128x16xf32, #tpu.memory_space<vmem>>
    %dma_start3A_196 = arith.constant 0 : i32
    %dma_start3A_197 = tpu.memref_slice %arg6[%dma_start3A_187, %dma_start3A_196] : memref<32x128xi32, #tpu.memory_space<vmem>> -> memref<1x128xi32, #tpu.memory_space<vmem>>
    %dma_start3A_198 = tpu.memref_squeeze %dma_start3A_197 : memref<1x128xi32, #tpu.memory_space<vmem>> -> memref<128xi32, #tpu.memory_space<vmem>>
    %dma_start3A_199 = arith.constant 0 : i32
    %dma_start3A_200 = arith.constant 0 : i32
    %dma_start3A_201 = tpu.memref_slice %arg3[%dma_start3A_199, %dma_start3A_200] : memref<50257x16xf32, #tpu.memory_space<hbm>> -> memref<50257x16xf32, #tpu.memory_space<hbm>>
    tpu.enqueue_indirect_dma source(%dma_start3A_201 : memref<50257x16xf32, #tpu.memory_space<hbm>>) target(%dma_start3A_195 : memref<128x16xf32, #tpu.memory_space<vmem>>) offsets(%dma_start3A_198 : memref<128xi32, #tpu.memory_space<vmem>>) semaphore(%arg15 : memref<!tpu.dma_semaphore, #tpu.memory_space<semaphore_mem>>)
    %dma_wait3A_202 = arith.constant 8 : i32
    %dma_wait3A_203 = arith.constant 0 : i32
    %dma_wait3A_204 = tpu.memref_slice %arg6[%dma_wait3A_202, %dma_wait3A_203] : memref<32x128xi32, #tpu.memory_space<vmem>> -> memref<8x128xi32, #tpu.memory_space<vmem>>
    %dma_wait3A_205 = arith.constant 0 : i32
    %dma_wait3A_206 = arith.constant 0 : i32
    %dma_wait3A_207 = tpu.memref_slice %arg2[%mul3A_2, %dma_wait3A_205, %dma_wait3A_206] : memref<1024x8x128xi32, #tpu.memory_space<hbm>> -> memref<1x8x128xi32, #tpu.memory_space<hbm>>
    %dma_wait3A_208 = tpu.memref_squeeze %dma_wait3A_207 : memref<1x8x128xi32, #tpu.memory_space<hbm>> -> memref<8x128xi32, #tpu.memory_space<hbm>>
    %dma_wait3A_209 = arith.constant 8 : i32
    %dma_wait3A_210 = arith.constant 0 : i32
    %dma_wait3A_211 = tpu.memref_slice %arg6[%dma_wait3A_209, %dma_wait3A_210] : memref<32x128xi32, #tpu.memory_space<vmem>> -> memref<8x128xi32, #tpu.memory_space<vmem>>
    %dma_wait3A_212 = arith.constant 0 : i32
    %dma_wait3A_213 = arith.constant 0 : i32
    %dma_wait3A_214 = tpu.memref_slice %arg2[%mul3A_2, %dma_wait3A_212, %dma_wait3A_213] : memref<1024x8x128xi32, #tpu.memory_space<hbm>> -> memref<1x8x128xi32, #tpu.memory_space<hbm>>
    %dma_wait3A_215 = tpu.memref_squeeze %dma_wait3A_214 : memref<1x8x128xi32, #tpu.memory_space<hbm>> -> memref<8x128xi32, #tpu.memory_space<hbm>>
    tpu.wait_dma2 semaphore(%arg12 : memref<!tpu.dma_semaphore, #tpu.memory_space<semaphore_mem>>) src(%dma_wait3A_215 : memref<8x128xi32, #tpu.memory_space<hbm>>) dst(%dma_wait3A_211 : memref<8x128xi32, #tpu.memory_space<vmem>>)
    %dma_start3A_216 = arith.constant 8 : i32
    %dma_start3A_217 = arith.constant 1 : i32
    %dma_start3A_218 = arith.constant 0 : i32
    %dma_start3A_219 = arith.constant 0 : i32
    %dma_start3A_220 = tpu.memref_slice %arg7[%dma_start3A_217, %dma_start3A_218, %dma_start3A_219] : memref<4x1024x16xf32, #tpu.memory_space<vmem>> -> memref<1x1024x16xf32, #tpu.memory_space<vmem>>
    %dma_start3A_221 = tpu.memref_squeeze %dma_start3A_220 : memref<1x1024x16xf32, #tpu.memory_space<vmem>> -> memref<1024x16xf32, #tpu.memory_space<vmem>>
    %dma_start3A_222 = arith.constant 0 : i32
    %dma_start3A_223 = arith.constant 0 : i32
    %dma_start3A_224 = tpu.memref_slice %dma_start3A_221[%dma_start3A_222, %dma_start3A_223] : memref<1024x16xf32, #tpu.memory_space<vmem>> -> memref<128x16xf32, #tpu.memory_space<vmem>>
    %dma_start3A_225 = arith.constant 0 : i32
    %dma_start3A_226 = tpu.memref_slice %arg6[%dma_start3A_216, %dma_start3A_225] : memref<32x128xi32, #tpu.memory_space<vmem>> -> memref<1x128xi32, #tpu.memory_space<vmem>>
    %dma_start3A_227 = tpu.memref_squeeze %dma_start3A_226 : memref<1x128xi32, #tpu.memory_space<vmem>> -> memref<128xi32, #tpu.memory_space<vmem>>
    %dma_start3A_228 = arith.constant 0 : i32
    %dma_start3A_229 = arith.constant 0 : i32
    %dma_start3A_230 = tpu.memref_slice %arg3[%dma_start3A_228, %dma_start3A_229] : memref<50257x16xf32, #tpu.memory_space<hbm>> -> memref<50257x16xf32, #tpu.memory_space<hbm>>
    tpu.enqueue_indirect_dma source(%dma_start3A_230 : memref<50257x16xf32, #tpu.memory_space<hbm>>) target(%dma_start3A_224 : memref<128x16xf32, #tpu.memory_space<vmem>>) offsets(%dma_start3A_227 : memref<128xi32, #tpu.memory_space<vmem>>) semaphore(%arg16 : memref<!tpu.dma_semaphore, #tpu.memory_space<semaphore_mem>>)
    %dma_start3A_231 = arith.constant 9 : i32
    %dma_start3A_232 = arith.constant 1 : i32
    %dma_start3A_233 = arith.constant 0 : i32
    %dma_start3A_234 = arith.constant 0 : i32
    %dma_start3A_235 = tpu.memref_slice %arg7[%dma_start3A_232, %dma_start3A_233, %dma_start3A_234] : memref<4x1024x16xf32, #tpu.memory_space<vmem>> -> memref<1x1024x16xf32, #tpu.memory_space<vmem>>
    %dma_start3A_236 = tpu.memref_squeeze %dma_start3A_235 : memref<1x1024x16xf32, #tpu.memory_space<vmem>> -> memref<1024x16xf32, #tpu.memory_space<vmem>>
    %dma_start3A_237 = arith.constant 128 : i32
    %dma_start3A_238 = arith.constant 0 : i32
    %dma_start3A_239 = tpu.memref_slice %dma_start3A_236[%dma_start3A_237, %dma_start3A_238] : memref<1024x16xf32, #tpu.memory_space<vmem>> -> memref<128x16xf32, #tpu.memory_space<vmem>>
    %dma_start3A_240 = arith.constant 0 : i32
    %dma_start3A_241 = tpu.memref_slice %arg6[%dma_start3A_231, %dma_start3A_240] : memref<32x128xi32, #tpu.memory_space<vmem>> -> memref<1x128xi32, #tpu.memory_space<vmem>>
    %dma_start3A_242 = tpu.memref_squeeze %dma_start3A_241 : memref<1x128xi32, #tpu.memory_space<vmem>> -> memref<128xi32, #tpu.memory_space<vmem>>
    %dma_start3A_243 = arith.constant 0 : i32
    %dma_start3A_244 = arith.constant 0 : i32
    %dma_start3A_245 = tpu.memref_slice %arg3[%dma_start3A_243, %dma_start3A_244] : memref<50257x16xf32, #tpu.memory_space<hbm>> -> memref<50257x16xf32, #tpu.memory_space<hbm>>
    tpu.enqueue_indirect_dma source(%dma_start3A_245 : memref<50257x16xf32, #tpu.memory_space<hbm>>) target(%dma_start3A_239 : memref<128x16xf32, #tpu.memory_space<vmem>>) offsets(%dma_start3A_242 : memref<128xi32, #tpu.memory_space<vmem>>) semaphore(%arg16 : memref<!tpu.dma_semaphore, #tpu.memory_space<semaphore_mem>>)
    %dma_start3A_246 = arith.constant 10 : i32
    %dma_start3A_247 = arith.constant 1 : i32
    %dma_start3A_248 = arith.constant 0 : i32
    %dma_start3A_249 = arith.constant 0 : i32
    %dma_start3A_250 = tpu.memref_slice %arg7[%dma_start3A_247, %dma_start3A_248, %dma_start3A_249] : memref<4x1024x16xf32, #tpu.memory_space<vmem>> -> memref<1x1024x16xf32, #tpu.memory_space<vmem>>
    %dma_start3A_251 = tpu.memref_squeeze %dma_start3A_250 : memref<1x1024x16xf32, #tpu.memory_space<vmem>> -> memref<1024x16xf32, #tpu.memory_space<vmem>>
    %dma_start3A_252 = arith.constant 256 : i32
    %dma_start3A_253 = arith.constant 0 : i32
    %dma_start3A_254 = tpu.memref_slice %dma_start3A_251[%dma_start3A_252, %dma_start3A_253] : memref<1024x16xf32, #tpu.memory_space<vmem>> -> memref<128x16xf32, #tpu.memory_space<vmem>>
    %dma_start3A_255 = arith.constant 0 : i32
    %dma_start3A_256 = tpu.memref_slice %arg6[%dma_start3A_246, %dma_start3A_255] : memref<32x128xi32, #tpu.memory_space<vmem>> -> memref<1x128xi32, #tpu.memory_space<vmem>>
    %dma_start3A_257 = tpu.memref_squeeze %dma_start3A_256 : memref<1x128xi32, #tpu.memory_space<vmem>> -> memref<128xi32, #tpu.memory_space<vmem>>
    %dma_start3A_258 = arith.constant 0 : i32
    %dma_start3A_259 = arith.constant 0 : i32
    %dma_start3A_260 = tpu.memref_slice %arg3[%dma_start3A_258, %dma_start3A_259] : memref<50257x16xf32, #tpu.memory_space<hbm>> -> memref<50257x16xf32, #tpu.memory_space<hbm>>
    tpu.enqueue_indirect_dma source(%dma_start3A_260 : memref<50257x16xf32, #tpu.memory_space<hbm>>) target(%dma_start3A_254 : memref<128x16xf32, #tpu.memory_space<vmem>>) offsets(%dma_start3A_257 : memref<128xi32, #tpu.memory_space<vmem>>) semaphore(%arg16 : memref<!tpu.dma_semaphore, #tpu.memory_space<semaphore_mem>>)
    %dma_start3A_261 = arith.constant 11 : i32
    %dma_start3A_262 = arith.constant 1 : i32
    %dma_start3A_263 = arith.constant 0 : i32
    %dma_start3A_264 = arith.constant 0 : i32
    %dma_start3A_265 = tpu.memref_slice %arg7[%dma_start3A_262, %dma_start3A_263, %dma_start3A_264] : memref<4x1024x16xf32, #tpu.memory_space<vmem>> -> memref<1x1024x16xf32, #tpu.memory_space<vmem>>
    %dma_start3A_266 = tpu.memref_squeeze %dma_start3A_265 : memref<1x1024x16xf32, #tpu.memory_space<vmem>> -> memref<1024x16xf32, #tpu.memory_space<vmem>>
    %dma_start3A_267 = arith.constant 384 : i32
    %dma_start3A_268 = arith.constant 0 : i32
    %dma_start3A_269 = tpu.memref_slice %dma_start3A_266[%dma_start3A_267, %dma_start3A_268] : memref<1024x16xf32, #tpu.memory_space<vmem>> -> memref<128x16xf32, #tpu.memory_space<vmem>>
    %dma_start3A_270 = arith.constant 0 : i32
    %dma_start3A_271 = tpu.memref_slice %arg6[%dma_start3A_261, %dma_start3A_270] : memref<32x128xi32, #tpu.memory_space<vmem>> -> memref<1x128xi32, #tpu.memory_space<vmem>>
    %dma_start3A_272 = tpu.memref_squeeze %dma_start3A_271 : memref<1x128xi32, #tpu.memory_space<vmem>> -> memref<128xi32, #tpu.memory_space<vmem>>
    %dma_start3A_273 = arith.constant 0 : i32
    %dma_start3A_274 = arith.constant 0 : i32
    %dma_start3A_275 = tpu.memref_slice %arg3[%dma_start3A_273, %dma_start3A_274] : memref<50257x16xf32, #tpu.memory_space<hbm>> -> memref<50257x16xf32, #tpu.memory_space<hbm>>
    tpu.enqueue_indirect_dma source(%dma_start3A_275 : memref<50257x16xf32, #tpu.memory_space<hbm>>) target(%dma_start3A_269 : memref<128x16xf32, #tpu.memory_space<vmem>>) offsets(%dma_start3A_272 : memref<128xi32, #tpu.memory_space<vmem>>) semaphore(%arg16 : memref<!tpu.dma_semaphore, #tpu.memory_space<semaphore_mem>>)
    %dma_start3A_276 = arith.constant 12 : i32
    %dma_start3A_277 = arith.constant 1 : i32
    %dma_start3A_278 = arith.constant 0 : i32
    %dma_start3A_279 = arith.constant 0 : i32
    %dma_start3A_280 = tpu.memref_slice %arg7[%dma_start3A_277, %dma_start3A_278, %dma_start3A_279] : memref<4x1024x16xf32, #tpu.memory_space<vmem>> -> memref<1x1024x16xf32, #tpu.memory_space<vmem>>
    %dma_start3A_281 = tpu.memref_squeeze %dma_start3A_280 : memref<1x1024x16xf32, #tpu.memory_space<vmem>> -> memref<1024x16xf32, #tpu.memory_space<vmem>>
    %dma_start3A_282 = arith.constant 512 : i32
    %dma_start3A_283 = arith.constant 0 : i32
    %dma_start3A_284 = tpu.memref_slice %dma_start3A_281[%dma_start3A_282, %dma_start3A_283] : memref<1024x16xf32, #tpu.memory_space<vmem>> -> memref<128x16xf32, #tpu.memory_space<vmem>>
    %dma_start3A_285 = arith.constant 0 : i32
    %dma_start3A_286 = tpu.memref_slice %arg6[%dma_start3A_276, %dma_start3A_285] : memref<32x128xi32, #tpu.memory_space<vmem>> -> memref<1x128xi32, #tpu.memory_space<vmem>>
    %dma_start3A_287 = tpu.memref_squeeze %dma_start3A_286 : memref<1x128xi32, #tpu.memory_space<vmem>> -> memref<128xi32, #tpu.memory_space<vmem>>
    %dma_start3A_288 = arith.constant 0 : i32
    %dma_start3A_289 = arith.constant 0 : i32
    %dma_start3A_290 = tpu.memref_slice %arg3[%dma_start3A_288, %dma_start3A_289] : memref<50257x16xf32, #tpu.memory_space<hbm>> -> memref<50257x16xf32, #tpu.memory_space<hbm>>
    tpu.enqueue_indirect_dma source(%dma_start3A_290 : memref<50257x16xf32, #tpu.memory_space<hbm>>) target(%dma_start3A_284 : memref<128x16xf32, #tpu.memory_space<vmem>>) offsets(%dma_start3A_287 : memref<128xi32, #tpu.memory_space<vmem>>) semaphore(%arg16 : memref<!tpu.dma_semaphore, #tpu.memory_space<semaphore_mem>>)
    %dma_start3A_291 = arith.constant 13 : i32
    %dma_start3A_292 = arith.constant 1 : i32
    %dma_start3A_293 = arith.constant 0 : i32
    %dma_start3A_294 = arith.constant 0 : i32
    %dma_start3A_295 = tpu.memref_slice %arg7[%dma_start3A_292, %dma_start3A_293, %dma_start3A_294] : memref<4x1024x16xf32, #tpu.memory_space<vmem>> -> memref<1x1024x16xf32, #tpu.memory_space<vmem>>
    %dma_start3A_296 = tpu.memref_squeeze %dma_start3A_295 : memref<1x1024x16xf32, #tpu.memory_space<vmem>> -> memref<1024x16xf32, #tpu.memory_space<vmem>>
    %dma_start3A_297 = arith.constant 640 : i32
    %dma_start3A_298 = arith.constant 0 : i32
    %dma_start3A_299 = tpu.memref_slice %dma_start3A_296[%dma_start3A_297, %dma_start3A_298] : memref<1024x16xf32, #tpu.memory_space<vmem>> -> memref<128x16xf32, #tpu.memory_space<vmem>>
    %dma_start3A_300 = arith.constant 0 : i32
    %dma_start3A_301 = tpu.memref_slice %arg6[%dma_start3A_291, %dma_start3A_300] : memref<32x128xi32, #tpu.memory_space<vmem>> -> memref<1x128xi32, #tpu.memory_space<vmem>>
    %dma_start3A_302 = tpu.memref_squeeze %dma_start3A_301 : memref<1x128xi32, #tpu.memory_space<vmem>> -> memref<128xi32, #tpu.memory_space<vmem>>
    %dma_start3A_303 = arith.constant 0 : i32
    %dma_start3A_304 = arith.constant 0 : i32
    %dma_start3A_305 = tpu.memref_slice %arg3[%dma_start3A_303, %dma_start3A_304] : memref<50257x16xf32, #tpu.memory_space<hbm>> -> memref<50257x16xf32, #tpu.memory_space<hbm>>
    tpu.enqueue_indirect_dma source(%dma_start3A_305 : memref<50257x16xf32, #tpu.memory_space<hbm>>) target(%dma_start3A_299 : memref<128x16xf32, #tpu.memory_space<vmem>>) offsets(%dma_start3A_302 : memref<128xi32, #tpu.memory_space<vmem>>) semaphore(%arg16 : memref<!tpu.dma_semaphore, #tpu.memory_space<semaphore_mem>>)
    %dma_start3A_306 = arith.constant 14 : i32
    %dma_start3A_307 = arith.constant 1 : i32
    %dma_start3A_308 = arith.constant 0 : i32
    %dma_start3A_309 = arith.constant 0 : i32
    %dma_start3A_310 = tpu.memref_slice %arg7[%dma_start3A_307, %dma_start3A_308, %dma_start3A_309] : memref<4x1024x16xf32, #tpu.memory_space<vmem>> -> memref<1x1024x16xf32, #tpu.memory_space<vmem>>
    %dma_start3A_311 = tpu.memref_squeeze %dma_start3A_310 : memref<1x1024x16xf32, #tpu.memory_space<vmem>> -> memref<1024x16xf32, #tpu.memory_space<vmem>>
    %dma_start3A_312 = arith.constant 768 : i32
    %dma_start3A_313 = arith.constant 0 : i32
    %dma_start3A_314 = tpu.memref_slice %dma_start3A_311[%dma_start3A_312, %dma_start3A_313] : memref<1024x16xf32, #tpu.memory_space<vmem>> -> memref<128x16xf32, #tpu.memory_space<vmem>>
    %dma_start3A_315 = arith.constant 0 : i32
    %dma_start3A_316 = tpu.memref_slice %arg6[%dma_start3A_306, %dma_start3A_315] : memref<32x128xi32, #tpu.memory_space<vmem>> -> memref<1x128xi32, #tpu.memory_space<vmem>>
    %dma_start3A_317 = tpu.memref_squeeze %dma_start3A_316 : memref<1x128xi32, #tpu.memory_space<vmem>> -> memref<128xi32, #tpu.memory_space<vmem>>
    %dma_start3A_318 = arith.constant 0 : i32
    %dma_start3A_319 = arith.constant 0 : i32
    %dma_start3A_320 = tpu.memref_slice %arg3[%dma_start3A_318, %dma_start3A_319] : memref<50257x16xf32, #tpu.memory_space<hbm>> -> memref<50257x16xf32, #tpu.memory_space<hbm>>
    tpu.enqueue_indirect_dma source(%dma_start3A_320 : memref<50257x16xf32, #tpu.memory_space<hbm>>) target(%dma_start3A_314 : memref<128x16xf32, #tpu.memory_space<vmem>>) offsets(%dma_start3A_317 : memref<128xi32, #tpu.memory_space<vmem>>) semaphore(%arg16 : memref<!tpu.dma_semaphore, #tpu.memory_space<semaphore_mem>>)
    %dma_start3A_321 = arith.constant 15 : i32
    %dma_start3A_322 = arith.constant 1 : i32
    %dma_start3A_323 = arith.constant 0 : i32
    %dma_start3A_324 = arith.constant 0 : i32
    %dma_start3A_325 = tpu.memref_slice %arg7[%dma_start3A_322, %dma_start3A_323, %dma_start3A_324] : memref<4x1024x16xf32, #tpu.memory_space<vmem>> -> memref<1x1024x16xf32, #tpu.memory_space<vmem>>
    %dma_start3A_326 = tpu.memref_squeeze %dma_start3A_325 : memref<1x1024x16xf32, #tpu.memory_space<vmem>> -> memref<1024x16xf32, #tpu.memory_space<vmem>>
    %dma_start3A_327 = arith.constant 896 : i32
    %dma_start3A_328 = arith.constant 0 : i32
    %dma_start3A_329 = tpu.memref_slice %dma_start3A_326[%dma_start3A_327, %dma_start3A_328] : memref<1024x16xf32, #tpu.memory_space<vmem>> -> memref<128x16xf32, #tpu.memory_space<vmem>>
    %dma_start3A_330 = arith.constant 0 : i32
    %dma_start3A_331 = tpu.memref_slice %arg6[%dma_start3A_321, %dma_start3A_330] : memref<32x128xi32, #tpu.memory_space<vmem>> -> memref<1x128xi32, #tpu.memory_space<vmem>>
    %dma_start3A_332 = tpu.memref_squeeze %dma_start3A_331 : memref<1x128xi32, #tpu.memory_space<vmem>> -> memref<128xi32, #tpu.memory_space<vmem>>
    %dma_start3A_333 = arith.constant 0 : i32
    %dma_start3A_334 = arith.constant 0 : i32
    %dma_start3A_335 = tpu.memref_slice %arg3[%dma_start3A_333, %dma_start3A_334] : memref<50257x16xf32, #tpu.memory_space<hbm>> -> memref<50257x16xf32, #tpu.memory_space<hbm>>
    tpu.enqueue_indirect_dma source(%dma_start3A_335 : memref<50257x16xf32, #tpu.memory_space<hbm>>) target(%dma_start3A_329 : memref<128x16xf32, #tpu.memory_space<vmem>>) offsets(%dma_start3A_332 : memref<128xi32, #tpu.memory_space<vmem>>) semaphore(%arg16 : memref<!tpu.dma_semaphore, #tpu.memory_space<semaphore_mem>>)
    %scan3A = arith.constant 0 : i32
    %scan3A_336 = arith.constant 0 : i32
    %scan3A_337 = arith.constant 8 : i32
    %scan3A_338 = arith.addi %scan3A_336, %scan3A_337 : i32
    %scan3A_339 = arith.constant 1 : i32
    scf.for %scan3A_367 = %scan3A_336 to %scan3A_338 step %scan3A_339  : i32 {
      %mul3A_368 = arith.constant 4 : i32
      %mul3A_369 = arith.muli %scan3A_367, %mul3A_368 : i32
      %add3A_370 = arith.constant 0 : i32
      %add3A_371 = arith.addi %mul3A_369, %add3A_370 : i32
      %dma_wait3A_372 = arith.constant 0 : i32
      %dma_wait3A_373 = arith.constant 0 : i32
      %dma_wait3A_374 = arith.constant 0 : i32
      %dma_wait3A_375 = tpu.memref_slice %arg7[%dma_wait3A_372, %dma_wait3A_373, %dma_wait3A_374] : memref<4x1024x16xf32, #tpu.memory_space<vmem>> -> memref<1x1024x16xf32, #tpu.memory_space<vmem>>
      %dma_wait3A_376 = tpu.memref_squeeze %dma_wait3A_375 : memref<1x1024x16xf32, #tpu.memory_space<vmem>> -> memref<1024x16xf32, #tpu.memory_space<vmem>>
      %dma_wait3A_377 = arith.constant 0 : i32
      %dma_wait3A_378 = arith.constant 0 : i32
      %dma_wait3A_379 = tpu.memref_slice %arg3[%dma_wait3A_377, %dma_wait3A_378] : memref<50257x16xf32, #tpu.memory_space<hbm>> -> memref<1024x16xf32, #tpu.memory_space<hbm>>
      %dma_wait3A_380 = arith.constant 0 : i32
      %dma_wait3A_381 = arith.constant 0 : i32
      %dma_wait3A_382 = tpu.memref_slice %arg7[%dma_wait3A_372, %dma_wait3A_380, %dma_wait3A_381] : memref<4x1024x16xf32, #tpu.memory_space<vmem>> -> memref<1x1024x16xf32, #tpu.memory_space<vmem>>
      %dma_wait3A_383 = tpu.memref_squeeze %dma_wait3A_382 : memref<1x1024x16xf32, #tpu.memory_space<vmem>> -> memref<1024x16xf32, #tpu.memory_space<vmem>>
      %dma_wait3A_384 = arith.constant 0 : i32
      %dma_wait3A_385 = arith.constant 0 : i32
      %dma_wait3A_386 = tpu.memref_slice %arg3[%dma_wait3A_384, %dma_wait3A_385] : memref<50257x16xf32, #tpu.memory_space<hbm>> -> memref<1024x16xf32, #tpu.memory_space<hbm>>
      tpu.wait_dma2 semaphore(%arg15 : memref<!tpu.dma_semaphore, #tpu.memory_space<semaphore_mem>>) src(%dma_wait3A_386 : memref<1024x16xf32, #tpu.memory_space<hbm>>) dst(%dma_wait3A_383 : memref<1024x16xf32, #tpu.memory_space<vmem>>)
      %add3A_387 = arith.constant 4 : i32
      %add3A_388 = arith.addi %add3A_371, %add3A_387 : i32
      %lt3A = arith.constant 32 : i32
      %lt3A_389 = arith.cmpi slt, %add3A_388, %lt3A : i32
      %convert_element_type3A = arith.extui %lt3A_389 : i1 to i32
      %cond3A = arith.constant 0 : i32
      %cond3A_390 = arith.cmpi ne, %convert_element_type3A, %cond3A : i32
      scf.if %cond3A_390 {
        %add3A_598 = arith.constant 4 : i32
        %add3A_599 = arith.addi %add3A_371, %add3A_598 : i32
        %add3A_600 = arith.addi %mul3A_2, %add3A_599 : i32
        %dma_start3A_601 = arith.constant 0 : i32
        %dma_start3A_602 = arith.constant 0 : i32
        %dma_start3A_603 = tpu.memref_slice %arg6[%dma_start3A_601, %dma_start3A_602] : memref<32x128xi32, #tpu.memory_space<vmem>> -> memref<8x128xi32, #tpu.memory_space<vmem>>
        %dma_start3A_604 = arith.constant 0 : i32
        %dma_start3A_605 = arith.constant 0 : i32
        %dma_start3A_606 = tpu.memref_slice %arg2[%add3A_600, %dma_start3A_604, %dma_start3A_605] : memref<1024x8x128xi32, #tpu.memory_space<hbm>> -> memref<1x8x128xi32, #tpu.memory_space<hbm>>
        %dma_start3A_607 = tpu.memref_squeeze %dma_start3A_606 : memref<1x8x128xi32, #tpu.memory_space<hbm>> -> memref<8x128xi32, #tpu.memory_space<hbm>>
        %dma_start3A_608 = arith.constant 0 : i32
        %dma_start3A_609 = arith.constant 0 : i32
        %dma_start3A_610 = tpu.memref_slice %arg6[%dma_start3A_608, %dma_start3A_609] : memref<32x128xi32, #tpu.memory_space<vmem>> -> memref<8x128xi32, #tpu.memory_space<vmem>>
        %dma_start3A_611 = arith.constant 0 : i32
        %dma_start3A_612 = arith.constant 0 : i32
        %dma_start3A_613 = tpu.memref_slice %arg2[%add3A_600, %dma_start3A_611, %dma_start3A_612] : memref<1024x8x128xi32, #tpu.memory_space<hbm>> -> memref<1x8x128xi32, #tpu.memory_space<hbm>>
        %dma_start3A_614 = tpu.memref_squeeze %dma_start3A_613 : memref<1x8x128xi32, #tpu.memory_space<hbm>> -> memref<8x128xi32, #tpu.memory_space<hbm>>
        tpu.enqueue_dma source(%dma_start3A_614 : memref<8x128xi32, #tpu.memory_space<hbm>>) target(%dma_start3A_610 : memref<8x128xi32, #tpu.memory_space<vmem>>) target_semaphore(%arg11 : memref<!tpu.dma_semaphore, #tpu.memory_space<semaphore_mem>>)
      } else {
      }
      %add3A_391 = arith.constant 2 : i32
      %add3A_392 = arith.addi %add3A_371, %add3A_391 : i32
      %lt3A_393 = arith.constant 32 : i32
      %lt3A_394 = arith.cmpi slt, %add3A_392, %lt3A_393 : i32
      %convert_element_type3A_395 = arith.extui %lt3A_394 : i1 to i32
      %cond3A_396 = arith.constant 0 : i32
      %cond3A_397 = arith.cmpi ne, %convert_element_type3A_395, %cond3A_396 : i32
      scf.if %cond3A_397 {
        %dma_wait3A_598 = arith.constant 16 : i32
        %dma_wait3A_599 = arith.constant 0 : i32
        %dma_wait3A_600 = tpu.memref_slice %arg6[%dma_wait3A_598, %dma_wait3A_599] : memref<32x128xi32, #tpu.memory_space<vmem>> -> memref<8x128xi32, #tpu.memory_space<vmem>>
        %dma_wait3A_601 = arith.constant 0 : i32
        %dma_wait3A_602 = arith.constant 0 : i32
        %dma_wait3A_603 = tpu.memref_slice %arg2[%mul3A_2, %dma_wait3A_601, %dma_wait3A_602] : memref<1024x8x128xi32, #tpu.memory_space<hbm>> -> memref<1x8x128xi32, #tpu.memory_space<hbm>>
        %dma_wait3A_604 = tpu.memref_squeeze %dma_wait3A_603 : memref<1x8x128xi32, #tpu.memory_space<hbm>> -> memref<8x128xi32, #tpu.memory_space<hbm>>
        %dma_wait3A_605 = arith.constant 16 : i32
        %dma_wait3A_606 = arith.constant 0 : i32
        %dma_wait3A_607 = tpu.memref_slice %arg6[%dma_wait3A_605, %dma_wait3A_606] : memref<32x128xi32, #tpu.memory_space<vmem>> -> memref<8x128xi32, #tpu.memory_space<vmem>>
        %dma_wait3A_608 = arith.constant 0 : i32
        %dma_wait3A_609 = arith.constant 0 : i32
        %dma_wait3A_610 = tpu.memref_slice %arg2[%mul3A_2, %dma_wait3A_608, %dma_wait3A_609] : memref<1024x8x128xi32, #tpu.memory_space<hbm>> -> memref<1x8x128xi32, #tpu.memory_space<hbm>>
        %dma_wait3A_611 = tpu.memref_squeeze %dma_wait3A_610 : memref<1x8x128xi32, #tpu.memory_space<hbm>> -> memref<8x128xi32, #tpu.memory_space<hbm>>
        tpu.wait_dma2 semaphore(%arg13 : memref<!tpu.dma_semaphore, #tpu.memory_space<semaphore_mem>>) src(%dma_wait3A_611 : memref<8x128xi32, #tpu.memory_space<hbm>>) dst(%dma_wait3A_607 : memref<8x128xi32, #tpu.memory_space<vmem>>)
        %dma_start3A_612 = arith.constant 16 : i32
        %dma_start3A_613 = arith.constant 2 : i32
        %dma_start3A_614 = arith.constant 0 : i32
        %dma_start3A_615 = arith.constant 0 : i32
        %dma_start3A_616 = tpu.memref_slice %arg7[%dma_start3A_613, %dma_start3A_614, %dma_start3A_615] : memref<4x1024x16xf32, #tpu.memory_space<vmem>> -> memref<1x1024x16xf32, #tpu.memory_space<vmem>>
        %dma_start3A_617 = tpu.memref_squeeze %dma_start3A_616 : memref<1x1024x16xf32, #tpu.memory_space<vmem>> -> memref<1024x16xf32, #tpu.memory_space<vmem>>
        %dma_start3A_618 = arith.constant 0 : i32
        %dma_start3A_619 = arith.constant 0 : i32
        %dma_start3A_620 = tpu.memref_slice %dma_start3A_617[%dma_start3A_618, %dma_start3A_619] : memref<1024x16xf32, #tpu.memory_space<vmem>> -> memref<128x16xf32, #tpu.memory_space<vmem>>
        %dma_start3A_621 = arith.constant 0 : i32
        %dma_start3A_622 = tpu.memref_slice %arg6[%dma_start3A_612, %dma_start3A_621] : memref<32x128xi32, #tpu.memory_space<vmem>> -> memref<1x128xi32, #tpu.memory_space<vmem>>
        %dma_start3A_623 = tpu.memref_squeeze %dma_start3A_622 : memref<1x128xi32, #tpu.memory_space<vmem>> -> memref<128xi32, #tpu.memory_space<vmem>>
        %dma_start3A_624 = arith.constant 0 : i32
        %dma_start3A_625 = arith.constant 0 : i32
        %dma_start3A_626 = tpu.memref_slice %arg3[%dma_start3A_624, %dma_start3A_625] : memref<50257x16xf32, #tpu.memory_space<hbm>> -> memref<50257x16xf32, #tpu.memory_space<hbm>>
        tpu.enqueue_indirect_dma source(%dma_start3A_626 : memref<50257x16xf32, #tpu.memory_space<hbm>>) target(%dma_start3A_620 : memref<128x16xf32, #tpu.memory_space<vmem>>) offsets(%dma_start3A_623 : memref<128xi32, #tpu.memory_space<vmem>>) semaphore(%arg17 : memref<!tpu.dma_semaphore, #tpu.memory_space<semaphore_mem>>)
        %dma_start3A_627 = arith.constant 17 : i32
        %dma_start3A_628 = arith.constant 2 : i32
        %dma_start3A_629 = arith.constant 0 : i32
        %dma_start3A_630 = arith.constant 0 : i32
        %dma_start3A_631 = tpu.memref_slice %arg7[%dma_start3A_628, %dma_start3A_629, %dma_start3A_630] : memref<4x1024x16xf32, #tpu.memory_space<vmem>> -> memref<1x1024x16xf32, #tpu.memory_space<vmem>>
        %dma_start3A_632 = tpu.memref_squeeze %dma_start3A_631 : memref<1x1024x16xf32, #tpu.memory_space<vmem>> -> memref<1024x16xf32, #tpu.memory_space<vmem>>
        %dma_start3A_633 = arith.constant 128 : i32
        %dma_start3A_634 = arith.constant 0 : i32
        %dma_start3A_635 = tpu.memref_slice %dma_start3A_632[%dma_start3A_633, %dma_start3A_634] : memref<1024x16xf32, #tpu.memory_space<vmem>> -> memref<128x16xf32, #tpu.memory_space<vmem>>
        %dma_start3A_636 = arith.constant 0 : i32
        %dma_start3A_637 = tpu.memref_slice %arg6[%dma_start3A_627, %dma_start3A_636] : memref<32x128xi32, #tpu.memory_space<vmem>> -> memref<1x128xi32, #tpu.memory_space<vmem>>
        %dma_start3A_638 = tpu.memref_squeeze %dma_start3A_637 : memref<1x128xi32, #tpu.memory_space<vmem>> -> memref<128xi32, #tpu.memory_space<vmem>>
        %dma_start3A_639 = arith.constant 0 : i32
        %dma_start3A_640 = arith.constant 0 : i32
        %dma_start3A_641 = tpu.memref_slice %arg3[%dma_start3A_639, %dma_start3A_640] : memref<50257x16xf32, #tpu.memory_space<hbm>> -> memref<50257x16xf32, #tpu.memory_space<hbm>>
        tpu.enqueue_indirect_dma source(%dma_start3A_641 : memref<50257x16xf32, #tpu.memory_space<hbm>>) target(%dma_start3A_635 : memref<128x16xf32, #tpu.memory_space<vmem>>) offsets(%dma_start3A_638 : memref<128xi32, #tpu.memory_space<vmem>>) semaphore(%arg17 : memref<!tpu.dma_semaphore, #tpu.memory_space<semaphore_mem>>)
        %dma_start3A_642 = arith.constant 18 : i32
        %dma_start3A_643 = arith.constant 2 : i32
        %dma_start3A_644 = arith.constant 0 : i32
        %dma_start3A_645 = arith.constant 0 : i32
        %dma_start3A_646 = tpu.memref_slice %arg7[%dma_start3A_643, %dma_start3A_644, %dma_start3A_645] : memref<4x1024x16xf32, #tpu.memory_space<vmem>> -> memref<1x1024x16xf32, #tpu.memory_space<vmem>>
        %dma_start3A_647 = tpu.memref_squeeze %dma_start3A_646 : memref<1x1024x16xf32, #tpu.memory_space<vmem>> -> memref<1024x16xf32, #tpu.memory_space<vmem>>
        %dma_start3A_648 = arith.constant 256 : i32
        %dma_start3A_649 = arith.constant 0 : i32
        %dma_start3A_650 = tpu.memref_slice %dma_start3A_647[%dma_start3A_648, %dma_start3A_649] : memref<1024x16xf32, #tpu.memory_space<vmem>> -> memref<128x16xf32, #tpu.memory_space<vmem>>
        %dma_start3A_651 = arith.constant 0 : i32
        %dma_start3A_652 = tpu.memref_slice %arg6[%dma_start3A_642, %dma_start3A_651] : memref<32x128xi32, #tpu.memory_space<vmem>> -> memref<1x128xi32, #tpu.memory_space<vmem>>
        %dma_start3A_653 = tpu.memref_squeeze %dma_start3A_652 : memref<1x128xi32, #tpu.memory_space<vmem>> -> memref<128xi32, #tpu.memory_space<vmem>>
        %dma_start3A_654 = arith.constant 0 : i32
        %dma_start3A_655 = arith.constant 0 : i32
        %dma_start3A_656 = tpu.memref_slice %arg3[%dma_start3A_654, %dma_start3A_655] : memref<50257x16xf32, #tpu.memory_space<hbm>> -> memref<50257x16xf32, #tpu.memory_space<hbm>>
        tpu.enqueue_indirect_dma source(%dma_start3A_656 : memref<50257x16xf32, #tpu.memory_space<hbm>>) target(%dma_start3A_650 : memref<128x16xf32, #tpu.memory_space<vmem>>) offsets(%dma_start3A_653 : memref<128xi32, #tpu.memory_space<vmem>>) semaphore(%arg17 : memref<!tpu.dma_semaphore, #tpu.memory_space<semaphore_mem>>)
        %dma_start3A_657 = arith.constant 19 : i32
        %dma_start3A_658 = arith.constant 2 : i32
        %dma_start3A_659 = arith.constant 0 : i32
        %dma_start3A_660 = arith.constant 0 : i32
        %dma_start3A_661 = tpu.memref_slice %arg7[%dma_start3A_658, %dma_start3A_659, %dma_start3A_660] : memref<4x1024x16xf32, #tpu.memory_space<vmem>> -> memref<1x1024x16xf32, #tpu.memory_space<vmem>>
        %dma_start3A_662 = tpu.memref_squeeze %dma_start3A_661 : memref<1x1024x16xf32, #tpu.memory_space<vmem>> -> memref<1024x16xf32, #tpu.memory_space<vmem>>
        %dma_start3A_663 = arith.constant 384 : i32
        %dma_start3A_664 = arith.constant 0 : i32
        %dma_start3A_665 = tpu.memref_slice %dma_start3A_662[%dma_start3A_663, %dma_start3A_664] : memref<1024x16xf32, #tpu.memory_space<vmem>> -> memref<128x16xf32, #tpu.memory_space<vmem>>
        %dma_start3A_666 = arith.constant 0 : i32
        %dma_start3A_667 = tpu.memref_slice %arg6[%dma_start3A_657, %dma_start3A_666] : memref<32x128xi32, #tpu.memory_space<vmem>> -> memref<1x128xi32, #tpu.memory_space<vmem>>
        %dma_start3A_668 = tpu.memref_squeeze %dma_start3A_667 : memref<1x128xi32, #tpu.memory_space<vmem>> -> memref<128xi32, #tpu.memory_space<vmem>>
        %dma_start3A_669 = arith.constant 0 : i32
        %dma_start3A_670 = arith.constant 0 : i32
        %dma_start3A_671 = tpu.memref_slice %arg3[%dma_start3A_669, %dma_start3A_670] : memref<50257x16xf32, #tpu.memory_space<hbm>> -> memref<50257x16xf32, #tpu.memory_space<hbm>>
        tpu.enqueue_indirect_dma source(%dma_start3A_671 : memref<50257x16xf32, #tpu.memory_space<hbm>>) target(%dma_start3A_665 : memref<128x16xf32, #tpu.memory_space<vmem>>) offsets(%dma_start3A_668 : memref<128xi32, #tpu.memory_space<vmem>>) semaphore(%arg17 : memref<!tpu.dma_semaphore, #tpu.memory_space<semaphore_mem>>)
        %dma_start3A_672 = arith.constant 20 : i32
        %dma_start3A_673 = arith.constant 2 : i32
        %dma_start3A_674 = arith.constant 0 : i32
        %dma_start3A_675 = arith.constant 0 : i32
        %dma_start3A_676 = tpu.memref_slice %arg7[%dma_start3A_673, %dma_start3A_674, %dma_start3A_675] : memref<4x1024x16xf32, #tpu.memory_space<vmem>> -> memref<1x1024x16xf32, #tpu.memory_space<vmem>>
        %dma_start3A_677 = tpu.memref_squeeze %dma_start3A_676 : memref<1x1024x16xf32, #tpu.memory_space<vmem>> -> memref<1024x16xf32, #tpu.memory_space<vmem>>
        %dma_start3A_678 = arith.constant 512 : i32
        %dma_start3A_679 = arith.constant 0 : i32
        %dma_start3A_680 = tpu.memref_slice %dma_start3A_677[%dma_start3A_678, %dma_start3A_679] : memref<1024x16xf32, #tpu.memory_space<vmem>> -> memref<128x16xf32, #tpu.memory_space<vmem>>
        %dma_start3A_681 = arith.constant 0 : i32
        %dma_start3A_682 = tpu.memref_slice %arg6[%dma_start3A_672, %dma_start3A_681] : memref<32x128xi32, #tpu.memory_space<vmem>> -> memref<1x128xi32, #tpu.memory_space<vmem>>
        %dma_start3A_683 = tpu.memref_squeeze %dma_start3A_682 : memref<1x128xi32, #tpu.memory_space<vmem>> -> memref<128xi32, #tpu.memory_space<vmem>>
        %dma_start3A_684 = arith.constant 0 : i32
        %dma_start3A_685 = arith.constant 0 : i32
        %dma_start3A_686 = tpu.memref_slice %arg3[%dma_start3A_684, %dma_start3A_685] : memref<50257x16xf32, #tpu.memory_space<hbm>> -> memref<50257x16xf32, #tpu.memory_space<hbm>>
        tpu.enqueue_indirect_dma source(%dma_start3A_686 : memref<50257x16xf32, #tpu.memory_space<hbm>>) target(%dma_start3A_680 : memref<128x16xf32, #tpu.memory_space<vmem>>) offsets(%dma_start3A_683 : memref<128xi32, #tpu.memory_space<vmem>>) semaphore(%arg17 : memref<!tpu.dma_semaphore, #tpu.memory_space<semaphore_mem>>)
        %dma_start3A_687 = arith.constant 21 : i32
        %dma_start3A_688 = arith.constant 2 : i32
        %dma_start3A_689 = arith.constant 0 : i32
        %dma_start3A_690 = arith.constant 0 : i32
        %dma_start3A_691 = tpu.memref_slice %arg7[%dma_start3A_688, %dma_start3A_689, %dma_start3A_690] : memref<4x1024x16xf32, #tpu.memory_space<vmem>> -> memref<1x1024x16xf32, #tpu.memory_space<vmem>>
        %dma_start3A_692 = tpu.memref_squeeze %dma_start3A_691 : memref<1x1024x16xf32, #tpu.memory_space<vmem>> -> memref<1024x16xf32, #tpu.memory_space<vmem>>
        %dma_start3A_693 = arith.constant 640 : i32
        %dma_start3A_694 = arith.constant 0 : i32
        %dma_start3A_695 = tpu.memref_slice %dma_start3A_692[%dma_start3A_693, %dma_start3A_694] : memref<1024x16xf32, #tpu.memory_space<vmem>> -> memref<128x16xf32, #tpu.memory_space<vmem>>
        %dma_start3A_696 = arith.constant 0 : i32
        %dma_start3A_697 = tpu.memref_slice %arg6[%dma_start3A_687, %dma_start3A_696] : memref<32x128xi32, #tpu.memory_space<vmem>> -> memref<1x128xi32, #tpu.memory_space<vmem>>
        %dma_start3A_698 = tpu.memref_squeeze %dma_start3A_697 : memref<1x128xi32, #tpu.memory_space<vmem>> -> memref<128xi32, #tpu.memory_space<vmem>>
        %dma_start3A_699 = arith.constant 0 : i32
        %dma_start3A_700 = arith.constant 0 : i32
        %dma_start3A_701 = tpu.memref_slice %arg3[%dma_start3A_699, %dma_start3A_700] : memref<50257x16xf32, #tpu.memory_space<hbm>> -> memref<50257x16xf32, #tpu.memory_space<hbm>>
        tpu.enqueue_indirect_dma source(%dma_start3A_701 : memref<50257x16xf32, #tpu.memory_space<hbm>>) target(%dma_start3A_695 : memref<128x16xf32, #tpu.memory_space<vmem>>) offsets(%dma_start3A_698 : memref<128xi32, #tpu.memory_space<vmem>>) semaphore(%arg17 : memref<!tpu.dma_semaphore, #tpu.memory_space<semaphore_mem>>)
        %dma_start3A_702 = arith.constant 22 : i32
        %dma_start3A_703 = arith.constant 2 : i32
        %dma_start3A_704 = arith.constant 0 : i32
        %dma_start3A_705 = arith.constant 0 : i32
        %dma_start3A_706 = tpu.memref_slice %arg7[%dma_start3A_703, %dma_start3A_704, %dma_start3A_705] : memref<4x1024x16xf32, #tpu.memory_space<vmem>> -> memref<1x1024x16xf32, #tpu.memory_space<vmem>>
        %dma_start3A_707 = tpu.memref_squeeze %dma_start3A_706 : memref<1x1024x16xf32, #tpu.memory_space<vmem>> -> memref<1024x16xf32, #tpu.memory_space<vmem>>
        %dma_start3A_708 = arith.constant 768 : i32
        %dma_start3A_709 = arith.constant 0 : i32
        %dma_start3A_710 = tpu.memref_slice %dma_start3A_707[%dma_start3A_708, %dma_start3A_709] : memref<1024x16xf32, #tpu.memory_space<vmem>> -> memref<128x16xf32, #tpu.memory_space<vmem>>
        %dma_start3A_711 = arith.constant 0 : i32
        %dma_start3A_712 = tpu.memref_slice %arg6[%dma_start3A_702, %dma_start3A_711] : memref<32x128xi32, #tpu.memory_space<vmem>> -> memref<1x128xi32, #tpu.memory_space<vmem>>
        %dma_start3A_713 = tpu.memref_squeeze %dma_start3A_712 : memref<1x128xi32, #tpu.memory_space<vmem>> -> memref<128xi32, #tpu.memory_space<vmem>>
        %dma_start3A_714 = arith.constant 0 : i32
        %dma_start3A_715 = arith.constant 0 : i32
        %dma_start3A_716 = tpu.memref_slice %arg3[%dma_start3A_714, %dma_start3A_715] : memref<50257x16xf32, #tpu.memory_space<hbm>> -> memref<50257x16xf32, #tpu.memory_space<hbm>>
        tpu.enqueue_indirect_dma source(%dma_start3A_716 : memref<50257x16xf32, #tpu.memory_space<hbm>>) target(%dma_start3A_710 : memref<128x16xf32, #tpu.memory_space<vmem>>) offsets(%dma_start3A_713 : memref<128xi32, #tpu.memory_space<vmem>>) semaphore(%arg17 : memref<!tpu.dma_semaphore, #tpu.memory_space<semaphore_mem>>)
        %dma_start3A_717 = arith.constant 23 : i32
        %dma_start3A_718 = arith.constant 2 : i32
        %dma_start3A_719 = arith.constant 0 : i32
        %dma_start3A_720 = arith.constant 0 : i32
        %dma_start3A_721 = tpu.memref_slice %arg7[%dma_start3A_718, %dma_start3A_719, %dma_start3A_720] : memref<4x1024x16xf32, #tpu.memory_space<vmem>> -> memref<1x1024x16xf32, #tpu.memory_space<vmem>>
        %dma_start3A_722 = tpu.memref_squeeze %dma_start3A_721 : memref<1x1024x16xf32, #tpu.memory_space<vmem>> -> memref<1024x16xf32, #tpu.memory_space<vmem>>
        %dma_start3A_723 = arith.constant 896 : i32
        %dma_start3A_724 = arith.constant 0 : i32
        %dma_start3A_725 = tpu.memref_slice %dma_start3A_722[%dma_start3A_723, %dma_start3A_724] : memref<1024x16xf32, #tpu.memory_space<vmem>> -> memref<128x16xf32, #tpu.memory_space<vmem>>
        %dma_start3A_726 = arith.constant 0 : i32
        %dma_start3A_727 = tpu.memref_slice %arg6[%dma_start3A_717, %dma_start3A_726] : memref<32x128xi32, #tpu.memory_space<vmem>> -> memref<1x128xi32, #tpu.memory_space<vmem>>
        %dma_start3A_728 = tpu.memref_squeeze %dma_start3A_727 : memref<1x128xi32, #tpu.memory_space<vmem>> -> memref<128xi32, #tpu.memory_space<vmem>>
        %dma_start3A_729 = arith.constant 0 : i32
        %dma_start3A_730 = arith.constant 0 : i32
        %dma_start3A_731 = tpu.memref_slice %arg3[%dma_start3A_729, %dma_start3A_730] : memref<50257x16xf32, #tpu.memory_space<hbm>> -> memref<50257x16xf32, #tpu.memory_space<hbm>>
        tpu.enqueue_indirect_dma source(%dma_start3A_731 : memref<50257x16xf32, #tpu.memory_space<hbm>>) target(%dma_start3A_725 : memref<128x16xf32, #tpu.memory_space<vmem>>) offsets(%dma_start3A_728 : memref<128xi32, #tpu.memory_space<vmem>>) semaphore(%arg17 : memref<!tpu.dma_semaphore, #tpu.memory_space<semaphore_mem>>)
      } else {
      }
      %ge3A = arith.constant 2 : i32
      %ge3A_398 = arith.cmpi sge, %add3A_371, %ge3A : i32
      %convert_element_type3A_399 = arith.extui %ge3A_398 : i1 to i32
      %cond3A_400 = arith.constant 0 : i32
      %cond3A_401 = arith.cmpi ne, %convert_element_type3A_399, %cond3A_400 : i32
      scf.if %cond3A_401 {
        %dma_wait3A_598 = arith.constant 0 : i32
        %dma_wait3A_599 = arith.constant 0 : i32
        %dma_wait3A_600 = tpu.memref_slice %arg8[%dma_wait3A_598, %dma_wait3A_599] : memref<2x16384xf32, #tpu.memory_space<vmem>> -> memref<1x16384xf32, #tpu.memory_space<vmem>>
        %dma_wait3A_601 = tpu.memref_squeeze %dma_wait3A_600 : memref<1x16384xf32, #tpu.memory_space<vmem>> -> memref<16384xf32, #tpu.memory_space<vmem>>
        %dma_wait3A_602 = arith.constant 0 : i32
        %dma_wait3A_603 = tpu.memref_slice %arg5[%mul3A_2, %dma_wait3A_602] : memref<1024x16384xf32, #tpu.memory_space<hbm>> -> memref<1x16384xf32, #tpu.memory_space<hbm>>
        %dma_wait3A_604 = tpu.memref_squeeze %dma_wait3A_603 : memref<1x16384xf32, #tpu.memory_space<hbm>> -> memref<16384xf32, #tpu.memory_space<hbm>>
        %dma_wait3A_605 = arith.constant 0 : i32
        %dma_wait3A_606 = tpu.memref_slice %arg8[%dma_wait3A_598, %dma_wait3A_605] : memref<2x16384xf32, #tpu.memory_space<vmem>> -> memref<1x16384xf32, #tpu.memory_space<vmem>>
        %dma_wait3A_607 = tpu.memref_squeeze %dma_wait3A_606 : memref<1x16384xf32, #tpu.memory_space<vmem>> -> memref<16384xf32, #tpu.memory_space<vmem>>
        %dma_wait3A_608 = arith.constant 0 : i32
        %dma_wait3A_609 = tpu.memref_slice %arg5[%mul3A_2, %dma_wait3A_608] : memref<1024x16384xf32, #tpu.memory_space<hbm>> -> memref<1x16384xf32, #tpu.memory_space<hbm>>
        %dma_wait3A_610 = tpu.memref_squeeze %dma_wait3A_609 : memref<1x16384xf32, #tpu.memory_space<hbm>> -> memref<16384xf32, #tpu.memory_space<hbm>>
        tpu.wait_dma2 semaphore(%arg19 : memref<!tpu.dma_semaphore, #tpu.memory_space<semaphore_mem>>) src(%dma_wait3A_610 : memref<16384xf32, #tpu.memory_space<hbm>>) dst(%dma_wait3A_607 : memref<16384xf32, #tpu.memory_space<vmem>>)
      } else {
      }
      %scan3A_402 = arith.constant 0 : i32
      %scan3A_403 = arith.constant 0 : i32
      %scan3A_404 = arith.constant 0 : i32
      %scan3A_405 = arith.constant 0 : i32
      %scan3A_406 = arith.constant 64 : i32
      %scan3A_407 = arith.addi %scan3A_405, %scan3A_406 : i32
      %scan3A_408 = arith.constant 1 : i32
      scf.for %scan3A_598 = %scan3A_405 to %scan3A_407 step %scan3A_408  : i32 {
        %mul3A_599 = arith.constant 16 : i32
        %mul3A_600 = arith.muli %scan3A_598, %mul3A_599 : i32
        %add3A_601 = arith.constant 0 : i32
        %add3A_602 = arith.addi %mul3A_600, %add3A_601 : i32
        %get3A = arith.constant 0 : i32
        %get3A_603 = arith.constant 0 : i32
        %get3A_604 = tpu.memref_slice %arg7[%scan3A_403, %get3A, %get3A_603] : memref<4x1024x16xf32, #tpu.memory_space<vmem>> -> memref<1x1024x16xf32, #tpu.memory_space<vmem>>
        %get3A_605 = tpu.memref_squeeze %get3A_604 : memref<1x1024x16xf32, #tpu.memory_space<vmem>> -> memref<1024x16xf32, #tpu.memory_space<vmem>>
        %get3A_606 = arith.index_cast %add3A_602 : i32 to index
        %get3A_607 = arith.constant 0 : index
        %get3A_608 = tpu.vector_load %get3A_605[%get3A_606, %get3A_607] {strides = array<i32>} : memref<1024x16xf32, #tpu.memory_space<vmem>>, vector<16xf32>,
        %add3A_609 = arith.constant 0 : i32
        %add3A_610 = arith.addi %mul3A_600, %add3A_609 : i32
        %get3A_611 = arith.index_cast %add3A_610 : i32 to index
        %get3A_612 = arith.constant 0 : index
        %get3A_613 = tpu.vector_load %arg9[%get3A_611, %get3A_612] {strides = array<i32>} : memref<1024x16xf32, #tpu.memory_space<vmem>>, vector<16xf32>,
        %add3A_614 = arith.addf %get3A_608, %get3A_613 : vector<16xf32>
        %add3A_615 = arith.constant 1 : i32
        %add3A_616 = arith.addi %mul3A_600, %add3A_615 : i32
        %get3A_617 = arith.constant 0 : i32
        %get3A_618 = arith.constant 0 : i32
        %get3A_619 = tpu.memref_slice %arg7[%scan3A_403, %get3A_617, %get3A_618] : memref<4x1024x16xf32, #tpu.memory_space<vmem>> -> memref<1x1024x16xf32, #tpu.memory_space<vmem>>
        %get3A_620 = tpu.memref_squeeze %get3A_619 : memref<1x1024x16xf32, #tpu.memory_space<vmem>> -> memref<1024x16xf32, #tpu.memory_space<vmem>>
        %get3A_621 = arith.index_cast %add3A_616 : i32 to index
        %get3A_622 = arith.constant 0 : index
        %get3A_623 = tpu.vector_load %get3A_620[%get3A_621, %get3A_622] {strides = array<i32>} : memref<1024x16xf32, #tpu.memory_space<vmem>>, vector<16xf32>,
        %add3A_624 = arith.constant 1 : i32
        %add3A_625 = arith.addi %mul3A_600, %add3A_624 : i32
        %get3A_626 = arith.index_cast %add3A_625 : i32 to index
        %get3A_627 = arith.constant 0 : index
        %get3A_628 = tpu.vector_load %arg9[%get3A_626, %get3A_627] {strides = array<i32>} : memref<1024x16xf32, #tpu.memory_space<vmem>>, vector<16xf32>,
        %add3A_629 = arith.addf %get3A_623, %get3A_628 : vector<16xf32>
        %add3A_630 = arith.constant 2 : i32
        %add3A_631 = arith.addi %mul3A_600, %add3A_630 : i32
        %get3A_632 = arith.constant 0 : i32
        %get3A_633 = arith.constant 0 : i32
        %get3A_634 = tpu.memref_slice %arg7[%scan3A_403, %get3A_632, %get3A_633] : memref<4x1024x16xf32, #tpu.memory_space<vmem>> -> memref<1x1024x16xf32, #tpu.memory_space<vmem>>
        %get3A_635 = tpu.memref_squeeze %get3A_634 : memref<1x1024x16xf32, #tpu.memory_space<vmem>> -> memref<1024x16xf32, #tpu.memory_space<vmem>>
        %get3A_636 = arith.index_cast %add3A_631 : i32 to index
        %get3A_637 = arith.constant 0 : index
        %get3A_638 = tpu.vector_load %get3A_635[%get3A_636, %get3A_637] {strides = array<i32>} : memref<1024x16xf32, #tpu.memory_space<vmem>>, vector<16xf32>,
        %add3A_639 = arith.constant 2 : i32
        %add3A_640 = arith.addi %mul3A_600, %add3A_639 : i32
        %get3A_641 = arith.index_cast %add3A_640 : i32 to index
        %get3A_642 = arith.constant 0 : index
        %get3A_643 = tpu.vector_load %arg9[%get3A_641, %get3A_642] {strides = array<i32>} : memref<1024x16xf32, #tpu.memory_space<vmem>>, vector<16xf32>,
        %add3A_644 = arith.addf %get3A_638, %get3A_643 : vector<16xf32>
        %add3A_645 = arith.constant 3 : i32
        %add3A_646 = arith.addi %mul3A_600, %add3A_645 : i32
        %get3A_647 = arith.constant 0 : i32
        %get3A_648 = arith.constant 0 : i32
        %get3A_649 = tpu.memref_slice %arg7[%scan3A_403, %get3A_647, %get3A_648] : memref<4x1024x16xf32, #tpu.memory_space<vmem>> -> memref<1x1024x16xf32, #tpu.memory_space<vmem>>
        %get3A_650 = tpu.memref_squeeze %get3A_649 : memref<1x1024x16xf32, #tpu.memory_space<vmem>> -> memref<1024x16xf32, #tpu.memory_space<vmem>>
        %get3A_651 = arith.index_cast %add3A_646 : i32 to index
        %get3A_652 = arith.constant 0 : index
        %get3A_653 = tpu.vector_load %get3A_650[%get3A_651, %get3A_652] {strides = array<i32>} : memref<1024x16xf32, #tpu.memory_space<vmem>>, vector<16xf32>,
        %add3A_654 = arith.constant 3 : i32
        %add3A_655 = arith.addi %mul3A_600, %add3A_654 : i32
        %get3A_656 = arith.index_cast %add3A_655 : i32 to index
        %get3A_657 = arith.constant 0 : index
        %get3A_658 = tpu.vector_load %arg9[%get3A_656, %get3A_657] {strides = array<i32>} : memref<1024x16xf32, #tpu.memory_space<vmem>>, vector<16xf32>,
        %add3A_659 = arith.addf %get3A_653, %get3A_658 : vector<16xf32>
        %add3A_660 = arith.constant 4 : i32
        %add3A_661 = arith.addi %mul3A_600, %add3A_660 : i32
        %get3A_662 = arith.constant 0 : i32
        %get3A_663 = arith.constant 0 : i32
        %get3A_664 = tpu.memref_slice %arg7[%scan3A_403, %get3A_662, %get3A_663] : memref<4x1024x16xf32, #tpu.memory_space<vmem>> -> memref<1x1024x16xf32, #tpu.memory_space<vmem>>
        %get3A_665 = tpu.memref_squeeze %get3A_664 : memref<1x1024x16xf32, #tpu.memory_space<vmem>> -> memref<1024x16xf32, #tpu.memory_space<vmem>>
        %get3A_666 = arith.index_cast %add3A_661 : i32 to index
        %get3A_667 = arith.constant 0 : index
        %get3A_668 = tpu.vector_load %get3A_665[%get3A_666, %get3A_667] {strides = array<i32>} : memref<1024x16xf32, #tpu.memory_space<vmem>>, vector<16xf32>,
        %add3A_669 = arith.constant 4 : i32
        %add3A_670 = arith.addi %mul3A_600, %add3A_669 : i32
        %get3A_671 = arith.index_cast %add3A_670 : i32 to index
        %get3A_672 = arith.constant 0 : index
        %get3A_673 = tpu.vector_load %arg9[%get3A_671, %get3A_672] {strides = array<i32>} : memref<1024x16xf32, #tpu.memory_space<vmem>>, vector<16xf32>,
        %add3A_674 = arith.addf %get3A_668, %get3A_673 : vector<16xf32>
        %add3A_675 = arith.constant 5 : i32
        %add3A_676 = arith.addi %mul3A_600, %add3A_675 : i32
        %get3A_677 = arith.constant 0 : i32
        %get3A_678 = arith.constant 0 : i32
        %get3A_679 = tpu.memref_slice %arg7[%scan3A_403, %get3A_677, %get3A_678] : memref<4x1024x16xf32, #tpu.memory_space<vmem>> -> memref<1x1024x16xf32, #tpu.memory_space<vmem>>
        %get3A_680 = tpu.memref_squeeze %get3A_679 : memref<1x1024x16xf32, #tpu.memory_space<vmem>> -> memref<1024x16xf32, #tpu.memory_space<vmem>>
        %get3A_681 = arith.index_cast %add3A_676 : i32 to index
        %get3A_682 = arith.constant 0 : index
        %get3A_683 = tpu.vector_load %get3A_680[%get3A_681, %get3A_682] {strides = array<i32>} : memref<1024x16xf32, #tpu.memory_space<vmem>>, vector<16xf32>,
        %add3A_684 = arith.constant 5 : i32
        %add3A_685 = arith.addi %mul3A_600, %add3A_684 : i32
        %get3A_686 = arith.index_cast %add3A_685 : i32 to index
        %get3A_687 = arith.constant 0 : index
        %get3A_688 = tpu.vector_load %arg9[%get3A_686, %get3A_687] {strides = array<i32>} : memref<1024x16xf32, #tpu.memory_space<vmem>>, vector<16xf32>,
        %add3A_689 = arith.addf %get3A_683, %get3A_688 : vector<16xf32>
        %add3A_690 = arith.constant 6 : i32
        %add3A_691 = arith.addi %mul3A_600, %add3A_690 : i32
        %get3A_692 = arith.constant 0 : i32
        %get3A_693 = arith.constant 0 : i32
        %get3A_694 = tpu.memref_slice %arg7[%scan3A_403, %get3A_692, %get3A_693] : memref<4x1024x16xf32, #tpu.memory_space<vmem>> -> memref<1x1024x16xf32, #tpu.memory_space<vmem>>
        %get3A_695 = tpu.memref_squeeze %get3A_694 : memref<1x1024x16xf32, #tpu.memory_space<vmem>> -> memref<1024x16xf32, #tpu.memory_space<vmem>>
        %get3A_696 = arith.index_cast %add3A_691 : i32 to index
        %get3A_697 = arith.constant 0 : index
        %get3A_698 = tpu.vector_load %get3A_695[%get3A_696, %get3A_697] {strides = array<i32>} : memref<1024x16xf32, #tpu.memory_space<vmem>>, vector<16xf32>,
        %add3A_699 = arith.constant 6 : i32
        %add3A_700 = arith.addi %mul3A_600, %add3A_699 : i32
        %get3A_701 = arith.index_cast %add3A_700 : i32 to index
        %get3A_702 = arith.constant 0 : index
        %get3A_703 = tpu.vector_load %arg9[%get3A_701, %get3A_702] {strides = array<i32>} : memref<1024x16xf32, #tpu.memory_space<vmem>>, vector<16xf32>,
        %add3A_704 = arith.addf %get3A_698, %get3A_703 : vector<16xf32>
        %add3A_705 = arith.constant 7 : i32
        %add3A_706 = arith.addi %mul3A_600, %add3A_705 : i32
        %get3A_707 = arith.constant 0 : i32
        %get3A_708 = arith.constant 0 : i32
        %get3A_709 = tpu.memref_slice %arg7[%scan3A_403, %get3A_707, %get3A_708] : memref<4x1024x16xf32, #tpu.memory_space<vmem>> -> memref<1x1024x16xf32, #tpu.memory_space<vmem>>
        %get3A_710 = tpu.memref_squeeze %get3A_709 : memref<1x1024x16xf32, #tpu.memory_space<vmem>> -> memref<1024x16xf32, #tpu.memory_space<vmem>>
        %get3A_711 = arith.index_cast %add3A_706 : i32 to index
        %get3A_712 = arith.constant 0 : index
        %get3A_713 = tpu.vector_load %get3A_710[%get3A_711, %get3A_712] {strides = array<i32>} : memref<1024x16xf32, #tpu.memory_space<vmem>>, vector<16xf32>,
        %add3A_714 = arith.constant 7 : i32
        %add3A_715 = arith.addi %mul3A_600, %add3A_714 : i32
        %get3A_716 = arith.index_cast %add3A_715 : i32 to index
        %get3A_717 = arith.constant 0 : index
        %get3A_718 = tpu.vector_load %arg9[%get3A_716, %get3A_717] {strides = array<i32>} : memref<1024x16xf32, #tpu.memory_space<vmem>>, vector<16xf32>,
        %add3A_719 = arith.addf %get3A_713, %get3A_718 : vector<16xf32>
        %add3A_720 = arith.constant 8 : i32
        %add3A_721 = arith.addi %mul3A_600, %add3A_720 : i32
        %get3A_722 = arith.constant 0 : i32
        %get3A_723 = arith.constant 0 : i32
        %get3A_724 = tpu.memref_slice %arg7[%scan3A_403, %get3A_722, %get3A_723] : memref<4x1024x16xf32, #tpu.memory_space<vmem>> -> memref<1x1024x16xf32, #tpu.memory_space<vmem>>
        %get3A_725 = tpu.memref_squeeze %get3A_724 : memref<1x1024x16xf32, #tpu.memory_space<vmem>> -> memref<1024x16xf32, #tpu.memory_space<vmem>>
        %get3A_726 = arith.index_cast %add3A_721 : i32 to index
        %get3A_727 = arith.constant 0 : index
        %get3A_728 = tpu.vector_load %get3A_725[%get3A_726, %get3A_727] {strides = array<i32>} : memref<1024x16xf32, #tpu.memory_space<vmem>>, vector<16xf32>,
        %add3A_729 = arith.constant 8 : i32
        %add3A_730 = arith.addi %mul3A_600, %add3A_729 : i32
        %get3A_731 = arith.index_cast %add3A_730 : i32 to index
        %get3A_732 = arith.constant 0 : index
        %get3A_733 = tpu.vector_load %arg9[%get3A_731, %get3A_732] {strides = array<i32>} : memref<1024x16xf32, #tpu.memory_space<vmem>>, vector<16xf32>,
        %add3A_734 = arith.addf %get3A_728, %get3A_733 : vector<16xf32>
        %add3A_735 = arith.constant 9 : i32
        %add3A_736 = arith.addi %mul3A_600, %add3A_735 : i32
        %get3A_737 = arith.constant 0 : i32
        %get3A_738 = arith.constant 0 : i32
        %get3A_739 = tpu.memref_slice %arg7[%scan3A_403, %get3A_737, %get3A_738] : memref<4x1024x16xf32, #tpu.memory_space<vmem>> -> memref<1x1024x16xf32, #tpu.memory_space<vmem>>
        %get3A_740 = tpu.memref_squeeze %get3A_739 : memref<1x1024x16xf32, #tpu.memory_space<vmem>> -> memref<1024x16xf32, #tpu.memory_space<vmem>>
        %get3A_741 = arith.index_cast %add3A_736 : i32 to index
        %get3A_742 = arith.constant 0 : index
        %get3A_743 = tpu.vector_load %get3A_740[%get3A_741, %get3A_742] {strides = array<i32>} : memref<1024x16xf32, #tpu.memory_space<vmem>>, vector<16xf32>,
        %add3A_744 = arith.constant 9 : i32
        %add3A_745 = arith.addi %mul3A_600, %add3A_744 : i32
        %get3A_746 = arith.index_cast %add3A_745 : i32 to index
        %get3A_747 = arith.constant 0 : index
        %get3A_748 = tpu.vector_load %arg9[%get3A_746, %get3A_747] {strides = array<i32>} : memref<1024x16xf32, #tpu.memory_space<vmem>>, vector<16xf32>,
        %add3A_749 = arith.addf %get3A_743, %get3A_748 : vector<16xf32>
        %add3A_750 = arith.constant 10 : i32
        %add3A_751 = arith.addi %mul3A_600, %add3A_750 : i32
        %get3A_752 = arith.constant 0 : i32
        %get3A_753 = arith.constant 0 : i32
        %get3A_754 = tpu.memref_slice %arg7[%scan3A_403, %get3A_752, %get3A_753] : memref<4x1024x16xf32, #tpu.memory_space<vmem>> -> memref<1x1024x16xf32, #tpu.memory_space<vmem>>
        %get3A_755 = tpu.memref_squeeze %get3A_754 : memref<1x1024x16xf32, #tpu.memory_space<vmem>> -> memref<1024x16xf32, #tpu.memory_space<vmem>>
        %get3A_756 = arith.index_cast %add3A_751 : i32 to index
        %get3A_757 = arith.constant 0 : index
        %get3A_758 = tpu.vector_load %get3A_755[%get3A_756, %get3A_757] {strides = array<i32>} : memref<1024x16xf32, #tpu.memory_space<vmem>>, vector<16xf32>,
        %add3A_759 = arith.constant 10 : i32
        %add3A_760 = arith.addi %mul3A_600, %add3A_759 : i32
        %get3A_761 = arith.index_cast %add3A_760 : i32 to index
        %get3A_762 = arith.constant 0 : index
        %get3A_763 = tpu.vector_load %arg9[%get3A_761, %get3A_762] {strides = array<i32>} : memref<1024x16xf32, #tpu.memory_space<vmem>>, vector<16xf32>,
        %add3A_764 = arith.addf %get3A_758, %get3A_763 : vector<16xf32>
        %add3A_765 = arith.constant 11 : i32
        %add3A_766 = arith.addi %mul3A_600, %add3A_765 : i32
        %get3A_767 = arith.constant 0 : i32
        %get3A_768 = arith.constant 0 : i32
        %get3A_769 = tpu.memref_slice %arg7[%scan3A_403, %get3A_767, %get3A_768] : memref<4x1024x16xf32, #tpu.memory_space<vmem>> -> memref<1x1024x16xf32, #tpu.memory_space<vmem>>
        %get3A_770 = tpu.memref_squeeze %get3A_769 : memref<1x1024x16xf32, #tpu.memory_space<vmem>> -> memref<1024x16xf32, #tpu.memory_space<vmem>>
        %get3A_771 = arith.index_cast %add3A_766 : i32 to index
        %get3A_772 = arith.constant 0 : index
        %get3A_773 = tpu.vector_load %get3A_770[%get3A_771, %get3A_772] {strides = array<i32>} : memref<1024x16xf32, #tpu.memory_space<vmem>>, vector<16xf32>,
        %add3A_774 = arith.constant 11 : i32
        %add3A_775 = arith.addi %mul3A_600, %add3A_774 : i32
        %get3A_776 = arith.index_cast %add3A_775 : i32 to index
        %get3A_777 = arith.constant 0 : index
        %get3A_778 = tpu.vector_load %arg9[%get3A_776, %get3A_777] {strides = array<i32>} : memref<1024x16xf32, #tpu.memory_space<vmem>>, vector<16xf32>,
        %add3A_779 = arith.addf %get3A_773, %get3A_778 : vector<16xf32>
        %add3A_780 = arith.constant 12 : i32
        %add3A_781 = arith.addi %mul3A_600, %add3A_780 : i32
        %get3A_782 = arith.constant 0 : i32
        %get3A_783 = arith.constant 0 : i32
        %get3A_784 = tpu.memref_slice %arg7[%scan3A_403, %get3A_782, %get3A_783] : memref<4x1024x16xf32, #tpu.memory_space<vmem>> -> memref<1x1024x16xf32, #tpu.memory_space<vmem>>
        %get3A_785 = tpu.memref_squeeze %get3A_784 : memref<1x1024x16xf32, #tpu.memory_space<vmem>> -> memref<1024x16xf32, #tpu.memory_space<vmem>>
        %get3A_786 = arith.index_cast %add3A_781 : i32 to index
        %get3A_787 = arith.constant 0 : index
        %get3A_788 = tpu.vector_load %get3A_785[%get3A_786, %get3A_787] {strides = array<i32>} : memref<1024x16xf32, #tpu.memory_space<vmem>>, vector<16xf32>,
        %add3A_789 = arith.constant 12 : i32
        %add3A_790 = arith.addi %mul3A_600, %add3A_789 : i32
        %get3A_791 = arith.index_cast %add3A_790 : i32 to index
        %get3A_792 = arith.constant 0 : index
        %get3A_793 = tpu.vector_load %arg9[%get3A_791, %get3A_792] {strides = array<i32>} : memref<1024x16xf32, #tpu.memory_space<vmem>>, vector<16xf32>,
        %add3A_794 = arith.addf %get3A_788, %get3A_793 : vector<16xf32>
        %add3A_795 = arith.constant 13 : i32
        %add3A_796 = arith.addi %mul3A_600, %add3A_795 : i32
        %get3A_797 = arith.constant 0 : i32
        %get3A_798 = arith.constant 0 : i32
        %get3A_799 = tpu.memref_slice %arg7[%scan3A_403, %get3A_797, %get3A_798] : memref<4x1024x16xf32, #tpu.memory_space<vmem>> -> memref<1x1024x16xf32, #tpu.memory_space<vmem>>
        %get3A_800 = tpu.memref_squeeze %get3A_799 : memref<1x1024x16xf32, #tpu.memory_space<vmem>> -> memref<1024x16xf32, #tpu.memory_space<vmem>>
        %get3A_801 = arith.index_cast %add3A_796 : i32 to index
        %get3A_802 = arith.constant 0 : index
        %get3A_803 = tpu.vector_load %get3A_800[%get3A_801, %get3A_802] {strides = array<i32>} : memref<1024x16xf32, #tpu.memory_space<vmem>>, vector<16xf32>,
        %add3A_804 = arith.constant 13 : i32
        %add3A_805 = arith.addi %mul3A_600, %add3A_804 : i32
        %get3A_806 = arith.index_cast %add3A_805 : i32 to index
        %get3A_807 = arith.constant 0 : index
        %get3A_808 = tpu.vector_load %arg9[%get3A_806, %get3A_807] {strides = array<i32>} : memref<1024x16xf32, #tpu.memory_space<vmem>>, vector<16xf32>,
        %add3A_809 = arith.addf %get3A_803, %get3A_808 : vector<16xf32>
        %add3A_810 = arith.constant 14 : i32
        %add3A_811 = arith.addi %mul3A_600, %add3A_810 : i32
        %get3A_812 = arith.constant 0 : i32
        %get3A_813 = arith.constant 0 : i32
        %get3A_814 = tpu.memref_slice %arg7[%scan3A_403, %get3A_812, %get3A_813] : memref<4x1024x16xf32, #tpu.memory_space<vmem>> -> memref<1x1024x16xf32, #tpu.memory_space<vmem>>
        %get3A_815 = tpu.memref_squeeze %get3A_814 : memref<1x1024x16xf32, #tpu.memory_space<vmem>> -> memref<1024x16xf32, #tpu.memory_space<vmem>>
        %get3A_816 = arith.index_cast %add3A_811 : i32 to index
        %get3A_817 = arith.constant 0 : index
        %get3A_818 = tpu.vector_load %get3A_815[%get3A_816, %get3A_817] {strides = array<i32>} : memref<1024x16xf32, #tpu.memory_space<vmem>>, vector<16xf32>,
        %add3A_819 = arith.constant 14 : i32
        %add3A_820 = arith.addi %mul3A_600, %add3A_819 : i32
        %get3A_821 = arith.index_cast %add3A_820 : i32 to index
        %get3A_822 = arith.constant 0 : index
        %get3A_823 = tpu.vector_load %arg9[%get3A_821, %get3A_822] {strides = array<i32>} : memref<1024x16xf32, #tpu.memory_space<vmem>>, vector<16xf32>,
        %add3A_824 = arith.addf %get3A_818, %get3A_823 : vector<16xf32>
        %add3A_825 = arith.constant 15 : i32
        %add3A_826 = arith.addi %mul3A_600, %add3A_825 : i32
        %get3A_827 = arith.constant 0 : i32
        %get3A_828 = arith.constant 0 : i32
        %get3A_829 = tpu.memref_slice %arg7[%scan3A_403, %get3A_827, %get3A_828] : memref<4x1024x16xf32, #tpu.memory_space<vmem>> -> memref<1x1024x16xf32, #tpu.memory_space<vmem>>
        %get3A_830 = tpu.memref_squeeze %get3A_829 : memref<1x1024x16xf32, #tpu.memory_space<vmem>> -> memref<1024x16xf32, #tpu.memory_space<vmem>>
        %get3A_831 = arith.index_cast %add3A_826 : i32 to index
        %get3A_832 = arith.constant 0 : index
        %get3A_833 = tpu.vector_load %get3A_830[%get3A_831, %get3A_832] {strides = array<i32>} : memref<1024x16xf32, #tpu.memory_space<vmem>>, vector<16xf32>,
        %add3A_834 = arith.constant 15 : i32
        %add3A_835 = arith.addi %mul3A_600, %add3A_834 : i32
        %get3A_836 = arith.index_cast %add3A_835 : i32 to index
        %get3A_837 = arith.constant 0 : index
        %get3A_838 = tpu.vector_load %arg9[%get3A_836, %get3A_837] {strides = array<i32>} : memref<1024x16xf32, #tpu.memory_space<vmem>>, vector<16xf32>,
        %add3A_839 = arith.addf %get3A_833, %get3A_838 : vector<16xf32>
        %swap3A = arith.constant 0 : index
        %swap3A_840 = tpu.vector_load %arg10[%swap3A] {strides = array<i32>} : memref<280xf32, #tpu.memory_space<vmem>>, vector<16xf32>,
        tpu.vector_store %arg10[%swap3A], %add3A_614 {strides = array<i32>} : memref<280xf32, #tpu.memory_space<vmem>>, vector<16xf32>,
        %swap3A_841 = arith.constant 17 : index
        %swap3A_842 = tpu.vector_load %arg10[%swap3A_841] {strides = array<i32>} : memref<280xf32, #tpu.memory_space<vmem>>, vector<16xf32>,
        tpu.vector_store %arg10[%swap3A_841], %add3A_629 {strides = array<i32>} : memref<280xf32, #tpu.memory_space<vmem>>, vector<16xf32>,
        %swap3A_843 = arith.constant 34 : index
        %swap3A_844 = tpu.vector_load %arg10[%swap3A_843] {strides = array<i32>} : memref<280xf32, #tpu.memory_space<vmem>>, vector<16xf32>,
        tpu.vector_store %arg10[%swap3A_843], %add3A_644 {strides = array<i32>} : memref<280xf32, #tpu.memory_space<vmem>>, vector<16xf32>,
        %swap3A_845 = arith.constant 51 : index
        %swap3A_846 = tpu.vector_load %arg10[%swap3A_845] {strides = array<i32>} : memref<280xf32, #tpu.memory_space<vmem>>, vector<16xf32>,
        tpu.vector_store %arg10[%swap3A_845], %add3A_659 {strides = array<i32>} : memref<280xf32, #tpu.memory_space<vmem>>, vector<16xf32>,
        %swap3A_847 = arith.constant 68 : index
        %swap3A_848 = tpu.vector_load %arg10[%swap3A_847] {strides = array<i32>} : memref<280xf32, #tpu.memory_space<vmem>>, vector<16xf32>,
        tpu.vector_store %arg10[%swap3A_847], %add3A_674 {strides = array<i32>} : memref<280xf32, #tpu.memory_space<vmem>>, vector<16xf32>,
        %swap3A_849 = arith.constant 85 : index
        %swap3A_850 = tpu.vector_load %arg10[%swap3A_849] {strides = array<i32>} : memref<280xf32, #tpu.memory_space<vmem>>, vector<16xf32>,
        tpu.vector_store %arg10[%swap3A_849], %add3A_689 {strides = array<i32>} : memref<280xf32, #tpu.memory_space<vmem>>, vector<16xf32>,
        %swap3A_851 = arith.constant 102 : index
        %swap3A_852 = tpu.vector_load %arg10[%swap3A_851] {strides = array<i32>} : memref<280xf32, #tpu.memory_space<vmem>>, vector<16xf32>,
        tpu.vector_store %arg10[%swap3A_851], %add3A_704 {strides = array<i32>} : memref<280xf32, #tpu.memory_space<vmem>>, vector<16xf32>,
        %swap3A_853 = arith.constant 119 : index
        %swap3A_854 = tpu.vector_load %arg10[%swap3A_853] {strides = array<i32>} : memref<280xf32, #tpu.memory_space<vmem>>, vector<16xf32>,
        tpu.vector_store %arg10[%swap3A_853], %add3A_719 {strides = array<i32>} : memref<280xf32, #tpu.memory_space<vmem>>, vector<16xf32>,
        %swap3A_855 = arith.constant 136 : index
        %swap3A_856 = tpu.vector_load %arg10[%swap3A_855] {strides = array<i32>} : memref<280xf32, #tpu.memory_space<vmem>>, vector<16xf32>,
        tpu.vector_store %arg10[%swap3A_855], %add3A_734 {strides = array<i32>} : memref<280xf32, #tpu.memory_space<vmem>>, vector<16xf32>,
        %swap3A_857 = arith.constant 153 : index
        %swap3A_858 = tpu.vector_load %arg10[%swap3A_857] {strides = array<i32>} : memref<280xf32, #tpu.memory_space<vmem>>, vector<16xf32>,
        tpu.vector_store %arg10[%swap3A_857], %add3A_749 {strides = array<i32>} : memref<280xf32, #tpu.memory_space<vmem>>, vector<16xf32>,
        %swap3A_859 = arith.constant 170 : index
        %swap3A_860 = tpu.vector_load %arg10[%swap3A_859] {strides = array<i32>} : memref<280xf32, #tpu.memory_space<vmem>>, vector<16xf32>,
        tpu.vector_store %arg10[%swap3A_859], %add3A_764 {strides = array<i32>} : memref<280xf32, #tpu.memory_space<vmem>>, vector<16xf32>,
        %swap3A_861 = arith.constant 187 : index
        %swap3A_862 = tpu.vector_load %arg10[%swap3A_861] {strides = array<i32>} : memref<280xf32, #tpu.memory_space<vmem>>, vector<16xf32>,
        tpu.vector_store %arg10[%swap3A_861], %add3A_779 {strides = array<i32>} : memref<280xf32, #tpu.memory_space<vmem>>, vector<16xf32>,
        %swap3A_863 = arith.constant 204 : index
        %swap3A_864 = tpu.vector_load %arg10[%swap3A_863] {strides = array<i32>} : memref<280xf32, #tpu.memory_space<vmem>>, vector<16xf32>,
        tpu.vector_store %arg10[%swap3A_863], %add3A_794 {strides = array<i32>} : memref<280xf32, #tpu.memory_space<vmem>>, vector<16xf32>,
        %swap3A_865 = arith.constant 221 : index
        %swap3A_866 = tpu.vector_load %arg10[%swap3A_865] {strides = array<i32>} : memref<280xf32, #tpu.memory_space<vmem>>, vector<16xf32>,
        tpu.vector_store %arg10[%swap3A_865], %add3A_809 {strides = array<i32>} : memref<280xf32, #tpu.memory_space<vmem>>, vector<16xf32>,
        %swap3A_867 = arith.constant 238 : index
        %swap3A_868 = tpu.vector_load %arg10[%swap3A_867] {strides = array<i32>} : memref<280xf32, #tpu.memory_space<vmem>>, vector<16xf32>,
        tpu.vector_store %arg10[%swap3A_867], %add3A_824 {strides = array<i32>} : memref<280xf32, #tpu.memory_space<vmem>>, vector<16xf32>,
        %swap3A_869 = arith.constant 255 : index
        %swap3A_870 = tpu.vector_load %arg10[%swap3A_869] {strides = array<i32>} : memref<280xf32, #tpu.memory_space<vmem>>, vector<16xf32>,
        tpu.vector_store %arg10[%swap3A_869], %add3A_839 {strides = array<i32>} : memref<280xf32, #tpu.memory_space<vmem>>, vector<16xf32>,
        %shift_right_arithmetic3A = arith.constant 3 : i32
        %shift_right_arithmetic3A_871 = arith.shrsi %scan3A_598, %shift_right_arithmetic3A : i32
        %mul3A_872 = arith.constant 1024 : i32
        %mul3A_873 = arith.muli %shift_right_arithmetic3A_871, %mul3A_872 : i32
        %and3A = arith.constant 7 : i32
        %and3A_874 = arith.andi %scan3A_598, %and3A : i32
        %mul3A_875 = arith.constant 16 : i32
        %mul3A_876 = arith.muli %and3A_874, %mul3A_875 : i32
        %add3A_877 = arith.addi %mul3A_873, %mul3A_876 : i32
        %add3A_878 = arith.constant 0 : i32
        %add3A_879 = vector.broadcast %add3A_878 : i32 to vector<16xi32>
        %add3A_880 = arith.addi %mul3A_5, %add3A_879 : vector<16xi32>
        %gather3A = tpu.vector_load_idx %arg10[%add3A_880] : memref<280xf32, #tpu.memory_space<vmem>>[vector<16xi32>], vector<16xf32>,
        %add3A_881 = arith.constant 1 : i32
        %add3A_882 = vector.broadcast %add3A_881 : i32 to vector<16xi32>
        %add3A_883 = arith.addi %mul3A_5, %add3A_882 : vector<16xi32>
        %gather3A_884 = tpu.vector_load_idx %arg10[%add3A_883] : memref<280xf32, #tpu.memory_space<vmem>>[vector<16xi32>], vector<16xf32>,
        %add3A_885 = arith.constant 2 : i32
        %add3A_886 = vector.broadcast %add3A_885 : i32 to vector<16xi32>
        %add3A_887 = arith.addi %mul3A_5, %add3A_886 : vector<16xi32>
        %gather3A_888 = tpu.vector_load_idx %arg10[%add3A_887] : memref<280xf32, #tpu.memory_space<vmem>>[vector<16xi32>], vector<16xf32>,
        %add3A_889 = arith.constant 3 : i32
        %add3A_890 = vector.broadcast %add3A_889 : i32 to vector<16xi32>
        %add3A_891 = arith.addi %mul3A_5, %add3A_890 : vector<16xi32>
        %gather3A_892 = tpu.vector_load_idx %arg10[%add3A_891] : memref<280xf32, #tpu.memory_space<vmem>>[vector<16xi32>], vector<16xf32>,
        %add3A_893 = arith.constant 4 : i32
        %add3A_894 = vector.broadcast %add3A_893 : i32 to vector<16xi32>
        %add3A_895 = arith.addi %mul3A_5, %add3A_894 : vector<16xi32>
        %gather3A_896 = tpu.vector_load_idx %arg10[%add3A_895] : memref<280xf32, #tpu.memory_space<vmem>>[vector<16xi32>], vector<16xf32>,
        %add3A_897 = arith.constant 5 : i32
        %add3A_898 = vector.broadcast %add3A_897 : i32 to vector<16xi32>
        %add3A_899 = arith.addi %mul3A_5, %add3A_898 : vector<16xi32>
        %gather3A_900 = tpu.vector_load_idx %arg10[%add3A_899] : memref<280xf32, #tpu.memory_space<vmem>>[vector<16xi32>], vector<16xf32>,
        %add3A_901 = arith.constant 6 : i32
        %add3A_902 = vector.broadcast %add3A_901 : i32 to vector<16xi32>
        %add3A_903 = arith.addi %mul3A_5, %add3A_902 : vector<16xi32>
        %gather3A_904 = tpu.vector_load_idx %arg10[%add3A_903] : memref<280xf32, #tpu.memory_space<vmem>>[vector<16xi32>], vector<16xf32>,
        %add3A_905 = arith.constant 7 : i32
        %add3A_906 = vector.broadcast %add3A_905 : i32 to vector<16xi32>
        %add3A_907 = arith.addi %mul3A_5, %add3A_906 : vector<16xi32>
        %gather3A_908 = tpu.vector_load_idx %arg10[%add3A_907] : memref<280xf32, #tpu.memory_space<vmem>>[vector<16xi32>], vector<16xf32>,
        %add3A_909 = arith.constant 8 : i32
        %add3A_910 = vector.broadcast %add3A_909 : i32 to vector<16xi32>
        %add3A_911 = arith.addi %mul3A_5, %add3A_910 : vector<16xi32>
        %gather3A_912 = tpu.vector_load_idx %arg10[%add3A_911] : memref<280xf32, #tpu.memory_space<vmem>>[vector<16xi32>], vector<16xf32>,
        %add3A_913 = arith.constant 9 : i32
        %add3A_914 = vector.broadcast %add3A_913 : i32 to vector<16xi32>
        %add3A_915 = arith.addi %mul3A_5, %add3A_914 : vector<16xi32>
        %gather3A_916 = tpu.vector_load_idx %arg10[%add3A_915] : memref<280xf32, #tpu.memory_space<vmem>>[vector<16xi32>], vector<16xf32>,
        %add3A_917 = arith.constant 10 : i32
        %add3A_918 = vector.broadcast %add3A_917 : i32 to vector<16xi32>
        %add3A_919 = arith.addi %mul3A_5, %add3A_918 : vector<16xi32>
        %gather3A_920 = tpu.vector_load_idx %arg10[%add3A_919] : memref<280xf32, #tpu.memory_space<vmem>>[vector<16xi32>], vector<16xf32>,
        %add3A_921 = arith.constant 11 : i32
        %add3A_922 = vector.broadcast %add3A_921 : i32 to vector<16xi32>
        %add3A_923 = arith.addi %mul3A_5, %add3A_922 : vector<16xi32>
        %gather3A_924 = tpu.vector_load_idx %arg10[%add3A_923] : memref<280xf32, #tpu.memory_space<vmem>>[vector<16xi32>], vector<16xf32>,
        %add3A_925 = arith.constant 12 : i32
        %add3A_926 = vector.broadcast %add3A_925 : i32 to vector<16xi32>
        %add3A_927 = arith.addi %mul3A_5, %add3A_926 : vector<16xi32>
        %gather3A_928 = tpu.vector_load_idx %arg10[%add3A_927] : memref<280xf32, #tpu.memory_space<vmem>>[vector<16xi32>], vector<16xf32>,
        %add3A_929 = arith.constant 13 : i32
        %add3A_930 = vector.broadcast %add3A_929 : i32 to vector<16xi32>
        %add3A_931 = arith.addi %mul3A_5, %add3A_930 : vector<16xi32>
        %gather3A_932 = tpu.vector_load_idx %arg10[%add3A_931] : memref<280xf32, #tpu.memory_space<vmem>>[vector<16xi32>], vector<16xf32>,
        %add3A_933 = arith.constant 14 : i32
        %add3A_934 = vector.broadcast %add3A_933 : i32 to vector<16xi32>
        %add3A_935 = arith.addi %mul3A_5, %add3A_934 : vector<16xi32>
        %gather3A_936 = tpu.vector_load_idx %arg10[%add3A_935] : memref<280xf32, #tpu.memory_space<vmem>>[vector<16xi32>], vector<16xf32>,
        %add3A_937 = arith.constant 15 : i32
        %add3A_938 = vector.broadcast %add3A_937 : i32 to vector<16xi32>
        %add3A_939 = arith.addi %mul3A_5, %add3A_938 : vector<16xi32>
        %gather3A_940 = tpu.vector_load_idx %arg10[%add3A_939] : memref<280xf32, #tpu.memory_space<vmem>>[vector<16xi32>], vector<16xf32>,
        %add3A_941 = arith.constant 0 : i32
        %add3A_942 = arith.addi %add3A_877, %add3A_941 : i32
        %add3A_943 = arith.constant 0 : i32
        %add3A_944 = arith.addi %add3A_942, %add3A_943 : i32
        %swap3A_945 = arith.constant 0 : i32
        %swap3A_946 = tpu.memref_slice %arg8[%scan3A_404, %swap3A_945] : memref<2x16384xf32, #tpu.memory_space<vmem>> -> memref<1x16384xf32, #tpu.memory_space<vmem>>
        %swap3A_947 = tpu.memref_squeeze %swap3A_946 : memref<1x16384xf32, #tpu.memory_space<vmem>> -> memref<16384xf32, #tpu.memory_space<vmem>>
        %swap3A_948 = arith.index_cast %add3A_944 : i32 to index
        %swap3A_949 = tpu.vector_load %swap3A_947[%swap3A_948] {strides = array<i32>} : memref<16384xf32, #tpu.memory_space<vmem>>, vector<16xf32>,
        tpu.vector_store %swap3A_947[%swap3A_948], %gather3A {strides = array<i32>} : memref<16384xf32, #tpu.memory_space<vmem>>, vector<16xf32>,
        %add3A_950 = arith.constant 0 : i32
        %add3A_951 = arith.addi %add3A_877, %add3A_950 : i32
        %add3A_952 = arith.constant 128 : i32
        %add3A_953 = arith.addi %add3A_951, %add3A_952 : i32
        %swap3A_954 = arith.constant 0 : i32
        %swap3A_955 = tpu.memref_slice %arg8[%scan3A_404, %swap3A_954] : memref<2x16384xf32, #tpu.memory_space<vmem>> -> memref<1x16384xf32, #tpu.memory_space<vmem>>
        %swap3A_956 = tpu.memref_squeeze %swap3A_955 : memref<1x16384xf32, #tpu.memory_space<vmem>> -> memref<16384xf32, #tpu.memory_space<vmem>>
        %swap3A_957 = arith.index_cast %add3A_953 : i32 to index
        %swap3A_958 = tpu.vector_load %swap3A_956[%swap3A_957] {strides = array<i32>} : memref<16384xf32, #tpu.memory_space<vmem>>, vector<16xf32>,
        tpu.vector_store %swap3A_956[%swap3A_957], %gather3A_884 {strides = array<i32>} : memref<16384xf32, #tpu.memory_space<vmem>>, vector<16xf32>,
        %add3A_959 = arith.constant 0 : i32
        %add3A_960 = arith.addi %add3A_877, %add3A_959 : i32
        %add3A_961 = arith.constant 256 : i32
        %add3A_962 = arith.addi %add3A_960, %add3A_961 : i32
        %swap3A_963 = arith.constant 0 : i32
        %swap3A_964 = tpu.memref_slice %arg8[%scan3A_404, %swap3A_963] : memref<2x16384xf32, #tpu.memory_space<vmem>> -> memref<1x16384xf32, #tpu.memory_space<vmem>>
        %swap3A_965 = tpu.memref_squeeze %swap3A_964 : memref<1x16384xf32, #tpu.memory_space<vmem>> -> memref<16384xf32, #tpu.memory_space<vmem>>
        %swap3A_966 = arith.index_cast %add3A_962 : i32 to index
        %swap3A_967 = tpu.vector_load %swap3A_965[%swap3A_966] {strides = array<i32>} : memref<16384xf32, #tpu.memory_space<vmem>>, vector<16xf32>,
        tpu.vector_store %swap3A_965[%swap3A_966], %gather3A_888 {strides = array<i32>} : memref<16384xf32, #tpu.memory_space<vmem>>, vector<16xf32>,
        %add3A_968 = arith.constant 0 : i32
        %add3A_969 = arith.addi %add3A_877, %add3A_968 : i32
        %add3A_970 = arith.constant 384 : i32
        %add3A_971 = arith.addi %add3A_969, %add3A_970 : i32
        %swap3A_972 = arith.constant 0 : i32
        %swap3A_973 = tpu.memref_slice %arg8[%scan3A_404, %swap3A_972] : memref<2x16384xf32, #tpu.memory_space<vmem>> -> memref<1x16384xf32, #tpu.memory_space<vmem>>
        %swap3A_974 = tpu.memref_squeeze %swap3A_973 : memref<1x16384xf32, #tpu.memory_space<vmem>> -> memref<16384xf32, #tpu.memory_space<vmem>>
        %swap3A_975 = arith.index_cast %add3A_971 : i32 to index
        %swap3A_976 = tpu.vector_load %swap3A_974[%swap3A_975] {strides = array<i32>} : memref<16384xf32, #tpu.memory_space<vmem>>, vector<16xf32>,
        tpu.vector_store %swap3A_974[%swap3A_975], %gather3A_892 {strides = array<i32>} : memref<16384xf32, #tpu.memory_space<vmem>>, vector<16xf32>,
        %add3A_977 = arith.constant 0 : i32
        %add3A_978 = arith.addi %add3A_877, %add3A_977 : i32
        %add3A_979 = arith.constant 512 : i32
        %add3A_980 = arith.addi %add3A_978, %add3A_979 : i32
        %swap3A_981 = arith.constant 0 : i32
        %swap3A_982 = tpu.memref_slice %arg8[%scan3A_404, %swap3A_981] : memref<2x16384xf32, #tpu.memory_space<vmem>> -> memref<1x16384xf32, #tpu.memory_space<vmem>>
        %swap3A_983 = tpu.memref_squeeze %swap3A_982 : memref<1x16384xf32, #tpu.memory_space<vmem>> -> memref<16384xf32, #tpu.memory_space<vmem>>
        %swap3A_984 = arith.index_cast %add3A_980 : i32 to index
        %swap3A_985 = tpu.vector_load %swap3A_983[%swap3A_984] {strides = array<i32>} : memref<16384xf32, #tpu.memory_space<vmem>>, vector<16xf32>,
        tpu.vector_store %swap3A_983[%swap3A_984], %gather3A_896 {strides = array<i32>} : memref<16384xf32, #tpu.memory_space<vmem>>, vector<16xf32>,
        %add3A_986 = arith.constant 0 : i32
        %add3A_987 = arith.addi %add3A_877, %add3A_986 : i32
        %add3A_988 = arith.constant 640 : i32
        %add3A_989 = arith.addi %add3A_987, %add3A_988 : i32
        %swap3A_990 = arith.constant 0 : i32
        %swap3A_991 = tpu.memref_slice %arg8[%scan3A_404, %swap3A_990] : memref<2x16384xf32, #tpu.memory_space<vmem>> -> memref<1x16384xf32, #tpu.memory_space<vmem>>
        %swap3A_992 = tpu.memref_squeeze %swap3A_991 : memref<1x16384xf32, #tpu.memory_space<vmem>> -> memref<16384xf32, #tpu.memory_space<vmem>>
        %swap3A_993 = arith.index_cast %add3A_989 : i32 to index
        %swap3A_994 = tpu.vector_load %swap3A_992[%swap3A_993] {strides = array<i32>} : memref<16384xf32, #tpu.memory_space<vmem>>, vector<16xf32>,
        tpu.vector_store %swap3A_992[%swap3A_993], %gather3A_900 {strides = array<i32>} : memref<16384xf32, #tpu.memory_space<vmem>>, vector<16xf32>,
        %add3A_995 = arith.constant 0 : i32
        %add3A_996 = arith.addi %add3A_877, %add3A_995 : i32
        %add3A_997 = arith.constant 768 : i32
        %add3A_998 = arith.addi %add3A_996, %add3A_997 : i32
        %swap3A_999 = arith.constant 0 : i32
        %swap3A_1000 = tpu.memref_slice %arg8[%scan3A_404, %swap3A_999] : memref<2x16384xf32, #tpu.memory_space<vmem>> -> memref<1x16384xf32, #tpu.memory_space<vmem>>
        %swap3A_1001 = tpu.memref_squeeze %swap3A_1000 : memref<1x16384xf32, #tpu.memory_space<vmem>> -> memref<16384xf32, #tpu.memory_space<vmem>>
        %swap3A_1002 = arith.index_cast %add3A_998 : i32 to index
        %swap3A_1003 = tpu.vector_load %swap3A_1001[%swap3A_1002] {strides = array<i32>} : memref<16384xf32, #tpu.memory_space<vmem>>, vector<16xf32>,
        tpu.vector_store %swap3A_1001[%swap3A_1002], %gather3A_904 {strides = array<i32>} : memref<16384xf32, #tpu.memory_space<vmem>>, vector<16xf32>,
        %add3A_1004 = arith.constant 0 : i32
        %add3A_1005 = arith.addi %add3A_877, %add3A_1004 : i32
        %add3A_1006 = arith.constant 896 : i32
        %add3A_1007 = arith.addi %add3A_1005, %add3A_1006 : i32
        %swap3A_1008 = arith.constant 0 : i32
        %swap3A_1009 = tpu.memref_slice %arg8[%scan3A_404, %swap3A_1008] : memref<2x16384xf32, #tpu.memory_space<vmem>> -> memref<1x16384xf32, #tpu.memory_space<vmem>>
        %swap3A_1010 = tpu.memref_squeeze %swap3A_1009 : memref<1x16384xf32, #tpu.memory_space<vmem>> -> memref<16384xf32, #tpu.memory_space<vmem>>
        %swap3A_1011 = arith.index_cast %add3A_1007 : i32 to index
        %swap3A_1012 = tpu.vector_load %swap3A_1010[%swap3A_1011] {strides = array<i32>} : memref<16384xf32, #tpu.memory_space<vmem>>, vector<16xf32>,
        tpu.vector_store %swap3A_1010[%swap3A_1011], %gather3A_908 {strides = array<i32>} : memref<16384xf32, #tpu.memory_space<vmem>>, vector<16xf32>,
        %add3A_1013 = arith.constant 8192 : i32
        %add3A_1014 = arith.addi %add3A_877, %add3A_1013 : i32
        %add3A_1015 = arith.constant 0 : i32
        %add3A_1016 = arith.addi %add3A_1014, %add3A_1015 : i32
        %swap3A_1017 = arith.constant 0 : i32
        %swap3A_1018 = tpu.memref_slice %arg8[%scan3A_404, %swap3A_1017] : memref<2x16384xf32, #tpu.memory_space<vmem>> -> memref<1x16384xf32, #tpu.memory_space<vmem>>
        %swap3A_1019 = tpu.memref_squeeze %swap3A_1018 : memref<1x16384xf32, #tpu.memory_space<vmem>> -> memref<16384xf32, #tpu.memory_space<vmem>>
        %swap3A_1020 = arith.index_cast %add3A_1016 : i32 to index
        %swap3A_1021 = tpu.vector_load %swap3A_1019[%swap3A_1020] {strides = array<i32>} : memref<16384xf32, #tpu.memory_space<vmem>>, vector<16xf32>,
        tpu.vector_store %swap3A_1019[%swap3A_1020], %gather3A_912 {strides = array<i32>} : memref<16384xf32, #tpu.memory_space<vmem>>, vector<16xf32>,
        %add3A_1022 = arith.constant 8192 : i32
        %add3A_1023 = arith.addi %add3A_877, %add3A_1022 : i32
        %add3A_1024 = arith.constant 128 : i32
        %add3A_1025 = arith.addi %add3A_1023, %add3A_1024 : i32
        %swap3A_1026 = arith.constant 0 : i32
        %swap3A_1027 = tpu.memref_slice %arg8[%scan3A_404, %swap3A_1026] : memref<2x16384xf32, #tpu.memory_space<vmem>> -> memref<1x16384xf32, #tpu.memory_space<vmem>>
        %swap3A_1028 = tpu.memref_squeeze %swap3A_1027 : memref<1x16384xf32, #tpu.memory_space<vmem>> -> memref<16384xf32, #tpu.memory_space<vmem>>
        %swap3A_1029 = arith.index_cast %add3A_1025 : i32 to index
        %swap3A_1030 = tpu.vector_load %swap3A_1028[%swap3A_1029] {strides = array<i32>} : memref<16384xf32, #tpu.memory_space<vmem>>, vector<16xf32>,
        tpu.vector_store %swap3A_1028[%swap3A_1029], %gather3A_916 {strides = array<i32>} : memref<16384xf32, #tpu.memory_space<vmem>>, vector<16xf32>,
        %add3A_1031 = arith.constant 8192 : i32
        %add3A_1032 = arith.addi %add3A_877, %add3A_1031 : i32
        %add3A_1033 = arith.constant 256 : i32
        %add3A_1034 = arith.addi %add3A_1032, %add3A_1033 : i32
        %swap3A_1035 = arith.constant 0 : i32
        %swap3A_1036 = tpu.memref_slice %arg8[%scan3A_404, %swap3A_1035] : memref<2x16384xf32, #tpu.memory_space<vmem>> -> memref<1x16384xf32, #tpu.memory_space<vmem>>
        %swap3A_1037 = tpu.memref_squeeze %swap3A_1036 : memref<1x16384xf32, #tpu.memory_space<vmem>> -> memref<16384xf32, #tpu.memory_space<vmem>>
        %swap3A_1038 = arith.index_cast %add3A_1034 : i32 to index
        %swap3A_1039 = tpu.vector_load %swap3A_1037[%swap3A_1038] {strides = array<i32>} : memref<16384xf32, #tpu.memory_space<vmem>>, vector<16xf32>,
        tpu.vector_store %swap3A_1037[%swap3A_1038], %gather3A_920 {strides = array<i32>} : memref<16384xf32, #tpu.memory_space<vmem>>, vector<16xf32>,
        %add3A_1040 = arith.constant 8192 : i32
        %add3A_1041 = arith.addi %add3A_877, %add3A_1040 : i32
        %add3A_1042 = arith.constant 384 : i32
        %add3A_1043 = arith.addi %add3A_1041, %add3A_1042 : i32
        %swap3A_1044 = arith.constant 0 : i32
        %swap3A_1045 = tpu.memref_slice %arg8[%scan3A_404, %swap3A_1044] : memref<2x16384xf32, #tpu.memory_space<vmem>> -> memref<1x16384xf32, #tpu.memory_space<vmem>>
        %swap3A_1046 = tpu.memref_squeeze %swap3A_1045 : memref<1x16384xf32, #tpu.memory_space<vmem>> -> memref<16384xf32, #tpu.memory_space<vmem>>
        %swap3A_1047 = arith.index_cast %add3A_1043 : i32 to index
        %swap3A_1048 = tpu.vector_load %swap3A_1046[%swap3A_1047] {strides = array<i32>} : memref<16384xf32, #tpu.memory_space<vmem>>, vector<16xf32>,
        tpu.vector_store %swap3A_1046[%swap3A_1047], %gather3A_924 {strides = array<i32>} : memref<16384xf32, #tpu.memory_space<vmem>>, vector<16xf32>,
        %add3A_1049 = arith.constant 8192 : i32
        %add3A_1050 = arith.addi %add3A_877, %add3A_1049 : i32
        %add3A_1051 = arith.constant 512 : i32
        %add3A_1052 = arith.addi %add3A_1050, %add3A_1051 : i32
        %swap3A_1053 = arith.constant 0 : i32
        %swap3A_1054 = tpu.memref_slice %arg8[%scan3A_404, %swap3A_1053] : memref<2x16384xf32, #tpu.memory_space<vmem>> -> memref<1x16384xf32, #tpu.memory_space<vmem>>
        %swap3A_1055 = tpu.memref_squeeze %swap3A_1054 : memref<1x16384xf32, #tpu.memory_space<vmem>> -> memref<16384xf32, #tpu.memory_space<vmem>>
        %swap3A_1056 = arith.index_cast %add3A_1052 : i32 to index
        %swap3A_1057 = tpu.vector_load %swap3A_1055[%swap3A_1056] {strides = array<i32>} : memref<16384xf32, #tpu.memory_space<vmem>>, vector<16xf32>,
        tpu.vector_store %swap3A_1055[%swap3A_1056], %gather3A_928 {strides = array<i32>} : memref<16384xf32, #tpu.memory_space<vmem>>, vector<16xf32>,
        %add3A_1058 = arith.constant 8192 : i32
        %add3A_1059 = arith.addi %add3A_877, %add3A_1058 : i32
        %add3A_1060 = arith.constant 640 : i32
        %add3A_1061 = arith.addi %add3A_1059, %add3A_1060 : i32
        %swap3A_1062 = arith.constant 0 : i32
        %swap3A_1063 = tpu.memref_slice %arg8[%scan3A_404, %swap3A_1062] : memref<2x16384xf32, #tpu.memory_space<vmem>> -> memref<1x16384xf32, #tpu.memory_space<vmem>>
        %swap3A_1064 = tpu.memref_squeeze %swap3A_1063 : memref<1x16384xf32, #tpu.memory_space<vmem>> -> memref<16384xf32, #tpu.memory_space<vmem>>
        %swap3A_1065 = arith.index_cast %add3A_1061 : i32 to index
        %swap3A_1066 = tpu.vector_load %swap3A_1064[%swap3A_1065] {strides = array<i32>} : memref<16384xf32, #tpu.memory_space<vmem>>, vector<16xf32>,
        tpu.vector_store %swap3A_1064[%swap3A_1065], %gather3A_932 {strides = array<i32>} : memref<16384xf32, #tpu.memory_space<vmem>>, vector<16xf32>,
        %add3A_1067 = arith.constant 8192 : i32
        %add3A_1068 = arith.addi %add3A_877, %add3A_1067 : i32
        %add3A_1069 = arith.constant 768 : i32
        %add3A_1070 = arith.addi %add3A_1068, %add3A_1069 : i32
        %swap3A_1071 = arith.constant 0 : i32
        %swap3A_1072 = tpu.memref_slice %arg8[%scan3A_404, %swap3A_1071] : memref<2x16384xf32, #tpu.memory_space<vmem>> -> memref<1x16384xf32, #tpu.memory_space<vmem>>
        %swap3A_1073 = tpu.memref_squeeze %swap3A_1072 : memref<1x16384xf32, #tpu.memory_space<vmem>> -> memref<16384xf32, #tpu.memory_space<vmem>>
        %swap3A_1074 = arith.index_cast %add3A_1070 : i32 to index
        %swap3A_1075 = tpu.vector_load %swap3A_1073[%swap3A_1074] {strides = array<i32>} : memref<16384xf32, #tpu.memory_space<vmem>>, vector<16xf32>,
        tpu.vector_store %swap3A_1073[%swap3A_1074], %gather3A_936 {strides = array<i32>} : memref<16384xf32, #tpu.memory_space<vmem>>, vector<16xf32>,
        %add3A_1076 = arith.constant 8192 : i32
        %add3A_1077 = arith.addi %add3A_877, %add3A_1076 : i32
        %add3A_1078 = arith.constant 896 : i32
        %add3A_1079 = arith.addi %add3A_1077, %add3A_1078 : i32
        %swap3A_1080 = arith.constant 0 : i32
        %swap3A_1081 = tpu.memref_slice %arg8[%scan3A_404, %swap3A_1080] : memref<2x16384xf32, #tpu.memory_space<vmem>> -> memref<1x16384xf32, #tpu.memory_space<vmem>>
        %swap3A_1082 = tpu.memref_squeeze %swap3A_1081 : memref<1x16384xf32, #tpu.memory_space<vmem>> -> memref<16384xf32, #tpu.memory_space<vmem>>
        %swap3A_1083 = arith.index_cast %add3A_1079 : i32 to index
        %swap3A_1084 = tpu.vector_load %swap3A_1082[%swap3A_1083] {strides = array<i32>} : memref<16384xf32, #tpu.memory_space<vmem>>, vector<16xf32>,
        tpu.vector_store %swap3A_1082[%swap3A_1083], %gather3A_940 {strides = array<i32>} : memref<16384xf32, #tpu.memory_space<vmem>>, vector<16xf32>,
      }
      %scan3A_409 = arith.constant 64 : i32
      %add3A_410 = arith.addi %mul3A_2, %add3A_371 : i32
      %dma_start3A_411 = arith.constant 0 : i32
      %dma_start3A_412 = arith.constant 0 : i32
      %dma_start3A_413 = tpu.memref_slice %arg8[%dma_start3A_411, %dma_start3A_412] : memref<2x16384xf32, #tpu.memory_space<vmem>> -> memref<1x16384xf32, #tpu.memory_space<vmem>>
      %dma_start3A_414 = tpu.memref_squeeze %dma_start3A_413 : memref<1x16384xf32, #tpu.memory_space<vmem>> -> memref<16384xf32, #tpu.memory_space<vmem>>
      %dma_start3A_415 = arith.constant 0 : i32
      %dma_start3A_416 = tpu.memref_slice %arg5[%add3A_410, %dma_start3A_415] : memref<1024x16384xf32, #tpu.memory_space<hbm>> -> memref<1x16384xf32, #tpu.memory_space<hbm>>
      %dma_start3A_417 = tpu.memref_squeeze %dma_start3A_416 : memref<1x16384xf32, #tpu.memory_space<hbm>> -> memref<16384xf32, #tpu.memory_space<hbm>>
      %dma_start3A_418 = arith.constant 0 : i32
      %dma_start3A_419 = tpu.memref_slice %arg5[%add3A_410, %dma_start3A_418] : memref<1024x16384xf32, #tpu.memory_space<hbm>> -> memref<1x16384xf32, #tpu.memory_space<hbm>>
      %dma_start3A_420 = tpu.memref_squeeze %dma_start3A_419 : memref<1x16384xf32, #tpu.memory_space<hbm>> -> memref<16384xf32, #tpu.memory_space<hbm>>
      %dma_start3A_421 = arith.constant 0 : i32
      %dma_start3A_422 = tpu.memref_slice %arg8[%dma_start3A_411, %dma_start3A_421] : memref<2x16384xf32, #tpu.memory_space<vmem>> -> memref<1x16384xf32, #tpu.memory_space<vmem>>
      %dma_start3A_423 = tpu.memref_squeeze %dma_start3A_422 : memref<1x16384xf32, #tpu.memory_space<vmem>> -> memref<16384xf32, #tpu.memory_space<vmem>>
      tpu.enqueue_dma source(%dma_start3A_423 : memref<16384xf32, #tpu.memory_space<vmem>>) target(%dma_start3A_420 : memref<16384xf32, #tpu.memory_space<hbm>>) target_semaphore(%arg19 : memref<!tpu.dma_semaphore, #tpu.memory_space<semaphore_mem>>)
      %add3A_424 = arith.constant 1 : i32
      %add3A_425 = arith.addi %mul3A_369, %add3A_424 : i32
      %dma_wait3A_426 = arith.constant 1 : i32
      %dma_wait3A_427 = arith.constant 0 : i32
      %dma_wait3A_428 = arith.constant 0 : i32
      %dma_wait3A_429 = tpu.memref_slice %arg7[%dma_wait3A_426, %dma_wait3A_427, %dma_wait3A_428] : memref<4x1024x16xf32, #tpu.memory_space<vmem>> -> memref<1x1024x16xf32, #tpu.memory_space<vmem>>
      %dma_wait3A_430 = tpu.memref_squeeze %dma_wait3A_429 : memref<1x1024x16xf32, #tpu.memory_space<vmem>> -> memref<1024x16xf32, #tpu.memory_space<vmem>>
      %dma_wait3A_431 = arith.constant 0 : i32
      %dma_wait3A_432 = arith.constant 0 : i32
      %dma_wait3A_433 = tpu.memref_slice %arg3[%dma_wait3A_431, %dma_wait3A_432] : memref<50257x16xf32, #tpu.memory_space<hbm>> -> memref<1024x16xf32, #tpu.memory_space<hbm>>
      %dma_wait3A_434 = arith.constant 0 : i32
      %dma_wait3A_435 = arith.constant 0 : i32
      %dma_wait3A_436 = tpu.memref_slice %arg7[%dma_wait3A_426, %dma_wait3A_434, %dma_wait3A_435] : memref<4x1024x16xf32, #tpu.memory_space<vmem>> -> memref<1x1024x16xf32, #tpu.memory_space<vmem>>
      %dma_wait3A_437 = tpu.memref_squeeze %dma_wait3A_436 : memref<1x1024x16xf32, #tpu.memory_space<vmem>> -> memref<1024x16xf32, #tpu.memory_space<vmem>>
      %dma_wait3A_438 = arith.constant 0 : i32
      %dma_wait3A_439 = arith.constant 0 : i32
      %dma_wait3A_440 = tpu.memref_slice %arg3[%dma_wait3A_438, %dma_wait3A_439] : memref<50257x16xf32, #tpu.memory_space<hbm>> -> memref<1024x16xf32, #tpu.memory_space<hbm>>
      tpu.wait_dma2 semaphore(%arg16 : memref<!tpu.dma_semaphore, #tpu.memory_space<semaphore_mem>>) src(%dma_wait3A_440 : memref<1024x16xf32, #tpu.memory_space<hbm>>) dst(%dma_wait3A_437 : memref<1024x16xf32, #tpu.memory_space<vmem>>)
      %add3A_441 = arith.constant 4 : i32
      %add3A_442 = arith.addi %add3A_425, %add3A_441 : i32
      %lt3A_443 = arith.constant 32 : i32
      %lt3A_444 = arith.cmpi slt, %add3A_442, %lt3A_443 : i32
      %convert_element_type3A_445 = arith.extui %lt3A_444 : i1 to i32
      %cond3A_446 = arith.constant 0 : i32
      %cond3A_447 = arith.cmpi ne, %convert_element_type3A_445, %cond3A_446 : i32
      scf.if %cond3A_447 {
        %add3A_598 = arith.constant 4 : i32
        %add3A_599 = arith.addi %add3A_425, %add3A_598 : i32
        %add3A_600 = arith.addi %mul3A_2, %add3A_599 : i32
        %dma_start3A_601 = arith.constant 8 : i32
        %dma_start3A_602 = arith.constant 0 : i32
        %dma_start3A_603 = tpu.memref_slice %arg6[%dma_start3A_601, %dma_start3A_602] : memref<32x128xi32, #tpu.memory_space<vmem>> -> memref<8x128xi32, #tpu.memory_space<vmem>>
        %dma_start3A_604 = arith.constant 0 : i32
        %dma_start3A_605 = arith.constant 0 : i32
        %dma_start3A_606 = tpu.memref_slice %arg2[%add3A_600, %dma_start3A_604, %dma_start3A_605] : memref<1024x8x128xi32, #tpu.memory_space<hbm>> -> memref<1x8x128xi32, #tpu.memory_space<hbm>>
        %dma_start3A_607 = tpu.memref_squeeze %dma_start3A_606 : memref<1x8x128xi32, #tpu.memory_space<hbm>> -> memref<8x128xi32, #tpu.memory_space<hbm>>
        %dma_start3A_608 = arith.constant 8 : i32
        %dma_start3A_609 = arith.constant 0 : i32
        %dma_start3A_610 = tpu.memref_slice %arg6[%dma_start3A_608, %dma_start3A_609] : memref<32x128xi32, #tpu.memory_space<vmem>> -> memref<8x128xi32, #tpu.memory_space<vmem>>
        %dma_start3A_611 = arith.constant 0 : i32
        %dma_start3A_612 = arith.constant 0 : i32
        %dma_start3A_613 = tpu.memref_slice %arg2[%add3A_600, %dma_start3A_611, %dma_start3A_612] : memref<1024x8x128xi32, #tpu.memory_space<hbm>> -> memref<1x8x128xi32, #tpu.memory_space<hbm>>
        %dma_start3A_614 = tpu.memref_squeeze %dma_start3A_613 : memref<1x8x128xi32, #tpu.memory_space<hbm>> -> memref<8x128xi32, #tpu.memory_space<hbm>>
        tpu.enqueue_dma source(%dma_start3A_614 : memref<8x128xi32, #tpu.memory_space<hbm>>) target(%dma_start3A_610 : memref<8x128xi32, #tpu.memory_space<vmem>>) target_semaphore(%arg12 : memref<!tpu.dma_semaphore, #tpu.memory_space<semaphore_mem>>)
      } else {
      }
      %add3A_448 = arith.constant 2 : i32
      %add3A_449 = arith.addi %add3A_425, %add3A_448 : i32
      %lt3A_450 = arith.constant 32 : i32
      %lt3A_451 = arith.cmpi slt, %add3A_449, %lt3A_450 : i32
      %convert_element_type3A_452 = arith.extui %lt3A_451 : i1 to i32
      %cond3A_453 = arith.constant 0 : i32
      %cond3A_454 = arith.cmpi ne, %convert_element_type3A_452, %cond3A_453 : i32
      scf.if %cond3A_454 {
        %dma_wait3A_598 = arith.constant 24 : i32
        %dma_wait3A_599 = arith.constant 0 : i32
        %dma_wait3A_600 = tpu.memref_slice %arg6[%dma_wait3A_598, %dma_wait3A_599] : memref<32x128xi32, #tpu.memory_space<vmem>> -> memref<8x128xi32, #tpu.memory_space<vmem>>
        %dma_wait3A_601 = arith.constant 0 : i32
        %dma_wait3A_602 = arith.constant 0 : i32
        %dma_wait3A_603 = tpu.memref_slice %arg2[%mul3A_2, %dma_wait3A_601, %dma_wait3A_602] : memref<1024x8x128xi32, #tpu.memory_space<hbm>> -> memref<1x8x128xi32, #tpu.memory_space<hbm>>
        %dma_wait3A_604 = tpu.memref_squeeze %dma_wait3A_603 : memref<1x8x128xi32, #tpu.memory_space<hbm>> -> memref<8x128xi32, #tpu.memory_space<hbm>>
        %dma_wait3A_605 = arith.constant 24 : i32
        %dma_wait3A_606 = arith.constant 0 : i32
        %dma_wait3A_607 = tpu.memref_slice %arg6[%dma_wait3A_605, %dma_wait3A_606] : memref<32x128xi32, #tpu.memory_space<vmem>> -> memref<8x128xi32, #tpu.memory_space<vmem>>
        %dma_wait3A_608 = arith.constant 0 : i32
        %dma_wait3A_609 = arith.constant 0 : i32
        %dma_wait3A_610 = tpu.memref_slice %arg2[%mul3A_2, %dma_wait3A_608, %dma_wait3A_609] : memref<1024x8x128xi32, #tpu.memory_space<hbm>> -> memref<1x8x128xi32, #tpu.memory_space<hbm>>
        %dma_wait3A_611 = tpu.memref_squeeze %dma_wait3A_610 : memref<1x8x128xi32, #tpu.memory_space<hbm>> -> memref<8x128xi32, #tpu.memory_space<hbm>>
        tpu.wait_dma2 semaphore(%arg14 : memref<!tpu.dma_semaphore, #tpu.memory_space<semaphore_mem>>) src(%dma_wait3A_611 : memref<8x128xi32, #tpu.memory_space<hbm>>) dst(%dma_wait3A_607 : memref<8x128xi32, #tpu.memory_space<vmem>>)
        %dma_start3A_612 = arith.constant 24 : i32
        %dma_start3A_613 = arith.constant 3 : i32
        %dma_start3A_614 = arith.constant 0 : i32
        %dma_start3A_615 = arith.constant 0 : i32
        %dma_start3A_616 = tpu.memref_slice %arg7[%dma_start3A_613, %dma_start3A_614, %dma_start3A_615] : memref<4x1024x16xf32, #tpu.memory_space<vmem>> -> memref<1x1024x16xf32, #tpu.memory_space<vmem>>
        %dma_start3A_617 = tpu.memref_squeeze %dma_start3A_616 : memref<1x1024x16xf32, #tpu.memory_space<vmem>> -> memref<1024x16xf32, #tpu.memory_space<vmem>>
        %dma_start3A_618 = arith.constant 0 : i32
        %dma_start3A_619 = arith.constant 0 : i32
        %dma_start3A_620 = tpu.memref_slice %dma_start3A_617[%dma_start3A_618, %dma_start3A_619] : memref<1024x16xf32, #tpu.memory_space<vmem>> -> memref<128x16xf32, #tpu.memory_space<vmem>>
        %dma_start3A_621 = arith.constant 0 : i32
        %dma_start3A_622 = tpu.memref_slice %arg6[%dma_start3A_612, %dma_start3A_621] : memref<32x128xi32, #tpu.memory_space<vmem>> -> memref<1x128xi32, #tpu.memory_space<vmem>>
        %dma_start3A_623 = tpu.memref_squeeze %dma_start3A_622 : memref<1x128xi32, #tpu.memory_space<vmem>> -> memref<128xi32, #tpu.memory_space<vmem>>
        %dma_start3A_624 = arith.constant 0 : i32
        %dma_start3A_625 = arith.constant 0 : i32
        %dma_start3A_626 = tpu.memref_slice %arg3[%dma_start3A_624, %dma_start3A_625] : memref<50257x16xf32, #tpu.memory_space<hbm>> -> memref<50257x16xf32, #tpu.memory_space<hbm>>
        tpu.enqueue_indirect_dma source(%dma_start3A_626 : memref<50257x16xf32, #tpu.memory_space<hbm>>) target(%dma_start3A_620 : memref<128x16xf32, #tpu.memory_space<vmem>>) offsets(%dma_start3A_623 : memref<128xi32, #tpu.memory_space<vmem>>) semaphore(%arg18 : memref<!tpu.dma_semaphore, #tpu.memory_space<semaphore_mem>>)
        %dma_start3A_627 = arith.constant 25 : i32
        %dma_start3A_628 = arith.constant 3 : i32
        %dma_start3A_629 = arith.constant 0 : i32
        %dma_start3A_630 = arith.constant 0 : i32
        %dma_start3A_631 = tpu.memref_slice %arg7[%dma_start3A_628, %dma_start3A_629, %dma_start3A_630] : memref<4x1024x16xf32, #tpu.memory_space<vmem>> -> memref<1x1024x16xf32, #tpu.memory_space<vmem>>
        %dma_start3A_632 = tpu.memref_squeeze %dma_start3A_631 : memref<1x1024x16xf32, #tpu.memory_space<vmem>> -> memref<1024x16xf32, #tpu.memory_space<vmem>>
        %dma_start3A_633 = arith.constant 128 : i32
        %dma_start3A_634 = arith.constant 0 : i32
        %dma_start3A_635 = tpu.memref_slice %dma_start3A_632[%dma_start3A_633, %dma_start3A_634] : memref<1024x16xf32, #tpu.memory_space<vmem>> -> memref<128x16xf32, #tpu.memory_space<vmem>>
        %dma_start3A_636 = arith.constant 0 : i32
        %dma_start3A_637 = tpu.memref_slice %arg6[%dma_start3A_627, %dma_start3A_636] : memref<32x128xi32, #tpu.memory_space<vmem>> -> memref<1x128xi32, #tpu.memory_space<vmem>>
        %dma_start3A_638 = tpu.memref_squeeze %dma_start3A_637 : memref<1x128xi32, #tpu.memory_space<vmem>> -> memref<128xi32, #tpu.memory_space<vmem>>
        %dma_start3A_639 = arith.constant 0 : i32
        %dma_start3A_640 = arith.constant 0 : i32
        %dma_start3A_641 = tpu.memref_slice %arg3[%dma_start3A_639, %dma_start3A_640] : memref<50257x16xf32, #tpu.memory_space<hbm>> -> memref<50257x16xf32, #tpu.memory_space<hbm>>
        tpu.enqueue_indirect_dma source(%dma_start3A_641 : memref<50257x16xf32, #tpu.memory_space<hbm>>) target(%dma_start3A_635 : memref<128x16xf32, #tpu.memory_space<vmem>>) offsets(%dma_start3A_638 : memref<128xi32, #tpu.memory_space<vmem>>) semaphore(%arg18 : memref<!tpu.dma_semaphore, #tpu.memory_space<semaphore_mem>>)
        %dma_start3A_642 = arith.constant 26 : i32
        %dma_start3A_643 = arith.constant 3 : i32
        %dma_start3A_644 = arith.constant 0 : i32
        %dma_start3A_645 = arith.constant 0 : i32
        %dma_start3A_646 = tpu.memref_slice %arg7[%dma_start3A_643, %dma_start3A_644, %dma_start3A_645] : memref<4x1024x16xf32, #tpu.memory_space<vmem>> -> memref<1x1024x16xf32, #tpu.memory_space<vmem>>
        %dma_start3A_647 = tpu.memref_squeeze %dma_start3A_646 : memref<1x1024x16xf32, #tpu.memory_space<vmem>> -> memref<1024x16xf32, #tpu.memory_space<vmem>>
        %dma_start3A_648 = arith.constant 256 : i32
        %dma_start3A_649 = arith.constant 0 : i32
        %dma_start3A_650 = tpu.memref_slice %dma_start3A_647[%dma_start3A_648, %dma_start3A_649] : memref<1024x16xf32, #tpu.memory_space<vmem>> -> memref<128x16xf32, #tpu.memory_space<vmem>>
        %dma_start3A_651 = arith.constant 0 : i32
        %dma_start3A_652 = tpu.memref_slice %arg6[%dma_start3A_642, %dma_start3A_651] : memref<32x128xi32, #tpu.memory_space<vmem>> -> memref<1x128xi32, #tpu.memory_space<vmem>>
        %dma_start3A_653 = tpu.memref_squeeze %dma_start3A_652 : memref<1x128xi32, #tpu.memory_space<vmem>> -> memref<128xi32, #tpu.memory_space<vmem>>
        %dma_start3A_654 = arith.constant 0 : i32
        %dma_start3A_655 = arith.constant 0 : i32
        %dma_start3A_656 = tpu.memref_slice %arg3[%dma_start3A_654, %dma_start3A_655] : memref<50257x16xf32, #tpu.memory_space<hbm>> -> memref<50257x16xf32, #tpu.memory_space<hbm>>
        tpu.enqueue_indirect_dma source(%dma_start3A_656 : memref<50257x16xf32, #tpu.memory_space<hbm>>) target(%dma_start3A_650 : memref<128x16xf32, #tpu.memory_space<vmem>>) offsets(%dma_start3A_653 : memref<128xi32, #tpu.memory_space<vmem>>) semaphore(%arg18 : memref<!tpu.dma_semaphore, #tpu.memory_space<semaphore_mem>>)
        %dma_start3A_657 = arith.constant 27 : i32
        %dma_start3A_658 = arith.constant 3 : i32
        %dma_start3A_659 = arith.constant 0 : i32
        %dma_start3A_660 = arith.constant 0 : i32
        %dma_start3A_661 = tpu.memref_slice %arg7[%dma_start3A_658, %dma_start3A_659, %dma_start3A_660] : memref<4x1024x16xf32, #tpu.memory_space<vmem>> -> memref<1x1024x16xf32, #tpu.memory_space<vmem>>
        %dma_start3A_662 = tpu.memref_squeeze %dma_start3A_661 : memref<1x1024x16xf32, #tpu.memory_space<vmem>> -> memref<1024x16xf32, #tpu.memory_space<vmem>>
        %dma_start3A_663 = arith.constant 384 : i32
        %dma_start3A_664 = arith.constant 0 : i32
        %dma_start3A_665 = tpu.memref_slice %dma_start3A_662[%dma_start3A_663, %dma_start3A_664] : memref<1024x16xf32, #tpu.memory_space<vmem>> -> memref<128x16xf32, #tpu.memory_space<vmem>>
        %dma_start3A_666 = arith.constant 0 : i32
        %dma_start3A_667 = tpu.memref_slice %arg6[%dma_start3A_657, %dma_start3A_666] : memref<32x128xi32, #tpu.memory_space<vmem>> -> memref<1x128xi32, #tpu.memory_space<vmem>>
        %dma_start3A_668 = tpu.memref_squeeze %dma_start3A_667 : memref<1x128xi32, #tpu.memory_space<vmem>> -> memref<128xi32, #tpu.memory_space<vmem>>
        %dma_start3A_669 = arith.constant 0 : i32
        %dma_start3A_670 = arith.constant 0 : i32
        %dma_start3A_671 = tpu.memref_slice %arg3[%dma_start3A_669, %dma_start3A_670] : memref<50257x16xf32, #tpu.memory_space<hbm>> -> memref<50257x16xf32, #tpu.memory_space<hbm>>
        tpu.enqueue_indirect_dma source(%dma_start3A_671 : memref<50257x16xf32, #tpu.memory_space<hbm>>) target(%dma_start3A_665 : memref<128x16xf32, #tpu.memory_space<vmem>>) offsets(%dma_start3A_668 : memref<128xi32, #tpu.memory_space<vmem>>) semaphore(%arg18 : memref<!tpu.dma_semaphore, #tpu.memory_space<semaphore_mem>>)
        %dma_start3A_672 = arith.constant 28 : i32
        %dma_start3A_673 = arith.constant 3 : i32
        %dma_start3A_674 = arith.constant 0 : i32
        %dma_start3A_675 = arith.constant 0 : i32
        %dma_start3A_676 = tpu.memref_slice %arg7[%dma_start3A_673, %dma_start3A_674, %dma_start3A_675] : memref<4x1024x16xf32, #tpu.memory_space<vmem>> -> memref<1x1024x16xf32, #tpu.memory_space<vmem>>
        %dma_start3A_677 = tpu.memref_squeeze %dma_start3A_676 : memref<1x1024x16xf32, #tpu.memory_space<vmem>> -> memref<1024x16xf32, #tpu.memory_space<vmem>>
        %dma_start3A_678 = arith.constant 512 : i32
        %dma_start3A_679 = arith.constant 0 : i32
        %dma_start3A_680 = tpu.memref_slice %dma_start3A_677[%dma_start3A_678, %dma_start3A_679] : memref<1024x16xf32, #tpu.memory_space<vmem>> -> memref<128x16xf32, #tpu.memory_space<vmem>>
        %dma_start3A_681 = arith.constant 0 : i32
        %dma_start3A_682 = tpu.memref_slice %arg6[%dma_start3A_672, %dma_start3A_681] : memref<32x128xi32, #tpu.memory_space<vmem>> -> memref<1x128xi32, #tpu.memory_space<vmem>>
        %dma_start3A_683 = tpu.memref_squeeze %dma_start3A_682 : memref<1x128xi32, #tpu.memory_space<vmem>> -> memref<128xi32, #tpu.memory_space<vmem>>
        %dma_start3A_684 = arith.constant 0 : i32
        %dma_start3A_685 = arith.constant 0 : i32
        %dma_start3A_686 = tpu.memref_slice %arg3[%dma_start3A_684, %dma_start3A_685] : memref<50257x16xf32, #tpu.memory_space<hbm>> -> memref<50257x16xf32, #tpu.memory_space<hbm>>
        tpu.enqueue_indirect_dma source(%dma_start3A_686 : memref<50257x16xf32, #tpu.memory_space<hbm>>) target(%dma_start3A_680 : memref<128x16xf32, #tpu.memory_space<vmem>>) offsets(%dma_start3A_683 : memref<128xi32, #tpu.memory_space<vmem>>) semaphore(%arg18 : memref<!tpu.dma_semaphore, #tpu.memory_space<semaphore_mem>>)
        %dma_start3A_687 = arith.constant 29 : i32
        %dma_start3A_688 = arith.constant 3 : i32
        %dma_start3A_689 = arith.constant 0 : i32
        %dma_start3A_690 = arith.constant 0 : i32
        %dma_start3A_691 = tpu.memref_slice %arg7[%dma_start3A_688, %dma_start3A_689, %dma_start3A_690] : memref<4x1024x16xf32, #tpu.memory_space<vmem>> -> memref<1x1024x16xf32, #tpu.memory_space<vmem>>
        %dma_start3A_692 = tpu.memref_squeeze %dma_start3A_691 : memref<1x1024x16xf32, #tpu.memory_space<vmem>> -> memref<1024x16xf32, #tpu.memory_space<vmem>>
        %dma_start3A_693 = arith.constant 640 : i32
        %dma_start3A_694 = arith.constant 0 : i32
        %dma_start3A_695 = tpu.memref_slice %dma_start3A_692[%dma_start3A_693, %dma_start3A_694] : memref<1024x16xf32, #tpu.memory_space<vmem>> -> memref<128x16xf32, #tpu.memory_space<vmem>>
        %dma_start3A_696 = arith.constant 0 : i32
        %dma_start3A_697 = tpu.memref_slice %arg6[%dma_start3A_687, %dma_start3A_696] : memref<32x128xi32, #tpu.memory_space<vmem>> -> memref<1x128xi32, #tpu.memory_space<vmem>>
        %dma_start3A_698 = tpu.memref_squeeze %dma_start3A_697 : memref<1x128xi32, #tpu.memory_space<vmem>> -> memref<128xi32, #tpu.memory_space<vmem>>
        %dma_start3A_699 = arith.constant 0 : i32
        %dma_start3A_700 = arith.constant 0 : i32
        %dma_start3A_701 = tpu.memref_slice %arg3[%dma_start3A_699, %dma_start3A_700] : memref<50257x16xf32, #tpu.memory_space<hbm>> -> memref<50257x16xf32, #tpu.memory_space<hbm>>
        tpu.enqueue_indirect_dma source(%dma_start3A_701 : memref<50257x16xf32, #tpu.memory_space<hbm>>) target(%dma_start3A_695 : memref<128x16xf32, #tpu.memory_space<vmem>>) offsets(%dma_start3A_698 : memref<128xi32, #tpu.memory_space<vmem>>) semaphore(%arg18 : memref<!tpu.dma_semaphore, #tpu.memory_space<semaphore_mem>>)
        %dma_start3A_702 = arith.constant 30 : i32
        %dma_start3A_703 = arith.constant 3 : i32
        %dma_start3A_704 = arith.constant 0 : i32
        %dma_start3A_705 = arith.constant 0 : i32
        %dma_start3A_706 = tpu.memref_slice %arg7[%dma_start3A_703, %dma_start3A_704, %dma_start3A_705] : memref<4x1024x16xf32, #tpu.memory_space<vmem>> -> memref<1x1024x16xf32, #tpu.memory_space<vmem>>
        %dma_start3A_707 = tpu.memref_squeeze %dma_start3A_706 : memref<1x1024x16xf32, #tpu.memory_space<vmem>> -> memref<1024x16xf32, #tpu.memory_space<vmem>>
        %dma_start3A_708 = arith.constant 768 : i32
        %dma_start3A_709 = arith.constant 0 : i32
        %dma_start3A_710 = tpu.memref_slice %dma_start3A_707[%dma_start3A_708, %dma_start3A_709] : memref<1024x16xf32, #tpu.memory_space<vmem>> -> memref<128x16xf32, #tpu.memory_space<vmem>>
        %dma_start3A_711 = arith.constant 0 : i32
        %dma_start3A_712 = tpu.memref_slice %arg6[%dma_start3A_702, %dma_start3A_711] : memref<32x128xi32, #tpu.memory_space<vmem>> -> memref<1x128xi32, #tpu.memory_space<vmem>>
        %dma_start3A_713 = tpu.memref_squeeze %dma_start3A_712 : memref<1x128xi32, #tpu.memory_space<vmem>> -> memref<128xi32, #tpu.memory_space<vmem>>
        %dma_start3A_714 = arith.constant 0 : i32
        %dma_start3A_715 = arith.constant 0 : i32
        %dma_start3A_716 = tpu.memref_slice %arg3[%dma_start3A_714, %dma_start3A_715] : memref<50257x16xf32, #tpu.memory_space<hbm>> -> memref<50257x16xf32, #tpu.memory_space<hbm>>
        tpu.enqueue_indirect_dma source(%dma_start3A_716 : memref<50257x16xf32, #tpu.memory_space<hbm>>) target(%dma_start3A_710 : memref<128x16xf32, #tpu.memory_space<vmem>>) offsets(%dma_start3A_713 : memref<128xi32, #tpu.memory_space<vmem>>) semaphore(%arg18 : memref<!tpu.dma_semaphore, #tpu.memory_space<semaphore_mem>>)
        %dma_start3A_717 = arith.constant 31 : i32
        %dma_start3A_718 = arith.constant 3 : i32
        %dma_start3A_719 = arith.constant 0 : i32
        %dma_start3A_720 = arith.constant 0 : i32
        %dma_start3A_721 = tpu.memref_slice %arg7[%dma_start3A_718, %dma_start3A_719, %dma_start3A_720] : memref<4x1024x16xf32, #tpu.memory_space<vmem>> -> memref<1x1024x16xf32, #tpu.memory_space<vmem>>
        %dma_start3A_722 = tpu.memref_squeeze %dma_start3A_721 : memref<1x1024x16xf32, #tpu.memory_space<vmem>> -> memref<1024x16xf32, #tpu.memory_space<vmem>>
        %dma_start3A_723 = arith.constant 896 : i32
        %dma_start3A_724 = arith.constant 0 : i32
        %dma_start3A_725 = tpu.memref_slice %dma_start3A_722[%dma_start3A_723, %dma_start3A_724] : memref<1024x16xf32, #tpu.memory_space<vmem>> -> memref<128x16xf32, #tpu.memory_space<vmem>>
        %dma_start3A_726 = arith.constant 0 : i32
        %dma_start3A_727 = tpu.memref_slice %arg6[%dma_start3A_717, %dma_start3A_726] : memref<32x128xi32, #tpu.memory_space<vmem>> -> memref<1x128xi32, #tpu.memory_space<vmem>>
        %dma_start3A_728 = tpu.memref_squeeze %dma_start3A_727 : memref<1x128xi32, #tpu.memory_space<vmem>> -> memref<128xi32, #tpu.memory_space<vmem>>
        %dma_start3A_729 = arith.constant 0 : i32
        %dma_start3A_730 = arith.constant 0 : i32
        %dma_start3A_731 = tpu.memref_slice %arg3[%dma_start3A_729, %dma_start3A_730] : memref<50257x16xf32, #tpu.memory_space<hbm>> -> memref<50257x16xf32, #tpu.memory_space<hbm>>
        tpu.enqueue_indirect_dma source(%dma_start3A_731 : memref<50257x16xf32, #tpu.memory_space<hbm>>) target(%dma_start3A_725 : memref<128x16xf32, #tpu.memory_space<vmem>>) offsets(%dma_start3A_728 : memref<128xi32, #tpu.memory_space<vmem>>) semaphore(%arg18 : memref<!tpu.dma_semaphore, #tpu.memory_space<semaphore_mem>>)
      } else {
      }
      %ge3A_455 = arith.constant 2 : i32
      %ge3A_456 = arith.cmpi sge, %add3A_425, %ge3A_455 : i32
      %convert_element_type3A_457 = arith.extui %ge3A_456 : i1 to i32
      %cond3A_458 = arith.constant 0 : i32
      %cond3A_459 = arith.cmpi ne, %convert_element_type3A_457, %cond3A_458 : i32
      scf.if %cond3A_459 {
        %dma_wait3A_598 = arith.constant 1 : i32
        %dma_wait3A_599 = arith.constant 0 : i32
        %dma_wait3A_600 = tpu.memref_slice %arg8[%dma_wait3A_598, %dma_wait3A_599] : memref<2x16384xf32, #tpu.memory_space<vmem>> -> memref<1x16384xf32, #tpu.memory_space<vmem>>
        %dma_wait3A_601 = tpu.memref_squeeze %dma_wait3A_600 : memref<1x16384xf32, #tpu.memory_space<vmem>> -> memref<16384xf32, #tpu.memory_space<vmem>>
        %dma_wait3A_602 = arith.constant 0 : i32
        %dma_wait3A_603 = tpu.memref_slice %arg5[%mul3A_2, %dma_wait3A_602] : memref<1024x16384xf32, #tpu.memory_space<hbm>> -> memref<1x16384xf32, #tpu.memory_space<hbm>>
        %dma_wait3A_604 = tpu.memref_squeeze %dma_wait3A_603 : memref<1x16384xf32, #tpu.memory_space<hbm>> -> memref<16384xf32, #tpu.memory_space<hbm>>
        %dma_wait3A_605 = arith.constant 0 : i32
        %dma_wait3A_606 = tpu.memref_slice %arg8[%dma_wait3A_598, %dma_wait3A_605] : memref<2x16384xf32, #tpu.memory_space<vmem>> -> memref<1x16384xf32, #tpu.memory_space<vmem>>
        %dma_wait3A_607 = tpu.memref_squeeze %dma_wait3A_606 : memref<1x16384xf32, #tpu.memory_space<vmem>> -> memref<16384xf32, #tpu.memory_space<vmem>>
        %dma_wait3A_608 = arith.constant 0 : i32
        %dma_wait3A_609 = tpu.memref_slice %arg5[%mul3A_2, %dma_wait3A_608] : memref<1024x16384xf32, #tpu.memory_space<hbm>> -> memref<1x16384xf32, #tpu.memory_space<hbm>>
        %dma_wait3A_610 = tpu.memref_squeeze %dma_wait3A_609 : memref<1x16384xf32, #tpu.memory_space<hbm>> -> memref<16384xf32, #tpu.memory_space<hbm>>
        tpu.wait_dma2 semaphore(%arg20 : memref<!tpu.dma_semaphore, #tpu.memory_space<semaphore_mem>>) src(%dma_wait3A_610 : memref<16384xf32, #tpu.memory_space<hbm>>) dst(%dma_wait3A_607 : memref<16384xf32, #tpu.memory_space<vmem>>)
      } else {
      }
      %scan3A_460 = arith.constant 0 : i32
      %scan3A_461 = arith.constant 1 : i32
      %scan3A_462 = arith.constant 1 : i32
      %scan3A_463 = arith.constant 0 : i32
      %scan3A_464 = arith.constant 64 : i32
      %scan3A_465 = arith.addi %scan3A_463, %scan3A_464 : i32
      %scan3A_466 = arith.constant 1 : i32
      scf.for %scan3A_598 = %scan3A_463 to %scan3A_465 step %scan3A_466  : i32 {
        %mul3A_599 = arith.constant 16 : i32
        %mul3A_600 = arith.muli %scan3A_598, %mul3A_599 : i32
        %add3A_601 = arith.constant 0 : i32
        %add3A_602 = arith.addi %mul3A_600, %add3A_601 : i32
        %get3A = arith.constant 0 : i32
        %get3A_603 = arith.constant 0 : i32
        %get3A_604 = tpu.memref_slice %arg7[%scan3A_461, %get3A, %get3A_603] : memref<4x1024x16xf32, #tpu.memory_space<vmem>> -> memref<1x1024x16xf32, #tpu.memory_space<vmem>>
        %get3A_605 = tpu.memref_squeeze %get3A_604 : memref<1x1024x16xf32, #tpu.memory_space<vmem>> -> memref<1024x16xf32, #tpu.memory_space<vmem>>
        %get3A_606 = arith.index_cast %add3A_602 : i32 to index
        %get3A_607 = arith.constant 0 : index
        %get3A_608 = tpu.vector_load %get3A_605[%get3A_606, %get3A_607] {strides = array<i32>} : memref<1024x16xf32, #tpu.memory_space<vmem>>, vector<16xf32>,
        %add3A_609 = arith.constant 0 : i32
        %add3A_610 = arith.addi %mul3A_600, %add3A_609 : i32
        %get3A_611 = arith.index_cast %add3A_610 : i32 to index
        %get3A_612 = arith.constant 0 : index
        %get3A_613 = tpu.vector_load %arg9[%get3A_611, %get3A_612] {strides = array<i32>} : memref<1024x16xf32, #tpu.memory_space<vmem>>, vector<16xf32>,
        %add3A_614 = arith.addf %get3A_608, %get3A_613 : vector<16xf32>
        %add3A_615 = arith.constant 1 : i32
        %add3A_616 = arith.addi %mul3A_600, %add3A_615 : i32
        %get3A_617 = arith.constant 0 : i32
        %get3A_618 = arith.constant 0 : i32
        %get3A_619 = tpu.memref_slice %arg7[%scan3A_461, %get3A_617, %get3A_618] : memref<4x1024x16xf32, #tpu.memory_space<vmem>> -> memref<1x1024x16xf32, #tpu.memory_space<vmem>>
        %get3A_620 = tpu.memref_squeeze %get3A_619 : memref<1x1024x16xf32, #tpu.memory_space<vmem>> -> memref<1024x16xf32, #tpu.memory_space<vmem>>
        %get3A_621 = arith.index_cast %add3A_616 : i32 to index
        %get3A_622 = arith.constant 0 : index
        %get3A_623 = tpu.vector_load %get3A_620[%get3A_621, %get3A_622] {strides = array<i32>} : memref<1024x16xf32, #tpu.memory_space<vmem>>, vector<16xf32>,
        %add3A_624 = arith.constant 1 : i32
        %add3A_625 = arith.addi %mul3A_600, %add3A_624 : i32
        %get3A_626 = arith.index_cast %add3A_625 : i32 to index
        %get3A_627 = arith.constant 0 : index
        %get3A_628 = tpu.vector_load %arg9[%get3A_626, %get3A_627] {strides = array<i32>} : memref<1024x16xf32, #tpu.memory_space<vmem>>, vector<16xf32>,
        %add3A_629 = arith.addf %get3A_623, %get3A_628 : vector<16xf32>
        %add3A_630 = arith.constant 2 : i32
        %add3A_631 = arith.addi %mul3A_600, %add3A_630 : i32
        %get3A_632 = arith.constant 0 : i32
        %get3A_633 = arith.constant 0 : i32
        %get3A_634 = tpu.memref_slice %arg7[%scan3A_461, %get3A_632, %get3A_633] : memref<4x1024x16xf32, #tpu.memory_space<vmem>> -> memref<1x1024x16xf32, #tpu.memory_space<vmem>>
        %get3A_635 = tpu.memref_squeeze %get3A_634 : memref<1x1024x16xf32, #tpu.memory_space<vmem>> -> memref<1024x16xf32, #tpu.memory_space<vmem>>
        %get3A_636 = arith.index_cast %add3A_631 : i32 to index
        %get3A_637 = arith.constant 0 : index
        %get3A_638 = tpu.vector_load %get3A_635[%get3A_636, %get3A_637] {strides = array<i32>} : memref<1024x16xf32, #tpu.memory_space<vmem>>, vector<16xf32>,
        %add3A_639 = arith.constant 2 : i32
        %add3A_640 = arith.addi %mul3A_600, %add3A_639 : i32
        %get3A_641 = arith.index_cast %add3A_640 : i32 to index
        %get3A_642 = arith.constant 0 : index
        %get3A_643 = tpu.vector_load %arg9[%get3A_641, %get3A_642] {strides = array<i32>} : memref<1024x16xf32, #tpu.memory_space<vmem>>, vector<16xf32>,
        %add3A_644 = arith.addf %get3A_638, %get3A_643 : vector<16xf32>
        %add3A_645 = arith.constant 3 : i32
        %add3A_646 = arith.addi %mul3A_600, %add3A_645 : i32
        %get3A_647 = arith.constant 0 : i32
        %get3A_648 = arith.constant 0 : i32
        %get3A_649 = tpu.memref_slice %arg7[%scan3A_461, %get3A_647, %get3A_648] : memref<4x1024x16xf32, #tpu.memory_space<vmem>> -> memref<1x1024x16xf32, #tpu.memory_space<vmem>>
        %get3A_650 = tpu.memref_squeeze %get3A_649 : memref<1x1024x16xf32, #tpu.memory_space<vmem>> -> memref<1024x16xf32, #tpu.memory_space<vmem>>
        %get3A_651 = arith.index_cast %add3A_646 : i32 to index
        %get3A_652 = arith.constant 0 : index
        %get3A_653 = tpu.vector_load %get3A_650[%get3A_651, %get3A_652] {strides = array<i32>} : memref<1024x16xf32, #tpu.memory_space<vmem>>, vector<16xf32>,
        %add3A_654 = arith.constant 3 : i32
        %add3A_655 = arith.addi %mul3A_600, %add3A_654 : i32
        %get3A_656 = arith.index_cast %add3A_655 : i32 to index
        %get3A_657 = arith.constant 0 : index
        %get3A_658 = tpu.vector_load %arg9[%get3A_656, %get3A_657] {strides = array<i32>} : memref<1024x16xf32, #tpu.memory_space<vmem>>, vector<16xf32>,
        %add3A_659 = arith.addf %get3A_653, %get3A_658 : vector<16xf32>
        %add3A_660 = arith.constant 4 : i32
        %add3A_661 = arith.addi %mul3A_600, %add3A_660 : i32
        %get3A_662 = arith.constant 0 : i32
        %get3A_663 = arith.constant 0 : i32
        %get3A_664 = tpu.memref_slice %arg7[%scan3A_461, %get3A_662, %get3A_663] : memref<4x1024x16xf32, #tpu.memory_space<vmem>> -> memref<1x1024x16xf32, #tpu.memory_space<vmem>>
        %get3A_665 = tpu.memref_squeeze %get3A_664 : memref<1x1024x16xf32, #tpu.memory_space<vmem>> -> memref<1024x16xf32, #tpu.memory_space<vmem>>
        %get3A_666 = arith.index_cast %add3A_661 : i32 to index
        %get3A_667 = arith.constant 0 : index
        %get3A_668 = tpu.vector_load %get3A_665[%get3A_666, %get3A_667] {strides = array<i32>} : memref<1024x16xf32, #tpu.memory_space<vmem>>, vector<16xf32>,
        %add3A_669 = arith.constant 4 : i32
        %add3A_670 = arith.addi %mul3A_600, %add3A_669 : i32
        %get3A_671 = arith.index_cast %add3A_670 : i32 to index
        %get3A_672 = arith.constant 0 : index
        %get3A_673 = tpu.vector_load %arg9[%get3A_671, %get3A_672] {strides = array<i32>} : memref<1024x16xf32, #tpu.memory_space<vmem>>, vector<16xf32>,
        %add3A_674 = arith.addf %get3A_668, %get3A_673 : vector<16xf32>
        %add3A_675 = arith.constant 5 : i32
        %add3A_676 = arith.addi %mul3A_600, %add3A_675 : i32
        %get3A_677 = arith.constant 0 : i32
        %get3A_678 = arith.constant 0 : i32
        %get3A_679 = tpu.memref_slice %arg7[%scan3A_461, %get3A_677, %get3A_678] : memref<4x1024x16xf32, #tpu.memory_space<vmem>> -> memref<1x1024x16xf32, #tpu.memory_space<vmem>>
        %get3A_680 = tpu.memref_squeeze %get3A_679 : memref<1x1024x16xf32, #tpu.memory_space<vmem>> -> memref<1024x16xf32, #tpu.memory_space<vmem>>
        %get3A_681 = arith.index_cast %add3A_676 : i32 to index
        %get3A_682 = arith.constant 0 : index
        %get3A_683 = tpu.vector_load %get3A_680[%get3A_681, %get3A_682] {strides = array<i32>} : memref<1024x16xf32, #tpu.memory_space<vmem>>, vector<16xf32>,
        %add3A_684 = arith.constant 5 : i32
        %add3A_685 = arith.addi %mul3A_600, %add3A_684 : i32
        %get3A_686 = arith.index_cast %add3A_685 : i32 to index
        %get3A_687 = arith.constant 0 : index
        %get3A_688 = tpu.vector_load %arg9[%get3A_686, %get3A_687] {strides = array<i32>} : memref<1024x16xf32, #tpu.memory_space<vmem>>, vector<16xf32>,
        %add3A_689 = arith.addf %get3A_683, %get3A_688 : vector<16xf32>
        %add3A_690 = arith.constant 6 : i32
        %add3A_691 = arith.addi %mul3A_600, %add3A_690 : i32
        %get3A_692 = arith.constant 0 : i32
        %get3A_693 = arith.constant 0 : i32
        %get3A_694 = tpu.memref_slice %arg7[%scan3A_461, %get3A_692, %get3A_693] : memref<4x1024x16xf32, #tpu.memory_space<vmem>> -> memref<1x1024x16xf32, #tpu.memory_space<vmem>>
        %get3A_695 = tpu.memref_squeeze %get3A_694 : memref<1x1024x16xf32, #tpu.memory_space<vmem>> -> memref<1024x16xf32, #tpu.memory_space<vmem>>
        %get3A_696 = arith.index_cast %add3A_691 : i32 to index
        %get3A_697 = arith.constant 0 : index
        %get3A_698 = tpu.vector_load %get3A_695[%get3A_696, %get3A_697] {strides = array<i32>} : memref<1024x16xf32, #tpu.memory_space<vmem>>, vector<16xf32>,
        %add3A_699 = arith.constant 6 : i32
        %add3A_700 = arith.addi %mul3A_600, %add3A_699 : i32
        %get3A_701 = arith.index_cast %add3A_700 : i32 to index
        %get3A_702 = arith.constant 0 : index
        %get3A_703 = tpu.vector_load %arg9[%get3A_701, %get3A_702] {strides = array<i32>} : memref<1024x16xf32, #tpu.memory_space<vmem>>, vector<16xf32>,
        %add3A_704 = arith.addf %get3A_698, %get3A_703 : vector<16xf32>
        %add3A_705 = arith.constant 7 : i32
        %add3A_706 = arith.addi %mul3A_600, %add3A_705 : i32
        %get3A_707 = arith.constant 0 : i32
        %get3A_708 = arith.constant 0 : i32
        %get3A_709 = tpu.memref_slice %arg7[%scan3A_461, %get3A_707, %get3A_708] : memref<4x1024x16xf32, #tpu.memory_space<vmem>> -> memref<1x1024x16xf32, #tpu.memory_space<vmem>>
        %get3A_710 = tpu.memref_squeeze %get3A_709 : memref<1x1024x16xf32, #tpu.memory_space<vmem>> -> memref<1024x16xf32, #tpu.memory_space<vmem>>
        %get3A_711 = arith.index_cast %add3A_706 : i32 to index
        %get3A_712 = arith.constant 0 : index
        %get3A_713 = tpu.vector_load %get3A_710[%get3A_711, %get3A_712] {strides = array<i32>} : memref<1024x16xf32, #tpu.memory_space<vmem>>, vector<16xf32>,
        %add3A_714 = arith.constant 7 : i32
        %add3A_715 = arith.addi %mul3A_600, %add3A_714 : i32
        %get3A_716 = arith.index_cast %add3A_715 : i32 to index
        %get3A_717 = arith.constant 0 : index
        %get3A_718 = tpu.vector_load %arg9[%get3A_716, %get3A_717] {strides = array<i32>} : memref<1024x16xf32, #tpu.memory_space<vmem>>, vector<16xf32>,
        %add3A_719 = arith.addf %get3A_713, %get3A_718 : vector<16xf32>
        %add3A_720 = arith.constant 8 : i32
        %add3A_721 = arith.addi %mul3A_600, %add3A_720 : i32
        %get3A_722 = arith.constant 0 : i32
        %get3A_723 = arith.constant 0 : i32
        %get3A_724 = tpu.memref_slice %arg7[%scan3A_461, %get3A_722, %get3A_723] : memref<4x1024x16xf32, #tpu.memory_space<vmem>> -> memref<1x1024x16xf32, #tpu.memory_space<vmem>>
        %get3A_725 = tpu.memref_squeeze %get3A_724 : memref<1x1024x16xf32, #tpu.memory_space<vmem>> -> memref<1024x16xf32, #tpu.memory_space<vmem>>
        %get3A_726 = arith.index_cast %add3A_721 : i32 to index
        %get3A_727 = arith.constant 0 : index
        %get3A_728 = tpu.vector_load %get3A_725[%get3A_726, %get3A_727] {strides = array<i32>} : memref<1024x16xf32, #tpu.memory_space<vmem>>, vector<16xf32>,
        %add3A_729 = arith.constant 8 : i32
        %add3A_730 = arith.addi %mul3A_600, %add3A_729 : i32
        %get3A_731 = arith.index_cast %add3A_730 : i32 to index
        %get3A_732 = arith.constant 0 : index
        %get3A_733 = tpu.vector_load %arg9[%get3A_731, %get3A_732] {strides = array<i32>} : memref<1024x16xf32, #tpu.memory_space<vmem>>, vector<16xf32>,
        %add3A_734 = arith.addf %get3A_728, %get3A_733 : vector<16xf32>
        %add3A_735 = arith.constant 9 : i32
        %add3A_736 = arith.addi %mul3A_600, %add3A_735 : i32
        %get3A_737 = arith.constant 0 : i32
        %get3A_738 = arith.constant 0 : i32
        %get3A_739 = tpu.memref_slice %arg7[%scan3A_461, %get3A_737, %get3A_738] : memref<4x1024x16xf32, #tpu.memory_space<vmem>> -> memref<1x1024x16xf32, #tpu.memory_space<vmem>>
        %get3A_740 = tpu.memref_squeeze %get3A_739 : memref<1x1024x16xf32, #tpu.memory_space<vmem>> -> memref<1024x16xf32, #tpu.memory_space<vmem>>
        %get3A_741 = arith.index_cast %add3A_736 : i32 to index
        %get3A_742 = arith.constant 0 : index
        %get3A_743 = tpu.vector_load %get3A_740[%get3A_741, %get3A_742] {strides = array<i32>} : memref<1024x16xf32, #tpu.memory_space<vmem>>, vector<16xf32>,
        %add3A_744 = arith.constant 9 : i32
        %add3A_745 = arith.addi %mul3A_600, %add3A_744 : i32
        %get3A_746 = arith.index_cast %add3A_745 : i32 to index
        %get3A_747 = arith.constant 0 : index
        %get3A_748 = tpu.vector_load %arg9[%get3A_746, %get3A_747] {strides = array<i32>} : memref<1024x16xf32, #tpu.memory_space<vmem>>, vector<16xf32>,
        %add3A_749 = arith.addf %get3A_743, %get3A_748 : vector<16xf32>
        %add3A_750 = arith.constant 10 : i32
        %add3A_751 = arith.addi %mul3A_600, %add3A_750 : i32
        %get3A_752 = arith.constant 0 : i32
        %get3A_753 = arith.constant 0 : i32
        %get3A_754 = tpu.memref_slice %arg7[%scan3A_461, %get3A_752, %get3A_753] : memref<4x1024x16xf32, #tpu.memory_space<vmem>> -> memref<1x1024x16xf32, #tpu.memory_space<vmem>>
        %get3A_755 = tpu.memref_squeeze %get3A_754 : memref<1x1024x16xf32, #tpu.memory_space<vmem>> -> memref<1024x16xf32, #tpu.memory_space<vmem>>
        %get3A_756 = arith.index_cast %add3A_751 : i32 to index
        %get3A_757 = arith.constant 0 : index
        %get3A_758 = tpu.vector_load %get3A_755[%get3A_756, %get3A_757] {strides = array<i32>} : memref<1024x16xf32, #tpu.memory_space<vmem>>, vector<16xf32>,
        %add3A_759 = arith.constant 10 : i32
        %add3A_760 = arith.addi %mul3A_600, %add3A_759 : i32
        %get3A_761 = arith.index_cast %add3A_760 : i32 to index
        %get3A_762 = arith.constant 0 : index
        %get3A_763 = tpu.vector_load %arg9[%get3A_761, %get3A_762] {strides = array<i32>} : memref<1024x16xf32, #tpu.memory_space<vmem>>, vector<16xf32>,
        %add3A_764 = arith.addf %get3A_758, %get3A_763 : vector<16xf32>
        %add3A_765 = arith.constant 11 : i32
        %add3A_766 = arith.addi %mul3A_600, %add3A_765 : i32
        %get3A_767 = arith.constant 0 : i32
        %get3A_768 = arith.constant 0 : i32
        %get3A_769 = tpu.memref_slice %arg7[%scan3A_461, %get3A_767, %get3A_768] : memref<4x1024x16xf32, #tpu.memory_space<vmem>> -> memref<1x1024x16xf32, #tpu.memory_space<vmem>>
        %get3A_770 = tpu.memref_squeeze %get3A_769 : memref<1x1024x16xf32, #tpu.memory_space<vmem>> -> memref<1024x16xf32, #tpu.memory_space<vmem>>
        %get3A_771 = arith.index_cast %add3A_766 : i32 to index
        %get3A_772 = arith.constant 0 : index
        %get3A_773 = tpu.vector_load %get3A_770[%get3A_771, %get3A_772] {strides = array<i32>} : memref<1024x16xf32, #tpu.memory_space<vmem>>, vector<16xf32>,
        %add3A_774 = arith.constant 11 : i32
        %add3A_775 = arith.addi %mul3A_600, %add3A_774 : i32
        %get3A_776 = arith.index_cast %add3A_775 : i32 to index
        %get3A_777 = arith.constant 0 : index
        %get3A_778 = tpu.vector_load %arg9[%get3A_776, %get3A_777] {strides = array<i32>} : memref<1024x16xf32, #tpu.memory_space<vmem>>, vector<16xf32>,
        %add3A_779 = arith.addf %get3A_773, %get3A_778 : vector<16xf32>
        %add3A_780 = arith.constant 12 : i32
        %add3A_781 = arith.addi %mul3A_600, %add3A_780 : i32
        %get3A_782 = arith.constant 0 : i32
        %get3A_783 = arith.constant 0 : i32
        %get3A_784 = tpu.memref_slice %arg7[%scan3A_461, %get3A_782, %get3A_783] : memref<4x1024x16xf32, #tpu.memory_space<vmem>> -> memref<1x1024x16xf32, #tpu.memory_space<vmem>>
        %get3A_785 = tpu.memref_squeeze %get3A_784 : memref<1x1024x16xf32, #tpu.memory_space<vmem>> -> memref<1024x16xf32, #tpu.memory_space<vmem>>
        %get3A_786 = arith.index_cast %add3A_781 : i32 to index
        %get3A_787 = arith.constant 0 : index
        %get3A_788 = tpu.vector_load %get3A_785[%get3A_786, %get3A_787] {strides = array<i32>} : memref<1024x16xf32, #tpu.memory_space<vmem>>, vector<16xf32>,
        %add3A_789 = arith.constant 12 : i32
        %add3A_790 = arith.addi %mul3A_600, %add3A_789 : i32
        %get3A_791 = arith.index_cast %add3A_790 : i32 to index
        %get3A_792 = arith.constant 0 : index
        %get3A_793 = tpu.vector_load %arg9[%get3A_791, %get3A_792] {strides = array<i32>} : memref<1024x16xf32, #tpu.memory_space<vmem>>, vector<16xf32>,
        %add3A_794 = arith.addf %get3A_788, %get3A_793 : vector<16xf32>
        %add3A_795 = arith.constant 13 : i32
        %add3A_796 = arith.addi %mul3A_600, %add3A_795 : i32
        %get3A_797 = arith.constant 0 : i32
        %get3A_798 = arith.constant 0 : i32
        %get3A_799 = tpu.memref_slice %arg7[%scan3A_461, %get3A_797, %get3A_798] : memref<4x1024x16xf32, #tpu.memory_space<vmem>> -> memref<1x1024x16xf32, #tpu.memory_space<vmem>>
        %get3A_800 = tpu.memref_squeeze %get3A_799 : memref<1x1024x16xf32, #tpu.memory_space<vmem>> -> memref<1024x16xf32, #tpu.memory_space<vmem>>
        %get3A_801 = arith.index_cast %add3A_796 : i32 to index
        %get3A_802 = arith.constant 0 : index
        %get3A_803 = tpu.vector_load %get3A_800[%get3A_801, %get3A_802] {strides = array<i32>} : memref<1024x16xf32, #tpu.memory_space<vmem>>, vector<16xf32>,
        %add3A_804 = arith.constant 13 : i32
        %add3A_805 = arith.addi %mul3A_600, %add3A_804 : i32
        %get3A_806 = arith.index_cast %add3A_805 : i32 to index
        %get3A_807 = arith.constant 0 : index
        %get3A_808 = tpu.vector_load %arg9[%get3A_806, %get3A_807] {strides = array<i32>} : memref<1024x16xf32, #tpu.memory_space<vmem>>, vector<16xf32>,
        %add3A_809 = arith.addf %get3A_803, %get3A_808 : vector<16xf32>
        %add3A_810 = arith.constant 14 : i32
        %add3A_811 = arith.addi %mul3A_600, %add3A_810 : i32
        %get3A_812 = arith.constant 0 : i32
        %get3A_813 = arith.constant 0 : i32
        %get3A_814 = tpu.memref_slice %arg7[%scan3A_461, %get3A_812, %get3A_813] : memref<4x1024x16xf32, #tpu.memory_space<vmem>> -> memref<1x1024x16xf32, #tpu.memory_space<vmem>>
        %get3A_815 = tpu.memref_squeeze %get3A_814 : memref<1x1024x16xf32, #tpu.memory_space<vmem>> -> memref<1024x16xf32, #tpu.memory_space<vmem>>
        %get3A_816 = arith.index_cast %add3A_811 : i32 to index
        %get3A_817 = arith.constant 0 : index
        %get3A_818 = tpu.vector_load %get3A_815[%get3A_816, %get3A_817] {strides = array<i32>} : memref<1024x16xf32, #tpu.memory_space<vmem>>, vector<16xf32>,
        %add3A_819 = arith.constant 14 : i32
        %add3A_820 = arith.addi %mul3A_600, %add3A_819 : i32
        %get3A_821 = arith.index_cast %add3A_820 : i32 to index
        %get3A_822 = arith.constant 0 : index
        %get3A_823 = tpu.vector_load %arg9[%get3A_821, %get3A_822] {strides = array<i32>} : memref<1024x16xf32, #tpu.memory_space<vmem>>, vector<16xf32>,
        %add3A_824 = arith.addf %get3A_818, %get3A_823 : vector<16xf32>
        %add3A_825 = arith.constant 15 : i32
        %add3A_826 = arith.addi %mul3A_600, %add3A_825 : i32
        %get3A_827 = arith.constant 0 : i32
        %get3A_828 = arith.constant 0 : i32
        %get3A_829 = tpu.memref_slice %arg7[%scan3A_461, %get3A_827, %get3A_828] : memref<4x1024x16xf32, #tpu.memory_space<vmem>> -> memref<1x1024x16xf32, #tpu.memory_space<vmem>>
        %get3A_830 = tpu.memref_squeeze %get3A_829 : memref<1x1024x16xf32, #tpu.memory_space<vmem>> -> memref<1024x16xf32, #tpu.memory_space<vmem>>
        %get3A_831 = arith.index_cast %add3A_826 : i32 to index
        %get3A_832 = arith.constant 0 : index
        %get3A_833 = tpu.vector_load %get3A_830[%get3A_831, %get3A_832] {strides = array<i32>} : memref<1024x16xf32, #tpu.memory_space<vmem>>, vector<16xf32>,
        %add3A_834 = arith.constant 15 : i32
        %add3A_835 = arith.addi %mul3A_600, %add3A_834 : i32
        %get3A_836 = arith.index_cast %add3A_835 : i32 to index
        %get3A_837 = arith.constant 0 : index
        %get3A_838 = tpu.vector_load %arg9[%get3A_836, %get3A_837] {strides = array<i32>} : memref<1024x16xf32, #tpu.memory_space<vmem>>, vector<16xf32>,
        %add3A_839 = arith.addf %get3A_833, %get3A_838 : vector<16xf32>
        %swap3A = arith.constant 0 : index
        %swap3A_840 = tpu.vector_load %arg10[%swap3A] {strides = array<i32>} : memref<280xf32, #tpu.memory_space<vmem>>, vector<16xf32>,
        tpu.vector_store %arg10[%swap3A], %add3A_614 {strides = array<i32>} : memref<280xf32, #tpu.memory_space<vmem>>, vector<16xf32>,
        %swap3A_841 = arith.constant 17 : index
        %swap3A_842 = tpu.vector_load %arg10[%swap3A_841] {strides = array<i32>} : memref<280xf32, #tpu.memory_space<vmem>>, vector<16xf32>,
        tpu.vector_store %arg10[%swap3A_841], %add3A_629 {strides = array<i32>} : memref<280xf32, #tpu.memory_space<vmem>>, vector<16xf32>,
        %swap3A_843 = arith.constant 34 : index
        %swap3A_844 = tpu.vector_load %arg10[%swap3A_843] {strides = array<i32>} : memref<280xf32, #tpu.memory_space<vmem>>, vector<16xf32>,
        tpu.vector_store %arg10[%swap3A_843], %add3A_644 {strides = array<i32>} : memref<280xf32, #tpu.memory_space<vmem>>, vector<16xf32>,
        %swap3A_845 = arith.constant 51 : index
        %swap3A_846 = tpu.vector_load %arg10[%swap3A_845] {strides = array<i32>} : memref<280xf32, #tpu.memory_space<vmem>>, vector<16xf32>,
        tpu.vector_store %arg10[%swap3A_845], %add3A_659 {strides = array<i32>} : memref<280xf32, #tpu.memory_space<vmem>>, vector<16xf32>,
        %swap3A_847 = arith.constant 68 : index
        %swap3A_848 = tpu.vector_load %arg10[%swap3A_847] {strides = array<i32>} : memref<280xf32, #tpu.memory_space<vmem>>, vector<16xf32>,
        tpu.vector_store %arg10[%swap3A_847], %add3A_674 {strides = array<i32>} : memref<280xf32, #tpu.memory_space<vmem>>, vector<16xf32>,
        %swap3A_849 = arith.constant 85 : index
        %swap3A_850 = tpu.vector_load %arg10[%swap3A_849] {strides = array<i32>} : memref<280xf32, #tpu.memory_space<vmem>>, vector<16xf32>,
        tpu.vector_store %arg10[%swap3A_849], %add3A_689 {strides = array<i32>} : memref<280xf32, #tpu.memory_space<vmem>>, vector<16xf32>,
        %swap3A_851 = arith.constant 102 : index
        %swap3A_852 = tpu.vector_load %arg10[%swap3A_851] {strides = array<i32>} : memref<280xf32, #tpu.memory_space<vmem>>, vector<16xf32>,
        tpu.vector_store %arg10[%swap3A_851], %add3A_704 {strides = array<i32>} : memref<280xf32, #tpu.memory_space<vmem>>, vector<16xf32>,
        %swap3A_853 = arith.constant 119 : index
        %swap3A_854 = tpu.vector_load %arg10[%swap3A_853] {strides = array<i32>} : memref<280xf32, #tpu.memory_space<vmem>>, vector<16xf32>,
        tpu.vector_store %arg10[%swap3A_853], %add3A_719 {strides = array<i32>} : memref<280xf32, #tpu.memory_space<vmem>>, vector<16xf32>,
        %swap3A_855 = arith.constant 136 : index
        %swap3A_856 = tpu.vector_load %arg10[%swap3A_855] {strides = array<i32>} : memref<280xf32, #tpu.memory_space<vmem>>, vector<16xf32>,
        tpu.vector_store %arg10[%swap3A_855], %add3A_734 {strides = array<i32>} : memref<280xf32, #tpu.memory_space<vmem>>, vector<16xf32>,
        %swap3A_857 = arith.constant 153 : index
        %swap3A_858 = tpu.vector_load %arg10[%swap3A_857] {strides = array<i32>} : memref<280xf32, #tpu.memory_space<vmem>>, vector<16xf32>,
        tpu.vector_store %arg10[%swap3A_857], %add3A_749 {strides = array<i32>} : memref<280xf32, #tpu.memory_space<vmem>>, vector<16xf32>,
        %swap3A_859 = arith.constant 170 : index
        %swap3A_860 = tpu.vector_load %arg10[%swap3A_859] {strides = array<i32>} : memref<280xf32, #tpu.memory_space<vmem>>, vector<16xf32>,
        tpu.vector_store %arg10[%swap3A_859], %add3A_764 {strides = array<i32>} : memref<280xf32, #tpu.memory_space<vmem>>, vector<16xf32>,
        %swap3A_861 = arith.constant 187 : index
        %swap3A_862 = tpu.vector_load %arg10[%swap3A_861] {strides = array<i32>} : memref<280xf32, #tpu.memory_space<vmem>>, vector<16xf32>,
        tpu.vector_store %arg10[%swap3A_861], %add3A_779 {strides = array<i32>} : memref<280xf32, #tpu.memory_space<vmem>>, vector<16xf32>,
        %swap3A_863 = arith.constant 204 : index
        %swap3A_864 = tpu.vector_load %arg10[%swap3A_863] {strides = array<i32>} : memref<280xf32, #tpu.memory_space<vmem>>, vector<16xf32>,
        tpu.vector_store %arg10[%swap3A_863], %add3A_794 {strides = array<i32>} : memref<280xf32, #tpu.memory_space<vmem>>, vector<16xf32>,
        %swap3A_865 = arith.constant 221 : index
        %swap3A_866 = tpu.vector_load %arg10[%swap3A_865] {strides = array<i32>} : memref<280xf32, #tpu.memory_space<vmem>>, vector<16xf32>,
        tpu.vector_store %arg10[%swap3A_865], %add3A_809 {strides = array<i32>} : memref<280xf32, #tpu.memory_space<vmem>>, vector<16xf32>,
        %swap3A_867 = arith.constant 238 : index
        %swap3A_868 = tpu.vector_load %arg10[%swap3A_867] {strides = array<i32>} : memref<280xf32, #tpu.memory_space<vmem>>, vector<16xf32>,
        tpu.vector_store %arg10[%swap3A_867], %add3A_824 {strides = array<i32>} : memref<280xf32, #tpu.memory_space<vmem>>, vector<16xf32>,
        %swap3A_869 = arith.constant 255 : index
        %swap3A_870 = tpu.vector_load %arg10[%swap3A_869] {strides = array<i32>} : memref<280xf32, #tpu.memory_space<vmem>>, vector<16xf32>,
        tpu.vector_store %arg10[%swap3A_869], %add3A_839 {strides = array<i32>} : memref<280xf32, #tpu.memory_space<vmem>>, vector<16xf32>,
        %shift_right_arithmetic3A = arith.constant 3 : i32
        %shift_right_arithmetic3A_871 = arith.shrsi %scan3A_598, %shift_right_arithmetic3A : i32
        %mul3A_872 = arith.constant 1024 : i32
        %mul3A_873 = arith.muli %shift_right_arithmetic3A_871, %mul3A_872 : i32
        %and3A = arith.constant 7 : i32
        %and3A_874 = arith.andi %scan3A_598, %and3A : i32
        %mul3A_875 = arith.constant 16 : i32
        %mul3A_876 = arith.muli %and3A_874, %mul3A_875 : i32
        %add3A_877 = arith.addi %mul3A_873, %mul3A_876 : i32
        %add3A_878 = arith.constant 0 : i32
        %add3A_879 = vector.broadcast %add3A_878 : i32 to vector<16xi32>
        %add3A_880 = arith.addi %mul3A_5, %add3A_879 : vector<16xi32>
        %gather3A = tpu.vector_load_idx %arg10[%add3A_880] : memref<280xf32, #tpu.memory_space<vmem>>[vector<16xi32>], vector<16xf32>,
        %add3A_881 = arith.constant 1 : i32
        %add3A_882 = vector.broadcast %add3A_881 : i32 to vector<16xi32>
        %add3A_883 = arith.addi %mul3A_5, %add3A_882 : vector<16xi32>
        %gather3A_884 = tpu.vector_load_idx %arg10[%add3A_883] : memref<280xf32, #tpu.memory_space<vmem>>[vector<16xi32>], vector<16xf32>,
        %add3A_885 = arith.constant 2 : i32
        %add3A_886 = vector.broadcast %add3A_885 : i32 to vector<16xi32>
        %add3A_887 = arith.addi %mul3A_5, %add3A_886 : vector<16xi32>
        %gather3A_888 = tpu.vector_load_idx %arg10[%add3A_887] : memref<280xf32, #tpu.memory_space<vmem>>[vector<16xi32>], vector<16xf32>,
        %add3A_889 = arith.constant 3 : i32
        %add3A_890 = vector.broadcast %add3A_889 : i32 to vector<16xi32>
        %add3A_891 = arith.addi %mul3A_5, %add3A_890 : vector<16xi32>
        %gather3A_892 = tpu.vector_load_idx %arg10[%add3A_891] : memref<280xf32, #tpu.memory_space<vmem>>[vector<16xi32>], vector<16xf32>,
        %add3A_893 = arith.constant 4 : i32
        %add3A_894 = vector.broadcast %add3A_893 : i32 to vector<16xi32>
        %add3A_895 = arith.addi %mul3A_5, %add3A_894 : vector<16xi32>
        %gather3A_896 = tpu.vector_load_idx %arg10[%add3A_895] : memref<280xf32, #tpu.memory_space<vmem>>[vector<16xi32>], vector<16xf32>,
        %add3A_897 = arith.constant 5 : i32
        %add3A_898 = vector.broadcast %add3A_897 : i32 to vector<16xi32>
        %add3A_899 = arith.addi %mul3A_5, %add3A_898 : vector<16xi32>
        %gather3A_900 = tpu.vector_load_idx %arg10[%add3A_899] : memref<280xf32, #tpu.memory_space<vmem>>[vector<16xi32>], vector<16xf32>,
        %add3A_901 = arith.constant 6 : i32
        %add3A_902 = vector.broadcast %add3A_901 : i32 to vector<16xi32>
        %add3A_903 = arith.addi %mul3A_5, %add3A_902 : vector<16xi32>
        %gather3A_904 = tpu.vector_load_idx %arg10[%add3A_903] : memref<280xf32, #tpu.memory_space<vmem>>[vector<16xi32>], vector<16xf32>,
        %add3A_905 = arith.constant 7 : i32
        %add3A_906 = vector.broadcast %add3A_905 : i32 to vector<16xi32>
        %add3A_907 = arith.addi %mul3A_5, %add3A_906 : vector<16xi32>
        %gather3A_908 = tpu.vector_load_idx %arg10[%add3A_907] : memref<280xf32, #tpu.memory_space<vmem>>[vector<16xi32>], vector<16xf32>,
        %add3A_909 = arith.constant 8 : i32
        %add3A_910 = vector.broadcast %add3A_909 : i32 to vector<16xi32>
        %add3A_911 = arith.addi %mul3A_5, %add3A_910 : vector<16xi32>
        %gather3A_912 = tpu.vector_load_idx %arg10[%add3A_911] : memref<280xf32, #tpu.memory_space<vmem>>[vector<16xi32>], vector<16xf32>,
        %add3A_913 = arith.constant 9 : i32
        %add3A_914 = vector.broadcast %add3A_913 : i32 to vector<16xi32>
        %add3A_915 = arith.addi %mul3A_5, %add3A_914 : vector<16xi32>
        %gather3A_916 = tpu.vector_load_idx %arg10[%add3A_915] : memref<280xf32, #tpu.memory_space<vmem>>[vector<16xi32>], vector<16xf32>,
        %add3A_917 = arith.constant 10 : i32
        %add3A_918 = vector.broadcast %add3A_917 : i32 to vector<16xi32>
        %add3A_919 = arith.addi %mul3A_5, %add3A_918 : vector<16xi32>
        %gather3A_920 = tpu.vector_load_idx %arg10[%add3A_919] : memref<280xf32, #tpu.memory_space<vmem>>[vector<16xi32>], vector<16xf32>,
        %add3A_921 = arith.constant 11 : i32
        %add3A_922 = vector.broadcast %add3A_921 : i32 to vector<16xi32>
        %add3A_923 = arith.addi %mul3A_5, %add3A_922 : vector<16xi32>
        %gather3A_924 = tpu.vector_load_idx %arg10[%add3A_923] : memref<280xf32, #tpu.memory_space<vmem>>[vector<16xi32>], vector<16xf32>,
        %add3A_925 = arith.constant 12 : i32
        %add3A_926 = vector.broadcast %add3A_925 : i32 to vector<16xi32>
        %add3A_927 = arith.addi %mul3A_5, %add3A_926 : vector<16xi32>
        %gather3A_928 = tpu.vector_load_idx %arg10[%add3A_927] : memref<280xf32, #tpu.memory_space<vmem>>[vector<16xi32>], vector<16xf32>,
        %add3A_929 = arith.constant 13 : i32
        %add3A_930 = vector.broadcast %add3A_929 : i32 to vector<16xi32>
        %add3A_931 = arith.addi %mul3A_5, %add3A_930 : vector<16xi32>
        %gather3A_932 = tpu.vector_load_idx %arg10[%add3A_931] : memref<280xf32, #tpu.memory_space<vmem>>[vector<16xi32>], vector<16xf32>,
        %add3A_933 = arith.constant 14 : i32
        %add3A_934 = vector.broadcast %add3A_933 : i32 to vector<16xi32>
        %add3A_935 = arith.addi %mul3A_5, %add3A_934 : vector<16xi32>
        %gather3A_936 = tpu.vector_load_idx %arg10[%add3A_935] : memref<280xf32, #tpu.memory_space<vmem>>[vector<16xi32>], vector<16xf32>,
        %add3A_937 = arith.constant 15 : i32
        %add3A_938 = vector.broadcast %add3A_937 : i32 to vector<16xi32>
        %add3A_939 = arith.addi %mul3A_5, %add3A_938 : vector<16xi32>
        %gather3A_940 = tpu.vector_load_idx %arg10[%add3A_939] : memref<280xf32, #tpu.memory_space<vmem>>[vector<16xi32>], vector<16xf32>,
        %add3A_941 = arith.constant 0 : i32
        %add3A_942 = arith.addi %add3A_877, %add3A_941 : i32
        %add3A_943 = arith.constant 0 : i32
        %add3A_944 = arith.addi %add3A_942, %add3A_943 : i32
        %swap3A_945 = arith.constant 0 : i32
        %swap3A_946 = tpu.memref_slice %arg8[%scan3A_462, %swap3A_945] : memref<2x16384xf32, #tpu.memory_space<vmem>> -> memref<1x16384xf32, #tpu.memory_space<vmem>>
        %swap3A_947 = tpu.memref_squeeze %swap3A_946 : memref<1x16384xf32, #tpu.memory_space<vmem>> -> memref<16384xf32, #tpu.memory_space<vmem>>
        %swap3A_948 = arith.index_cast %add3A_944 : i32 to index
        %swap3A_949 = tpu.vector_load %swap3A_947[%swap3A_948] {strides = array<i32>} : memref<16384xf32, #tpu.memory_space<vmem>>, vector<16xf32>,
        tpu.vector_store %swap3A_947[%swap3A_948], %gather3A {strides = array<i32>} : memref<16384xf32, #tpu.memory_space<vmem>>, vector<16xf32>,
        %add3A_950 = arith.constant 0 : i32
        %add3A_951 = arith.addi %add3A_877, %add3A_950 : i32
        %add3A_952 = arith.constant 128 : i32
        %add3A_953 = arith.addi %add3A_951, %add3A_952 : i32
        %swap3A_954 = arith.constant 0 : i32
        %swap3A_955 = tpu.memref_slice %arg8[%scan3A_462, %swap3A_954] : memref<2x16384xf32, #tpu.memory_space<vmem>> -> memref<1x16384xf32, #tpu.memory_space<vmem>>
        %swap3A_956 = tpu.memref_squeeze %swap3A_955 : memref<1x16384xf32, #tpu.memory_space<vmem>> -> memref<16384xf32, #tpu.memory_space<vmem>>
        %swap3A_957 = arith.index_cast %add3A_953 : i32 to index
        %swap3A_958 = tpu.vector_load %swap3A_956[%swap3A_957] {strides = array<i32>} : memref<16384xf32, #tpu.memory_space<vmem>>, vector<16xf32>,
        tpu.vector_store %swap3A_956[%swap3A_957], %gather3A_884 {strides = array<i32>} : memref<16384xf32, #tpu.memory_space<vmem>>, vector<16xf32>,
        %add3A_959 = arith.constant 0 : i32
        %add3A_960 = arith.addi %add3A_877, %add3A_959 : i32
        %add3A_961 = arith.constant 256 : i32
        %add3A_962 = arith.addi %add3A_960, %add3A_961 : i32
        %swap3A_963 = arith.constant 0 : i32
        %swap3A_964 = tpu.memref_slice %arg8[%scan3A_462, %swap3A_963] : memref<2x16384xf32, #tpu.memory_space<vmem>> -> memref<1x16384xf32, #tpu.memory_space<vmem>>
        %swap3A_965 = tpu.memref_squeeze %swap3A_964 : memref<1x16384xf32, #tpu.memory_space<vmem>> -> memref<16384xf32, #tpu.memory_space<vmem>>
        %swap3A_966 = arith.index_cast %add3A_962 : i32 to index
        %swap3A_967 = tpu.vector_load %swap3A_965[%swap3A_966] {strides = array<i32>} : memref<16384xf32, #tpu.memory_space<vmem>>, vector<16xf32>,
        tpu.vector_store %swap3A_965[%swap3A_966], %gather3A_888 {strides = array<i32>} : memref<16384xf32, #tpu.memory_space<vmem>>, vector<16xf32>,
        %add3A_968 = arith.constant 0 : i32
        %add3A_969 = arith.addi %add3A_877, %add3A_968 : i32
        %add3A_970 = arith.constant 384 : i32
        %add3A_971 = arith.addi %add3A_969, %add3A_970 : i32
        %swap3A_972 = arith.constant 0 : i32
        %swap3A_973 = tpu.memref_slice %arg8[%scan3A_462, %swap3A_972] : memref<2x16384xf32, #tpu.memory_space<vmem>> -> memref<1x16384xf32, #tpu.memory_space<vmem>>
        %swap3A_974 = tpu.memref_squeeze %swap3A_973 : memref<1x16384xf32, #tpu.memory_space<vmem>> -> memref<16384xf32, #tpu.memory_space<vmem>>
        %swap3A_975 = arith.index_cast %add3A_971 : i32 to index
        %swap3A_976 = tpu.vector_load %swap3A_974[%swap3A_975] {strides = array<i32>} : memref<16384xf32, #tpu.memory_space<vmem>>, vector<16xf32>,
        tpu.vector_store %swap3A_974[%swap3A_975], %gather3A_892 {strides = array<i32>} : memref<16384xf32, #tpu.memory_space<vmem>>, vector<16xf32>,
        %add3A_977 = arith.constant 0 : i32
        %add3A_978 = arith.addi %add3A_877, %add3A_977 : i32
        %add3A_979 = arith.constant 512 : i32
        %add3A_980 = arith.addi %add3A_978, %add3A_979 : i32
        %swap3A_981 = arith.constant 0 : i32
        %swap3A_982 = tpu.memref_slice %arg8[%scan3A_462, %swap3A_981] : memref<2x16384xf32, #tpu.memory_space<vmem>> -> memref<1x16384xf32, #tpu.memory_space<vmem>>
        %swap3A_983 = tpu.memref_squeeze %swap3A_982 : memref<1x16384xf32, #tpu.memory_space<vmem>> -> memref<16384xf32, #tpu.memory_space<vmem>>
        %swap3A_984 = arith.index_cast %add3A_980 : i32 to index
        %swap3A_985 = tpu.vector_load %swap3A_983[%swap3A_984] {strides = array<i32>} : memref<16384xf32, #tpu.memory_space<vmem>>, vector<16xf32>,
        tpu.vector_store %swap3A_983[%swap3A_984], %gather3A_896 {strides = array<i32>} : memref<16384xf32, #tpu.memory_space<vmem>>, vector<16xf32>,
        %add3A_986 = arith.constant 0 : i32
        %add3A_987 = arith.addi %add3A_877, %add3A_986 : i32
        %add3A_988 = arith.constant 640 : i32
        %add3A_989 = arith.addi %add3A_987, %add3A_988 : i32
        %swap3A_990 = arith.constant 0 : i32
        %swap3A_991 = tpu.memref_slice %arg8[%scan3A_462, %swap3A_990] : memref<2x16384xf32, #tpu.memory_space<vmem>> -> memref<1x16384xf32, #tpu.memory_space<vmem>>
        %swap3A_992 = tpu.memref_squeeze %swap3A_991 : memref<1x16384xf32, #tpu.memory_space<vmem>> -> memref<16384xf32, #tpu.memory_space<vmem>>
        %swap3A_993 = arith.index_cast %add3A_989 : i32 to index
        %swap3A_994 = tpu.vector_load %swap3A_992[%swap3A_993] {strides = array<i32>} : memref<16384xf32, #tpu.memory_space<vmem>>, vector<16xf32>,
        tpu.vector_store %swap3A_992[%swap3A_993], %gather3A_900 {strides = array<i32>} : memref<16384xf32, #tpu.memory_space<vmem>>, vector<16xf32>,
        %add3A_995 = arith.constant 0 : i32
        %add3A_996 = arith.addi %add3A_877, %add3A_995 : i32
        %add3A_997 = arith.constant 768 : i32
        %add3A_998 = arith.addi %add3A_996, %add3A_997 : i32
        %swap3A_999 = arith.constant 0 : i32
        %swap3A_1000 = tpu.memref_slice %arg8[%scan3A_462, %swap3A_999] : memref<2x16384xf32, #tpu.memory_space<vmem>> -> memref<1x16384xf32, #tpu.memory_space<vmem>>
        %swap3A_1001 = tpu.memref_squeeze %swap3A_1000 : memref<1x16384xf32, #tpu.memory_space<vmem>> -> memref<16384xf32, #tpu.memory_space<vmem>>
        %swap3A_1002 = arith.index_cast %add3A_998 : i32 to index
        %swap3A_1003 = tpu.vector_load %swap3A_1001[%swap3A_1002] {strides = array<i32>} : memref<16384xf32, #tpu.memory_space<vmem>>, vector<16xf32>,
        tpu.vector_store %swap3A_1001[%swap3A_1002], %gather3A_904 {strides = array<i32>} : memref<16384xf32, #tpu.memory_space<vmem>>, vector<16xf32>,
        %add3A_1004 = arith.constant 0 : i32
        %add3A_1005 = arith.addi %add3A_877, %add3A_1004 : i32
        %add3A_1006 = arith.constant 896 : i32
        %add3A_1007 = arith.addi %add3A_1005, %add3A_1006 : i32
        %swap3A_1008 = arith.constant 0 : i32
        %swap3A_1009 = tpu.memref_slice %arg8[%scan3A_462, %swap3A_1008] : memref<2x16384xf32, #tpu.memory_space<vmem>> -> memref<1x16384xf32, #tpu.memory_space<vmem>>
        %swap3A_1010 = tpu.memref_squeeze %swap3A_1009 : memref<1x16384xf32, #tpu.memory_space<vmem>> -> memref<16384xf32, #tpu.memory_space<vmem>>
        %swap3A_1011 = arith.index_cast %add3A_1007 : i32 to index
        %swap3A_1012 = tpu.vector_load %swap3A_1010[%swap3A_1011] {strides = array<i32>} : memref<16384xf32, #tpu.memory_space<vmem>>, vector<16xf32>,
        tpu.vector_store %swap3A_1010[%swap3A_1011], %gather3A_908 {strides = array<i32>} : memref<16384xf32, #tpu.memory_space<vmem>>, vector<16xf32>,
        %add3A_1013 = arith.constant 8192 : i32
        %add3A_1014 = arith.addi %add3A_877, %add3A_1013 : i32
        %add3A_1015 = arith.constant 0 : i32
        %add3A_1016 = arith.addi %add3A_1014, %add3A_1015 : i32
        %swap3A_1017 = arith.constant 0 : i32
        %swap3A_1018 = tpu.memref_slice %arg8[%scan3A_462, %swap3A_1017] : memref<2x16384xf32, #tpu.memory_space<vmem>> -> memref<1x16384xf32, #tpu.memory_space<vmem>>
        %swap3A_1019 = tpu.memref_squeeze %swap3A_1018 : memref<1x16384xf32, #tpu.memory_space<vmem>> -> memref<16384xf32, #tpu.memory_space<vmem>>
        %swap3A_1020 = arith.index_cast %add3A_1016 : i32 to index
        %swap3A_1021 = tpu.vector_load %swap3A_1019[%swap3A_1020] {strides = array<i32>} : memref<16384xf32, #tpu.memory_space<vmem>>, vector<16xf32>,
        tpu.vector_store %swap3A_1019[%swap3A_1020], %gather3A_912 {strides = array<i32>} : memref<16384xf32, #tpu.memory_space<vmem>>, vector<16xf32>,
        %add3A_1022 = arith.constant 8192 : i32
        %add3A_1023 = arith.addi %add3A_877, %add3A_1022 : i32
        %add3A_1024 = arith.constant 128 : i32
        %add3A_1025 = arith.addi %add3A_1023, %add3A_1024 : i32
        %swap3A_1026 = arith.constant 0 : i32
        %swap3A_1027 = tpu.memref_slice %arg8[%scan3A_462, %swap3A_1026] : memref<2x16384xf32, #tpu.memory_space<vmem>> -> memref<1x16384xf32, #tpu.memory_space<vmem>>
        %swap3A_1028 = tpu.memref_squeeze %swap3A_1027 : memref<1x16384xf32, #tpu.memory_space<vmem>> -> memref<16384xf32, #tpu.memory_space<vmem>>
        %swap3A_1029 = arith.index_cast %add3A_1025 : i32 to index
        %swap3A_1030 = tpu.vector_load %swap3A_1028[%swap3A_1029] {strides = array<i32>} : memref<16384xf32, #tpu.memory_space<vmem>>, vector<16xf32>,
        tpu.vector_store %swap3A_1028[%swap3A_1029], %gather3A_916 {strides = array<i32>} : memref<16384xf32, #tpu.memory_space<vmem>>, vector<16xf32>,
        %add3A_1031 = arith.constant 8192 : i32
        %add3A_1032 = arith.addi %add3A_877, %add3A_1031 : i32
        %add3A_1033 = arith.constant 256 : i32
        %add3A_1034 = arith.addi %add3A_1032, %add3A_1033 : i32
        %swap3A_1035 = arith.constant 0 : i32
        %swap3A_1036 = tpu.memref_slice %arg8[%scan3A_462, %swap3A_1035] : memref<2x16384xf32, #tpu.memory_space<vmem>> -> memref<1x16384xf32, #tpu.memory_space<vmem>>
        %swap3A_1037 = tpu.memref_squeeze %swap3A_1036 : memref<1x16384xf32, #tpu.memory_space<vmem>> -> memref<16384xf32, #tpu.memory_space<vmem>>
        %swap3A_1038 = arith.index_cast %add3A_1034 : i32 to index
        %swap3A_1039 = tpu.vector_load %swap3A_1037[%swap3A_1038] {strides = array<i32>} : memref<16384xf32, #tpu.memory_space<vmem>>, vector<16xf32>,
        tpu.vector_store %swap3A_1037[%swap3A_1038], %gather3A_920 {strides = array<i32>} : memref<16384xf32, #tpu.memory_space<vmem>>, vector<16xf32>,
        %add3A_1040 = arith.constant 8192 : i32
        %add3A_1041 = arith.addi %add3A_877, %add3A_1040 : i32
        %add3A_1042 = arith.constant 384 : i32
        %add3A_1043 = arith.addi %add3A_1041, %add3A_1042 : i32
        %swap3A_1044 = arith.constant 0 : i32
        %swap3A_1045 = tpu.memref_slice %arg8[%scan3A_462, %swap3A_1044] : memref<2x16384xf32, #tpu.memory_space<vmem>> -> memref<1x16384xf32, #tpu.memory_space<vmem>>
        %swap3A_1046 = tpu.memref_squeeze %swap3A_1045 : memref<1x16384xf32, #tpu.memory_space<vmem>> -> memref<16384xf32, #tpu.memory_space<vmem>>
        %swap3A_1047 = arith.index_cast %add3A_1043 : i32 to index
        %swap3A_1048 = tpu.vector_load %swap3A_1046[%swap3A_1047] {strides = array<i32>} : memref<16384xf32, #tpu.memory_space<vmem>>, vector<16xf32>,
        tpu.vector_store %swap3A_1046[%swap3A_1047], %gather3A_924 {strides = array<i32>} : memref<16384xf32, #tpu.memory_space<vmem>>, vector<16xf32>,
        %add3A_1049 = arith.constant 8192 : i32
        %add3A_1050 = arith.addi %add3A_877, %add3A_1049 : i32
        %add3A_1051 = arith.constant 512 : i32
        %add3A_1052 = arith.addi %add3A_1050, %add3A_1051 : i32
        %swap3A_1053 = arith.constant 0 : i32
        %swap3A_1054 = tpu.memref_slice %arg8[%scan3A_462, %swap3A_1053] : memref<2x16384xf32, #tpu.memory_space<vmem>> -> memref<1x16384xf32, #tpu.memory_space<vmem>>
        %swap3A_1055 = tpu.memref_squeeze %swap3A_1054 : memref<1x16384xf32, #tpu.memory_space<vmem>> -> memref<16384xf32, #tpu.memory_space<vmem>>
        %swap3A_1056 = arith.index_cast %add3A_1052 : i32 to index
        %swap3A_1057 = tpu.vector_load %swap3A_1055[%swap3A_1056] {strides = array<i32>} : memref<16384xf32, #tpu.memory_space<vmem>>, vector<16xf32>,
        tpu.vector_store %swap3A_1055[%swap3A_1056], %gather3A_928 {strides = array<i32>} : memref<16384xf32, #tpu.memory_space<vmem>>, vector<16xf32>,
        %add3A_1058 = arith.constant 8192 : i32
        %add3A_1059 = arith.addi %add3A_877, %add3A_1058 : i32
        %add3A_1060 = arith.constant 640 : i32
        %add3A_1061 = arith.addi %add3A_1059, %add3A_1060 : i32
        %swap3A_1062 = arith.constant 0 : i32
        %swap3A_1063 = tpu.memref_slice %arg8[%scan3A_462, %swap3A_1062] : memref<2x16384xf32, #tpu.memory_space<vmem>> -> memref<1x16384xf32, #tpu.memory_space<vmem>>
        %swap3A_1064 = tpu.memref_squeeze %swap3A_1063 : memref<1x16384xf32, #tpu.memory_space<vmem>> -> memref<16384xf32, #tpu.memory_space<vmem>>
        %swap3A_1065 = arith.index_cast %add3A_1061 : i32 to index
        %swap3A_1066 = tpu.vector_load %swap3A_1064[%swap3A_1065] {strides = array<i32>} : memref<16384xf32, #tpu.memory_space<vmem>>, vector<16xf32>,
        tpu.vector_store %swap3A_1064[%swap3A_1065], %gather3A_932 {strides = array<i32>} : memref<16384xf32, #tpu.memory_space<vmem>>, vector<16xf32>,
        %add3A_1067 = arith.constant 8192 : i32
        %add3A_1068 = arith.addi %add3A_877, %add3A_1067 : i32
        %add3A_1069 = arith.constant 768 : i32
        %add3A_1070 = arith.addi %add3A_1068, %add3A_1069 : i32
        %swap3A_1071 = arith.constant 0 : i32
        %swap3A_1072 = tpu.memref_slice %arg8[%scan3A_462, %swap3A_1071] : memref<2x16384xf32, #tpu.memory_space<vmem>> -> memref<1x16384xf32, #tpu.memory_space<vmem>>
        %swap3A_1073 = tpu.memref_squeeze %swap3A_1072 : memref<1x16384xf32, #tpu.memory_space<vmem>> -> memref<16384xf32, #tpu.memory_space<vmem>>
        %swap3A_1074 = arith.index_cast %add3A_1070 : i32 to index
        %swap3A_1075 = tpu.vector_load %swap3A_1073[%swap3A_1074] {strides = array<i32>} : memref<16384xf32, #tpu.memory_space<vmem>>, vector<16xf32>,
        tpu.vector_store %swap3A_1073[%swap3A_1074], %gather3A_936 {strides = array<i32>} : memref<16384xf32, #tpu.memory_space<vmem>>, vector<16xf32>,
        %add3A_1076 = arith.constant 8192 : i32
        %add3A_1077 = arith.addi %add3A_877, %add3A_1076 : i32
        %add3A_1078 = arith.constant 896 : i32
        %add3A_1079 = arith.addi %add3A_1077, %add3A_1078 : i32
        %swap3A_1080 = arith.constant 0 : i32
        %swap3A_1081 = tpu.memref_slice %arg8[%scan3A_462, %swap3A_1080] : memref<2x16384xf32, #tpu.memory_space<vmem>> -> memref<1x16384xf32, #tpu.memory_space<vmem>>
        %swap3A_1082 = tpu.memref_squeeze %swap3A_1081 : memref<1x16384xf32, #tpu.memory_space<vmem>> -> memref<16384xf32, #tpu.memory_space<vmem>>
        %swap3A_1083 = arith.index_cast %add3A_1079 : i32 to index
        %swap3A_1084 = tpu.vector_load %swap3A_1082[%swap3A_1083] {strides = array<i32>} : memref<16384xf32, #tpu.memory_space<vmem>>, vector<16xf32>,
        tpu.vector_store %swap3A_1082[%swap3A_1083], %gather3A_940 {strides = array<i32>} : memref<16384xf32, #tpu.memory_space<vmem>>, vector<16xf32>,
      }
      %scan3A_467 = arith.constant 64 : i32
      %add3A_468 = arith.addi %mul3A_2, %add3A_425 : i32
      %dma_start3A_469 = arith.constant 1 : i32
      %dma_start3A_470 = arith.constant 0 : i32
      %dma_start3A_471 = tpu.memref_slice %arg8[%dma_start3A_469, %dma_start3A_470] : memref<2x16384xf32, #tpu.memory_space<vmem>> -> memref<1x16384xf32, #tpu.memory_space<vmem>>
      %dma_start3A_472 = tpu.memref_squeeze %dma_start3A_471 : memref<1x16384xf32, #tpu.memory_space<vmem>> -> memref<16384xf32, #tpu.memory_space<vmem>>
      %dma_start3A_473 = arith.constant 0 : i32
      %dma_start3A_474 = tpu.memref_slice %arg5[%add3A_468, %dma_start3A_473] : memref<1024x16384xf32, #tpu.memory_space<hbm>> -> memref<1x16384xf32, #tpu.memory_space<hbm>>
      %dma_start3A_475 = tpu.memref_squeeze %dma_start3A_474 : memref<1x16384xf32, #tpu.memory_space<hbm>> -> memref<16384xf32, #tpu.memory_space<hbm>>
      %dma_start3A_476 = arith.constant 0 : i32
      %dma_start3A_477 = tpu.memref_slice %arg5[%add3A_468, %dma_start3A_476] : memref<1024x16384xf32, #tpu.memory_space<hbm>> -> memref<1x16384xf32, #tpu.memory_space<hbm>>
      %dma_start3A_478 = tpu.memref_squeeze %dma_start3A_477 : memref<1x16384xf32, #tpu.memory_space<hbm>> -> memref<16384xf32, #tpu.memory_space<hbm>>
      %dma_start3A_479 = arith.constant 0 : i32
      %dma_start3A_480 = tpu.memref_slice %arg8[%dma_start3A_469, %dma_start3A_479] : memref<2x16384xf32, #tpu.memory_space<vmem>> -> memref<1x16384xf32, #tpu.memory_space<vmem>>
      %dma_start3A_481 = tpu.memref_squeeze %dma_start3A_480 : memref<1x16384xf32, #tpu.memory_space<vmem>> -> memref<16384xf32, #tpu.memory_space<vmem>>
      tpu.enqueue_dma source(%dma_start3A_481 : memref<16384xf32, #tpu.memory_space<vmem>>) target(%dma_start3A_478 : memref<16384xf32, #tpu.memory_space<hbm>>) target_semaphore(%arg20 : memref<!tpu.dma_semaphore, #tpu.memory_space<semaphore_mem>>)
      %add3A_482 = arith.constant 2 : i32
      %add3A_483 = arith.addi %mul3A_369, %add3A_482 : i32
      %dma_wait3A_484 = arith.constant 2 : i32
      %dma_wait3A_485 = arith.constant 0 : i32
      %dma_wait3A_486 = arith.constant 0 : i32
      %dma_wait3A_487 = tpu.memref_slice %arg7[%dma_wait3A_484, %dma_wait3A_485, %dma_wait3A_486] : memref<4x1024x16xf32, #tpu.memory_space<vmem>> -> memref<1x1024x16xf32, #tpu.memory_space<vmem>>
      %dma_wait3A_488 = tpu.memref_squeeze %dma_wait3A_487 : memref<1x1024x16xf32, #tpu.memory_space<vmem>> -> memref<1024x16xf32, #tpu.memory_space<vmem>>
      %dma_wait3A_489 = arith.constant 0 : i32
      %dma_wait3A_490 = arith.constant 0 : i32
      %dma_wait3A_491 = tpu.memref_slice %arg3[%dma_wait3A_489, %dma_wait3A_490] : memref<50257x16xf32, #tpu.memory_space<hbm>> -> memref<1024x16xf32, #tpu.memory_space<hbm>>
      %dma_wait3A_492 = arith.constant 0 : i32
      %dma_wait3A_493 = arith.constant 0 : i32
      %dma_wait3A_494 = tpu.memref_slice %arg7[%dma_wait3A_484, %dma_wait3A_492, %dma_wait3A_493] : memref<4x1024x16xf32, #tpu.memory_space<vmem>> -> memref<1x1024x16xf32, #tpu.memory_space<vmem>>
      %dma_wait3A_495 = tpu.memref_squeeze %dma_wait3A_494 : memref<1x1024x16xf32, #tpu.memory_space<vmem>> -> memref<1024x16xf32, #tpu.memory_space<vmem>>
      %dma_wait3A_496 = arith.constant 0 : i32
      %dma_wait3A_497 = arith.constant 0 : i32
      %dma_wait3A_498 = tpu.memref_slice %arg3[%dma_wait3A_496, %dma_wait3A_497] : memref<50257x16xf32, #tpu.memory_space<hbm>> -> memref<1024x16xf32, #tpu.memory_space<hbm>>
      tpu.wait_dma2 semaphore(%arg17 : memref<!tpu.dma_semaphore, #tpu.memory_space<semaphore_mem>>) src(%dma_wait3A_498 : memref<1024x16xf32, #tpu.memory_space<hbm>>) dst(%dma_wait3A_495 : memref<1024x16xf32, #tpu.memory_space<vmem>>)
      %add3A_499 = arith.constant 4 : i32
      %add3A_500 = arith.addi %add3A_483, %add3A_499 : i32
      %lt3A_501 = arith.constant 32 : i32
      %lt3A_502 = arith.cmpi slt, %add3A_500, %lt3A_501 : i32
      %convert_element_type3A_503 = arith.extui %lt3A_502 : i1 to i32
      %cond3A_504 = arith.constant 0 : i32
      %cond3A_505 = arith.cmpi ne, %convert_element_type3A_503, %cond3A_504 : i32
      scf.if %cond3A_505 {
        %add3A_598 = arith.constant 4 : i32
        %add3A_599 = arith.addi %add3A_483, %add3A_598 : i32
        %add3A_600 = arith.addi %mul3A_2, %add3A_599 : i32
        %dma_start3A_601 = arith.constant 16 : i32
        %dma_start3A_602 = arith.constant 0 : i32
        %dma_start3A_603 = tpu.memref_slice %arg6[%dma_start3A_601, %dma_start3A_602] : memref<32x128xi32, #tpu.memory_space<vmem>> -> memref<8x128xi32, #tpu.memory_space<vmem>>
        %dma_start3A_604 = arith.constant 0 : i32
        %dma_start3A_605 = arith.constant 0 : i32
        %dma_start3A_606 = tpu.memref_slice %arg2[%add3A_600, %dma_start3A_604, %dma_start3A_605] : memref<1024x8x128xi32, #tpu.memory_space<hbm>> -> memref<1x8x128xi32, #tpu.memory_space<hbm>>
        %dma_start3A_607 = tpu.memref_squeeze %dma_start3A_606 : memref<1x8x128xi32, #tpu.memory_space<hbm>> -> memref<8x128xi32, #tpu.memory_space<hbm>>
        %dma_start3A_608 = arith.constant 16 : i32
        %dma_start3A_609 = arith.constant 0 : i32
        %dma_start3A_610 = tpu.memref_slice %arg6[%dma_start3A_608, %dma_start3A_609] : memref<32x128xi32, #tpu.memory_space<vmem>> -> memref<8x128xi32, #tpu.memory_space<vmem>>
        %dma_start3A_611 = arith.constant 0 : i32
        %dma_start3A_612 = arith.constant 0 : i32
        %dma_start3A_613 = tpu.memref_slice %arg2[%add3A_600, %dma_start3A_611, %dma_start3A_612] : memref<1024x8x128xi32, #tpu.memory_space<hbm>> -> memref<1x8x128xi32, #tpu.memory_space<hbm>>
        %dma_start3A_614 = tpu.memref_squeeze %dma_start3A_613 : memref<1x8x128xi32, #tpu.memory_space<hbm>> -> memref<8x128xi32, #tpu.memory_space<hbm>>
        tpu.enqueue_dma source(%dma_start3A_614 : memref<8x128xi32, #tpu.memory_space<hbm>>) target(%dma_start3A_610 : memref<8x128xi32, #tpu.memory_space<vmem>>) target_semaphore(%arg13 : memref<!tpu.dma_semaphore, #tpu.memory_space<semaphore_mem>>)
      } else {
      }
      %add3A_506 = arith.constant 2 : i32
      %add3A_507 = arith.addi %add3A_483, %add3A_506 : i32
      %lt3A_508 = arith.constant 32 : i32
      %lt3A_509 = arith.cmpi slt, %add3A_507, %lt3A_508 : i32
      %convert_element_type3A_510 = arith.extui %lt3A_509 : i1 to i32
      %cond3A_511 = arith.constant 0 : i32
      %cond3A_512 = arith.cmpi ne, %convert_element_type3A_510, %cond3A_511 : i32
      scf.if %cond3A_512 {
        %dma_wait3A_598 = arith.constant 0 : i32
        %dma_wait3A_599 = arith.constant 0 : i32
        %dma_wait3A_600 = tpu.memref_slice %arg6[%dma_wait3A_598, %dma_wait3A_599] : memref<32x128xi32, #tpu.memory_space<vmem>> -> memref<8x128xi32, #tpu.memory_space<vmem>>
        %dma_wait3A_601 = arith.constant 0 : i32
        %dma_wait3A_602 = arith.constant 0 : i32
        %dma_wait3A_603 = tpu.memref_slice %arg2[%mul3A_2, %dma_wait3A_601, %dma_wait3A_602] : memref<1024x8x128xi32, #tpu.memory_space<hbm>> -> memref<1x8x128xi32, #tpu.memory_space<hbm>>
        %dma_wait3A_604 = tpu.memref_squeeze %dma_wait3A_603 : memref<1x8x128xi32, #tpu.memory_space<hbm>> -> memref<8x128xi32, #tpu.memory_space<hbm>>
        %dma_wait3A_605 = arith.constant 0 : i32
        %dma_wait3A_606 = arith.constant 0 : i32
        %dma_wait3A_607 = tpu.memref_slice %arg6[%dma_wait3A_605, %dma_wait3A_606] : memref<32x128xi32, #tpu.memory_space<vmem>> -> memref<8x128xi32, #tpu.memory_space<vmem>>
        %dma_wait3A_608 = arith.constant 0 : i32
        %dma_wait3A_609 = arith.constant 0 : i32
        %dma_wait3A_610 = tpu.memref_slice %arg2[%mul3A_2, %dma_wait3A_608, %dma_wait3A_609] : memref<1024x8x128xi32, #tpu.memory_space<hbm>> -> memref<1x8x128xi32, #tpu.memory_space<hbm>>
        %dma_wait3A_611 = tpu.memref_squeeze %dma_wait3A_610 : memref<1x8x128xi32, #tpu.memory_space<hbm>> -> memref<8x128xi32, #tpu.memory_space<hbm>>
        tpu.wait_dma2 semaphore(%arg11 : memref<!tpu.dma_semaphore, #tpu.memory_space<semaphore_mem>>) src(%dma_wait3A_611 : memref<8x128xi32, #tpu.memory_space<hbm>>) dst(%dma_wait3A_607 : memref<8x128xi32, #tpu.memory_space<vmem>>)
        %dma_start3A_612 = arith.constant 0 : i32
        %dma_start3A_613 = arith.constant 0 : i32
        %dma_start3A_614 = arith.constant 0 : i32
        %dma_start3A_615 = arith.constant 0 : i32
        %dma_start3A_616 = tpu.memref_slice %arg7[%dma_start3A_613, %dma_start3A_614, %dma_start3A_615] : memref<4x1024x16xf32, #tpu.memory_space<vmem>> -> memref<1x1024x16xf32, #tpu.memory_space<vmem>>
        %dma_start3A_617 = tpu.memref_squeeze %dma_start3A_616 : memref<1x1024x16xf32, #tpu.memory_space<vmem>> -> memref<1024x16xf32, #tpu.memory_space<vmem>>
        %dma_start3A_618 = arith.constant 0 : i32
        %dma_start3A_619 = arith.constant 0 : i32
        %dma_start3A_620 = tpu.memref_slice %dma_start3A_617[%dma_start3A_618, %dma_start3A_619] : memref<1024x16xf32, #tpu.memory_space<vmem>> -> memref<128x16xf32, #tpu.memory_space<vmem>>
        %dma_start3A_621 = arith.constant 0 : i32
        %dma_start3A_622 = tpu.memref_slice %arg6[%dma_start3A_612, %dma_start3A_621] : memref<32x128xi32, #tpu.memory_space<vmem>> -> memref<1x128xi32, #tpu.memory_space<vmem>>
        %dma_start3A_623 = tpu.memref_squeeze %dma_start3A_622 : memref<1x128xi32, #tpu.memory_space<vmem>> -> memref<128xi32, #tpu.memory_space<vmem>>
        %dma_start3A_624 = arith.constant 0 : i32
        %dma_start3A_625 = arith.constant 0 : i32
        %dma_start3A_626 = tpu.memref_slice %arg3[%dma_start3A_624, %dma_start3A_625] : memref<50257x16xf32, #tpu.memory_space<hbm>> -> memref<50257x16xf32, #tpu.memory_space<hbm>>
        tpu.enqueue_indirect_dma source(%dma_start3A_626 : memref<50257x16xf32, #tpu.memory_space<hbm>>) target(%dma_start3A_620 : memref<128x16xf32, #tpu.memory_space<vmem>>) offsets(%dma_start3A_623 : memref<128xi32, #tpu.memory_space<vmem>>) semaphore(%arg15 : memref<!tpu.dma_semaphore, #tpu.memory_space<semaphore_mem>>)
        %dma_start3A_627 = arith.constant 1 : i32
        %dma_start3A_628 = arith.constant 0 : i32
        %dma_start3A_629 = arith.constant 0 : i32
        %dma_start3A_630 = arith.constant 0 : i32
        %dma_start3A_631 = tpu.memref_slice %arg7[%dma_start3A_628, %dma_start3A_629, %dma_start3A_630] : memref<4x1024x16xf32, #tpu.memory_space<vmem>> -> memref<1x1024x16xf32, #tpu.memory_space<vmem>>
        %dma_start3A_632 = tpu.memref_squeeze %dma_start3A_631 : memref<1x1024x16xf32, #tpu.memory_space<vmem>> -> memref<1024x16xf32, #tpu.memory_space<vmem>>
        %dma_start3A_633 = arith.constant 128 : i32
        %dma_start3A_634 = arith.constant 0 : i32
        %dma_start3A_635 = tpu.memref_slice %dma_start3A_632[%dma_start3A_633, %dma_start3A_634] : memref<1024x16xf32, #tpu.memory_space<vmem>> -> memref<128x16xf32, #tpu.memory_space<vmem>>
        %dma_start3A_636 = arith.constant 0 : i32
        %dma_start3A_637 = tpu.memref_slice %arg6[%dma_start3A_627, %dma_start3A_636] : memref<32x128xi32, #tpu.memory_space<vmem>> -> memref<1x128xi32, #tpu.memory_space<vmem>>
        %dma_start3A_638 = tpu.memref_squeeze %dma_start3A_637 : memref<1x128xi32, #tpu.memory_space<vmem>> -> memref<128xi32, #tpu.memory_space<vmem>>
        %dma_start3A_639 = arith.constant 0 : i32
        %dma_start3A_640 = arith.constant 0 : i32
        %dma_start3A_641 = tpu.memref_slice %arg3[%dma_start3A_639, %dma_start3A_640] : memref<50257x16xf32, #tpu.memory_space<hbm>> -> memref<50257x16xf32, #tpu.memory_space<hbm>>
        tpu.enqueue_indirect_dma source(%dma_start3A_641 : memref<50257x16xf32, #tpu.memory_space<hbm>>) target(%dma_start3A_635 : memref<128x16xf32, #tpu.memory_space<vmem>>) offsets(%dma_start3A_638 : memref<128xi32, #tpu.memory_space<vmem>>) semaphore(%arg15 : memref<!tpu.dma_semaphore, #tpu.memory_space<semaphore_mem>>)
        %dma_start3A_642 = arith.constant 2 : i32
        %dma_start3A_643 = arith.constant 0 : i32
        %dma_start3A_644 = arith.constant 0 : i32
        %dma_start3A_645 = arith.constant 0 : i32
        %dma_start3A_646 = tpu.memref_slice %arg7[%dma_start3A_643, %dma_start3A_644, %dma_start3A_645] : memref<4x1024x16xf32, #tpu.memory_space<vmem>> -> memref<1x1024x16xf32, #tpu.memory_space<vmem>>
        %dma_start3A_647 = tpu.memref_squeeze %dma_start3A_646 : memref<1x1024x16xf32, #tpu.memory_space<vmem>> -> memref<1024x16xf32, #tpu.memory_space<vmem>>
        %dma_start3A_648 = arith.constant 256 : i32
        %dma_start3A_649 = arith.constant 0 : i32
        %dma_start3A_650 = tpu.memref_slice %dma_start3A_647[%dma_start3A_648, %dma_start3A_649] : memref<1024x16xf32, #tpu.memory_space<vmem>> -> memref<128x16xf32, #tpu.memory_space<vmem>>
        %dma_start3A_651 = arith.constant 0 : i32
        %dma_start3A_652 = tpu.memref_slice %arg6[%dma_start3A_642, %dma_start3A_651] : memref<32x128xi32, #tpu.memory_space<vmem>> -> memref<1x128xi32, #tpu.memory_space<vmem>>
        %dma_start3A_653 = tpu.memref_squeeze %dma_start3A_652 : memref<1x128xi32, #tpu.memory_space<vmem>> -> memref<128xi32, #tpu.memory_space<vmem>>
        %dma_start3A_654 = arith.constant 0 : i32
        %dma_start3A_655 = arith.constant 0 : i32
        %dma_start3A_656 = tpu.memref_slice %arg3[%dma_start3A_654, %dma_start3A_655] : memref<50257x16xf32, #tpu.memory_space<hbm>> -> memref<50257x16xf32, #tpu.memory_space<hbm>>
        tpu.enqueue_indirect_dma source(%dma_start3A_656 : memref<50257x16xf32, #tpu.memory_space<hbm>>) target(%dma_start3A_650 : memref<128x16xf32, #tpu.memory_space<vmem>>) offsets(%dma_start3A_653 : memref<128xi32, #tpu.memory_space<vmem>>) semaphore(%arg15 : memref<!tpu.dma_semaphore, #tpu.memory_space<semaphore_mem>>)
        %dma_start3A_657 = arith.constant 3 : i32
        %dma_start3A_658 = arith.constant 0 : i32
        %dma_start3A_659 = arith.constant 0 : i32
        %dma_start3A_660 = arith.constant 0 : i32
        %dma_start3A_661 = tpu.memref_slice %arg7[%dma_start3A_658, %dma_start3A_659, %dma_start3A_660] : memref<4x1024x16xf32, #tpu.memory_space<vmem>> -> memref<1x1024x16xf32, #tpu.memory_space<vmem>>
        %dma_start3A_662 = tpu.memref_squeeze %dma_start3A_661 : memref<1x1024x16xf32, #tpu.memory_space<vmem>> -> memref<1024x16xf32, #tpu.memory_space<vmem>>
        %dma_start3A_663 = arith.constant 384 : i32
        %dma_start3A_664 = arith.constant 0 : i32
        %dma_start3A_665 = tpu.memref_slice %dma_start3A_662[%dma_start3A_663, %dma_start3A_664] : memref<1024x16xf32, #tpu.memory_space<vmem>> -> memref<128x16xf32, #tpu.memory_space<vmem>>
        %dma_start3A_666 = arith.constant 0 : i32
        %dma_start3A_667 = tpu.memref_slice %arg6[%dma_start3A_657, %dma_start3A_666] : memref<32x128xi32, #tpu.memory_space<vmem>> -> memref<1x128xi32, #tpu.memory_space<vmem>>
        %dma_start3A_668 = tpu.memref_squeeze %dma_start3A_667 : memref<1x128xi32, #tpu.memory_space<vmem>> -> memref<128xi32, #tpu.memory_space<vmem>>
        %dma_start3A_669 = arith.constant 0 : i32
        %dma_start3A_670 = arith.constant 0 : i32
        %dma_start3A_671 = tpu.memref_slice %arg3[%dma_start3A_669, %dma_start3A_670] : memref<50257x16xf32, #tpu.memory_space<hbm>> -> memref<50257x16xf32, #tpu.memory_space<hbm>>
        tpu.enqueue_indirect_dma source(%dma_start3A_671 : memref<50257x16xf32, #tpu.memory_space<hbm>>) target(%dma_start3A_665 : memref<128x16xf32, #tpu.memory_space<vmem>>) offsets(%dma_start3A_668 : memref<128xi32, #tpu.memory_space<vmem>>) semaphore(%arg15 : memref<!tpu.dma_semaphore, #tpu.memory_space<semaphore_mem>>)
        %dma_start3A_672 = arith.constant 4 : i32
        %dma_start3A_673 = arith.constant 0 : i32
        %dma_start3A_674 = arith.constant 0 : i32
        %dma_start3A_675 = arith.constant 0 : i32
        %dma_start3A_676 = tpu.memref_slice %arg7[%dma_start3A_673, %dma_start3A_674, %dma_start3A_675] : memref<4x1024x16xf32, #tpu.memory_space<vmem>> -> memref<1x1024x16xf32, #tpu.memory_space<vmem>>
        %dma_start3A_677 = tpu.memref_squeeze %dma_start3A_676 : memref<1x1024x16xf32, #tpu.memory_space<vmem>> -> memref<1024x16xf32, #tpu.memory_space<vmem>>
        %dma_start3A_678 = arith.constant 512 : i32
        %dma_start3A_679 = arith.constant 0 : i32
        %dma_start3A_680 = tpu.memref_slice %dma_start3A_677[%dma_start3A_678, %dma_start3A_679] : memref<1024x16xf32, #tpu.memory_space<vmem>> -> memref<128x16xf32, #tpu.memory_space<vmem>>
        %dma_start3A_681 = arith.constant 0 : i32
        %dma_start3A_682 = tpu.memref_slice %arg6[%dma_start3A_672, %dma_start3A_681] : memref<32x128xi32, #tpu.memory_space<vmem>> -> memref<1x128xi32, #tpu.memory_space<vmem>>
        %dma_start3A_683 = tpu.memref_squeeze %dma_start3A_682 : memref<1x128xi32, #tpu.memory_space<vmem>> -> memref<128xi32, #tpu.memory_space<vmem>>
        %dma_start3A_684 = arith.constant 0 : i32
        %dma_start3A_685 = arith.constant 0 : i32
        %dma_start3A_686 = tpu.memref_slice %arg3[%dma_start3A_684, %dma_start3A_685] : memref<50257x16xf32, #tpu.memory_space<hbm>> -> memref<50257x16xf32, #tpu.memory_space<hbm>>
        tpu.enqueue_indirect_dma source(%dma_start3A_686 : memref<50257x16xf32, #tpu.memory_space<hbm>>) target(%dma_start3A_680 : memref<128x16xf32, #tpu.memory_space<vmem>>) offsets(%dma_start3A_683 : memref<128xi32, #tpu.memory_space<vmem>>) semaphore(%arg15 : memref<!tpu.dma_semaphore, #tpu.memory_space<semaphore_mem>>)
        %dma_start3A_687 = arith.constant 5 : i32
        %dma_start3A_688 = arith.constant 0 : i32
        %dma_start3A_689 = arith.constant 0 : i32
        %dma_start3A_690 = arith.constant 0 : i32
        %dma_start3A_691 = tpu.memref_slice %arg7[%dma_start3A_688, %dma_start3A_689, %dma_start3A_690] : memref<4x1024x16xf32, #tpu.memory_space<vmem>> -> memref<1x1024x16xf32, #tpu.memory_space<vmem>>
        %dma_start3A_692 = tpu.memref_squeeze %dma_start3A_691 : memref<1x1024x16xf32, #tpu.memory_space<vmem>> -> memref<1024x16xf32, #tpu.memory_space<vmem>>
        %dma_start3A_693 = arith.constant 640 : i32
        %dma_start3A_694 = arith.constant 0 : i32
        %dma_start3A_695 = tpu.memref_slice %dma_start3A_692[%dma_start3A_693, %dma_start3A_694] : memref<1024x16xf32, #tpu.memory_space<vmem>> -> memref<128x16xf32, #tpu.memory_space<vmem>>
        %dma_start3A_696 = arith.constant 0 : i32
        %dma_start3A_697 = tpu.memref_slice %arg6[%dma_start3A_687, %dma_start3A_696] : memref<32x128xi32, #tpu.memory_space<vmem>> -> memref<1x128xi32, #tpu.memory_space<vmem>>
        %dma_start3A_698 = tpu.memref_squeeze %dma_start3A_697 : memref<1x128xi32, #tpu.memory_space<vmem>> -> memref<128xi32, #tpu.memory_space<vmem>>
        %dma_start3A_699 = arith.constant 0 : i32
        %dma_start3A_700 = arith.constant 0 : i32
        %dma_start3A_701 = tpu.memref_slice %arg3[%dma_start3A_699, %dma_start3A_700] : memref<50257x16xf32, #tpu.memory_space<hbm>> -> memref<50257x16xf32, #tpu.memory_space<hbm>>
        tpu.enqueue_indirect_dma source(%dma_start3A_701 : memref<50257x16xf32, #tpu.memory_space<hbm>>) target(%dma_start3A_695 : memref<128x16xf32, #tpu.memory_space<vmem>>) offsets(%dma_start3A_698 : memref<128xi32, #tpu.memory_space<vmem>>) semaphore(%arg15 : memref<!tpu.dma_semaphore, #tpu.memory_space<semaphore_mem>>)
        %dma_start3A_702 = arith.constant 6 : i32
        %dma_start3A_703 = arith.constant 0 : i32
        %dma_start3A_704 = arith.constant 0 : i32
        %dma_start3A_705 = arith.constant 0 : i32
        %dma_start3A_706 = tpu.memref_slice %arg7[%dma_start3A_703, %dma_start3A_704, %dma_start3A_705] : memref<4x1024x16xf32, #tpu.memory_space<vmem>> -> memref<1x1024x16xf32, #tpu.memory_space<vmem>>
        %dma_start3A_707 = tpu.memref_squeeze %dma_start3A_706 : memref<1x1024x16xf32, #tpu.memory_space<vmem>> -> memref<1024x16xf32, #tpu.memory_space<vmem>>
        %dma_start3A_708 = arith.constant 768 : i32
        %dma_start3A_709 = arith.constant 0 : i32
        %dma_start3A_710 = tpu.memref_slice %dma_start3A_707[%dma_start3A_708, %dma_start3A_709] : memref<1024x16xf32, #tpu.memory_space<vmem>> -> memref<128x16xf32, #tpu.memory_space<vmem>>
        %dma_start3A_711 = arith.constant 0 : i32
        %dma_start3A_712 = tpu.memref_slice %arg6[%dma_start3A_702, %dma_start3A_711] : memref<32x128xi32, #tpu.memory_space<vmem>> -> memref<1x128xi32, #tpu.memory_space<vmem>>
        %dma_start3A_713 = tpu.memref_squeeze %dma_start3A_712 : memref<1x128xi32, #tpu.memory_space<vmem>> -> memref<128xi32, #tpu.memory_space<vmem>>
        %dma_start3A_714 = arith.constant 0 : i32
        %dma_start3A_715 = arith.constant 0 : i32
        %dma_start3A_716 = tpu.memref_slice %arg3[%dma_start3A_714, %dma_start3A_715] : memref<50257x16xf32, #tpu.memory_space<hbm>> -> memref<50257x16xf32, #tpu.memory_space<hbm>>
        tpu.enqueue_indirect_dma source(%dma_start3A_716 : memref<50257x16xf32, #tpu.memory_space<hbm>>) target(%dma_start3A_710 : memref<128x16xf32, #tpu.memory_space<vmem>>) offsets(%dma_start3A_713 : memref<128xi32, #tpu.memory_space<vmem>>) semaphore(%arg15 : memref<!tpu.dma_semaphore, #tpu.memory_space<semaphore_mem>>)
        %dma_start3A_717 = arith.constant 7 : i32
        %dma_start3A_718 = arith.constant 0 : i32
        %dma_start3A_719 = arith.constant 0 : i32
        %dma_start3A_720 = arith.constant 0 : i32
        %dma_start3A_721 = tpu.memref_slice %arg7[%dma_start3A_718, %dma_start3A_719, %dma_start3A_720] : memref<4x1024x16xf32, #tpu.memory_space<vmem>> -> memref<1x1024x16xf32, #tpu.memory_space<vmem>>
        %dma_start3A_722 = tpu.memref_squeeze %dma_start3A_721 : memref<1x1024x16xf32, #tpu.memory_space<vmem>> -> memref<1024x16xf32, #tpu.memory_space<vmem>>
        %dma_start3A_723 = arith.constant 896 : i32
        %dma_start3A_724 = arith.constant 0 : i32
        %dma_start3A_725 = tpu.memref_slice %dma_start3A_722[%dma_start3A_723, %dma_start3A_724] : memref<1024x16xf32, #tpu.memory_space<vmem>> -> memref<128x16xf32, #tpu.memory_space<vmem>>
        %dma_start3A_726 = arith.constant 0 : i32
        %dma_start3A_727 = tpu.memref_slice %arg6[%dma_start3A_717, %dma_start3A_726] : memref<32x128xi32, #tpu.memory_space<vmem>> -> memref<1x128xi32, #tpu.memory_space<vmem>>
        %dma_start3A_728 = tpu.memref_squeeze %dma_start3A_727 : memref<1x128xi32, #tpu.memory_space<vmem>> -> memref<128xi32, #tpu.memory_space<vmem>>
        %dma_start3A_729 = arith.constant 0 : i32
        %dma_start3A_730 = arith.constant 0 : i32
        %dma_start3A_731 = tpu.memref_slice %arg3[%dma_start3A_729, %dma_start3A_730] : memref<50257x16xf32, #tpu.memory_space<hbm>> -> memref<50257x16xf32, #tpu.memory_space<hbm>>
        tpu.enqueue_indirect_dma source(%dma_start3A_731 : memref<50257x16xf32, #tpu.memory_space<hbm>>) target(%dma_start3A_725 : memref<128x16xf32, #tpu.memory_space<vmem>>) offsets(%dma_start3A_728 : memref<128xi32, #tpu.memory_space<vmem>>) semaphore(%arg15 : memref<!tpu.dma_semaphore, #tpu.memory_space<semaphore_mem>>)
      } else {
      }
      %ge3A_513 = arith.constant 2 : i32
      %ge3A_514 = arith.cmpi sge, %add3A_483, %ge3A_513 : i32
      %convert_element_type3A_515 = arith.extui %ge3A_514 : i1 to i32
      %cond3A_516 = arith.constant 0 : i32
      %cond3A_517 = arith.cmpi ne, %convert_element_type3A_515, %cond3A_516 : i32
      scf.if %cond3A_517 {
        %dma_wait3A_598 = arith.constant 0 : i32
        %dma_wait3A_599 = arith.constant 0 : i32
        %dma_wait3A_600 = tpu.memref_slice %arg8[%dma_wait3A_598, %dma_wait3A_599] : memref<2x16384xf32, #tpu.memory_space<vmem>> -> memref<1x16384xf32, #tpu.memory_space<vmem>>
        %dma_wait3A_601 = tpu.memref_squeeze %dma_wait3A_600 : memref<1x16384xf32, #tpu.memory_space<vmem>> -> memref<16384xf32, #tpu.memory_space<vmem>>
        %dma_wait3A_602 = arith.constant 0 : i32
        %dma_wait3A_603 = tpu.memref_slice %arg5[%mul3A_2, %dma_wait3A_602] : memref<1024x16384xf32, #tpu.memory_space<hbm>> -> memref<1x16384xf32, #tpu.memory_space<hbm>>
        %dma_wait3A_604 = tpu.memref_squeeze %dma_wait3A_603 : memref<1x16384xf32, #tpu.memory_space<hbm>> -> memref<16384xf32, #tpu.memory_space<hbm>>
        %dma_wait3A_605 = arith.constant 0 : i32
        %dma_wait3A_606 = tpu.memref_slice %arg8[%dma_wait3A_598, %dma_wait3A_605] : memref<2x16384xf32, #tpu.memory_space<vmem>> -> memref<1x16384xf32, #tpu.memory_space<vmem>>
        %dma_wait3A_607 = tpu.memref_squeeze %dma_wait3A_606 : memref<1x16384xf32, #tpu.memory_space<vmem>> -> memref<16384xf32, #tpu.memory_space<vmem>>
        %dma_wait3A_608 = arith.constant 0 : i32
        %dma_wait3A_609 = tpu.memref_slice %arg5[%mul3A_2, %dma_wait3A_608] : memref<1024x16384xf32, #tpu.memory_space<hbm>> -> memref<1x16384xf32, #tpu.memory_space<hbm>>
        %dma_wait3A_610 = tpu.memref_squeeze %dma_wait3A_609 : memref<1x16384xf32, #tpu.memory_space<hbm>> -> memref<16384xf32, #tpu.memory_space<hbm>>
        tpu.wait_dma2 semaphore(%arg19 : memref<!tpu.dma_semaphore, #tpu.memory_space<semaphore_mem>>) src(%dma_wait3A_610 : memref<16384xf32, #tpu.memory_space<hbm>>) dst(%dma_wait3A_607 : memref<16384xf32, #tpu.memory_space<vmem>>)
      } else {
      }
      %scan3A_518 = arith.constant 0 : i32
      %scan3A_519 = arith.constant 2 : i32
      %scan3A_520 = arith.constant 0 : i32
      %scan3A_521 = arith.constant 0 : i32
      %scan3A_522 = arith.constant 64 : i32
      %scan3A_523 = arith.addi %scan3A_521, %scan3A_522 : i32
      %scan3A_524 = arith.constant 1 : i32
      scf.for %scan3A_598 = %scan3A_521 to %scan3A_523 step %scan3A_524  : i32 {
        %mul3A_599 = arith.constant 16 : i32
        %mul3A_600 = arith.muli %scan3A_598, %mul3A_599 : i32
        %add3A_601 = arith.constant 0 : i32
        %add3A_602 = arith.addi %mul3A_600, %add3A_601 : i32
        %get3A = arith.constant 0 : i32
        %get3A_603 = arith.constant 0 : i32
        %get3A_604 = tpu.memref_slice %arg7[%scan3A_519, %get3A, %get3A_603] : memref<4x1024x16xf32, #tpu.memory_space<vmem>> -> memref<1x1024x16xf32, #tpu.memory_space<vmem>>
        %get3A_605 = tpu.memref_squeeze %get3A_604 : memref<1x1024x16xf32, #tpu.memory_space<vmem>> -> memref<1024x16xf32, #tpu.memory_space<vmem>>
        %get3A_606 = arith.index_cast %add3A_602 : i32 to index
        %get3A_607 = arith.constant 0 : index
        %get3A_608 = tpu.vector_load %get3A_605[%get3A_606, %get3A_607] {strides = array<i32>} : memref<1024x16xf32, #tpu.memory_space<vmem>>, vector<16xf32>,
        %add3A_609 = arith.constant 0 : i32
        %add3A_610 = arith.addi %mul3A_600, %add3A_609 : i32
        %get3A_611 = arith.index_cast %add3A_610 : i32 to index
        %get3A_612 = arith.constant 0 : index
        %get3A_613 = tpu.vector_load %arg9[%get3A_611, %get3A_612] {strides = array<i32>} : memref<1024x16xf32, #tpu.memory_space<vmem>>, vector<16xf32>,
        %add3A_614 = arith.addf %get3A_608, %get3A_613 : vector<16xf32>
        %add3A_615 = arith.constant 1 : i32
        %add3A_616 = arith.addi %mul3A_600, %add3A_615 : i32
        %get3A_617 = arith.constant 0 : i32
        %get3A_618 = arith.constant 0 : i32
        %get3A_619 = tpu.memref_slice %arg7[%scan3A_519, %get3A_617, %get3A_618] : memref<4x1024x16xf32, #tpu.memory_space<vmem>> -> memref<1x1024x16xf32, #tpu.memory_space<vmem>>
        %get3A_620 = tpu.memref_squeeze %get3A_619 : memref<1x1024x16xf32, #tpu.memory_space<vmem>> -> memref<1024x16xf32, #tpu.memory_space<vmem>>
        %get3A_621 = arith.index_cast %add3A_616 : i32 to index
        %get3A_622 = arith.constant 0 : index
        %get3A_623 = tpu.vector_load %get3A_620[%get3A_621, %get3A_622] {strides = array<i32>} : memref<1024x16xf32, #tpu.memory_space<vmem>>, vector<16xf32>,
        %add3A_624 = arith.constant 1 : i32
        %add3A_625 = arith.addi %mul3A_600, %add3A_624 : i32
        %get3A_626 = arith.index_cast %add3A_625 : i32 to index
        %get3A_627 = arith.constant 0 : index
        %get3A_628 = tpu.vector_load %arg9[%get3A_626, %get3A_627] {strides = array<i32>} : memref<1024x16xf32, #tpu.memory_space<vmem>>, vector<16xf32>,
        %add3A_629 = arith.addf %get3A_623, %get3A_628 : vector<16xf32>
        %add3A_630 = arith.constant 2 : i32
        %add3A_631 = arith.addi %mul3A_600, %add3A_630 : i32
        %get3A_632 = arith.constant 0 : i32
        %get3A_633 = arith.constant 0 : i32
        %get3A_634 = tpu.memref_slice %arg7[%scan3A_519, %get3A_632, %get3A_633] : memref<4x1024x16xf32, #tpu.memory_space<vmem>> -> memref<1x1024x16xf32, #tpu.memory_space<vmem>>
        %get3A_635 = tpu.memref_squeeze %get3A_634 : memref<1x1024x16xf32, #tpu.memory_space<vmem>> -> memref<1024x16xf32, #tpu.memory_space<vmem>>
        %get3A_636 = arith.index_cast %add3A_631 : i32 to index
        %get3A_637 = arith.constant 0 : index
        %get3A_638 = tpu.vector_load %get3A_635[%get3A_636, %get3A_637] {strides = array<i32>} : memref<1024x16xf32, #tpu.memory_space<vmem>>, vector<16xf32>,
        %add3A_639 = arith.constant 2 : i32
        %add3A_640 = arith.addi %mul3A_600, %add3A_639 : i32
        %get3A_641 = arith.index_cast %add3A_640 : i32 to index
        %get3A_642 = arith.constant 0 : index
        %get3A_643 = tpu.vector_load %arg9[%get3A_641, %get3A_642] {strides = array<i32>} : memref<1024x16xf32, #tpu.memory_space<vmem>>, vector<16xf32>,
        %add3A_644 = arith.addf %get3A_638, %get3A_643 : vector<16xf32>
        %add3A_645 = arith.constant 3 : i32
        %add3A_646 = arith.addi %mul3A_600, %add3A_645 : i32
        %get3A_647 = arith.constant 0 : i32
        %get3A_648 = arith.constant 0 : i32
        %get3A_649 = tpu.memref_slice %arg7[%scan3A_519, %get3A_647, %get3A_648] : memref<4x1024x16xf32, #tpu.memory_space<vmem>> -> memref<1x1024x16xf32, #tpu.memory_space<vmem>>
        %get3A_650 = tpu.memref_squeeze %get3A_649 : memref<1x1024x16xf32, #tpu.memory_space<vmem>> -> memref<1024x16xf32, #tpu.memory_space<vmem>>
        %get3A_651 = arith.index_cast %add3A_646 : i32 to index
        %get3A_652 = arith.constant 0 : index
        %get3A_653 = tpu.vector_load %get3A_650[%get3A_651, %get3A_652] {strides = array<i32>} : memref<1024x16xf32, #tpu.memory_space<vmem>>, vector<16xf32>,
        %add3A_654 = arith.constant 3 : i32
        %add3A_655 = arith.addi %mul3A_600, %add3A_654 : i32
        %get3A_656 = arith.index_cast %add3A_655 : i32 to index
        %get3A_657 = arith.constant 0 : index
        %get3A_658 = tpu.vector_load %arg9[%get3A_656, %get3A_657] {strides = array<i32>} : memref<1024x16xf32, #tpu.memory_space<vmem>>, vector<16xf32>,
        %add3A_659 = arith.addf %get3A_653, %get3A_658 : vector<16xf32>
        %add3A_660 = arith.constant 4 : i32
        %add3A_661 = arith.addi %mul3A_600, %add3A_660 : i32
        %get3A_662 = arith.constant 0 : i32
        %get3A_663 = arith.constant 0 : i32
        %get3A_664 = tpu.memref_slice %arg7[%scan3A_519, %get3A_662, %get3A_663] : memref<4x1024x16xf32, #tpu.memory_space<vmem>> -> memref<1x1024x16xf32, #tpu.memory_space<vmem>>
        %get3A_665 = tpu.memref_squeeze %get3A_664 : memref<1x1024x16xf32, #tpu.memory_space<vmem>> -> memref<1024x16xf32, #tpu.memory_space<vmem>>
        %get3A_666 = arith.index_cast %add3A_661 : i32 to index
        %get3A_667 = arith.constant 0 : index
        %get3A_668 = tpu.vector_load %get3A_665[%get3A_666, %get3A_667] {strides = array<i32>} : memref<1024x16xf32, #tpu.memory_space<vmem>>, vector<16xf32>,
        %add3A_669 = arith.constant 4 : i32
        %add3A_670 = arith.addi %mul3A_600, %add3A_669 : i32
        %get3A_671 = arith.index_cast %add3A_670 : i32 to index
        %get3A_672 = arith.constant 0 : index
        %get3A_673 = tpu.vector_load %arg9[%get3A_671, %get3A_672] {strides = array<i32>} : memref<1024x16xf32, #tpu.memory_space<vmem>>, vector<16xf32>,
        %add3A_674 = arith.addf %get3A_668, %get3A_673 : vector<16xf32>
        %add3A_675 = arith.constant 5 : i32
        %add3A_676 = arith.addi %mul3A_600, %add3A_675 : i32
        %get3A_677 = arith.constant 0 : i32
        %get3A_678 = arith.constant 0 : i32
        %get3A_679 = tpu.memref_slice %arg7[%scan3A_519, %get3A_677, %get3A_678] : memref<4x1024x16xf32, #tpu.memory_space<vmem>> -> memref<1x1024x16xf32, #tpu.memory_space<vmem>>
        %get3A_680 = tpu.memref_squeeze %get3A_679 : memref<1x1024x16xf32, #tpu.memory_space<vmem>> -> memref<1024x16xf32, #tpu.memory_space<vmem>>
        %get3A_681 = arith.index_cast %add3A_676 : i32 to index
        %get3A_682 = arith.constant 0 : index
        %get3A_683 = tpu.vector_load %get3A_680[%get3A_681, %get3A_682] {strides = array<i32>} : memref<1024x16xf32, #tpu.memory_space<vmem>>, vector<16xf32>,
        %add3A_684 = arith.constant 5 : i32
        %add3A_685 = arith.addi %mul3A_600, %add3A_684 : i32
        %get3A_686 = arith.index_cast %add3A_685 : i32 to index
        %get3A_687 = arith.constant 0 : index
        %get3A_688 = tpu.vector_load %arg9[%get3A_686, %get3A_687] {strides = array<i32>} : memref<1024x16xf32, #tpu.memory_space<vmem>>, vector<16xf32>,
        %add3A_689 = arith.addf %get3A_683, %get3A_688 : vector<16xf32>
        %add3A_690 = arith.constant 6 : i32
        %add3A_691 = arith.addi %mul3A_600, %add3A_690 : i32
        %get3A_692 = arith.constant 0 : i32
        %get3A_693 = arith.constant 0 : i32
        %get3A_694 = tpu.memref_slice %arg7[%scan3A_519, %get3A_692, %get3A_693] : memref<4x1024x16xf32, #tpu.memory_space<vmem>> -> memref<1x1024x16xf32, #tpu.memory_space<vmem>>
        %get3A_695 = tpu.memref_squeeze %get3A_694 : memref<1x1024x16xf32, #tpu.memory_space<vmem>> -> memref<1024x16xf32, #tpu.memory_space<vmem>>
        %get3A_696 = arith.index_cast %add3A_691 : i32 to index
        %get3A_697 = arith.constant 0 : index
        %get3A_698 = tpu.vector_load %get3A_695[%get3A_696, %get3A_697] {strides = array<i32>} : memref<1024x16xf32, #tpu.memory_space<vmem>>, vector<16xf32>,
        %add3A_699 = arith.constant 6 : i32
        %add3A_700 = arith.addi %mul3A_600, %add3A_699 : i32
        %get3A_701 = arith.index_cast %add3A_700 : i32 to index
        %get3A_702 = arith.constant 0 : index
        %get3A_703 = tpu.vector_load %arg9[%get3A_701, %get3A_702] {strides = array<i32>} : memref<1024x16xf32, #tpu.memory_space<vmem>>, vector<16xf32>,
        %add3A_704 = arith.addf %get3A_698, %get3A_703 : vector<16xf32>
        %add3A_705 = arith.constant 7 : i32
        %add3A_706 = arith.addi %mul3A_600, %add3A_705 : i32
        %get3A_707 = arith.constant 0 : i32
        %get3A_708 = arith.constant 0 : i32
        %get3A_709 = tpu.memref_slice %arg7[%scan3A_519, %get3A_707, %get3A_708] : memref<4x1024x16xf32, #tpu.memory_space<vmem>> -> memref<1x1024x16xf32, #tpu.memory_space<vmem>>
        %get3A_710 = tpu.memref_squeeze %get3A_709 : memref<1x1024x16xf32, #tpu.memory_space<vmem>> -> memref<1024x16xf32, #tpu.memory_space<vmem>>
        %get3A_711 = arith.index_cast %add3A_706 : i32 to index
        %get3A_712 = arith.constant 0 : index
        %get3A_713 = tpu.vector_load %get3A_710[%get3A_711, %get3A_712] {strides = array<i32>} : memref<1024x16xf32, #tpu.memory_space<vmem>>, vector<16xf32>,
        %add3A_714 = arith.constant 7 : i32
        %add3A_715 = arith.addi %mul3A_600, %add3A_714 : i32
        %get3A_716 = arith.index_cast %add3A_715 : i32 to index
        %get3A_717 = arith.constant 0 : index
        %get3A_718 = tpu.vector_load %arg9[%get3A_716, %get3A_717] {strides = array<i32>} : memref<1024x16xf32, #tpu.memory_space<vmem>>, vector<16xf32>,
        %add3A_719 = arith.addf %get3A_713, %get3A_718 : vector<16xf32>
        %add3A_720 = arith.constant 8 : i32
        %add3A_721 = arith.addi %mul3A_600, %add3A_720 : i32
        %get3A_722 = arith.constant 0 : i32
        %get3A_723 = arith.constant 0 : i32
        %get3A_724 = tpu.memref_slice %arg7[%scan3A_519, %get3A_722, %get3A_723] : memref<4x1024x16xf32, #tpu.memory_space<vmem>> -> memref<1x1024x16xf32, #tpu.memory_space<vmem>>
        %get3A_725 = tpu.memref_squeeze %get3A_724 : memref<1x1024x16xf32, #tpu.memory_space<vmem>> -> memref<1024x16xf32, #tpu.memory_space<vmem>>
        %get3A_726 = arith.index_cast %add3A_721 : i32 to index
        %get3A_727 = arith.constant 0 : index
        %get3A_728 = tpu.vector_load %get3A_725[%get3A_726, %get3A_727] {strides = array<i32>} : memref<1024x16xf32, #tpu.memory_space<vmem>>, vector<16xf32>,
        %add3A_729 = arith.constant 8 : i32
        %add3A_730 = arith.addi %mul3A_600, %add3A_729 : i32
        %get3A_731 = arith.index_cast %add3A_730 : i32 to index
        %get3A_732 = arith.constant 0 : index
        %get3A_733 = tpu.vector_load %arg9[%get3A_731, %get3A_732] {strides = array<i32>} : memref<1024x16xf32, #tpu.memory_space<vmem>>, vector<16xf32>,
        %add3A_734 = arith.addf %get3A_728, %get3A_733 : vector<16xf32>
        %add3A_735 = arith.constant 9 : i32
        %add3A_736 = arith.addi %mul3A_600, %add3A_735 : i32
        %get3A_737 = arith.constant 0 : i32
        %get3A_738 = arith.constant 0 : i32
        %get3A_739 = tpu.memref_slice %arg7[%scan3A_519, %get3A_737, %get3A_738] : memref<4x1024x16xf32, #tpu.memory_space<vmem>> -> memref<1x1024x16xf32, #tpu.memory_space<vmem>>
        %get3A_740 = tpu.memref_squeeze %get3A_739 : memref<1x1024x16xf32, #tpu.memory_space<vmem>> -> memref<1024x16xf32, #tpu.memory_space<vmem>>
        %get3A_741 = arith.index_cast %add3A_736 : i32 to index
        %get3A_742 = arith.constant 0 : index
        %get3A_743 = tpu.vector_load %get3A_740[%get3A_741, %get3A_742] {strides = array<i32>} : memref<1024x16xf32, #tpu.memory_space<vmem>>, vector<16xf32>,
        %add3A_744 = arith.constant 9 : i32
        %add3A_745 = arith.addi %mul3A_600, %add3A_744 : i32
        %get3A_746 = arith.index_cast %add3A_745 : i32 to index
        %get3A_747 = arith.constant 0 : index
        %get3A_748 = tpu.vector_load %arg9[%get3A_746, %get3A_747] {strides = array<i32>} : memref<1024x16xf32, #tpu.memory_space<vmem>>, vector<16xf32>,
        %add3A_749 = arith.addf %get3A_743, %get3A_748 : vector<16xf32>
        %add3A_750 = arith.constant 10 : i32
        %add3A_751 = arith.addi %mul3A_600, %add3A_750 : i32
        %get3A_752 = arith.constant 0 : i32
        %get3A_753 = arith.constant 0 : i32
        %get3A_754 = tpu.memref_slice %arg7[%scan3A_519, %get3A_752, %get3A_753] : memref<4x1024x16xf32, #tpu.memory_space<vmem>> -> memref<1x1024x16xf32, #tpu.memory_space<vmem>>
        %get3A_755 = tpu.memref_squeeze %get3A_754 : memref<1x1024x16xf32, #tpu.memory_space<vmem>> -> memref<1024x16xf32, #tpu.memory_space<vmem>>
        %get3A_756 = arith.index_cast %add3A_751 : i32 to index
        %get3A_757 = arith.constant 0 : index
        %get3A_758 = tpu.vector_load %get3A_755[%get3A_756, %get3A_757] {strides = array<i32>} : memref<1024x16xf32, #tpu.memory_space<vmem>>, vector<16xf32>,
        %add3A_759 = arith.constant 10 : i32
        %add3A_760 = arith.addi %mul3A_600, %add3A_759 : i32
        %get3A_761 = arith.index_cast %add3A_760 : i32 to index
        %get3A_762 = arith.constant 0 : index
        %get3A_763 = tpu.vector_load %arg9[%get3A_761, %get3A_762] {strides = array<i32>} : memref<1024x16xf32, #tpu.memory_space<vmem>>, vector<16xf32>,
        %add3A_764 = arith.addf %get3A_758, %get3A_763 : vector<16xf32>
        %add3A_765 = arith.constant 11 : i32
        %add3A_766 = arith.addi %mul3A_600, %add3A_765 : i32
        %get3A_767 = arith.constant 0 : i32
        %get3A_768 = arith.constant 0 : i32
        %get3A_769 = tpu.memref_slice %arg7[%scan3A_519, %get3A_767, %get3A_768] : memref<4x1024x16xf32, #tpu.memory_space<vmem>> -> memref<1x1024x16xf32, #tpu.memory_space<vmem>>
        %get3A_770 = tpu.memref_squeeze %get3A_769 : memref<1x1024x16xf32, #tpu.memory_space<vmem>> -> memref<1024x16xf32, #tpu.memory_space<vmem>>
        %get3A_771 = arith.index_cast %add3A_766 : i32 to index
        %get3A_772 = arith.constant 0 : index
        %get3A_773 = tpu.vector_load %get3A_770[%get3A_771, %get3A_772] {strides = array<i32>} : memref<1024x16xf32, #tpu.memory_space<vmem>>, vector<16xf32>,
        %add3A_774 = arith.constant 11 : i32
        %add3A_775 = arith.addi %mul3A_600, %add3A_774 : i32
        %get3A_776 = arith.index_cast %add3A_775 : i32 to index
        %get3A_777 = arith.constant 0 : index
        %get3A_778 = tpu.vector_load %arg9[%get3A_776, %get3A_777] {strides = array<i32>} : memref<1024x16xf32, #tpu.memory_space<vmem>>, vector<16xf32>,
        %add3A_779 = arith.addf %get3A_773, %get3A_778 : vector<16xf32>
        %add3A_780 = arith.constant 12 : i32
        %add3A_781 = arith.addi %mul3A_600, %add3A_780 : i32
        %get3A_782 = arith.constant 0 : i32
        %get3A_783 = arith.constant 0 : i32
        %get3A_784 = tpu.memref_slice %arg7[%scan3A_519, %get3A_782, %get3A_783] : memref<4x1024x16xf32, #tpu.memory_space<vmem>> -> memref<1x1024x16xf32, #tpu.memory_space<vmem>>
        %get3A_785 = tpu.memref_squeeze %get3A_784 : memref<1x1024x16xf32, #tpu.memory_space<vmem>> -> memref<1024x16xf32, #tpu.memory_space<vmem>>
        %get3A_786 = arith.index_cast %add3A_781 : i32 to index
        %get3A_787 = arith.constant 0 : index
        %get3A_788 = tpu.vector_load %get3A_785[%get3A_786, %get3A_787] {strides = array<i32>} : memref<1024x16xf32, #tpu.memory_space<vmem>>, vector<16xf32>,
        %add3A_789 = arith.constant 12 : i32
        %add3A_790 = arith.addi %mul3A_600, %add3A_789 : i32
        %get3A_791 = arith.index_cast %add3A_790 : i32 to index
        %get3A_792 = arith.constant 0 : index
        %get3A_793 = tpu.vector_load %arg9[%get3A_791, %get3A_792] {strides = array<i32>} : memref<1024x16xf32, #tpu.memory_space<vmem>>, vector<16xf32>,
        %add3A_794 = arith.addf %get3A_788, %get3A_793 : vector<16xf32>
        %add3A_795 = arith.constant 13 : i32
        %add3A_796 = arith.addi %mul3A_600, %add3A_795 : i32
        %get3A_797 = arith.constant 0 : i32
        %get3A_798 = arith.constant 0 : i32
        %get3A_799 = tpu.memref_slice %arg7[%scan3A_519, %get3A_797, %get3A_798] : memref<4x1024x16xf32, #tpu.memory_space<vmem>> -> memref<1x1024x16xf32, #tpu.memory_space<vmem>>
        %get3A_800 = tpu.memref_squeeze %get3A_799 : memref<1x1024x16xf32, #tpu.memory_space<vmem>> -> memref<1024x16xf32, #tpu.memory_space<vmem>>
        %get3A_801 = arith.index_cast %add3A_796 : i32 to index
        %get3A_802 = arith.constant 0 : index
        %get3A_803 = tpu.vector_load %get3A_800[%get3A_801, %get3A_802] {strides = array<i32>} : memref<1024x16xf32, #tpu.memory_space<vmem>>, vector<16xf32>,
        %add3A_804 = arith.constant 13 : i32
        %add3A_805 = arith.addi %mul3A_600, %add3A_804 : i32
        %get3A_806 = arith.index_cast %add3A_805 : i32 to index
        %get3A_807 = arith.constant 0 : index
        %get3A_808 = tpu.vector_load %arg9[%get3A_806, %get3A_807] {strides = array<i32>} : memref<1024x16xf32, #tpu.memory_space<vmem>>, vector<16xf32>,
        %add3A_809 = arith.addf %get3A_803, %get3A_808 : vector<16xf32>
        %add3A_810 = arith.constant 14 : i32
        %add3A_811 = arith.addi %mul3A_600, %add3A_810 : i32
        %get3A_812 = arith.constant 0 : i32
        %get3A_813 = arith.constant 0 : i32
        %get3A_814 = tpu.memref_slice %arg7[%scan3A_519, %get3A_812, %get3A_813] : memref<4x1024x16xf32, #tpu.memory_space<vmem>> -> memref<1x1024x16xf32, #tpu.memory_space<vmem>>
        %get3A_815 = tpu.memref_squeeze %get3A_814 : memref<1x1024x16xf32, #tpu.memory_space<vmem>> -> memref<1024x16xf32, #tpu.memory_space<vmem>>
        %get3A_816 = arith.index_cast %add3A_811 : i32 to index
        %get3A_817 = arith.constant 0 : index
        %get3A_818 = tpu.vector_load %get3A_815[%get3A_816, %get3A_817] {strides = array<i32>} : memref<1024x16xf32, #tpu.memory_space<vmem>>, vector<16xf32>,
        %add3A_819 = arith.constant 14 : i32
        %add3A_820 = arith.addi %mul3A_600, %add3A_819 : i32
        %get3A_821 = arith.index_cast %add3A_820 : i32 to index
        %get3A_822 = arith.constant 0 : index
        %get3A_823 = tpu.vector_load %arg9[%get3A_821, %get3A_822] {strides = array<i32>} : memref<1024x16xf32, #tpu.memory_space<vmem>>, vector<16xf32>,
        %add3A_824 = arith.addf %get3A_818, %get3A_823 : vector<16xf32>
        %add3A_825 = arith.constant 15 : i32
        %add3A_826 = arith.addi %mul3A_600, %add3A_825 : i32
        %get3A_827 = arith.constant 0 : i32
        %get3A_828 = arith.constant 0 : i32
        %get3A_829 = tpu.memref_slice %arg7[%scan3A_519, %get3A_827, %get3A_828] : memref<4x1024x16xf32, #tpu.memory_space<vmem>> -> memref<1x1024x16xf32, #tpu.memory_space<vmem>>
        %get3A_830 = tpu.memref_squeeze %get3A_829 : memref<1x1024x16xf32, #tpu.memory_space<vmem>> -> memref<1024x16xf32, #tpu.memory_space<vmem>>
        %get3A_831 = arith.index_cast %add3A_826 : i32 to index
        %get3A_832 = arith.constant 0 : index
        %get3A_833 = tpu.vector_load %get3A_830[%get3A_831, %get3A_832] {strides = array<i32>} : memref<1024x16xf32, #tpu.memory_space<vmem>>, vector<16xf32>,
        %add3A_834 = arith.constant 15 : i32
        %add3A_835 = arith.addi %mul3A_600, %add3A_834 : i32
        %get3A_836 = arith.index_cast %add3A_835 : i32 to index
        %get3A_837 = arith.constant 0 : index
        %get3A_838 = tpu.vector_load %arg9[%get3A_836, %get3A_837] {strides = array<i32>} : memref<1024x16xf32, #tpu.memory_space<vmem>>, vector<16xf32>,
        %add3A_839 = arith.addf %get3A_833, %get3A_838 : vector<16xf32>
        %swap3A = arith.constant 0 : index
        %swap3A_840 = tpu.vector_load %arg10[%swap3A] {strides = array<i32>} : memref<280xf32, #tpu.memory_space<vmem>>, vector<16xf32>,
        tpu.vector_store %arg10[%swap3A], %add3A_614 {strides = array<i32>} : memref<280xf32, #tpu.memory_space<vmem>>, vector<16xf32>,
        %swap3A_841 = arith.constant 17 : index
        %swap3A_842 = tpu.vector_load %arg10[%swap3A_841] {strides = array<i32>} : memref<280xf32, #tpu.memory_space<vmem>>, vector<16xf32>,
        tpu.vector_store %arg10[%swap3A_841], %add3A_629 {strides = array<i32>} : memref<280xf32, #tpu.memory_space<vmem>>, vector<16xf32>,
        %swap3A_843 = arith.constant 34 : index
        %swap3A_844 = tpu.vector_load %arg10[%swap3A_843] {strides = array<i32>} : memref<280xf32, #tpu.memory_space<vmem>>, vector<16xf32>,
        tpu.vector_store %arg10[%swap3A_843], %add3A_644 {strides = array<i32>} : memref<280xf32, #tpu.memory_space<vmem>>, vector<16xf32>,
        %swap3A_845 = arith.constant 51 : index
        %swap3A_846 = tpu.vector_load %arg10[%swap3A_845] {strides = array<i32>} : memref<280xf32, #tpu.memory_space<vmem>>, vector<16xf32>,
        tpu.vector_store %arg10[%swap3A_845], %add3A_659 {strides = array<i32>} : memref<280xf32, #tpu.memory_space<vmem>>, vector<16xf32>,
        %swap3A_847 = arith.constant 68 : index
        %swap3A_848 = tpu.vector_load %arg10[%swap3A_847] {strides = array<i32>} : memref<280xf32, #tpu.memory_space<vmem>>, vector<16xf32>,
        tpu.vector_store %arg10[%swap3A_847], %add3A_674 {strides = array<i32>} : memref<280xf32, #tpu.memory_space<vmem>>, vector<16xf32>,
        %swap3A_849 = arith.constant 85 : index
        %swap3A_850 = tpu.vector_load %arg10[%swap3A_849] {strides = array<i32>} : memref<280xf32, #tpu.memory_space<vmem>>, vector<16xf32>,
        tpu.vector_store %arg10[%swap3A_849], %add3A_689 {strides = array<i32>} : memref<280xf32, #tpu.memory_space<vmem>>, vector<16xf32>,
        %swap3A_851 = arith.constant 102 : index
        %swap3A_852 = tpu.vector_load %arg10[%swap3A_851] {strides = array<i32>} : memref<280xf32, #tpu.memory_space<vmem>>, vector<16xf32>,
        tpu.vector_store %arg10[%swap3A_851], %add3A_704 {strides = array<i32>} : memref<280xf32, #tpu.memory_space<vmem>>, vector<16xf32>,
        %swap3A_853 = arith.constant 119 : index
        %swap3A_854 = tpu.vector_load %arg10[%swap3A_853] {strides = array<i32>} : memref<280xf32, #tpu.memory_space<vmem>>, vector<16xf32>,
        tpu.vector_store %arg10[%swap3A_853], %add3A_719 {strides = array<i32>} : memref<280xf32, #tpu.memory_space<vmem>>, vector<16xf32>,
        %swap3A_855 = arith.constant 136 : index
        %swap3A_856 = tpu.vector_load %arg10[%swap3A_855] {strides = array<i32>} : memref<280xf32, #tpu.memory_space<vmem>>, vector<16xf32>,
        tpu.vector_store %arg10[%swap3A_855], %add3A_734 {strides = array<i32>} : memref<280xf32, #tpu.memory_space<vmem>>, vector<16xf32>,
        %swap3A_857 = arith.constant 153 : index
        %swap3A_858 = tpu.vector_load %arg10[%swap3A_857] {strides = array<i32>} : memref<280xf32, #tpu.memory_space<vmem>>, vector<16xf32>,
        tpu.vector_store %arg10[%swap3A_857], %add3A_749 {strides = array<i32>} : memref<280xf32, #tpu.memory_space<vmem>>, vector<16xf32>,
        %swap3A_859 = arith.constant 170 : index
        %swap3A_860 = tpu.vector_load %arg10[%swap3A_859] {strides = array<i32>} : memref<280xf32, #tpu.memory_space<vmem>>, vector<16xf32>,
        tpu.vector_store %arg10[%swap3A_859], %add3A_764 {strides = array<i32>} : memref<280xf32, #tpu.memory_space<vmem>>, vector<16xf32>,
        %swap3A_861 = arith.constant 187 : index
        %swap3A_862 = tpu.vector_load %arg10[%swap3A_861] {strides = array<i32>} : memref<280xf32, #tpu.memory_space<vmem>>, vector<16xf32>,
        tpu.vector_store %arg10[%swap3A_861], %add3A_779 {strides = array<i32>} : memref<280xf32, #tpu.memory_space<vmem>>, vector<16xf32>,
        %swap3A_863 = arith.constant 204 : index
        %swap3A_864 = tpu.vector_load %arg10[%swap3A_863] {strides = array<i32>} : memref<280xf32, #tpu.memory_space<vmem>>, vector<16xf32>,
        tpu.vector_store %arg10[%swap3A_863], %add3A_794 {strides = array<i32>} : memref<280xf32, #tpu.memory_space<vmem>>, vector<16xf32>,
        %swap3A_865 = arith.constant 221 : index
        %swap3A_866 = tpu.vector_load %arg10[%swap3A_865] {strides = array<i32>} : memref<280xf32, #tpu.memory_space<vmem>>, vector<16xf32>,
        tpu.vector_store %arg10[%swap3A_865], %add3A_809 {strides = array<i32>} : memref<280xf32, #tpu.memory_space<vmem>>, vector<16xf32>,
        %swap3A_867 = arith.constant 238 : index
        %swap3A_868 = tpu.vector_load %arg10[%swap3A_867] {strides = array<i32>} : memref<280xf32, #tpu.memory_space<vmem>>, vector<16xf32>,
        tpu.vector_store %arg10[%swap3A_867], %add3A_824 {strides = array<i32>} : memref<280xf32, #tpu.memory_space<vmem>>, vector<16xf32>,
        %swap3A_869 = arith.constant 255 : index
        %swap3A_870 = tpu.vector_load %arg10[%swap3A_869] {strides = array<i32>} : memref<280xf32, #tpu.memory_space<vmem>>, vector<16xf32>,
        tpu.vector_store %arg10[%swap3A_869], %add3A_839 {strides = array<i32>} : memref<280xf32, #tpu.memory_space<vmem>>, vector<16xf32>,
        %shift_right_arithmetic3A = arith.constant 3 : i32
        %shift_right_arithmetic3A_871 = arith.shrsi %scan3A_598, %shift_right_arithmetic3A : i32
        %mul3A_872 = arith.constant 1024 : i32
        %mul3A_873 = arith.muli %shift_right_arithmetic3A_871, %mul3A_872 : i32
        %and3A = arith.constant 7 : i32
        %and3A_874 = arith.andi %scan3A_598, %and3A : i32
        %mul3A_875 = arith.constant 16 : i32
        %mul3A_876 = arith.muli %and3A_874, %mul3A_875 : i32
        %add3A_877 = arith.addi %mul3A_873, %mul3A_876 : i32
        %add3A_878 = arith.constant 0 : i32
        %add3A_879 = vector.broadcast %add3A_878 : i32 to vector<16xi32>
        %add3A_880 = arith.addi %mul3A_5, %add3A_879 : vector<16xi32>
        %gather3A = tpu.vector_load_idx %arg10[%add3A_880] : memref<280xf32, #tpu.memory_space<vmem>>[vector<16xi32>], vector<16xf32>,
        %add3A_881 = arith.constant 1 : i32
        %add3A_882 = vector.broadcast %add3A_881 : i32 to vector<16xi32>
        %add3A_883 = arith.addi %mul3A_5, %add3A_882 : vector<16xi32>
        %gather3A_884 = tpu.vector_load_idx %arg10[%add3A_883] : memref<280xf32, #tpu.memory_space<vmem>>[vector<16xi32>], vector<16xf32>,
        %add3A_885 = arith.constant 2 : i32
        %add3A_886 = vector.broadcast %add3A_885 : i32 to vector<16xi32>
        %add3A_887 = arith.addi %mul3A_5, %add3A_886 : vector<16xi32>
        %gather3A_888 = tpu.vector_load_idx %arg10[%add3A_887] : memref<280xf32, #tpu.memory_space<vmem>>[vector<16xi32>], vector<16xf32>,
        %add3A_889 = arith.constant 3 : i32
        %add3A_890 = vector.broadcast %add3A_889 : i32 to vector<16xi32>
        %add3A_891 = arith.addi %mul3A_5, %add3A_890 : vector<16xi32>
        %gather3A_892 = tpu.vector_load_idx %arg10[%add3A_891] : memref<280xf32, #tpu.memory_space<vmem>>[vector<16xi32>], vector<16xf32>,
        %add3A_893 = arith.constant 4 : i32
        %add3A_894 = vector.broadcast %add3A_893 : i32 to vector<16xi32>
        %add3A_895 = arith.addi %mul3A_5, %add3A_894 : vector<16xi32>
        %gather3A_896 = tpu.vector_load_idx %arg10[%add3A_895] : memref<280xf32, #tpu.memory_space<vmem>>[vector<16xi32>], vector<16xf32>,
        %add3A_897 = arith.constant 5 : i32
        %add3A_898 = vector.broadcast %add3A_897 : i32 to vector<16xi32>
        %add3A_899 = arith.addi %mul3A_5, %add3A_898 : vector<16xi32>
        %gather3A_900 = tpu.vector_load_idx %arg10[%add3A_899] : memref<280xf32, #tpu.memory_space<vmem>>[vector<16xi32>], vector<16xf32>,
        %add3A_901 = arith.constant 6 : i32
        %add3A_902 = vector.broadcast %add3A_901 : i32 to vector<16xi32>
        %add3A_903 = arith.addi %mul3A_5, %add3A_902 : vector<16xi32>
        %gather3A_904 = tpu.vector_load_idx %arg10[%add3A_903] : memref<280xf32, #tpu.memory_space<vmem>>[vector<16xi32>], vector<16xf32>,
        %add3A_905 = arith.constant 7 : i32
        %add3A_906 = vector.broadcast %add3A_905 : i32 to vector<16xi32>
        %add3A_907 = arith.addi %mul3A_5, %add3A_906 : vector<16xi32>
        %gather3A_908 = tpu.vector_load_idx %arg10[%add3A_907] : memref<280xf32, #tpu.memory_space<vmem>>[vector<16xi32>], vector<16xf32>,
        %add3A_909 = arith.constant 8 : i32
        %add3A_910 = vector.broadcast %add3A_909 : i32 to vector<16xi32>
        %add3A_911 = arith.addi %mul3A_5, %add3A_910 : vector<16xi32>
        %gather3A_912 = tpu.vector_load_idx %arg10[%add3A_911] : memref<280xf32, #tpu.memory_space<vmem>>[vector<16xi32>], vector<16xf32>,
        %add3A_913 = arith.constant 9 : i32
        %add3A_914 = vector.broadcast %add3A_913 : i32 to vector<16xi32>
        %add3A_915 = arith.addi %mul3A_5, %add3A_914 : vector<16xi32>
        %gather3A_916 = tpu.vector_load_idx %arg10[%add3A_915] : memref<280xf32, #tpu.memory_space<vmem>>[vector<16xi32>], vector<16xf32>,
        %add3A_917 = arith.constant 10 : i32
        %add3A_918 = vector.broadcast %add3A_917 : i32 to vector<16xi32>
        %add3A_919 = arith.addi %mul3A_5, %add3A_918 : vector<16xi32>
        %gather3A_920 = tpu.vector_load_idx %arg10[%add3A_919] : memref<280xf32, #tpu.memory_space<vmem>>[vector<16xi32>], vector<16xf32>,
        %add3A_921 = arith.constant 11 : i32
        %add3A_922 = vector.broadcast %add3A_921 : i32 to vector<16xi32>
        %add3A_923 = arith.addi %mul3A_5, %add3A_922 : vector<16xi32>
        %gather3A_924 = tpu.vector_load_idx %arg10[%add3A_923] : memref<280xf32, #tpu.memory_space<vmem>>[vector<16xi32>], vector<16xf32>,
        %add3A_925 = arith.constant 12 : i32
        %add3A_926 = vector.broadcast %add3A_925 : i32 to vector<16xi32>
        %add3A_927 = arith.addi %mul3A_5, %add3A_926 : vector<16xi32>
        %gather3A_928 = tpu.vector_load_idx %arg10[%add3A_927] : memref<280xf32, #tpu.memory_space<vmem>>[vector<16xi32>], vector<16xf32>,
        %add3A_929 = arith.constant 13 : i32
        %add3A_930 = vector.broadcast %add3A_929 : i32 to vector<16xi32>
        %add3A_931 = arith.addi %mul3A_5, %add3A_930 : vector<16xi32>
        %gather3A_932 = tpu.vector_load_idx %arg10[%add3A_931] : memref<280xf32, #tpu.memory_space<vmem>>[vector<16xi32>], vector<16xf32>,
        %add3A_933 = arith.constant 14 : i32
        %add3A_934 = vector.broadcast %add3A_933 : i32 to vector<16xi32>
        %add3A_935 = arith.addi %mul3A_5, %add3A_934 : vector<16xi32>
        %gather3A_936 = tpu.vector_load_idx %arg10[%add3A_935] : memref<280xf32, #tpu.memory_space<vmem>>[vector<16xi32>], vector<16xf32>,
        %add3A_937 = arith.constant 15 : i32
        %add3A_938 = vector.broadcast %add3A_937 : i32 to vector<16xi32>
        %add3A_939 = arith.addi %mul3A_5, %add3A_938 : vector<16xi32>
        %gather3A_940 = tpu.vector_load_idx %arg10[%add3A_939] : memref<280xf32, #tpu.memory_space<vmem>>[vector<16xi32>], vector<16xf32>,
        %add3A_941 = arith.constant 0 : i32
        %add3A_942 = arith.addi %add3A_877, %add3A_941 : i32
        %add3A_943 = arith.constant 0 : i32
        %add3A_944 = arith.addi %add3A_942, %add3A_943 : i32
        %swap3A_945 = arith.constant 0 : i32
        %swap3A_946 = tpu.memref_slice %arg8[%scan3A_520, %swap3A_945] : memref<2x16384xf32, #tpu.memory_space<vmem>> -> memref<1x16384xf32, #tpu.memory_space<vmem>>
        %swap3A_947 = tpu.memref_squeeze %swap3A_946 : memref<1x16384xf32, #tpu.memory_space<vmem>> -> memref<16384xf32, #tpu.memory_space<vmem>>
        %swap3A_948 = arith.index_cast %add3A_944 : i32 to index
        %swap3A_949 = tpu.vector_load %swap3A_947[%swap3A_948] {strides = array<i32>} : memref<16384xf32, #tpu.memory_space<vmem>>, vector<16xf32>,
        tpu.vector_store %swap3A_947[%swap3A_948], %gather3A {strides = array<i32>} : memref<16384xf32, #tpu.memory_space<vmem>>, vector<16xf32>,
        %add3A_950 = arith.constant 0 : i32
        %add3A_951 = arith.addi %add3A_877, %add3A_950 : i32
        %add3A_952 = arith.constant 128 : i32
        %add3A_953 = arith.addi %add3A_951, %add3A_952 : i32
        %swap3A_954 = arith.constant 0 : i32
        %swap3A_955 = tpu.memref_slice %arg8[%scan3A_520, %swap3A_954] : memref<2x16384xf32, #tpu.memory_space<vmem>> -> memref<1x16384xf32, #tpu.memory_space<vmem>>
        %swap3A_956 = tpu.memref_squeeze %swap3A_955 : memref<1x16384xf32, #tpu.memory_space<vmem>> -> memref<16384xf32, #tpu.memory_space<vmem>>
        %swap3A_957 = arith.index_cast %add3A_953 : i32 to index
        %swap3A_958 = tpu.vector_load %swap3A_956[%swap3A_957] {strides = array<i32>} : memref<16384xf32, #tpu.memory_space<vmem>>, vector<16xf32>,
        tpu.vector_store %swap3A_956[%swap3A_957], %gather3A_884 {strides = array<i32>} : memref<16384xf32, #tpu.memory_space<vmem>>, vector<16xf32>,
        %add3A_959 = arith.constant 0 : i32
        %add3A_960 = arith.addi %add3A_877, %add3A_959 : i32
        %add3A_961 = arith.constant 256 : i32
        %add3A_962 = arith.addi %add3A_960, %add3A_961 : i32
        %swap3A_963 = arith.constant 0 : i32
        %swap3A_964 = tpu.memref_slice %arg8[%scan3A_520, %swap3A_963] : memref<2x16384xf32, #tpu.memory_space<vmem>> -> memref<1x16384xf32, #tpu.memory_space<vmem>>
        %swap3A_965 = tpu.memref_squeeze %swap3A_964 : memref<1x16384xf32, #tpu.memory_space<vmem>> -> memref<16384xf32, #tpu.memory_space<vmem>>
        %swap3A_966 = arith.index_cast %add3A_962 : i32 to index
        %swap3A_967 = tpu.vector_load %swap3A_965[%swap3A_966] {strides = array<i32>} : memref<16384xf32, #tpu.memory_space<vmem>>, vector<16xf32>,
        tpu.vector_store %swap3A_965[%swap3A_966], %gather3A_888 {strides = array<i32>} : memref<16384xf32, #tpu.memory_space<vmem>>, vector<16xf32>,
        %add3A_968 = arith.constant 0 : i32
        %add3A_969 = arith.addi %add3A_877, %add3A_968 : i32
        %add3A_970 = arith.constant 384 : i32
        %add3A_971 = arith.addi %add3A_969, %add3A_970 : i32
        %swap3A_972 = arith.constant 0 : i32
        %swap3A_973 = tpu.memref_slice %arg8[%scan3A_520, %swap3A_972] : memref<2x16384xf32, #tpu.memory_space<vmem>> -> memref<1x16384xf32, #tpu.memory_space<vmem>>
        %swap3A_974 = tpu.memref_squeeze %swap3A_973 : memref<1x16384xf32, #tpu.memory_space<vmem>> -> memref<16384xf32, #tpu.memory_space<vmem>>
        %swap3A_975 = arith.index_cast %add3A_971 : i32 to index
        %swap3A_976 = tpu.vector_load %swap3A_974[%swap3A_975] {strides = array<i32>} : memref<16384xf32, #tpu.memory_space<vmem>>, vector<16xf32>,
        tpu.vector_store %swap3A_974[%swap3A_975], %gather3A_892 {strides = array<i32>} : memref<16384xf32, #tpu.memory_space<vmem>>, vector<16xf32>,
        %add3A_977 = arith.constant 0 : i32
        %add3A_978 = arith.addi %add3A_877, %add3A_977 : i32
        %add3A_979 = arith.constant 512 : i32
        %add3A_980 = arith.addi %add3A_978, %add3A_979 : i32
        %swap3A_981 = arith.constant 0 : i32
        %swap3A_982 = tpu.memref_slice %arg8[%scan3A_520, %swap3A_981] : memref<2x16384xf32, #tpu.memory_space<vmem>> -> memref<1x16384xf32, #tpu.memory_space<vmem>>
        %swap3A_983 = tpu.memref_squeeze %swap3A_982 : memref<1x16384xf32, #tpu.memory_space<vmem>> -> memref<16384xf32, #tpu.memory_space<vmem>>
        %swap3A_984 = arith.index_cast %add3A_980 : i32 to index
        %swap3A_985 = tpu.vector_load %swap3A_983[%swap3A_984] {strides = array<i32>} : memref<16384xf32, #tpu.memory_space<vmem>>, vector<16xf32>,
        tpu.vector_store %swap3A_983[%swap3A_984], %gather3A_896 {strides = array<i32>} : memref<16384xf32, #tpu.memory_space<vmem>>, vector<16xf32>,
        %add3A_986 = arith.constant 0 : i32
        %add3A_987 = arith.addi %add3A_877, %add3A_986 : i32
        %add3A_988 = arith.constant 640 : i32
        %add3A_989 = arith.addi %add3A_987, %add3A_988 : i32
        %swap3A_990 = arith.constant 0 : i32
        %swap3A_991 = tpu.memref_slice %arg8[%scan3A_520, %swap3A_990] : memref<2x16384xf32, #tpu.memory_space<vmem>> -> memref<1x16384xf32, #tpu.memory_space<vmem>>
        %swap3A_992 = tpu.memref_squeeze %swap3A_991 : memref<1x16384xf32, #tpu.memory_space<vmem>> -> memref<16384xf32, #tpu.memory_space<vmem>>
        %swap3A_993 = arith.index_cast %add3A_989 : i32 to index
        %swap3A_994 = tpu.vector_load %swap3A_992[%swap3A_993] {strides = array<i32>} : memref<16384xf32, #tpu.memory_space<vmem>>, vector<16xf32>,
        tpu.vector_store %swap3A_992[%swap3A_993], %gather3A_900 {strides = array<i32>} : memref<16384xf32, #tpu.memory_space<vmem>>, vector<16xf32>,
        %add3A_995 = arith.constant 0 : i32
        %add3A_996 = arith.addi %add3A_877, %add3A_995 : i32
        %add3A_997 = arith.constant 768 : i32
        %add3A_998 = arith.addi %add3A_996, %add3A_997 : i32
        %swap3A_999 = arith.constant 0 : i32
        %swap3A_1000 = tpu.memref_slice %arg8[%scan3A_520, %swap3A_999] : memref<2x16384xf32, #tpu.memory_space<vmem>> -> memref<1x16384xf32, #tpu.memory_space<vmem>>
        %swap3A_1001 = tpu.memref_squeeze %swap3A_1000 : memref<1x16384xf32, #tpu.memory_space<vmem>> -> memref<16384xf32, #tpu.memory_space<vmem>>
        %swap3A_1002 = arith.index_cast %add3A_998 : i32 to index
        %swap3A_1003 = tpu.vector_load %swap3A_1001[%swap3A_1002] {strides = array<i32>} : memref<16384xf32, #tpu.memory_space<vmem>>, vector<16xf32>,
        tpu.vector_store %swap3A_1001[%swap3A_1002], %gather3A_904 {strides = array<i32>} : memref<16384xf32, #tpu.memory_space<vmem>>, vector<16xf32>,
        %add3A_1004 = arith.constant 0 : i32
        %add3A_1005 = arith.addi %add3A_877, %add3A_1004 : i32
        %add3A_1006 = arith.constant 896 : i32
        %add3A_1007 = arith.addi %add3A_1005, %add3A_1006 : i32
        %swap3A_1008 = arith.constant 0 : i32
        %swap3A_1009 = tpu.memref_slice %arg8[%scan3A_520, %swap3A_1008] : memref<2x16384xf32, #tpu.memory_space<vmem>> -> memref<1x16384xf32, #tpu.memory_space<vmem>>
        %swap3A_1010 = tpu.memref_squeeze %swap3A_1009 : memref<1x16384xf32, #tpu.memory_space<vmem>> -> memref<16384xf32, #tpu.memory_space<vmem>>
        %swap3A_1011 = arith.index_cast %add3A_1007 : i32 to index
        %swap3A_1012 = tpu.vector_load %swap3A_1010[%swap3A_1011] {strides = array<i32>} : memref<16384xf32, #tpu.memory_space<vmem>>, vector<16xf32>,
        tpu.vector_store %swap3A_1010[%swap3A_1011], %gather3A_908 {strides = array<i32>} : memref<16384xf32, #tpu.memory_space<vmem>>, vector<16xf32>,
        %add3A_1013 = arith.constant 8192 : i32
        %add3A_1014 = arith.addi %add3A_877, %add3A_1013 : i32
        %add3A_1015 = arith.constant 0 : i32
        %add3A_1016 = arith.addi %add3A_1014, %add3A_1015 : i32
        %swap3A_1017 = arith.constant 0 : i32
        %swap3A_1018 = tpu.memref_slice %arg8[%scan3A_520, %swap3A_1017] : memref<2x16384xf32, #tpu.memory_space<vmem>> -> memref<1x16384xf32, #tpu.memory_space<vmem>>
        %swap3A_1019 = tpu.memref_squeeze %swap3A_1018 : memref<1x16384xf32, #tpu.memory_space<vmem>> -> memref<16384xf32, #tpu.memory_space<vmem>>
        %swap3A_1020 = arith.index_cast %add3A_1016 : i32 to index
        %swap3A_1021 = tpu.vector_load %swap3A_1019[%swap3A_1020] {strides = array<i32>} : memref<16384xf32, #tpu.memory_space<vmem>>, vector<16xf32>,
        tpu.vector_store %swap3A_1019[%swap3A_1020], %gather3A_912 {strides = array<i32>} : memref<16384xf32, #tpu.memory_space<vmem>>, vector<16xf32>,
        %add3A_1022 = arith.constant 8192 : i32
        %add3A_1023 = arith.addi %add3A_877, %add3A_1022 : i32
        %add3A_1024 = arith.constant 128 : i32
        %add3A_1025 = arith.addi %add3A_1023, %add3A_1024 : i32
        %swap3A_1026 = arith.constant 0 : i32
        %swap3A_1027 = tpu.memref_slice %arg8[%scan3A_520, %swap3A_1026] : memref<2x16384xf32, #tpu.memory_space<vmem>> -> memref<1x16384xf32, #tpu.memory_space<vmem>>
        %swap3A_1028 = tpu.memref_squeeze %swap3A_1027 : memref<1x16384xf32, #tpu.memory_space<vmem>> -> memref<16384xf32, #tpu.memory_space<vmem>>
        %swap3A_1029 = arith.index_cast %add3A_1025 : i32 to index
        %swap3A_1030 = tpu.vector_load %swap3A_1028[%swap3A_1029] {strides = array<i32>} : memref<16384xf32, #tpu.memory_space<vmem>>, vector<16xf32>,
        tpu.vector_store %swap3A_1028[%swap3A_1029], %gather3A_916 {strides = array<i32>} : memref<16384xf32, #tpu.memory_space<vmem>>, vector<16xf32>,
        %add3A_1031 = arith.constant 8192 : i32
        %add3A_1032 = arith.addi %add3A_877, %add3A_1031 : i32
        %add3A_1033 = arith.constant 256 : i32
        %add3A_1034 = arith.addi %add3A_1032, %add3A_1033 : i32
        %swap3A_1035 = arith.constant 0 : i32
        %swap3A_1036 = tpu.memref_slice %arg8[%scan3A_520, %swap3A_1035] : memref<2x16384xf32, #tpu.memory_space<vmem>> -> memref<1x16384xf32, #tpu.memory_space<vmem>>
        %swap3A_1037 = tpu.memref_squeeze %swap3A_1036 : memref<1x16384xf32, #tpu.memory_space<vmem>> -> memref<16384xf32, #tpu.memory_space<vmem>>
        %swap3A_1038 = arith.index_cast %add3A_1034 : i32 to index
        %swap3A_1039 = tpu.vector_load %swap3A_1037[%swap3A_1038] {strides = array<i32>} : memref<16384xf32, #tpu.memory_space<vmem>>, vector<16xf32>,
        tpu.vector_store %swap3A_1037[%swap3A_1038], %gather3A_920 {strides = array<i32>} : memref<16384xf32, #tpu.memory_space<vmem>>, vector<16xf32>,
        %add3A_1040 = arith.constant 8192 : i32
        %add3A_1041 = arith.addi %add3A_877, %add3A_1040 : i32
        %add3A_1042 = arith.constant 384 : i32
        %add3A_1043 = arith.addi %add3A_1041, %add3A_1042 : i32
        %swap3A_1044 = arith.constant 0 : i32
        %swap3A_1045 = tpu.memref_slice %arg8[%scan3A_520, %swap3A_1044] : memref<2x16384xf32, #tpu.memory_space<vmem>> -> memref<1x16384xf32, #tpu.memory_space<vmem>>
        %swap3A_1046 = tpu.memref_squeeze %swap3A_1045 : memref<1x16384xf32, #tpu.memory_space<vmem>> -> memref<16384xf32, #tpu.memory_space<vmem>>
        %swap3A_1047 = arith.index_cast %add3A_1043 : i32 to index
        %swap3A_1048 = tpu.vector_load %swap3A_1046[%swap3A_1047] {strides = array<i32>} : memref<16384xf32, #tpu.memory_space<vmem>>, vector<16xf32>,
        tpu.vector_store %swap3A_1046[%swap3A_1047], %gather3A_924 {strides = array<i32>} : memref<16384xf32, #tpu.memory_space<vmem>>, vector<16xf32>,
        %add3A_1049 = arith.constant 8192 : i32
        %add3A_1050 = arith.addi %add3A_877, %add3A_1049 : i32
        %add3A_1051 = arith.constant 512 : i32
        %add3A_1052 = arith.addi %add3A_1050, %add3A_1051 : i32
        %swap3A_1053 = arith.constant 0 : i32
        %swap3A_1054 = tpu.memref_slice %arg8[%scan3A_520, %swap3A_1053] : memref<2x16384xf32, #tpu.memory_space<vmem>> -> memref<1x16384xf32, #tpu.memory_space<vmem>>
        %swap3A_1055 = tpu.memref_squeeze %swap3A_1054 : memref<1x16384xf32, #tpu.memory_space<vmem>> -> memref<16384xf32, #tpu.memory_space<vmem>>
        %swap3A_1056 = arith.index_cast %add3A_1052 : i32 to index
        %swap3A_1057 = tpu.vector_load %swap3A_1055[%swap3A_1056] {strides = array<i32>} : memref<16384xf32, #tpu.memory_space<vmem>>, vector<16xf32>,
        tpu.vector_store %swap3A_1055[%swap3A_1056], %gather3A_928 {strides = array<i32>} : memref<16384xf32, #tpu.memory_space<vmem>>, vector<16xf32>,
        %add3A_1058 = arith.constant 8192 : i32
        %add3A_1059 = arith.addi %add3A_877, %add3A_1058 : i32
        %add3A_1060 = arith.constant 640 : i32
        %add3A_1061 = arith.addi %add3A_1059, %add3A_1060 : i32
        %swap3A_1062 = arith.constant 0 : i32
        %swap3A_1063 = tpu.memref_slice %arg8[%scan3A_520, %swap3A_1062] : memref<2x16384xf32, #tpu.memory_space<vmem>> -> memref<1x16384xf32, #tpu.memory_space<vmem>>
        %swap3A_1064 = tpu.memref_squeeze %swap3A_1063 : memref<1x16384xf32, #tpu.memory_space<vmem>> -> memref<16384xf32, #tpu.memory_space<vmem>>
        %swap3A_1065 = arith.index_cast %add3A_1061 : i32 to index
        %swap3A_1066 = tpu.vector_load %swap3A_1064[%swap3A_1065] {strides = array<i32>} : memref<16384xf32, #tpu.memory_space<vmem>>, vector<16xf32>,
        tpu.vector_store %swap3A_1064[%swap3A_1065], %gather3A_932 {strides = array<i32>} : memref<16384xf32, #tpu.memory_space<vmem>>, vector<16xf32>,
        %add3A_1067 = arith.constant 8192 : i32
        %add3A_1068 = arith.addi %add3A_877, %add3A_1067 : i32
        %add3A_1069 = arith.constant 768 : i32
        %add3A_1070 = arith.addi %add3A_1068, %add3A_1069 : i32
        %swap3A_1071 = arith.constant 0 : i32
        %swap3A_1072 = tpu.memref_slice %arg8[%scan3A_520, %swap3A_1071] : memref<2x16384xf32, #tpu.memory_space<vmem>> -> memref<1x16384xf32, #tpu.memory_space<vmem>>
        %swap3A_1073 = tpu.memref_squeeze %swap3A_1072 : memref<1x16384xf32, #tpu.memory_space<vmem>> -> memref<16384xf32, #tpu.memory_space<vmem>>
        %swap3A_1074 = arith.index_cast %add3A_1070 : i32 to index
        %swap3A_1075 = tpu.vector_load %swap3A_1073[%swap3A_1074] {strides = array<i32>} : memref<16384xf32, #tpu.memory_space<vmem>>, vector<16xf32>,
        tpu.vector_store %swap3A_1073[%swap3A_1074], %gather3A_936 {strides = array<i32>} : memref<16384xf32, #tpu.memory_space<vmem>>, vector<16xf32>,
        %add3A_1076 = arith.constant 8192 : i32
        %add3A_1077 = arith.addi %add3A_877, %add3A_1076 : i32
        %add3A_1078 = arith.constant 896 : i32
        %add3A_1079 = arith.addi %add3A_1077, %add3A_1078 : i32
        %swap3A_1080 = arith.constant 0 : i32
        %swap3A_1081 = tpu.memref_slice %arg8[%scan3A_520, %swap3A_1080] : memref<2x16384xf32, #tpu.memory_space<vmem>> -> memref<1x16384xf32, #tpu.memory_space<vmem>>
        %swap3A_1082 = tpu.memref_squeeze %swap3A_1081 : memref<1x16384xf32, #tpu.memory_space<vmem>> -> memref<16384xf32, #tpu.memory_space<vmem>>
        %swap3A_1083 = arith.index_cast %add3A_1079 : i32 to index
        %swap3A_1084 = tpu.vector_load %swap3A_1082[%swap3A_1083] {strides = array<i32>} : memref<16384xf32, #tpu.memory_space<vmem>>, vector<16xf32>,
        tpu.vector_store %swap3A_1082[%swap3A_1083], %gather3A_940 {strides = array<i32>} : memref<16384xf32, #tpu.memory_space<vmem>>, vector<16xf32>,
      }
      %scan3A_525 = arith.constant 64 : i32
      %add3A_526 = arith.addi %mul3A_2, %add3A_483 : i32
      %dma_start3A_527 = arith.constant 0 : i32
      %dma_start3A_528 = arith.constant 0 : i32
      %dma_start3A_529 = tpu.memref_slice %arg8[%dma_start3A_527, %dma_start3A_528] : memref<2x16384xf32, #tpu.memory_space<vmem>> -> memref<1x16384xf32, #tpu.memory_space<vmem>>
      %dma_start3A_530 = tpu.memref_squeeze %dma_start3A_529 : memref<1x16384xf32, #tpu.memory_space<vmem>> -> memref<16384xf32, #tpu.memory_space<vmem>>
      %dma_start3A_531 = arith.constant 0 : i32
      %dma_start3A_532 = tpu.memref_slice %arg5[%add3A_526, %dma_start3A_531] : memref<1024x16384xf32, #tpu.memory_space<hbm>> -> memref<1x16384xf32, #tpu.memory_space<hbm>>
      %dma_start3A_533 = tpu.memref_squeeze %dma_start3A_532 : memref<1x16384xf32, #tpu.memory_space<hbm>> -> memref<16384xf32, #tpu.memory_space<hbm>>
      %dma_start3A_534 = arith.constant 0 : i32
      %dma_start3A_535 = tpu.memref_slice %arg5[%add3A_526, %dma_start3A_534] : memref<1024x16384xf32, #tpu.memory_space<hbm>> -> memref<1x16384xf32, #tpu.memory_space<hbm>>
      %dma_start3A_536 = tpu.memref_squeeze %dma_start3A_535 : memref<1x16384xf32, #tpu.memory_space<hbm>> -> memref<16384xf32, #tpu.memory_space<hbm>>
      %dma_start3A_537 = arith.constant 0 : i32
      %dma_start3A_538 = tpu.memref_slice %arg8[%dma_start3A_527, %dma_start3A_537] : memref<2x16384xf32, #tpu.memory_space<vmem>> -> memref<1x16384xf32, #tpu.memory_space<vmem>>
      %dma_start3A_539 = tpu.memref_squeeze %dma_start3A_538 : memref<1x16384xf32, #tpu.memory_space<vmem>> -> memref<16384xf32, #tpu.memory_space<vmem>>
      tpu.enqueue_dma source(%dma_start3A_539 : memref<16384xf32, #tpu.memory_space<vmem>>) target(%dma_start3A_536 : memref<16384xf32, #tpu.memory_space<hbm>>) target_semaphore(%arg19 : memref<!tpu.dma_semaphore, #tpu.memory_space<semaphore_mem>>)
      %add3A_540 = arith.constant 3 : i32
      %add3A_541 = arith.addi %mul3A_369, %add3A_540 : i32
      %dma_wait3A_542 = arith.constant 3 : i32
      %dma_wait3A_543 = arith.constant 0 : i32
      %dma_wait3A_544 = arith.constant 0 : i32
      %dma_wait3A_545 = tpu.memref_slice %arg7[%dma_wait3A_542, %dma_wait3A_543, %dma_wait3A_544] : memref<4x1024x16xf32, #tpu.memory_space<vmem>> -> memref<1x1024x16xf32, #tpu.memory_space<vmem>>
      %dma_wait3A_546 = tpu.memref_squeeze %dma_wait3A_545 : memref<1x1024x16xf32, #tpu.memory_space<vmem>> -> memref<1024x16xf32, #tpu.memory_space<vmem>>
      %dma_wait3A_547 = arith.constant 0 : i32
      %dma_wait3A_548 = arith.constant 0 : i32
      %dma_wait3A_549 = tpu.memref_slice %arg3[%dma_wait3A_547, %dma_wait3A_548] : memref<50257x16xf32, #tpu.memory_space<hbm>> -> memref<1024x16xf32, #tpu.memory_space<hbm>>
      %dma_wait3A_550 = arith.constant 0 : i32
      %dma_wait3A_551 = arith.constant 0 : i32
      %dma_wait3A_552 = tpu.memref_slice %arg7[%dma_wait3A_542, %dma_wait3A_550, %dma_wait3A_551] : memref<4x1024x16xf32, #tpu.memory_space<vmem>> -> memref<1x1024x16xf32, #tpu.memory_space<vmem>>
      %dma_wait3A_553 = tpu.memref_squeeze %dma_wait3A_552 : memref<1x1024x16xf32, #tpu.memory_space<vmem>> -> memref<1024x16xf32, #tpu.memory_space<vmem>>
      %dma_wait3A_554 = arith.constant 0 : i32
      %dma_wait3A_555 = arith.constant 0 : i32
      %dma_wait3A_556 = tpu.memref_slice %arg3[%dma_wait3A_554, %dma_wait3A_555] : memref<50257x16xf32, #tpu.memory_space<hbm>> -> memref<1024x16xf32, #tpu.memory_space<hbm>>
      tpu.wait_dma2 semaphore(%arg18 : memref<!tpu.dma_semaphore, #tpu.memory_space<semaphore_mem>>) src(%dma_wait3A_556 : memref<1024x16xf32, #tpu.memory_space<hbm>>) dst(%dma_wait3A_553 : memref<1024x16xf32, #tpu.memory_space<vmem>>)
      %add3A_557 = arith.constant 4 : i32
      %add3A_558 = arith.addi %add3A_541, %add3A_557 : i32
      %lt3A_559 = arith.constant 32 : i32
      %lt3A_560 = arith.cmpi slt, %add3A_558, %lt3A_559 : i32
      %convert_element_type3A_561 = arith.extui %lt3A_560 : i1 to i32
      %cond3A_562 = arith.constant 0 : i32
      %cond3A_563 = arith.cmpi ne, %convert_element_type3A_561, %cond3A_562 : i32
      scf.if %cond3A_563 {
        %add3A_598 = arith.constant 4 : i32
        %add3A_599 = arith.addi %add3A_541, %add3A_598 : i32
        %add3A_600 = arith.addi %mul3A_2, %add3A_599 : i32
        %dma_start3A_601 = arith.constant 24 : i32
        %dma_start3A_602 = arith.constant 0 : i32
        %dma_start3A_603 = tpu.memref_slice %arg6[%dma_start3A_601, %dma_start3A_602] : memref<32x128xi32, #tpu.memory_space<vmem>> -> memref<8x128xi32, #tpu.memory_space<vmem>>
        %dma_start3A_604 = arith.constant 0 : i32
        %dma_start3A_605 = arith.constant 0 : i32
        %dma_start3A_606 = tpu.memref_slice %arg2[%add3A_600, %dma_start3A_604, %dma_start3A_605] : memref<1024x8x128xi32, #tpu.memory_space<hbm>> -> memref<1x8x128xi32, #tpu.memory_space<hbm>>
        %dma_start3A_607 = tpu.memref_squeeze %dma_start3A_606 : memref<1x8x128xi32, #tpu.memory_space<hbm>> -> memref<8x128xi32, #tpu.memory_space<hbm>>
        %dma_start3A_608 = arith.constant 24 : i32
        %dma_start3A_609 = arith.constant 0 : i32
        %dma_start3A_610 = tpu.memref_slice %arg6[%dma_start3A_608, %dma_start3A_609] : memref<32x128xi32, #tpu.memory_space<vmem>> -> memref<8x128xi32, #tpu.memory_space<vmem>>
        %dma_start3A_611 = arith.constant 0 : i32
        %dma_start3A_612 = arith.constant 0 : i32
        %dma_start3A_613 = tpu.memref_slice %arg2[%add3A_600, %dma_start3A_611, %dma_start3A_612] : memref<1024x8x128xi32, #tpu.memory_space<hbm>> -> memref<1x8x128xi32, #tpu.memory_space<hbm>>
        %dma_start3A_614 = tpu.memref_squeeze %dma_start3A_613 : memref<1x8x128xi32, #tpu.memory_space<hbm>> -> memref<8x128xi32, #tpu.memory_space<hbm>>
        tpu.enqueue_dma source(%dma_start3A_614 : memref<8x128xi32, #tpu.memory_space<hbm>>) target(%dma_start3A_610 : memref<8x128xi32, #tpu.memory_space<vmem>>) target_semaphore(%arg14 : memref<!tpu.dma_semaphore, #tpu.memory_space<semaphore_mem>>)
      } else {
      }
      %add3A_564 = arith.constant 2 : i32
      %add3A_565 = arith.addi %add3A_541, %add3A_564 : i32
      %lt3A_566 = arith.constant 32 : i32
      %lt3A_567 = arith.cmpi slt, %add3A_565, %lt3A_566 : i32
      %convert_element_type3A_568 = arith.extui %lt3A_567 : i1 to i32
      %cond3A_569 = arith.constant 0 : i32
      %cond3A_570 = arith.cmpi ne, %convert_element_type3A_568, %cond3A_569 : i32
      scf.if %cond3A_570 {
        %dma_wait3A_598 = arith.constant 8 : i32
        %dma_wait3A_599 = arith.constant 0 : i32
        %dma_wait3A_600 = tpu.memref_slice %arg6[%dma_wait3A_598, %dma_wait3A_599] : memref<32x128xi32, #tpu.memory_space<vmem>> -> memref<8x128xi32, #tpu.memory_space<vmem>>
        %dma_wait3A_601 = arith.constant 0 : i32
        %dma_wait3A_602 = arith.constant 0 : i32
        %dma_wait3A_603 = tpu.memref_slice %arg2[%mul3A_2, %dma_wait3A_601, %dma_wait3A_602] : memref<1024x8x128xi32, #tpu.memory_space<hbm>> -> memref<1x8x128xi32, #tpu.memory_space<hbm>>
        %dma_wait3A_604 = tpu.memref_squeeze %dma_wait3A_603 : memref<1x8x128xi32, #tpu.memory_space<hbm>> -> memref<8x128xi32, #tpu.memory_space<hbm>>
        %dma_wait3A_605 = arith.constant 8 : i32
        %dma_wait3A_606 = arith.constant 0 : i32
        %dma_wait3A_607 = tpu.memref_slice %arg6[%dma_wait3A_605, %dma_wait3A_606] : memref<32x128xi32, #tpu.memory_space<vmem>> -> memref<8x128xi32, #tpu.memory_space<vmem>>
        %dma_wait3A_608 = arith.constant 0 : i32
        %dma_wait3A_609 = arith.constant 0 : i32
        %dma_wait3A_610 = tpu.memref_slice %arg2[%mul3A_2, %dma_wait3A_608, %dma_wait3A_609] : memref<1024x8x128xi32, #tpu.memory_space<hbm>> -> memref<1x8x128xi32, #tpu.memory_space<hbm>>
        %dma_wait3A_611 = tpu.memref_squeeze %dma_wait3A_610 : memref<1x8x128xi32, #tpu.memory_space<hbm>> -> memref<8x128xi32, #tpu.memory_space<hbm>>
        tpu.wait_dma2 semaphore(%arg12 : memref<!tpu.dma_semaphore, #tpu.memory_space<semaphore_mem>>) src(%dma_wait3A_611 : memref<8x128xi32, #tpu.memory_space<hbm>>) dst(%dma_wait3A_607 : memref<8x128xi32, #tpu.memory_space<vmem>>)
        %dma_start3A_612 = arith.constant 8 : i32
        %dma_start3A_613 = arith.constant 1 : i32
        %dma_start3A_614 = arith.constant 0 : i32
        %dma_start3A_615 = arith.constant 0 : i32
        %dma_start3A_616 = tpu.memref_slice %arg7[%dma_start3A_613, %dma_start3A_614, %dma_start3A_615] : memref<4x1024x16xf32, #tpu.memory_space<vmem>> -> memref<1x1024x16xf32, #tpu.memory_space<vmem>>
        %dma_start3A_617 = tpu.memref_squeeze %dma_start3A_616 : memref<1x1024x16xf32, #tpu.memory_space<vmem>> -> memref<1024x16xf32, #tpu.memory_space<vmem>>
        %dma_start3A_618 = arith.constant 0 : i32
        %dma_start3A_619 = arith.constant 0 : i32
        %dma_start3A_620 = tpu.memref_slice %dma_start3A_617[%dma_start3A_618, %dma_start3A_619] : memref<1024x16xf32, #tpu.memory_space<vmem>> -> memref<128x16xf32, #tpu.memory_space<vmem>>
        %dma_start3A_621 = arith.constant 0 : i32
        %dma_start3A_622 = tpu.memref_slice %arg6[%dma_start3A_612, %dma_start3A_621] : memref<32x128xi32, #tpu.memory_space<vmem>> -> memref<1x128xi32, #tpu.memory_space<vmem>>
        %dma_start3A_623 = tpu.memref_squeeze %dma_start3A_622 : memref<1x128xi32, #tpu.memory_space<vmem>> -> memref<128xi32, #tpu.memory_space<vmem>>
        %dma_start3A_624 = arith.constant 0 : i32
        %dma_start3A_625 = arith.constant 0 : i32
        %dma_start3A_626 = tpu.memref_slice %arg3[%dma_start3A_624, %dma_start3A_625] : memref<50257x16xf32, #tpu.memory_space<hbm>> -> memref<50257x16xf32, #tpu.memory_space<hbm>>
        tpu.enqueue_indirect_dma source(%dma_start3A_626 : memref<50257x16xf32, #tpu.memory_space<hbm>>) target(%dma_start3A_620 : memref<128x16xf32, #tpu.memory_space<vmem>>) offsets(%dma_start3A_623 : memref<128xi32, #tpu.memory_space<vmem>>) semaphore(%arg16 : memref<!tpu.dma_semaphore, #tpu.memory_space<semaphore_mem>>)
        %dma_start3A_627 = arith.constant 9 : i32
        %dma_start3A_628 = arith.constant 1 : i32
        %dma_start3A_629 = arith.constant 0 : i32
        %dma_start3A_630 = arith.constant 0 : i32
        %dma_start3A_631 = tpu.memref_slice %arg7[%dma_start3A_628, %dma_start3A_629, %dma_start3A_630] : memref<4x1024x16xf32, #tpu.memory_space<vmem>> -> memref<1x1024x16xf32, #tpu.memory_space<vmem>>
        %dma_start3A_632 = tpu.memref_squeeze %dma_start3A_631 : memref<1x1024x16xf32, #tpu.memory_space<vmem>> -> memref<1024x16xf32, #tpu.memory_space<vmem>>
        %dma_start3A_633 = arith.constant 128 : i32
        %dma_start3A_634 = arith.constant 0 : i32
        %dma_start3A_635 = tpu.memref_slice %dma_start3A_632[%dma_start3A_633, %dma_start3A_634] : memref<1024x16xf32, #tpu.memory_space<vmem>> -> memref<128x16xf32, #tpu.memory_space<vmem>>
        %dma_start3A_636 = arith.constant 0 : i32
        %dma_start3A_637 = tpu.memref_slice %arg6[%dma_start3A_627, %dma_start3A_636] : memref<32x128xi32, #tpu.memory_space<vmem>> -> memref<1x128xi32, #tpu.memory_space<vmem>>
        %dma_start3A_638 = tpu.memref_squeeze %dma_start3A_637 : memref<1x128xi32, #tpu.memory_space<vmem>> -> memref<128xi32, #tpu.memory_space<vmem>>
        %dma_start3A_639 = arith.constant 0 : i32
        %dma_start3A_640 = arith.constant 0 : i32
        %dma_start3A_641 = tpu.memref_slice %arg3[%dma_start3A_639, %dma_start3A_640] : memref<50257x16xf32, #tpu.memory_space<hbm>> -> memref<50257x16xf32, #tpu.memory_space<hbm>>
        tpu.enqueue_indirect_dma source(%dma_start3A_641 : memref<50257x16xf32, #tpu.memory_space<hbm>>) target(%dma_start3A_635 : memref<128x16xf32, #tpu.memory_space<vmem>>) offsets(%dma_start3A_638 : memref<128xi32, #tpu.memory_space<vmem>>) semaphore(%arg16 : memref<!tpu.dma_semaphore, #tpu.memory_space<semaphore_mem>>)
        %dma_start3A_642 = arith.constant 10 : i32
        %dma_start3A_643 = arith.constant 1 : i32
        %dma_start3A_644 = arith.constant 0 : i32
        %dma_start3A_645 = arith.constant 0 : i32
        %dma_start3A_646 = tpu.memref_slice %arg7[%dma_start3A_643, %dma_start3A_644, %dma_start3A_645] : memref<4x1024x16xf32, #tpu.memory_space<vmem>> -> memref<1x1024x16xf32, #tpu.memory_space<vmem>>
        %dma_start3A_647 = tpu.memref_squeeze %dma_start3A_646 : memref<1x1024x16xf32, #tpu.memory_space<vmem>> -> memref<1024x16xf32, #tpu.memory_space<vmem>>
        %dma_start3A_648 = arith.constant 256 : i32
        %dma_start3A_649 = arith.constant 0 : i32
        %dma_start3A_650 = tpu.memref_slice %dma_start3A_647[%dma_start3A_648, %dma_start3A_649] : memref<1024x16xf32, #tpu.memory_space<vmem>> -> memref<128x16xf32, #tpu.memory_space<vmem>>
        %dma_start3A_651 = arith.constant 0 : i32
        %dma_start3A_652 = tpu.memref_slice %arg6[%dma_start3A_642, %dma_start3A_651] : memref<32x128xi32, #tpu.memory_space<vmem>> -> memref<1x128xi32, #tpu.memory_space<vmem>>
        %dma_start3A_653 = tpu.memref_squeeze %dma_start3A_652 : memref<1x128xi32, #tpu.memory_space<vmem>> -> memref<128xi32, #tpu.memory_space<vmem>>
        %dma_start3A_654 = arith.constant 0 : i32
        %dma_start3A_655 = arith.constant 0 : i32
        %dma_start3A_656 = tpu.memref_slice %arg3[%dma_start3A_654, %dma_start3A_655] : memref<50257x16xf32, #tpu.memory_space<hbm>> -> memref<50257x16xf32, #tpu.memory_space<hbm>>
        tpu.enqueue_indirect_dma source(%dma_start3A_656 : memref<50257x16xf32, #tpu.memory_space<hbm>>) target(%dma_start3A_650 : memref<128x16xf32, #tpu.memory_space<vmem>>) offsets(%dma_start3A_653 : memref<128xi32, #tpu.memory_space<vmem>>) semaphore(%arg16 : memref<!tpu.dma_semaphore, #tpu.memory_space<semaphore_mem>>)
        %dma_start3A_657 = arith.constant 11 : i32
        %dma_start3A_658 = arith.constant 1 : i32
        %dma_start3A_659 = arith.constant 0 : i32
        %dma_start3A_660 = arith.constant 0 : i32
        %dma_start3A_661 = tpu.memref_slice %arg7[%dma_start3A_658, %dma_start3A_659, %dma_start3A_660] : memref<4x1024x16xf32, #tpu.memory_space<vmem>> -> memref<1x1024x16xf32, #tpu.memory_space<vmem>>
        %dma_start3A_662 = tpu.memref_squeeze %dma_start3A_661 : memref<1x1024x16xf32, #tpu.memory_space<vmem>> -> memref<1024x16xf32, #tpu.memory_space<vmem>>
        %dma_start3A_663 = arith.constant 384 : i32
        %dma_start3A_664 = arith.constant 0 : i32
        %dma_start3A_665 = tpu.memref_slice %dma_start3A_662[%dma_start3A_663, %dma_start3A_664] : memref<1024x16xf32, #tpu.memory_space<vmem>> -> memref<128x16xf32, #tpu.memory_space<vmem>>
        %dma_start3A_666 = arith.constant 0 : i32
        %dma_start3A_667 = tpu.memref_slice %arg6[%dma_start3A_657, %dma_start3A_666] : memref<32x128xi32, #tpu.memory_space<vmem>> -> memref<1x128xi32, #tpu.memory_space<vmem>>
        %dma_start3A_668 = tpu.memref_squeeze %dma_start3A_667 : memref<1x128xi32, #tpu.memory_space<vmem>> -> memref<128xi32, #tpu.memory_space<vmem>>
        %dma_start3A_669 = arith.constant 0 : i32
        %dma_start3A_670 = arith.constant 0 : i32
        %dma_start3A_671 = tpu.memref_slice %arg3[%dma_start3A_669, %dma_start3A_670] : memref<50257x16xf32, #tpu.memory_space<hbm>> -> memref<50257x16xf32, #tpu.memory_space<hbm>>
        tpu.enqueue_indirect_dma source(%dma_start3A_671 : memref<50257x16xf32, #tpu.memory_space<hbm>>) target(%dma_start3A_665 : memref<128x16xf32, #tpu.memory_space<vmem>>) offsets(%dma_start3A_668 : memref<128xi32, #tpu.memory_space<vmem>>) semaphore(%arg16 : memref<!tpu.dma_semaphore, #tpu.memory_space<semaphore_mem>>)
        %dma_start3A_672 = arith.constant 12 : i32
        %dma_start3A_673 = arith.constant 1 : i32
        %dma_start3A_674 = arith.constant 0 : i32
        %dma_start3A_675 = arith.constant 0 : i32
        %dma_start3A_676 = tpu.memref_slice %arg7[%dma_start3A_673, %dma_start3A_674, %dma_start3A_675] : memref<4x1024x16xf32, #tpu.memory_space<vmem>> -> memref<1x1024x16xf32, #tpu.memory_space<vmem>>
        %dma_start3A_677 = tpu.memref_squeeze %dma_start3A_676 : memref<1x1024x16xf32, #tpu.memory_space<vmem>> -> memref<1024x16xf32, #tpu.memory_space<vmem>>
        %dma_start3A_678 = arith.constant 512 : i32
        %dma_start3A_679 = arith.constant 0 : i32
        %dma_start3A_680 = tpu.memref_slice %dma_start3A_677[%dma_start3A_678, %dma_start3A_679] : memref<1024x16xf32, #tpu.memory_space<vmem>> -> memref<128x16xf32, #tpu.memory_space<vmem>>
        %dma_start3A_681 = arith.constant 0 : i32
        %dma_start3A_682 = tpu.memref_slice %arg6[%dma_start3A_672, %dma_start3A_681] : memref<32x128xi32, #tpu.memory_space<vmem>> -> memref<1x128xi32, #tpu.memory_space<vmem>>
        %dma_start3A_683 = tpu.memref_squeeze %dma_start3A_682 : memref<1x128xi32, #tpu.memory_space<vmem>> -> memref<128xi32, #tpu.memory_space<vmem>>
        %dma_start3A_684 = arith.constant 0 : i32
        %dma_start3A_685 = arith.constant 0 : i32
        %dma_start3A_686 = tpu.memref_slice %arg3[%dma_start3A_684, %dma_start3A_685] : memref<50257x16xf32, #tpu.memory_space<hbm>> -> memref<50257x16xf32, #tpu.memory_space<hbm>>
        tpu.enqueue_indirect_dma source(%dma_start3A_686 : memref<50257x16xf32, #tpu.memory_space<hbm>>) target(%dma_start3A_680 : memref<128x16xf32, #tpu.memory_space<vmem>>) offsets(%dma_start3A_683 : memref<128xi32, #tpu.memory_space<vmem>>) semaphore(%arg16 : memref<!tpu.dma_semaphore, #tpu.memory_space<semaphore_mem>>)
        %dma_start3A_687 = arith.constant 13 : i32
        %dma_start3A_688 = arith.constant 1 : i32
        %dma_start3A_689 = arith.constant 0 : i32
        %dma_start3A_690 = arith.constant 0 : i32
        %dma_start3A_691 = tpu.memref_slice %arg7[%dma_start3A_688, %dma_start3A_689, %dma_start3A_690] : memref<4x1024x16xf32, #tpu.memory_space<vmem>> -> memref<1x1024x16xf32, #tpu.memory_space<vmem>>
        %dma_start3A_692 = tpu.memref_squeeze %dma_start3A_691 : memref<1x1024x16xf32, #tpu.memory_space<vmem>> -> memref<1024x16xf32, #tpu.memory_space<vmem>>
        %dma_start3A_693 = arith.constant 640 : i32
        %dma_start3A_694 = arith.constant 0 : i32
        %dma_start3A_695 = tpu.memref_slice %dma_start3A_692[%dma_start3A_693, %dma_start3A_694] : memref<1024x16xf32, #tpu.memory_space<vmem>> -> memref<128x16xf32, #tpu.memory_space<vmem>>
        %dma_start3A_696 = arith.constant 0 : i32
        %dma_start3A_697 = tpu.memref_slice %arg6[%dma_start3A_687, %dma_start3A_696] : memref<32x128xi32, #tpu.memory_space<vmem>> -> memref<1x128xi32, #tpu.memory_space<vmem>>
        %dma_start3A_698 = tpu.memref_squeeze %dma_start3A_697 : memref<1x128xi32, #tpu.memory_space<vmem>> -> memref<128xi32, #tpu.memory_space<vmem>>
        %dma_start3A_699 = arith.constant 0 : i32
        %dma_start3A_700 = arith.constant 0 : i32
        %dma_start3A_701 = tpu.memref_slice %arg3[%dma_start3A_699, %dma_start3A_700] : memref<50257x16xf32, #tpu.memory_space<hbm>> -> memref<50257x16xf32, #tpu.memory_space<hbm>>
        tpu.enqueue_indirect_dma source(%dma_start3A_701 : memref<50257x16xf32, #tpu.memory_space<hbm>>) target(%dma_start3A_695 : memref<128x16xf32, #tpu.memory_space<vmem>>) offsets(%dma_start3A_698 : memref<128xi32, #tpu.memory_space<vmem>>) semaphore(%arg16 : memref<!tpu.dma_semaphore, #tpu.memory_space<semaphore_mem>>)
        %dma_start3A_702 = arith.constant 14 : i32
        %dma_start3A_703 = arith.constant 1 : i32
        %dma_start3A_704 = arith.constant 0 : i32
        %dma_start3A_705 = arith.constant 0 : i32
        %dma_start3A_706 = tpu.memref_slice %arg7[%dma_start3A_703, %dma_start3A_704, %dma_start3A_705] : memref<4x1024x16xf32, #tpu.memory_space<vmem>> -> memref<1x1024x16xf32, #tpu.memory_space<vmem>>
        %dma_start3A_707 = tpu.memref_squeeze %dma_start3A_706 : memref<1x1024x16xf32, #tpu.memory_space<vmem>> -> memref<1024x16xf32, #tpu.memory_space<vmem>>
        %dma_start3A_708 = arith.constant 768 : i32
        %dma_start3A_709 = arith.constant 0 : i32
        %dma_start3A_710 = tpu.memref_slice %dma_start3A_707[%dma_start3A_708, %dma_start3A_709] : memref<1024x16xf32, #tpu.memory_space<vmem>> -> memref<128x16xf32, #tpu.memory_space<vmem>>
        %dma_start3A_711 = arith.constant 0 : i32
        %dma_start3A_712 = tpu.memref_slice %arg6[%dma_start3A_702, %dma_start3A_711] : memref<32x128xi32, #tpu.memory_space<vmem>> -> memref<1x128xi32, #tpu.memory_space<vmem>>
        %dma_start3A_713 = tpu.memref_squeeze %dma_start3A_712 : memref<1x128xi32, #tpu.memory_space<vmem>> -> memref<128xi32, #tpu.memory_space<vmem>>
        %dma_start3A_714 = arith.constant 0 : i32
        %dma_start3A_715 = arith.constant 0 : i32
        %dma_start3A_716 = tpu.memref_slice %arg3[%dma_start3A_714, %dma_start3A_715] : memref<50257x16xf32, #tpu.memory_space<hbm>> -> memref<50257x16xf32, #tpu.memory_space<hbm>>
        tpu.enqueue_indirect_dma source(%dma_start3A_716 : memref<50257x16xf32, #tpu.memory_space<hbm>>) target(%dma_start3A_710 : memref<128x16xf32, #tpu.memory_space<vmem>>) offsets(%dma_start3A_713 : memref<128xi32, #tpu.memory_space<vmem>>) semaphore(%arg16 : memref<!tpu.dma_semaphore, #tpu.memory_space<semaphore_mem>>)
        %dma_start3A_717 = arith.constant 15 : i32
        %dma_start3A_718 = arith.constant 1 : i32
        %dma_start3A_719 = arith.constant 0 : i32
        %dma_start3A_720 = arith.constant 0 : i32
        %dma_start3A_721 = tpu.memref_slice %arg7[%dma_start3A_718, %dma_start3A_719, %dma_start3A_720] : memref<4x1024x16xf32, #tpu.memory_space<vmem>> -> memref<1x1024x16xf32, #tpu.memory_space<vmem>>
        %dma_start3A_722 = tpu.memref_squeeze %dma_start3A_721 : memref<1x1024x16xf32, #tpu.memory_space<vmem>> -> memref<1024x16xf32, #tpu.memory_space<vmem>>
        %dma_start3A_723 = arith.constant 896 : i32
        %dma_start3A_724 = arith.constant 0 : i32
        %dma_start3A_725 = tpu.memref_slice %dma_start3A_722[%dma_start3A_723, %dma_start3A_724] : memref<1024x16xf32, #tpu.memory_space<vmem>> -> memref<128x16xf32, #tpu.memory_space<vmem>>
        %dma_start3A_726 = arith.constant 0 : i32
        %dma_start3A_727 = tpu.memref_slice %arg6[%dma_start3A_717, %dma_start3A_726] : memref<32x128xi32, #tpu.memory_space<vmem>> -> memref<1x128xi32, #tpu.memory_space<vmem>>
        %dma_start3A_728 = tpu.memref_squeeze %dma_start3A_727 : memref<1x128xi32, #tpu.memory_space<vmem>> -> memref<128xi32, #tpu.memory_space<vmem>>
        %dma_start3A_729 = arith.constant 0 : i32
        %dma_start3A_730 = arith.constant 0 : i32
        %dma_start3A_731 = tpu.memref_slice %arg3[%dma_start3A_729, %dma_start3A_730] : memref<50257x16xf32, #tpu.memory_space<hbm>> -> memref<50257x16xf32, #tpu.memory_space<hbm>>
        tpu.enqueue_indirect_dma source(%dma_start3A_731 : memref<50257x16xf32, #tpu.memory_space<hbm>>) target(%dma_start3A_725 : memref<128x16xf32, #tpu.memory_space<vmem>>) offsets(%dma_start3A_728 : memref<128xi32, #tpu.memory_space<vmem>>) semaphore(%arg16 : memref<!tpu.dma_semaphore, #tpu.memory_space<semaphore_mem>>)
      } else {
      }
      %ge3A_571 = arith.constant 2 : i32
      %ge3A_572 = arith.cmpi sge, %add3A_541, %ge3A_571 : i32
      %convert_element_type3A_573 = arith.extui %ge3A_572 : i1 to i32
      %cond3A_574 = arith.constant 0 : i32
      %cond3A_575 = arith.cmpi ne, %convert_element_type3A_573, %cond3A_574 : i32
      scf.if %cond3A_575 {
        %dma_wait3A_598 = arith.constant 1 : i32
        %dma_wait3A_599 = arith.constant 0 : i32
        %dma_wait3A_600 = tpu.memref_slice %arg8[%dma_wait3A_598, %dma_wait3A_599] : memref<2x16384xf32, #tpu.memory_space<vmem>> -> memref<1x16384xf32, #tpu.memory_space<vmem>>
        %dma_wait3A_601 = tpu.memref_squeeze %dma_wait3A_600 : memref<1x16384xf32, #tpu.memory_space<vmem>> -> memref<16384xf32, #tpu.memory_space<vmem>>
        %dma_wait3A_602 = arith.constant 0 : i32
        %dma_wait3A_603 = tpu.memref_slice %arg5[%mul3A_2, %dma_wait3A_602] : memref<1024x16384xf32, #tpu.memory_space<hbm>> -> memref<1x16384xf32, #tpu.memory_space<hbm>>
        %dma_wait3A_604 = tpu.memref_squeeze %dma_wait3A_603 : memref<1x16384xf32, #tpu.memory_space<hbm>> -> memref<16384xf32, #tpu.memory_space<hbm>>
        %dma_wait3A_605 = arith.constant 0 : i32
        %dma_wait3A_606 = tpu.memref_slice %arg8[%dma_wait3A_598, %dma_wait3A_605] : memref<2x16384xf32, #tpu.memory_space<vmem>> -> memref<1x16384xf32, #tpu.memory_space<vmem>>
        %dma_wait3A_607 = tpu.memref_squeeze %dma_wait3A_606 : memref<1x16384xf32, #tpu.memory_space<vmem>> -> memref<16384xf32, #tpu.memory_space<vmem>>
        %dma_wait3A_608 = arith.constant 0 : i32
        %dma_wait3A_609 = tpu.memref_slice %arg5[%mul3A_2, %dma_wait3A_608] : memref<1024x16384xf32, #tpu.memory_space<hbm>> -> memref<1x16384xf32, #tpu.memory_space<hbm>>
        %dma_wait3A_610 = tpu.memref_squeeze %dma_wait3A_609 : memref<1x16384xf32, #tpu.memory_space<hbm>> -> memref<16384xf32, #tpu.memory_space<hbm>>
        tpu.wait_dma2 semaphore(%arg20 : memref<!tpu.dma_semaphore, #tpu.memory_space<semaphore_mem>>) src(%dma_wait3A_610 : memref<16384xf32, #tpu.memory_space<hbm>>) dst(%dma_wait3A_607 : memref<16384xf32, #tpu.memory_space<vmem>>)
      } else {
      }
      %scan3A_576 = arith.constant 0 : i32
      %scan3A_577 = arith.constant 3 : i32
      %scan3A_578 = arith.constant 1 : i32
      %scan3A_579 = arith.constant 0 : i32
      %scan3A_580 = arith.constant 64 : i32
      %scan3A_581 = arith.addi %scan3A_579, %scan3A_580 : i32
      %scan3A_582 = arith.constant 1 : i32
      scf.for %scan3A_598 = %scan3A_579 to %scan3A_581 step %scan3A_582  : i32 {
        %mul3A_599 = arith.constant 16 : i32
        %mul3A_600 = arith.muli %scan3A_598, %mul3A_599 : i32
        %add3A_601 = arith.constant 0 : i32
        %add3A_602 = arith.addi %mul3A_600, %add3A_601 : i32
        %get3A = arith.constant 0 : i32
        %get3A_603 = arith.constant 0 : i32
        %get3A_604 = tpu.memref_slice %arg7[%scan3A_577, %get3A, %get3A_603] : memref<4x1024x16xf32, #tpu.memory_space<vmem>> -> memref<1x1024x16xf32, #tpu.memory_space<vmem>>
        %get3A_605 = tpu.memref_squeeze %get3A_604 : memref<1x1024x16xf32, #tpu.memory_space<vmem>> -> memref<1024x16xf32, #tpu.memory_space<vmem>>
        %get3A_606 = arith.index_cast %add3A_602 : i32 to index
        %get3A_607 = arith.constant 0 : index
        %get3A_608 = tpu.vector_load %get3A_605[%get3A_606, %get3A_607] {strides = array<i32>} : memref<1024x16xf32, #tpu.memory_space<vmem>>, vector<16xf32>,
        %add3A_609 = arith.constant 0 : i32
        %add3A_610 = arith.addi %mul3A_600, %add3A_609 : i32
        %get3A_611 = arith.index_cast %add3A_610 : i32 to index
        %get3A_612 = arith.constant 0 : index
        %get3A_613 = tpu.vector_load %arg9[%get3A_611, %get3A_612] {strides = array<i32>} : memref<1024x16xf32, #tpu.memory_space<vmem>>, vector<16xf32>,
        %add3A_614 = arith.addf %get3A_608, %get3A_613 : vector<16xf32>
        %add3A_615 = arith.constant 1 : i32
        %add3A_616 = arith.addi %mul3A_600, %add3A_615 : i32
        %get3A_617 = arith.constant 0 : i32
        %get3A_618 = arith.constant 0 : i32
        %get3A_619 = tpu.memref_slice %arg7[%scan3A_577, %get3A_617, %get3A_618] : memref<4x1024x16xf32, #tpu.memory_space<vmem>> -> memref<1x1024x16xf32, #tpu.memory_space<vmem>>
        %get3A_620 = tpu.memref_squeeze %get3A_619 : memref<1x1024x16xf32, #tpu.memory_space<vmem>> -> memref<1024x16xf32, #tpu.memory_space<vmem>>
        %get3A_621 = arith.index_cast %add3A_616 : i32 to index
        %get3A_622 = arith.constant 0 : index
        %get3A_623 = tpu.vector_load %get3A_620[%get3A_621, %get3A_622] {strides = array<i32>} : memref<1024x16xf32, #tpu.memory_space<vmem>>, vector<16xf32>,
        %add3A_624 = arith.constant 1 : i32
        %add3A_625 = arith.addi %mul3A_600, %add3A_624 : i32
        %get3A_626 = arith.index_cast %add3A_625 : i32 to index
        %get3A_627 = arith.constant 0 : index
        %get3A_628 = tpu.vector_load %arg9[%get3A_626, %get3A_627] {strides = array<i32>} : memref<1024x16xf32, #tpu.memory_space<vmem>>, vector<16xf32>,
        %add3A_629 = arith.addf %get3A_623, %get3A_628 : vector<16xf32>
        %add3A_630 = arith.constant 2 : i32
        %add3A_631 = arith.addi %mul3A_600, %add3A_630 : i32
        %get3A_632 = arith.constant 0 : i32
        %get3A_633 = arith.constant 0 : i32
        %get3A_634 = tpu.memref_slice %arg7[%scan3A_577, %get3A_632, %get3A_633] : memref<4x1024x16xf32, #tpu.memory_space<vmem>> -> memref<1x1024x16xf32, #tpu.memory_space<vmem>>
        %get3A_635 = tpu.memref_squeeze %get3A_634 : memref<1x1024x16xf32, #tpu.memory_space<vmem>> -> memref<1024x16xf32, #tpu.memory_space<vmem>>
        %get3A_636 = arith.index_cast %add3A_631 : i32 to index
        %get3A_637 = arith.constant 0 : index
        %get3A_638 = tpu.vector_load %get3A_635[%get3A_636, %get3A_637] {strides = array<i32>} : memref<1024x16xf32, #tpu.memory_space<vmem>>, vector<16xf32>,
        %add3A_639 = arith.constant 2 : i32
        %add3A_640 = arith.addi %mul3A_600, %add3A_639 : i32
        %get3A_641 = arith.index_cast %add3A_640 : i32 to index
        %get3A_642 = arith.constant 0 : index
        %get3A_643 = tpu.vector_load %arg9[%get3A_641, %get3A_642] {strides = array<i32>} : memref<1024x16xf32, #tpu.memory_space<vmem>>, vector<16xf32>,
        %add3A_644 = arith.addf %get3A_638, %get3A_643 : vector<16xf32>
        %add3A_645 = arith.constant 3 : i32
        %add3A_646 = arith.addi %mul3A_600, %add3A_645 : i32
        %get3A_647 = arith.constant 0 : i32
        %get3A_648 = arith.constant 0 : i32
        %get3A_649 = tpu.memref_slice %arg7[%scan3A_577, %get3A_647, %get3A_648] : memref<4x1024x16xf32, #tpu.memory_space<vmem>> -> memref<1x1024x16xf32, #tpu.memory_space<vmem>>
        %get3A_650 = tpu.memref_squeeze %get3A_649 : memref<1x1024x16xf32, #tpu.memory_space<vmem>> -> memref<1024x16xf32, #tpu.memory_space<vmem>>
        %get3A_651 = arith.index_cast %add3A_646 : i32 to index
        %get3A_652 = arith.constant 0 : index
        %get3A_653 = tpu.vector_load %get3A_650[%get3A_651, %get3A_652] {strides = array<i32>} : memref<1024x16xf32, #tpu.memory_space<vmem>>, vector<16xf32>,
        %add3A_654 = arith.constant 3 : i32
        %add3A_655 = arith.addi %mul3A_600, %add3A_654 : i32
        %get3A_656 = arith.index_cast %add3A_655 : i32 to index
        %get3A_657 = arith.constant 0 : index
        %get3A_658 = tpu.vector_load %arg9[%get3A_656, %get3A_657] {strides = array<i32>} : memref<1024x16xf32, #tpu.memory_space<vmem>>, vector<16xf32>,
        %add3A_659 = arith.addf %get3A_653, %get3A_658 : vector<16xf32>
        %add3A_660 = arith.constant 4 : i32
        %add3A_661 = arith.addi %mul3A_600, %add3A_660 : i32
        %get3A_662 = arith.constant 0 : i32
        %get3A_663 = arith.constant 0 : i32
        %get3A_664 = tpu.memref_slice %arg7[%scan3A_577, %get3A_662, %get3A_663] : memref<4x1024x16xf32, #tpu.memory_space<vmem>> -> memref<1x1024x16xf32, #tpu.memory_space<vmem>>
        %get3A_665 = tpu.memref_squeeze %get3A_664 : memref<1x1024x16xf32, #tpu.memory_space<vmem>> -> memref<1024x16xf32, #tpu.memory_space<vmem>>
        %get3A_666 = arith.index_cast %add3A_661 : i32 to index
        %get3A_667 = arith.constant 0 : index
        %get3A_668 = tpu.vector_load %get3A_665[%get3A_666, %get3A_667] {strides = array<i32>} : memref<1024x16xf32, #tpu.memory_space<vmem>>, vector<16xf32>,
        %add3A_669 = arith.constant 4 : i32
        %add3A_670 = arith.addi %mul3A_600, %add3A_669 : i32
        %get3A_671 = arith.index_cast %add3A_670 : i32 to index
        %get3A_672 = arith.constant 0 : index
        %get3A_673 = tpu.vector_load %arg9[%get3A_671, %get3A_672] {strides = array<i32>} : memref<1024x16xf32, #tpu.memory_space<vmem>>, vector<16xf32>,
        %add3A_674 = arith.addf %get3A_668, %get3A_673 : vector<16xf32>
        %add3A_675 = arith.constant 5 : i32
        %add3A_676 = arith.addi %mul3A_600, %add3A_675 : i32
        %get3A_677 = arith.constant 0 : i32
        %get3A_678 = arith.constant 0 : i32
        %get3A_679 = tpu.memref_slice %arg7[%scan3A_577, %get3A_677, %get3A_678] : memref<4x1024x16xf32, #tpu.memory_space<vmem>> -> memref<1x1024x16xf32, #tpu.memory_space<vmem>>
        %get3A_680 = tpu.memref_squeeze %get3A_679 : memref<1x1024x16xf32, #tpu.memory_space<vmem>> -> memref<1024x16xf32, #tpu.memory_space<vmem>>
        %get3A_681 = arith.index_cast %add3A_676 : i32 to index
        %get3A_682 = arith.constant 0 : index
        %get3A_683 = tpu.vector_load %get3A_680[%get3A_681, %get3A_682] {strides = array<i32>} : memref<1024x16xf32, #tpu.memory_space<vmem>>, vector<16xf32>,
        %add3A_684 = arith.constant 5 : i32
        %add3A_685 = arith.addi %mul3A_600, %add3A_684 : i32
        %get3A_686 = arith.index_cast %add3A_685 : i32 to index
        %get3A_687 = arith.constant 0 : index
        %get3A_688 = tpu.vector_load %arg9[%get3A_686, %get3A_687] {strides = array<i32>} : memref<1024x16xf32, #tpu.memory_space<vmem>>, vector<16xf32>,
        %add3A_689 = arith.addf %get3A_683, %get3A_688 : vector<16xf32>
        %add3A_690 = arith.constant 6 : i32
        %add3A_691 = arith.addi %mul3A_600, %add3A_690 : i32
        %get3A_692 = arith.constant 0 : i32
        %get3A_693 = arith.constant 0 : i32
        %get3A_694 = tpu.memref_slice %arg7[%scan3A_577, %get3A_692, %get3A_693] : memref<4x1024x16xf32, #tpu.memory_space<vmem>> -> memref<1x1024x16xf32, #tpu.memory_space<vmem>>
        %get3A_695 = tpu.memref_squeeze %get3A_694 : memref<1x1024x16xf32, #tpu.memory_space<vmem>> -> memref<1024x16xf32, #tpu.memory_space<vmem>>
        %get3A_696 = arith.index_cast %add3A_691 : i32 to index
        %get3A_697 = arith.constant 0 : index
        %get3A_698 = tpu.vector_load %get3A_695[%get3A_696, %get3A_697] {strides = array<i32>} : memref<1024x16xf32, #tpu.memory_space<vmem>>, vector<16xf32>,
        %add3A_699 = arith.constant 6 : i32
        %add3A_700 = arith.addi %mul3A_600, %add3A_699 : i32
        %get3A_701 = arith.index_cast %add3A_700 : i32 to index
        %get3A_702 = arith.constant 0 : index
        %get3A_703 = tpu.vector_load %arg9[%get3A_701, %get3A_702] {strides = array<i32>} : memref<1024x16xf32, #tpu.memory_space<vmem>>, vector<16xf32>,
        %add3A_704 = arith.addf %get3A_698, %get3A_703 : vector<16xf32>
        %add3A_705 = arith.constant 7 : i32
        %add3A_706 = arith.addi %mul3A_600, %add3A_705 : i32
        %get3A_707 = arith.constant 0 : i32
        %get3A_708 = arith.constant 0 : i32
        %get3A_709 = tpu.memref_slice %arg7[%scan3A_577, %get3A_707, %get3A_708] : memref<4x1024x16xf32, #tpu.memory_space<vmem>> -> memref<1x1024x16xf32, #tpu.memory_space<vmem>>
        %get3A_710 = tpu.memref_squeeze %get3A_709 : memref<1x1024x16xf32, #tpu.memory_space<vmem>> -> memref<1024x16xf32, #tpu.memory_space<vmem>>
        %get3A_711 = arith.index_cast %add3A_706 : i32 to index
        %get3A_712 = arith.constant 0 : index
        %get3A_713 = tpu.vector_load %get3A_710[%get3A_711, %get3A_712] {strides = array<i32>} : memref<1024x16xf32, #tpu.memory_space<vmem>>, vector<16xf32>,
        %add3A_714 = arith.constant 7 : i32
        %add3A_715 = arith.addi %mul3A_600, %add3A_714 : i32
        %get3A_716 = arith.index_cast %add3A_715 : i32 to index
        %get3A_717 = arith.constant 0 : index
        %get3A_718 = tpu.vector_load %arg9[%get3A_716, %get3A_717] {strides = array<i32>} : memref<1024x16xf32, #tpu.memory_space<vmem>>, vector<16xf32>,
        %add3A_719 = arith.addf %get3A_713, %get3A_718 : vector<16xf32>
        %add3A_720 = arith.constant 8 : i32
        %add3A_721 = arith.addi %mul3A_600, %add3A_720 : i32
        %get3A_722 = arith.constant 0 : i32
        %get3A_723 = arith.constant 0 : i32
        %get3A_724 = tpu.memref_slice %arg7[%scan3A_577, %get3A_722, %get3A_723] : memref<4x1024x16xf32, #tpu.memory_space<vmem>> -> memref<1x1024x16xf32, #tpu.memory_space<vmem>>
        %get3A_725 = tpu.memref_squeeze %get3A_724 : memref<1x1024x16xf32, #tpu.memory_space<vmem>> -> memref<1024x16xf32, #tpu.memory_space<vmem>>
        %get3A_726 = arith.index_cast %add3A_721 : i32 to index
        %get3A_727 = arith.constant 0 : index
        %get3A_728 = tpu.vector_load %get3A_725[%get3A_726, %get3A_727] {strides = array<i32>} : memref<1024x16xf32, #tpu.memory_space<vmem>>, vector<16xf32>,
        %add3A_729 = arith.constant 8 : i32
        %add3A_730 = arith.addi %mul3A_600, %add3A_729 : i32
        %get3A_731 = arith.index_cast %add3A_730 : i32 to index
        %get3A_732 = arith.constant 0 : index
        %get3A_733 = tpu.vector_load %arg9[%get3A_731, %get3A_732] {strides = array<i32>} : memref<1024x16xf32, #tpu.memory_space<vmem>>, vector<16xf32>,
        %add3A_734 = arith.addf %get3A_728, %get3A_733 : vector<16xf32>
        %add3A_735 = arith.constant 9 : i32
        %add3A_736 = arith.addi %mul3A_600, %add3A_735 : i32
        %get3A_737 = arith.constant 0 : i32
        %get3A_738 = arith.constant 0 : i32
        %get3A_739 = tpu.memref_slice %arg7[%scan3A_577, %get3A_737, %get3A_738] : memref<4x1024x16xf32, #tpu.memory_space<vmem>> -> memref<1x1024x16xf32, #tpu.memory_space<vmem>>
        %get3A_740 = tpu.memref_squeeze %get3A_739 : memref<1x1024x16xf32, #tpu.memory_space<vmem>> -> memref<1024x16xf32, #tpu.memory_space<vmem>>
        %get3A_741 = arith.index_cast %add3A_736 : i32 to index
        %get3A_742 = arith.constant 0 : index
        %get3A_743 = tpu.vector_load %get3A_740[%get3A_741, %get3A_742] {strides = array<i32>} : memref<1024x16xf32, #tpu.memory_space<vmem>>, vector<16xf32>,
        %add3A_744 = arith.constant 9 : i32
        %add3A_745 = arith.addi %mul3A_600, %add3A_744 : i32
        %get3A_746 = arith.index_cast %add3A_745 : i32 to index
        %get3A_747 = arith.constant 0 : index
        %get3A_748 = tpu.vector_load %arg9[%get3A_746, %get3A_747] {strides = array<i32>} : memref<1024x16xf32, #tpu.memory_space<vmem>>, vector<16xf32>,
        %add3A_749 = arith.addf %get3A_743, %get3A_748 : vector<16xf32>
        %add3A_750 = arith.constant 10 : i32
        %add3A_751 = arith.addi %mul3A_600, %add3A_750 : i32
        %get3A_752 = arith.constant 0 : i32
        %get3A_753 = arith.constant 0 : i32
        %get3A_754 = tpu.memref_slice %arg7[%scan3A_577, %get3A_752, %get3A_753] : memref<4x1024x16xf32, #tpu.memory_space<vmem>> -> memref<1x1024x16xf32, #tpu.memory_space<vmem>>
        %get3A_755 = tpu.memref_squeeze %get3A_754 : memref<1x1024x16xf32, #tpu.memory_space<vmem>> -> memref<1024x16xf32, #tpu.memory_space<vmem>>
        %get3A_756 = arith.index_cast %add3A_751 : i32 to index
        %get3A_757 = arith.constant 0 : index
        %get3A_758 = tpu.vector_load %get3A_755[%get3A_756, %get3A_757] {strides = array<i32>} : memref<1024x16xf32, #tpu.memory_space<vmem>>, vector<16xf32>,
        %add3A_759 = arith.constant 10 : i32
        %add3A_760 = arith.addi %mul3A_600, %add3A_759 : i32
        %get3A_761 = arith.index_cast %add3A_760 : i32 to index
        %get3A_762 = arith.constant 0 : index
        %get3A_763 = tpu.vector_load %arg9[%get3A_761, %get3A_762] {strides = array<i32>} : memref<1024x16xf32, #tpu.memory_space<vmem>>, vector<16xf32>,
        %add3A_764 = arith.addf %get3A_758, %get3A_763 : vector<16xf32>
        %add3A_765 = arith.constant 11 : i32
        %add3A_766 = arith.addi %mul3A_600, %add3A_765 : i32
        %get3A_767 = arith.constant 0 : i32
        %get3A_768 = arith.constant 0 : i32
        %get3A_769 = tpu.memref_slice %arg7[%scan3A_577, %get3A_767, %get3A_768] : memref<4x1024x16xf32, #tpu.memory_space<vmem>> -> memref<1x1024x16xf32, #tpu.memory_space<vmem>>
        %get3A_770 = tpu.memref_squeeze %get3A_769 : memref<1x1024x16xf32, #tpu.memory_space<vmem>> -> memref<1024x16xf32, #tpu.memory_space<vmem>>
        %get3A_771 = arith.index_cast %add3A_766 : i32 to index
        %get3A_772 = arith.constant 0 : index
        %get3A_773 = tpu.vector_load %get3A_770[%get3A_771, %get3A_772] {strides = array<i32>} : memref<1024x16xf32, #tpu.memory_space<vmem>>, vector<16xf32>,
        %add3A_774 = arith.constant 11 : i32
        %add3A_775 = arith.addi %mul3A_600, %add3A_774 : i32
        %get3A_776 = arith.index_cast %add3A_775 : i32 to index
        %get3A_777 = arith.constant 0 : index
        %get3A_778 = tpu.vector_load %arg9[%get3A_776, %get3A_777] {strides = array<i32>} : memref<1024x16xf32, #tpu.memory_space<vmem>>, vector<16xf32>,
        %add3A_779 = arith.addf %get3A_773, %get3A_778 : vector<16xf32>
        %add3A_780 = arith.constant 12 : i32
        %add3A_781 = arith.addi %mul3A_600, %add3A_780 : i32
        %get3A_782 = arith.constant 0 : i32
        %get3A_783 = arith.constant 0 : i32
        %get3A_784 = tpu.memref_slice %arg7[%scan3A_577, %get3A_782, %get3A_783] : memref<4x1024x16xf32, #tpu.memory_space<vmem>> -> memref<1x1024x16xf32, #tpu.memory_space<vmem>>
        %get3A_785 = tpu.memref_squeeze %get3A_784 : memref<1x1024x16xf32, #tpu.memory_space<vmem>> -> memref<1024x16xf32, #tpu.memory_space<vmem>>
        %get3A_786 = arith.index_cast %add3A_781 : i32 to index
        %get3A_787 = arith.constant 0 : index
        %get3A_788 = tpu.vector_load %get3A_785[%get3A_786, %get3A_787] {strides = array<i32>} : memref<1024x16xf32, #tpu.memory_space<vmem>>, vector<16xf32>,
        %add3A_789 = arith.constant 12 : i32
        %add3A_790 = arith.addi %mul3A_600, %add3A_789 : i32
        %get3A_791 = arith.index_cast %add3A_790 : i32 to index
        %get3A_792 = arith.constant 0 : index
        %get3A_793 = tpu.vector_load %arg9[%get3A_791, %get3A_792] {strides = array<i32>} : memref<1024x16xf32, #tpu.memory_space<vmem>>, vector<16xf32>,
        %add3A_794 = arith.addf %get3A_788, %get3A_793 : vector<16xf32>
        %add3A_795 = arith.constant 13 : i32
        %add3A_796 = arith.addi %mul3A_600, %add3A_795 : i32
        %get3A_797 = arith.constant 0 : i32
        %get3A_798 = arith.constant 0 : i32
        %get3A_799 = tpu.memref_slice %arg7[%scan3A_577, %get3A_797, %get3A_798] : memref<4x1024x16xf32, #tpu.memory_space<vmem>> -> memref<1x1024x16xf32, #tpu.memory_space<vmem>>
        %get3A_800 = tpu.memref_squeeze %get3A_799 : memref<1x1024x16xf32, #tpu.memory_space<vmem>> -> memref<1024x16xf32, #tpu.memory_space<vmem>>
        %get3A_801 = arith.index_cast %add3A_796 : i32 to index
        %get3A_802 = arith.constant 0 : index
        %get3A_803 = tpu.vector_load %get3A_800[%get3A_801, %get3A_802] {strides = array<i32>} : memref<1024x16xf32, #tpu.memory_space<vmem>>, vector<16xf32>,
        %add3A_804 = arith.constant 13 : i32
        %add3A_805 = arith.addi %mul3A_600, %add3A_804 : i32
        %get3A_806 = arith.index_cast %add3A_805 : i32 to index
        %get3A_807 = arith.constant 0 : index
        %get3A_808 = tpu.vector_load %arg9[%get3A_806, %get3A_807] {strides = array<i32>} : memref<1024x16xf32, #tpu.memory_space<vmem>>, vector<16xf32>,
        %add3A_809 = arith.addf %get3A_803, %get3A_808 : vector<16xf32>
        %add3A_810 = arith.constant 14 : i32
        %add3A_811 = arith.addi %mul3A_600, %add3A_810 : i32
        %get3A_812 = arith.constant 0 : i32
        %get3A_813 = arith.constant 0 : i32
        %get3A_814 = tpu.memref_slice %arg7[%scan3A_577, %get3A_812, %get3A_813] : memref<4x1024x16xf32, #tpu.memory_space<vmem>> -> memref<1x1024x16xf32, #tpu.memory_space<vmem>>
        %get3A_815 = tpu.memref_squeeze %get3A_814 : memref<1x1024x16xf32, #tpu.memory_space<vmem>> -> memref<1024x16xf32, #tpu.memory_space<vmem>>
        %get3A_816 = arith.index_cast %add3A_811 : i32 to index
        %get3A_817 = arith.constant 0 : index
        %get3A_818 = tpu.vector_load %get3A_815[%get3A_816, %get3A_817] {strides = array<i32>} : memref<1024x16xf32, #tpu.memory_space<vmem>>, vector<16xf32>,
        %add3A_819 = arith.constant 14 : i32
        %add3A_820 = arith.addi %mul3A_600, %add3A_819 : i32
        %get3A_821 = arith.index_cast %add3A_820 : i32 to index
        %get3A_822 = arith.constant 0 : index
        %get3A_823 = tpu.vector_load %arg9[%get3A_821, %get3A_822] {strides = array<i32>} : memref<1024x16xf32, #tpu.memory_space<vmem>>, vector<16xf32>,
        %add3A_824 = arith.addf %get3A_818, %get3A_823 : vector<16xf32>
        %add3A_825 = arith.constant 15 : i32
        %add3A_826 = arith.addi %mul3A_600, %add3A_825 : i32
        %get3A_827 = arith.constant 0 : i32
        %get3A_828 = arith.constant 0 : i32
        %get3A_829 = tpu.memref_slice %arg7[%scan3A_577, %get3A_827, %get3A_828] : memref<4x1024x16xf32, #tpu.memory_space<vmem>> -> memref<1x1024x16xf32, #tpu.memory_space<vmem>>
        %get3A_830 = tpu.memref_squeeze %get3A_829 : memref<1x1024x16xf32, #tpu.memory_space<vmem>> -> memref<1024x16xf32, #tpu.memory_space<vmem>>
        %get3A_831 = arith.index_cast %add3A_826 : i32 to index
        %get3A_832 = arith.constant 0 : index
        %get3A_833 = tpu.vector_load %get3A_830[%get3A_831, %get3A_832] {strides = array<i32>} : memref<1024x16xf32, #tpu.memory_space<vmem>>, vector<16xf32>,
        %add3A_834 = arith.constant 15 : i32
        %add3A_835 = arith.addi %mul3A_600, %add3A_834 : i32
        %get3A_836 = arith.index_cast %add3A_835 : i32 to index
        %get3A_837 = arith.constant 0 : index
        %get3A_838 = tpu.vector_load %arg9[%get3A_836, %get3A_837] {strides = array<i32>} : memref<1024x16xf32, #tpu.memory_space<vmem>>, vector<16xf32>,
        %add3A_839 = arith.addf %get3A_833, %get3A_838 : vector<16xf32>
        %swap3A = arith.constant 0 : index
        %swap3A_840 = tpu.vector_load %arg10[%swap3A] {strides = array<i32>} : memref<280xf32, #tpu.memory_space<vmem>>, vector<16xf32>,
        tpu.vector_store %arg10[%swap3A], %add3A_614 {strides = array<i32>} : memref<280xf32, #tpu.memory_space<vmem>>, vector<16xf32>,
        %swap3A_841 = arith.constant 17 : index
        %swap3A_842 = tpu.vector_load %arg10[%swap3A_841] {strides = array<i32>} : memref<280xf32, #tpu.memory_space<vmem>>, vector<16xf32>,
        tpu.vector_store %arg10[%swap3A_841], %add3A_629 {strides = array<i32>} : memref<280xf32, #tpu.memory_space<vmem>>, vector<16xf32>,
        %swap3A_843 = arith.constant 34 : index
        %swap3A_844 = tpu.vector_load %arg10[%swap3A_843] {strides = array<i32>} : memref<280xf32, #tpu.memory_space<vmem>>, vector<16xf32>,
        tpu.vector_store %arg10[%swap3A_843], %add3A_644 {strides = array<i32>} : memref<280xf32, #tpu.memory_space<vmem>>, vector<16xf32>,
        %swap3A_845 = arith.constant 51 : index
        %swap3A_846 = tpu.vector_load %arg10[%swap3A_845] {strides = array<i32>} : memref<280xf32, #tpu.memory_space<vmem>>, vector<16xf32>,
        tpu.vector_store %arg10[%swap3A_845], %add3A_659 {strides = array<i32>} : memref<280xf32, #tpu.memory_space<vmem>>, vector<16xf32>,
        %swap3A_847 = arith.constant 68 : index
        %swap3A_848 = tpu.vector_load %arg10[%swap3A_847] {strides = array<i32>} : memref<280xf32, #tpu.memory_space<vmem>>, vector<16xf32>,
        tpu.vector_store %arg10[%swap3A_847], %add3A_674 {strides = array<i32>} : memref<280xf32, #tpu.memory_space<vmem>>, vector<16xf32>,
        %swap3A_849 = arith.constant 85 : index
        %swap3A_850 = tpu.vector_load %arg10[%swap3A_849] {strides = array<i32>} : memref<280xf32, #tpu.memory_space<vmem>>, vector<16xf32>,
        tpu.vector_store %arg10[%swap3A_849], %add3A_689 {strides = array<i32>} : memref<280xf32, #tpu.memory_space<vmem>>, vector<16xf32>,
        %swap3A_851 = arith.constant 102 : index
        %swap3A_852 = tpu.vector_load %arg10[%swap3A_851] {strides = array<i32>} : memref<280xf32, #tpu.memory_space<vmem>>, vector<16xf32>,
        tpu.vector_store %arg10[%swap3A_851], %add3A_704 {strides = array<i32>} : memref<280xf32, #tpu.memory_space<vmem>>, vector<16xf32>,
        %swap3A_853 = arith.constant 119 : index
        %swap3A_854 = tpu.vector_load %arg10[%swap3A_853] {strides = array<i32>} : memref<280xf32, #tpu.memory_space<vmem>>, vector<16xf32>,
        tpu.vector_store %arg10[%swap3A_853], %add3A_719 {strides = array<i32>} : memref<280xf32, #tpu.memory_space<vmem>>, vector<16xf32>,
        %swap3A_855 = arith.constant 136 : index
        %swap3A_856 = tpu.vector_load %arg10[%swap3A_855] {strides = array<i32>} : memref<280xf32, #tpu.memory_space<vmem>>, vector<16xf32>,
        tpu.vector_store %arg10[%swap3A_855], %add3A_734 {strides = array<i32>} : memref<280xf32, #tpu.memory_space<vmem>>, vector<16xf32>,
        %swap3A_857 = arith.constant 153 : index
        %swap3A_858 = tpu.vector_load %arg10[%swap3A_857] {strides = array<i32>} : memref<280xf32, #tpu.memory_space<vmem>>, vector<16xf32>,
        tpu.vector_store %arg10[%swap3A_857], %add3A_749 {strides = array<i32>} : memref<280xf32, #tpu.memory_space<vmem>>, vector<16xf32>,
        %swap3A_859 = arith.constant 170 : index
        %swap3A_860 = tpu.vector_load %arg10[%swap3A_859] {strides = array<i32>} : memref<280xf32, #tpu.memory_space<vmem>>, vector<16xf32>,
        tpu.vector_store %arg10[%swap3A_859], %add3A_764 {strides = array<i32>} : memref<280xf32, #tpu.memory_space<vmem>>, vector<16xf32>,
        %swap3A_861 = arith.constant 187 : index
        %swap3A_862 = tpu.vector_load %arg10[%swap3A_861] {strides = array<i32>} : memref<280xf32, #tpu.memory_space<vmem>>, vector<16xf32>,
        tpu.vector_store %arg10[%swap3A_861], %add3A_779 {strides = array<i32>} : memref<280xf32, #tpu.memory_space<vmem>>, vector<16xf32>,
        %swap3A_863 = arith.constant 204 : index
        %swap3A_864 = tpu.vector_load %arg10[%swap3A_863] {strides = array<i32>} : memref<280xf32, #tpu.memory_space<vmem>>, vector<16xf32>,
        tpu.vector_store %arg10[%swap3A_863], %add3A_794 {strides = array<i32>} : memref<280xf32, #tpu.memory_space<vmem>>, vector<16xf32>,
        %swap3A_865 = arith.constant 221 : index
        %swap3A_866 = tpu.vector_load %arg10[%swap3A_865] {strides = array<i32>} : memref<280xf32, #tpu.memory_space<vmem>>, vector<16xf32>,
        tpu.vector_store %arg10[%swap3A_865], %add3A_809 {strides = array<i32>} : memref<280xf32, #tpu.memory_space<vmem>>, vector<16xf32>,
        %swap3A_867 = arith.constant 238 : index
        %swap3A_868 = tpu.vector_load %arg10[%swap3A_867] {strides = array<i32>} : memref<280xf32, #tpu.memory_space<vmem>>, vector<16xf32>,
        tpu.vector_store %arg10[%swap3A_867], %add3A_824 {strides = array<i32>} : memref<280xf32, #tpu.memory_space<vmem>>, vector<16xf32>,
        %swap3A_869 = arith.constant 255 : index
        %swap3A_870 = tpu.vector_load %arg10[%swap3A_869] {strides = array<i32>} : memref<280xf32, #tpu.memory_space<vmem>>, vector<16xf32>,
        tpu.vector_store %arg10[%swap3A_869], %add3A_839 {strides = array<i32>} : memref<280xf32, #tpu.memory_space<vmem>>, vector<16xf32>,
        %shift_right_arithmetic3A = arith.constant 3 : i32
        %shift_right_arithmetic3A_871 = arith.shrsi %scan3A_598, %shift_right_arithmetic3A : i32
        %mul3A_872 = arith.constant 1024 : i32
        %mul3A_873 = arith.muli %shift_right_arithmetic3A_871, %mul3A_872 : i32
        %and3A = arith.constant 7 : i32
        %and3A_874 = arith.andi %scan3A_598, %and3A : i32
        %mul3A_875 = arith.constant 16 : i32
        %mul3A_876 = arith.muli %and3A_874, %mul3A_875 : i32
        %add3A_877 = arith.addi %mul3A_873, %mul3A_876 : i32
        %add3A_878 = arith.constant 0 : i32
        %add3A_879 = vector.broadcast %add3A_878 : i32 to vector<16xi32>
        %add3A_880 = arith.addi %mul3A_5, %add3A_879 : vector<16xi32>
        %gather3A = tpu.vector_load_idx %arg10[%add3A_880] : memref<280xf32, #tpu.memory_space<vmem>>[vector<16xi32>], vector<16xf32>,
        %add3A_881 = arith.constant 1 : i32
        %add3A_882 = vector.broadcast %add3A_881 : i32 to vector<16xi32>
        %add3A_883 = arith.addi %mul3A_5, %add3A_882 : vector<16xi32>
        %gather3A_884 = tpu.vector_load_idx %arg10[%add3A_883] : memref<280xf32, #tpu.memory_space<vmem>>[vector<16xi32>], vector<16xf32>,
        %add3A_885 = arith.constant 2 : i32
        %add3A_886 = vector.broadcast %add3A_885 : i32 to vector<16xi32>
        %add3A_887 = arith.addi %mul3A_5, %add3A_886 : vector<16xi32>
        %gather3A_888 = tpu.vector_load_idx %arg10[%add3A_887] : memref<280xf32, #tpu.memory_space<vmem>>[vector<16xi32>], vector<16xf32>,
        %add3A_889 = arith.constant 3 : i32
        %add3A_890 = vector.broadcast %add3A_889 : i32 to vector<16xi32>
        %add3A_891 = arith.addi %mul3A_5, %add3A_890 : vector<16xi32>
        %gather3A_892 = tpu.vector_load_idx %arg10[%add3A_891] : memref<280xf32, #tpu.memory_space<vmem>>[vector<16xi32>], vector<16xf32>,
        %add3A_893 = arith.constant 4 : i32
        %add3A_894 = vector.broadcast %add3A_893 : i32 to vector<16xi32>
        %add3A_895 = arith.addi %mul3A_5, %add3A_894 : vector<16xi32>
        %gather3A_896 = tpu.vector_load_idx %arg10[%add3A_895] : memref<280xf32, #tpu.memory_space<vmem>>[vector<16xi32>], vector<16xf32>,
        %add3A_897 = arith.constant 5 : i32
        %add3A_898 = vector.broadcast %add3A_897 : i32 to vector<16xi32>
        %add3A_899 = arith.addi %mul3A_5, %add3A_898 : vector<16xi32>
        %gather3A_900 = tpu.vector_load_idx %arg10[%add3A_899] : memref<280xf32, #tpu.memory_space<vmem>>[vector<16xi32>], vector<16xf32>,
        %add3A_901 = arith.constant 6 : i32
        %add3A_902 = vector.broadcast %add3A_901 : i32 to vector<16xi32>
        %add3A_903 = arith.addi %mul3A_5, %add3A_902 : vector<16xi32>
        %gather3A_904 = tpu.vector_load_idx %arg10[%add3A_903] : memref<280xf32, #tpu.memory_space<vmem>>[vector<16xi32>], vector<16xf32>,
        %add3A_905 = arith.constant 7 : i32
        %add3A_906 = vector.broadcast %add3A_905 : i32 to vector<16xi32>
        %add3A_907 = arith.addi %mul3A_5, %add3A_906 : vector<16xi32>
        %gather3A_908 = tpu.vector_load_idx %arg10[%add3A_907] : memref<280xf32, #tpu.memory_space<vmem>>[vector<16xi32>], vector<16xf32>,
        %add3A_909 = arith.constant 8 : i32
        %add3A_910 = vector.broadcast %add3A_909 : i32 to vector<16xi32>
        %add3A_911 = arith.addi %mul3A_5, %add3A_910 : vector<16xi32>
        %gather3A_912 = tpu.vector_load_idx %arg10[%add3A_911] : memref<280xf32, #tpu.memory_space<vmem>>[vector<16xi32>], vector<16xf32>,
        %add3A_913 = arith.constant 9 : i32
        %add3A_914 = vector.broadcast %add3A_913 : i32 to vector<16xi32>
        %add3A_915 = arith.addi %mul3A_5, %add3A_914 : vector<16xi32>
        %gather3A_916 = tpu.vector_load_idx %arg10[%add3A_915] : memref<280xf32, #tpu.memory_space<vmem>>[vector<16xi32>], vector<16xf32>,
        %add3A_917 = arith.constant 10 : i32
        %add3A_918 = vector.broadcast %add3A_917 : i32 to vector<16xi32>
        %add3A_919 = arith.addi %mul3A_5, %add3A_918 : vector<16xi32>
        %gather3A_920 = tpu.vector_load_idx %arg10[%add3A_919] : memref<280xf32, #tpu.memory_space<vmem>>[vector<16xi32>], vector<16xf32>,
        %add3A_921 = arith.constant 11 : i32
        %add3A_922 = vector.broadcast %add3A_921 : i32 to vector<16xi32>
        %add3A_923 = arith.addi %mul3A_5, %add3A_922 : vector<16xi32>
        %gather3A_924 = tpu.vector_load_idx %arg10[%add3A_923] : memref<280xf32, #tpu.memory_space<vmem>>[vector<16xi32>], vector<16xf32>,
        %add3A_925 = arith.constant 12 : i32
        %add3A_926 = vector.broadcast %add3A_925 : i32 to vector<16xi32>
        %add3A_927 = arith.addi %mul3A_5, %add3A_926 : vector<16xi32>
        %gather3A_928 = tpu.vector_load_idx %arg10[%add3A_927] : memref<280xf32, #tpu.memory_space<vmem>>[vector<16xi32>], vector<16xf32>,
        %add3A_929 = arith.constant 13 : i32
        %add3A_930 = vector.broadcast %add3A_929 : i32 to vector<16xi32>
        %add3A_931 = arith.addi %mul3A_5, %add3A_930 : vector<16xi32>
        %gather3A_932 = tpu.vector_load_idx %arg10[%add3A_931] : memref<280xf32, #tpu.memory_space<vmem>>[vector<16xi32>], vector<16xf32>,
        %add3A_933 = arith.constant 14 : i32
        %add3A_934 = vector.broadcast %add3A_933 : i32 to vector<16xi32>
        %add3A_935 = arith.addi %mul3A_5, %add3A_934 : vector<16xi32>
        %gather3A_936 = tpu.vector_load_idx %arg10[%add3A_935] : memref<280xf32, #tpu.memory_space<vmem>>[vector<16xi32>], vector<16xf32>,
        %add3A_937 = arith.constant 15 : i32
        %add3A_938 = vector.broadcast %add3A_937 : i32 to vector<16xi32>
        %add3A_939 = arith.addi %mul3A_5, %add3A_938 : vector<16xi32>
        %gather3A_940 = tpu.vector_load_idx %arg10[%add3A_939] : memref<280xf32, #tpu.memory_space<vmem>>[vector<16xi32>], vector<16xf32>,
        %add3A_941 = arith.constant 0 : i32
        %add3A_942 = arith.addi %add3A_877, %add3A_941 : i32
        %add3A_943 = arith.constant 0 : i32
        %add3A_944 = arith.addi %add3A_942, %add3A_943 : i32
        %swap3A_945 = arith.constant 0 : i32
        %swap3A_946 = tpu.memref_slice %arg8[%scan3A_578, %swap3A_945] : memref<2x16384xf32, #tpu.memory_space<vmem>> -> memref<1x16384xf32, #tpu.memory_space<vmem>>
        %swap3A_947 = tpu.memref_squeeze %swap3A_946 : memref<1x16384xf32, #tpu.memory_space<vmem>> -> memref<16384xf32, #tpu.memory_space<vmem>>
        %swap3A_948 = arith.index_cast %add3A_944 : i32 to index
        %swap3A_949 = tpu.vector_load %swap3A_947[%swap3A_948] {strides = array<i32>} : memref<16384xf32, #tpu.memory_space<vmem>>, vector<16xf32>,
        tpu.vector_store %swap3A_947[%swap3A_948], %gather3A {strides = array<i32>} : memref<16384xf32, #tpu.memory_space<vmem>>, vector<16xf32>,
        %add3A_950 = arith.constant 0 : i32
        %add3A_951 = arith.addi %add3A_877, %add3A_950 : i32
        %add3A_952 = arith.constant 128 : i32
        %add3A_953 = arith.addi %add3A_951, %add3A_952 : i32
        %swap3A_954 = arith.constant 0 : i32
        %swap3A_955 = tpu.memref_slice %arg8[%scan3A_578, %swap3A_954] : memref<2x16384xf32, #tpu.memory_space<vmem>> -> memref<1x16384xf32, #tpu.memory_space<vmem>>
        %swap3A_956 = tpu.memref_squeeze %swap3A_955 : memref<1x16384xf32, #tpu.memory_space<vmem>> -> memref<16384xf32, #tpu.memory_space<vmem>>
        %swap3A_957 = arith.index_cast %add3A_953 : i32 to index
        %swap3A_958 = tpu.vector_load %swap3A_956[%swap3A_957] {strides = array<i32>} : memref<16384xf32, #tpu.memory_space<vmem>>, vector<16xf32>,
        tpu.vector_store %swap3A_956[%swap3A_957], %gather3A_884 {strides = array<i32>} : memref<16384xf32, #tpu.memory_space<vmem>>, vector<16xf32>,
        %add3A_959 = arith.constant 0 : i32
        %add3A_960 = arith.addi %add3A_877, %add3A_959 : i32
        %add3A_961 = arith.constant 256 : i32
        %add3A_962 = arith.addi %add3A_960, %add3A_961 : i32
        %swap3A_963 = arith.constant 0 : i32
        %swap3A_964 = tpu.memref_slice %arg8[%scan3A_578, %swap3A_963] : memref<2x16384xf32, #tpu.memory_space<vmem>> -> memref<1x16384xf32, #tpu.memory_space<vmem>>
        %swap3A_965 = tpu.memref_squeeze %swap3A_964 : memref<1x16384xf32, #tpu.memory_space<vmem>> -> memref<16384xf32, #tpu.memory_space<vmem>>
        %swap3A_966 = arith.index_cast %add3A_962 : i32 to index
        %swap3A_967 = tpu.vector_load %swap3A_965[%swap3A_966] {strides = array<i32>} : memref<16384xf32, #tpu.memory_space<vmem>>, vector<16xf32>,
        tpu.vector_store %swap3A_965[%swap3A_966], %gather3A_888 {strides = array<i32>} : memref<16384xf32, #tpu.memory_space<vmem>>, vector<16xf32>,
        %add3A_968 = arith.constant 0 : i32
        %add3A_969 = arith.addi %add3A_877, %add3A_968 : i32
        %add3A_970 = arith.constant 384 : i32
        %add3A_971 = arith.addi %add3A_969, %add3A_970 : i32
        %swap3A_972 = arith.constant 0 : i32
        %swap3A_973 = tpu.memref_slice %arg8[%scan3A_578, %swap3A_972] : memref<2x16384xf32, #tpu.memory_space<vmem>> -> memref<1x16384xf32, #tpu.memory_space<vmem>>
        %swap3A_974 = tpu.memref_squeeze %swap3A_973 : memref<1x16384xf32, #tpu.memory_space<vmem>> -> memref<16384xf32, #tpu.memory_space<vmem>>
        %swap3A_975 = arith.index_cast %add3A_971 : i32 to index
        %swap3A_976 = tpu.vector_load %swap3A_974[%swap3A_975] {strides = array<i32>} : memref<16384xf32, #tpu.memory_space<vmem>>, vector<16xf32>,
        tpu.vector_store %swap3A_974[%swap3A_975], %gather3A_892 {strides = array<i32>} : memref<16384xf32, #tpu.memory_space<vmem>>, vector<16xf32>,
        %add3A_977 = arith.constant 0 : i32
        %add3A_978 = arith.addi %add3A_877, %add3A_977 : i32
        %add3A_979 = arith.constant 512 : i32
        %add3A_980 = arith.addi %add3A_978, %add3A_979 : i32
        %swap3A_981 = arith.constant 0 : i32
        %swap3A_982 = tpu.memref_slice %arg8[%scan3A_578, %swap3A_981] : memref<2x16384xf32, #tpu.memory_space<vmem>> -> memref<1x16384xf32, #tpu.memory_space<vmem>>
        %swap3A_983 = tpu.memref_squeeze %swap3A_982 : memref<1x16384xf32, #tpu.memory_space<vmem>> -> memref<16384xf32, #tpu.memory_space<vmem>>
        %swap3A_984 = arith.index_cast %add3A_980 : i32 to index
        %swap3A_985 = tpu.vector_load %swap3A_983[%swap3A_984] {strides = array<i32>} : memref<16384xf32, #tpu.memory_space<vmem>>, vector<16xf32>,
        tpu.vector_store %swap3A_983[%swap3A_984], %gather3A_896 {strides = array<i32>} : memref<16384xf32, #tpu.memory_space<vmem>>, vector<16xf32>,
        %add3A_986 = arith.constant 0 : i32
        %add3A_987 = arith.addi %add3A_877, %add3A_986 : i32
        %add3A_988 = arith.constant 640 : i32
        %add3A_989 = arith.addi %add3A_987, %add3A_988 : i32
        %swap3A_990 = arith.constant 0 : i32
        %swap3A_991 = tpu.memref_slice %arg8[%scan3A_578, %swap3A_990] : memref<2x16384xf32, #tpu.memory_space<vmem>> -> memref<1x16384xf32, #tpu.memory_space<vmem>>
        %swap3A_992 = tpu.memref_squeeze %swap3A_991 : memref<1x16384xf32, #tpu.memory_space<vmem>> -> memref<16384xf32, #tpu.memory_space<vmem>>
        %swap3A_993 = arith.index_cast %add3A_989 : i32 to index
        %swap3A_994 = tpu.vector_load %swap3A_992[%swap3A_993] {strides = array<i32>} : memref<16384xf32, #tpu.memory_space<vmem>>, vector<16xf32>,
        tpu.vector_store %swap3A_992[%swap3A_993], %gather3A_900 {strides = array<i32>} : memref<16384xf32, #tpu.memory_space<vmem>>, vector<16xf32>,
        %add3A_995 = arith.constant 0 : i32
        %add3A_996 = arith.addi %add3A_877, %add3A_995 : i32
        %add3A_997 = arith.constant 768 : i32
        %add3A_998 = arith.addi %add3A_996, %add3A_997 : i32
        %swap3A_999 = arith.constant 0 : i32
        %swap3A_1000 = tpu.memref_slice %arg8[%scan3A_578, %swap3A_999] : memref<2x16384xf32, #tpu.memory_space<vmem>> -> memref<1x16384xf32, #tpu.memory_space<vmem>>
        %swap3A_1001 = tpu.memref_squeeze %swap3A_1000 : memref<1x16384xf32, #tpu.memory_space<vmem>> -> memref<16384xf32, #tpu.memory_space<vmem>>
        %swap3A_1002 = arith.index_cast %add3A_998 : i32 to index
        %swap3A_1003 = tpu.vector_load %swap3A_1001[%swap3A_1002] {strides = array<i32>} : memref<16384xf32, #tpu.memory_space<vmem>>, vector<16xf32>,
        tpu.vector_store %swap3A_1001[%swap3A_1002], %gather3A_904 {strides = array<i32>} : memref<16384xf32, #tpu.memory_space<vmem>>, vector<16xf32>,
        %add3A_1004 = arith.constant 0 : i32
        %add3A_1005 = arith.addi %add3A_877, %add3A_1004 : i32
        %add3A_1006 = arith.constant 896 : i32
        %add3A_1007 = arith.addi %add3A_1005, %add3A_1006 : i32
        %swap3A_1008 = arith.constant 0 : i32
        %swap3A_1009 = tpu.memref_slice %arg8[%scan3A_578, %swap3A_1008] : memref<2x16384xf32, #tpu.memory_space<vmem>> -> memref<1x16384xf32, #tpu.memory_space<vmem>>
        %swap3A_1010 = tpu.memref_squeeze %swap3A_1009 : memref<1x16384xf32, #tpu.memory_space<vmem>> -> memref<16384xf32, #tpu.memory_space<vmem>>
        %swap3A_1011 = arith.index_cast %add3A_1007 : i32 to index
        %swap3A_1012 = tpu.vector_load %swap3A_1010[%swap3A_1011] {strides = array<i32>} : memref<16384xf32, #tpu.memory_space<vmem>>, vector<16xf32>,
        tpu.vector_store %swap3A_1010[%swap3A_1011], %gather3A_908 {strides = array<i32>} : memref<16384xf32, #tpu.memory_space<vmem>>, vector<16xf32>,
        %add3A_1013 = arith.constant 8192 : i32
        %add3A_1014 = arith.addi %add3A_877, %add3A_1013 : i32
        %add3A_1015 = arith.constant 0 : i32
        %add3A_1016 = arith.addi %add3A_1014, %add3A_1015 : i32
        %swap3A_1017 = arith.constant 0 : i32
        %swap3A_1018 = tpu.memref_slice %arg8[%scan3A_578, %swap3A_1017] : memref<2x16384xf32, #tpu.memory_space<vmem>> -> memref<1x16384xf32, #tpu.memory_space<vmem>>
        %swap3A_1019 = tpu.memref_squeeze %swap3A_1018 : memref<1x16384xf32, #tpu.memory_space<vmem>> -> memref<16384xf32, #tpu.memory_space<vmem>>
        %swap3A_1020 = arith.index_cast %add3A_1016 : i32 to index
        %swap3A_1021 = tpu.vector_load %swap3A_1019[%swap3A_1020] {strides = array<i32>} : memref<16384xf32, #tpu.memory_space<vmem>>, vector<16xf32>,
        tpu.vector_store %swap3A_1019[%swap3A_1020], %gather3A_912 {strides = array<i32>} : memref<16384xf32, #tpu.memory_space<vmem>>, vector<16xf32>,
        %add3A_1022 = arith.constant 8192 : i32
        %add3A_1023 = arith.addi %add3A_877, %add3A_1022 : i32
        %add3A_1024 = arith.constant 128 : i32
        %add3A_1025 = arith.addi %add3A_1023, %add3A_1024 : i32
        %swap3A_1026 = arith.constant 0 : i32
        %swap3A_1027 = tpu.memref_slice %arg8[%scan3A_578, %swap3A_1026] : memref<2x16384xf32, #tpu.memory_space<vmem>> -> memref<1x16384xf32, #tpu.memory_space<vmem>>
        %swap3A_1028 = tpu.memref_squeeze %swap3A_1027 : memref<1x16384xf32, #tpu.memory_space<vmem>> -> memref<16384xf32, #tpu.memory_space<vmem>>
        %swap3A_1029 = arith.index_cast %add3A_1025 : i32 to index
        %swap3A_1030 = tpu.vector_load %swap3A_1028[%swap3A_1029] {strides = array<i32>} : memref<16384xf32, #tpu.memory_space<vmem>>, vector<16xf32>,
        tpu.vector_store %swap3A_1028[%swap3A_1029], %gather3A_916 {strides = array<i32>} : memref<16384xf32, #tpu.memory_space<vmem>>, vector<16xf32>,
        %add3A_1031 = arith.constant 8192 : i32
        %add3A_1032 = arith.addi %add3A_877, %add3A_1031 : i32
        %add3A_1033 = arith.constant 256 : i32
        %add3A_1034 = arith.addi %add3A_1032, %add3A_1033 : i32
        %swap3A_1035 = arith.constant 0 : i32
        %swap3A_1036 = tpu.memref_slice %arg8[%scan3A_578, %swap3A_1035] : memref<2x16384xf32, #tpu.memory_space<vmem>> -> memref<1x16384xf32, #tpu.memory_space<vmem>>
        %swap3A_1037 = tpu.memref_squeeze %swap3A_1036 : memref<1x16384xf32, #tpu.memory_space<vmem>> -> memref<16384xf32, #tpu.memory_space<vmem>>
        %swap3A_1038 = arith.index_cast %add3A_1034 : i32 to index
        %swap3A_1039 = tpu.vector_load %swap3A_1037[%swap3A_1038] {strides = array<i32>} : memref<16384xf32, #tpu.memory_space<vmem>>, vector<16xf32>,
        tpu.vector_store %swap3A_1037[%swap3A_1038], %gather3A_920 {strides = array<i32>} : memref<16384xf32, #tpu.memory_space<vmem>>, vector<16xf32>,
        %add3A_1040 = arith.constant 8192 : i32
        %add3A_1041 = arith.addi %add3A_877, %add3A_1040 : i32
        %add3A_1042 = arith.constant 384 : i32
        %add3A_1043 = arith.addi %add3A_1041, %add3A_1042 : i32
        %swap3A_1044 = arith.constant 0 : i32
        %swap3A_1045 = tpu.memref_slice %arg8[%scan3A_578, %swap3A_1044] : memref<2x16384xf32, #tpu.memory_space<vmem>> -> memref<1x16384xf32, #tpu.memory_space<vmem>>
        %swap3A_1046 = tpu.memref_squeeze %swap3A_1045 : memref<1x16384xf32, #tpu.memory_space<vmem>> -> memref<16384xf32, #tpu.memory_space<vmem>>
        %swap3A_1047 = arith.index_cast %add3A_1043 : i32 to index
        %swap3A_1048 = tpu.vector_load %swap3A_1046[%swap3A_1047] {strides = array<i32>} : memref<16384xf32, #tpu.memory_space<vmem>>, vector<16xf32>,
        tpu.vector_store %swap3A_1046[%swap3A_1047], %gather3A_924 {strides = array<i32>} : memref<16384xf32, #tpu.memory_space<vmem>>, vector<16xf32>,
        %add3A_1049 = arith.constant 8192 : i32
        %add3A_1050 = arith.addi %add3A_877, %add3A_1049 : i32
        %add3A_1051 = arith.constant 512 : i32
        %add3A_1052 = arith.addi %add3A_1050, %add3A_1051 : i32
        %swap3A_1053 = arith.constant 0 : i32
        %swap3A_1054 = tpu.memref_slice %arg8[%scan3A_578, %swap3A_1053] : memref<2x16384xf32, #tpu.memory_space<vmem>> -> memref<1x16384xf32, #tpu.memory_space<vmem>>
        %swap3A_1055 = tpu.memref_squeeze %swap3A_1054 : memref<1x16384xf32, #tpu.memory_space<vmem>> -> memref<16384xf32, #tpu.memory_space<vmem>>
        %swap3A_1056 = arith.index_cast %add3A_1052 : i32 to index
        %swap3A_1057 = tpu.vector_load %swap3A_1055[%swap3A_1056] {strides = array<i32>} : memref<16384xf32, #tpu.memory_space<vmem>>, vector<16xf32>,
        tpu.vector_store %swap3A_1055[%swap3A_1056], %gather3A_928 {strides = array<i32>} : memref<16384xf32, #tpu.memory_space<vmem>>, vector<16xf32>,
        %add3A_1058 = arith.constant 8192 : i32
        %add3A_1059 = arith.addi %add3A_877, %add3A_1058 : i32
        %add3A_1060 = arith.constant 640 : i32
        %add3A_1061 = arith.addi %add3A_1059, %add3A_1060 : i32
        %swap3A_1062 = arith.constant 0 : i32
        %swap3A_1063 = tpu.memref_slice %arg8[%scan3A_578, %swap3A_1062] : memref<2x16384xf32, #tpu.memory_space<vmem>> -> memref<1x16384xf32, #tpu.memory_space<vmem>>
        %swap3A_1064 = tpu.memref_squeeze %swap3A_1063 : memref<1x16384xf32, #tpu.memory_space<vmem>> -> memref<16384xf32, #tpu.memory_space<vmem>>
        %swap3A_1065 = arith.index_cast %add3A_1061 : i32 to index
        %swap3A_1066 = tpu.vector_load %swap3A_1064[%swap3A_1065] {strides = array<i32>} : memref<16384xf32, #tpu.memory_space<vmem>>, vector<16xf32>,
        tpu.vector_store %swap3A_1064[%swap3A_1065], %gather3A_932 {strides = array<i32>} : memref<16384xf32, #tpu.memory_space<vmem>>, vector<16xf32>,
        %add3A_1067 = arith.constant 8192 : i32
        %add3A_1068 = arith.addi %add3A_877, %add3A_1067 : i32
        %add3A_1069 = arith.constant 768 : i32
        %add3A_1070 = arith.addi %add3A_1068, %add3A_1069 : i32
        %swap3A_1071 = arith.constant 0 : i32
        %swap3A_1072 = tpu.memref_slice %arg8[%scan3A_578, %swap3A_1071] : memref<2x16384xf32, #tpu.memory_space<vmem>> -> memref<1x16384xf32, #tpu.memory_space<vmem>>
        %swap3A_1073 = tpu.memref_squeeze %swap3A_1072 : memref<1x16384xf32, #tpu.memory_space<vmem>> -> memref<16384xf32, #tpu.memory_space<vmem>>
        %swap3A_1074 = arith.index_cast %add3A_1070 : i32 to index
        %swap3A_1075 = tpu.vector_load %swap3A_1073[%swap3A_1074] {strides = array<i32>} : memref<16384xf32, #tpu.memory_space<vmem>>, vector<16xf32>,
        tpu.vector_store %swap3A_1073[%swap3A_1074], %gather3A_936 {strides = array<i32>} : memref<16384xf32, #tpu.memory_space<vmem>>, vector<16xf32>,
        %add3A_1076 = arith.constant 8192 : i32
        %add3A_1077 = arith.addi %add3A_877, %add3A_1076 : i32
        %add3A_1078 = arith.constant 896 : i32
        %add3A_1079 = arith.addi %add3A_1077, %add3A_1078 : i32
        %swap3A_1080 = arith.constant 0 : i32
        %swap3A_1081 = tpu.memref_slice %arg8[%scan3A_578, %swap3A_1080] : memref<2x16384xf32, #tpu.memory_space<vmem>> -> memref<1x16384xf32, #tpu.memory_space<vmem>>
        %swap3A_1082 = tpu.memref_squeeze %swap3A_1081 : memref<1x16384xf32, #tpu.memory_space<vmem>> -> memref<16384xf32, #tpu.memory_space<vmem>>
        %swap3A_1083 = arith.index_cast %add3A_1079 : i32 to index
        %swap3A_1084 = tpu.vector_load %swap3A_1082[%swap3A_1083] {strides = array<i32>} : memref<16384xf32, #tpu.memory_space<vmem>>, vector<16xf32>,
        tpu.vector_store %swap3A_1082[%swap3A_1083], %gather3A_940 {strides = array<i32>} : memref<16384xf32, #tpu.memory_space<vmem>>, vector<16xf32>,
      }
      %scan3A_583 = arith.constant 64 : i32
      %add3A_584 = arith.addi %mul3A_2, %add3A_541 : i32
      %dma_start3A_585 = arith.constant 1 : i32
      %dma_start3A_586 = arith.constant 0 : i32
      %dma_start3A_587 = tpu.memref_slice %arg8[%dma_start3A_585, %dma_start3A_586] : memref<2x16384xf32, #tpu.memory_space<vmem>> -> memref<1x16384xf32, #tpu.memory_space<vmem>>
      %dma_start3A_588 = tpu.memref_squeeze %dma_start3A_587 : memref<1x16384xf32, #tpu.memory_space<vmem>> -> memref<16384xf32, #tpu.memory_space<vmem>>
      %dma_start3A_589 = arith.constant 0 : i32
      %dma_start3A_590 = tpu.memref_slice %arg5[%add3A_584, %dma_start3A_589] : memref<1024x16384xf32, #tpu.memory_space<hbm>> -> memref<1x16384xf32, #tpu.memory_space<hbm>>
      %dma_start3A_591 = tpu.memref_squeeze %dma_start3A_590 : memref<1x16384xf32, #tpu.memory_space<hbm>> -> memref<16384xf32, #tpu.memory_space<hbm>>
      %dma_start3A_592 = arith.constant 0 : i32
      %dma_start3A_593 = tpu.memref_slice %arg5[%add3A_584, %dma_start3A_592] : memref<1024x16384xf32, #tpu.memory_space<hbm>> -> memref<1x16384xf32, #tpu.memory_space<hbm>>
      %dma_start3A_594 = tpu.memref_squeeze %dma_start3A_593 : memref<1x16384xf32, #tpu.memory_space<hbm>> -> memref<16384xf32, #tpu.memory_space<hbm>>
      %dma_start3A_595 = arith.constant 0 : i32
      %dma_start3A_596 = tpu.memref_slice %arg8[%dma_start3A_585, %dma_start3A_595] : memref<2x16384xf32, #tpu.memory_space<vmem>> -> memref<1x16384xf32, #tpu.memory_space<vmem>>
      %dma_start3A_597 = tpu.memref_squeeze %dma_start3A_596 : memref<1x16384xf32, #tpu.memory_space<vmem>> -> memref<16384xf32, #tpu.memory_space<vmem>>
      tpu.enqueue_dma source(%dma_start3A_597 : memref<16384xf32, #tpu.memory_space<vmem>>) target(%dma_start3A_594 : memref<16384xf32, #tpu.memory_space<hbm>>) target_semaphore(%arg20 : memref<!tpu.dma_semaphore, #tpu.memory_space<semaphore_mem>>)
    }
    %scan3A_340 = arith.constant 8 : i32
    %dma_wait3A_341 = arith.constant 0 : i32
    %dma_wait3A_342 = arith.constant 0 : i32
    %dma_wait3A_343 = tpu.memref_slice %arg8[%dma_wait3A_341, %dma_wait3A_342] : memref<2x16384xf32, #tpu.memory_space<vmem>> -> memref<1x16384xf32, #tpu.memory_space<vmem>>
    %dma_wait3A_344 = tpu.memref_squeeze %dma_wait3A_343 : memref<1x16384xf32, #tpu.memory_space<vmem>> -> memref<16384xf32, #tpu.memory_space<vmem>>
    %dma_wait3A_345 = arith.constant 0 : i32
    %dma_wait3A_346 = tpu.memref_slice %arg5[%mul3A_2, %dma_wait3A_345] : memref<1024x16384xf32, #tpu.memory_space<hbm>> -> memref<1x16384xf32, #tpu.memory_space<hbm>>
    %dma_wait3A_347 = tpu.memref_squeeze %dma_wait3A_346 : memref<1x16384xf32, #tpu.memory_space<hbm>> -> memref<16384xf32, #tpu.memory_space<hbm>>
    %dma_wait3A_348 = arith.constant 0 : i32
    %dma_wait3A_349 = tpu.memref_slice %arg8[%dma_wait3A_341, %dma_wait3A_348] : memref<2x16384xf32, #tpu.memory_space<vmem>> -> memref<1x16384xf32, #tpu.memory_space<vmem>>
    %dma_wait3A_350 = tpu.memref_squeeze %dma_wait3A_349 : memref<1x16384xf32, #tpu.memory_space<vmem>> -> memref<16384xf32, #tpu.memory_space<vmem>>
    %dma_wait3A_351 = arith.constant 0 : i32
    %dma_wait3A_352 = tpu.memref_slice %arg5[%mul3A_2, %dma_wait3A_351] : memref<1024x16384xf32, #tpu.memory_space<hbm>> -> memref<1x16384xf32, #tpu.memory_space<hbm>>
    %dma_wait3A_353 = tpu.memref_squeeze %dma_wait3A_352 : memref<1x16384xf32, #tpu.memory_space<hbm>> -> memref<16384xf32, #tpu.memory_space<hbm>>
    tpu.wait_dma2 semaphore(%arg19 : memref<!tpu.dma_semaphore, #tpu.memory_space<semaphore_mem>>) src(%dma_wait3A_353 : memref<16384xf32, #tpu.memory_space<hbm>>) dst(%dma_wait3A_350 : memref<16384xf32, #tpu.memory_space<vmem>>)
    %dma_wait3A_354 = arith.constant 1 : i32
    %dma_wait3A_355 = arith.constant 0 : i32
    %dma_wait3A_356 = tpu.memref_slice %arg8[%dma_wait3A_354, %dma_wait3A_355] : memref<2x16384xf32, #tpu.memory_space<vmem>> -> memref<1x16384xf32, #tpu.memory_space<vmem>>
    %dma_wait3A_357 = tpu.memref_squeeze %dma_wait3A_356 : memref<1x16384xf32, #tpu.memory_space<vmem>> -> memref<16384xf32, #tpu.memory_space<vmem>>
    %dma_wait3A_358 = arith.constant 0 : i32
    %dma_wait3A_359 = tpu.memref_slice %arg5[%mul3A_2, %dma_wait3A_358] : memref<1024x16384xf32, #tpu.memory_space<hbm>> -> memref<1x16384xf32, #tpu.memory_space<hbm>>
    %dma_wait3A_360 = tpu.memref_squeeze %dma_wait3A_359 : memref<1x16384xf32, #tpu.memory_space<hbm>> -> memref<16384xf32, #tpu.memory_space<hbm>>
    %dma_wait3A_361 = arith.constant 0 : i32
    %dma_wait3A_362 = tpu.memref_slice %arg8[%dma_wait3A_354, %dma_wait3A_361] : memref<2x16384xf32, #tpu.memory_space<vmem>> -> memref<1x16384xf32, #tpu.memory_space<vmem>>
    %dma_wait3A_363 = tpu.memref_squeeze %dma_wait3A_362 : memref<1x16384xf32, #tpu.memory_space<vmem>> -> memref<16384xf32, #tpu.memory_space<vmem>>
    %dma_wait3A_364 = arith.constant 0 : i32
    %dma_wait3A_365 = tpu.memref_slice %arg5[%mul3A_2, %dma_wait3A_364] : memref<1024x16384xf32, #tpu.memory_space<hbm>> -> memref<1x16384xf32, #tpu.memory_space<hbm>>
    %dma_wait3A_366 = tpu.memref_squeeze %dma_wait3A_365 : memref<1x16384xf32, #tpu.memory_space<hbm>> -> memref<16384xf32, #tpu.memory_space<hbm>>
    tpu.wait_dma2 semaphore(%arg20 : memref<!tpu.dma_semaphore, #tpu.memory_space<semaphore_mem>>) src(%dma_wait3A_366 : memref<16384xf32, #tpu.memory_space<hbm>>) dst(%dma_wait3A_363 : memref<16384xf32, #tpu.memory_space<vmem>>)
    return
  }
}

</mosaic_0001>

<sc_bundles>
// kernel: kernel.3.cloned.1.call-start
scs
__scs_entry_jumppad:
0x0: {  	(pc) =	sbr.rel $0x88, $3  }
0x1: {  	(tag) =	ssettag $0x0;
	lr =	simm.s32 $0x1  }
0x2: {  	[smem:$0x3F9E] =	sst lr;
	_ =	strace $0xD0000000  }
0x3: {  	_ = 	snop  }
0x4: {  	_ = 	snop  }
0x5: {  	_ = 	snop  }
0x6: {  	_ = 	snop  }
0x7: {  	_ = 	snop  }
__scs_overlays_trampoline_lowered:
0x8: {  	[smem:$0x3FAD] =	sst s0  }
0x9: {  	[smem:$0x3FAE] =	sst s1  }
0xa: {  	[smem:$0x3FAF] =	sst s2  }
0xb: {  	[smem:$0x3FB0] =	sst s3  }
0xc: {  	[smem:$0x3FB1] =	sst s4  }
0xd: {  	[smem:$0x3FB2] =	sst s5  }
0xe: {  	[smem:$0x3FB3] =	sst s6  }
0xf: {  	[smem:$0x3FB4] =	sst s7  }
0x10: {  	[smem:$0x3FB5] =	sst s8  }
0x11: {  	[smem:$0x3FB6] =	sst s9;
	s0 =	simm.s32 @!p0 $0x0  }
0x12: {  	s1 =	sld [smem:$0x3F9C];
	s0 =	simm.s32 @p0 $0x1  }
0x13: {  	[smem:$0x3FB7] =	sst s0;
	s0 =	simm.s32 @!p1 $0x0  }
0x14: {  	s2 =	sld [smem:$0x3F9B];
	s0 =	simm.s32 @p1 $0x1  }
0x15: {  	[smem:$0x3FB8] =	sst s0;
	s0 =	simm.s32 @!p2 $0x0  }
0x16: {  	s3 =	sld [smem:$0x3FDB];
	s0 =	simm.s32 @p2 $0x1  }
0x17: {  	s4 =	simm.s32 $0x1BF5;
	[smem:$0x3FBA] =	sst s0  }
0x18: {  	s0 =	sld [smem:$0x3F9D];
	_ =	swait.ge [sflag:s4], $0x0  }
0x19: {  	s7 =	sld [smem:$0x3F9E]  }
0x1a: {  	s8 =	sadd.s32 $0xFFFFE003, lr  }
0x1b: {  	s9 =	sadd.s32 $0xFFFFFEF7, lr;
	s5 =	simm.s32 $0xFFFFFFFF;
	p2 =	slt.u32 s8, $0xFFFFF086  }
0x1c: {  	p1 =	slt.u32 s9, $0xF7A;
	s5 =	simm.s32 @!p2 $0x0  }
0x1d: {  	s5 =	simm.s32 @p1 $0x1;
	p0 =	seq.s32 s7, s2  }
0x1e: {  	s7 =	smul.u32 @!p0 $0xF7A, s2;
	p2 =	seq.s32 @!p0 s5, $0x0  }
0x1f: {  	s9 =	smul.u32 $0xF7A, s1;
	s8 =	simm.s32 @!p0 $0x1BF5;
	p2 =	por !p2, p0  }
0x20: {  	[sflag:s8] =	ssyncset.s32 @!p0 $0xFFFFF086;
	s6 =	sadd.s32 @!p0 s3, s7;
	s7 =	simm.s32 @!p0 $0x108  }
0x21: {  	s3 =	sadd.s32 s3, s9;
	s6 =	sadd.s32 @!p0 $0x88, s6;
	s7 =	simm.s32 @p2 $0x1082  }
0x22: {  	[simem:s7], [sflag:s8] =	dma.local @!p0 [hbm:s6], $0xF7A  }
0x23: {  	s9 =	sor.u32 $0xD0000000, s2;
	s6 =	simm.s32 $0x108;
	_ =	swait.ge @!p0 [sflag:s8], $0x0  }
0x24: {  	s3 =	sadd.s32 $0x88, s3;
	s6 =	simm.s32 @!p1 $0x1082;
	[sflag:s4] =	ssyncset.s32 $0xFFFFF086  }
0x25: {  	[simem:s6], [sflag:s4] =	dma.local [hbm:s3], $0xF7A  }
0x26: {  	[smem:$0x3F9E] =	sst s1;
	(tag) =	ssettag s2;
	_ =	strace s9  }
0x27: {  	s1 =	sld [smem:$0x3FAE]  }
0x28: {  	s2 =	sld [smem:$0x3FAF]  }
0x29: {  	s4 =	sld [smem:$0x3FB1]  }
0x2a: {  	p0 =	seq.s32 s5, $0x0;
	s5 =	sld [smem:$0x3FB2]  }
0x2b: {  	s6 =	sld [smem:$0x3FB3]  }
0x2c: {  	s7 =	sld [smem:$0x3FB4]  }
0x2d: {  	s3 =	simm.s32 $0x108;
	s8 =	sld [smem:$0x3FB5]  }
0x2e: {  	s3 =	simm.s32 @!p0 $0x1082;
	s9 =	sld [smem:$0x3FB6]  }
0x2f: {  	lr =	sadd.s32 s0, s3;
	s0 =	sld [smem:$0x3FAD]  }
0x30: {  	s3 =	sld [smem:$0x3FB0]  }
0x31: {  	[smem:$0x3FB9] =	sst s10  }
0x32: {  	s10 =	sld [smem:$0x3FB7];
	_ =	sdelay $0x3  }
0x33: {  	p0 =	seq.s32 s10, $0x1;
	s10 =	sld [smem:$0x3FB9];
	_ =	sdelay $0x3  }
0x34: {  	[smem:$0x3FB9] =	sst s10  }
0x35: {  	s10 =	sld [smem:$0x3FB8];
	_ =	sdelay $0x3  }
0x36: {  	p1 =	seq.s32 s10, $0x1;
	s10 =	sld [smem:$0x3FB9];
	_ =	sdelay $0x3  }
0x37: {  	[smem:$0x3FB9] =	sst s10  }
0x38: {  	s10 =	sld [smem:$0x3FBA]  }
0x39: {  	_ = 	snop;
	(pc) =	sbr.ind lr, $3  }
0x3a: {  	_ = 	snop  }
0x3b: {  	_ = 	snop  }
0x3c: {  	p2 =	seq.s32 s10, $0x1;
	s10 =	sld [smem:$0x3FB9]  }
0x3d: {  	_ =	shalt  }
0x3e: {  	_ =	shalt  }
0x3f: {  	_ =	shalt  }
0x40: {  	_ =	shalt  }
0x41: {  	_ =	shalt  }
0x42: {  	_ =	shalt  }
0x43: {  	_ =	shalt  }
0x44: {  	_ =	shalt  }
0x45: {  	_ =	shalt  }
0x46: {  	_ =	shalt  }
0x47: {  	_ =	shalt  }
0x48: {  	_ =	shalt  }
0x49: {  	_ =	shalt  }
0x4a: {  	_ =	shalt  }
0x4b: {  	_ =	shalt  }
0x4c: {  	_ =	shalt  }
0x4d: {  	_ =	shalt  }
0x4e: {  	_ =	shalt  }
0x4f: {  	_ =	shalt  }
0x50: {  	_ =	shalt  }
0x51: {  	_ =	shalt  }
0x52: {  	_ =	shalt  }
0x53: {  	_ =	shalt  }
0x54: {  	_ =	shalt  }
0x55: {  	_ =	shalt  }
0x56: {  	_ =	shalt  }
0x57: {  	_ =	shalt  }
0x58: {  	_ =	shalt  }
0x59: {  	_ =	shalt  }
0x5a: {  	_ =	shalt  }
0x5b: {  	_ =	shalt  }
0x5c: {  	_ =	shalt  }
0x5d: {  	_ =	shalt  }
0x5e: {  	_ =	shalt  }
0x5f: {  	_ =	shalt  }
0x60: {  	_ =	shalt  }
0x61: {  	_ =	shalt  }
0x62: {  	_ =	shalt  }
0x63: {  	_ =	shalt  }
0x64: {  	_ =	shalt  }
0x65: {  	_ =	shalt  }
0x66: {  	_ =	shalt  }
0x67: {  	_ =	shalt  }
0x68: {  	_ =	shalt  }
0x69: {  	_ =	shalt  }
0x6a: {  	_ =	shalt  }
0x6b: {  	_ =	shalt  }
0x6c: {  	_ =	shalt  }
0x6d: {  	_ =	shalt  }
0x6e: {  	_ =	shalt  }
0x6f: {  	_ =	shalt  }
0x70: {  	_ =	shalt  }
0x71: {  	_ =	shalt  }
0x72: {  	_ =	shalt  }
0x73: {  	_ =	shalt  }
0x74: {  	_ =	shalt  }
0x75: {  	_ =	shalt  }
0x76: {  	_ =	shalt  }
0x77: {  	_ =	shalt  }
0x78: {  	_ =	shalt  }
0x79: {  	_ =	shalt  }
0x7a: {  	_ =	shalt  }
0x7b: {  	_ =	shalt  }
0x7c: {  	_ =	shalt  }
0x7d: {  	_ =	shalt  }
0x7e: {  	_ =	shalt  }
0x7f: {  	_ =	shalt  }
0x80: {  	_ =	shalt  }
0x81: {  	_ =	shalt  }
0x82: {  	_ =	shalt  }
0x83: {  	_ =	shalt  }
0x84: {  	_ =	shalt  }
0x85: {  	_ =	shalt  }
0x86: {  	_ =	shalt  }
0x87: {  	_ =	shalt  }
.Lfunc_end0:
.L_simem_size_0:
called_computation_lowered:
.L_overlay_start_0:
0x88: {  	s2 =	sld [smem:$0x3FD9]  }
0x89: {  	s3 =	sld [smem:$0x3FFE];
	_ =	sdelay $0x1  }
0x8a: {  	s1 =	srdreg.scid  }
0x8b: {  	s0 =	sand.u32 $0x1, s1  }
0x8c: {  	s17 =	sshll.u32 s0, $0xA;
	s2 =	sadd.s32 s3, s2  }
0x8d: {  	s2 =	sadd.s32 s2, s17  }
0x8e: {  	[smem:$0x3FC5] =	sst s2  }
0x8f: {  	_ = 	snop  }
0x90: {  	s2 =	sld [smem:$0x3FD0];
	(tm) =	ssettm $0x1  }
0x91: {  	s18 =	sld [smem:$0x3FFB];
	_ =	sdelay $0x3  }
0x92: {  	_ =	strace s18  }
0x93: {  	s3 =	sld [smem:$0x3FFC];
	_ =	sdelay $0x3  }
0x94: {  	_ =	strace s3  }
0x95: {  	s3 =	sld [smem:$0x3FFD];
	_ =	sdelay $0x3  }
0x96: {  	_ =	strace s3  }
0x97: {  	_ =	strace $0x8FFFFFFF  }
0x98: {  	s19 =	sld [smem:$0x3FDB];
	_ =	sdelay $0x1  }
0x99: {  	s4 =	simm.s32 $_scs_section_size  }
0x9a: {  	s5 =	simm.s32 $_size__tile_overlayer_lowered;
	s6 =	simm.s32 $_tile_overlayer_lowered  }
0x9b: {  	s22 =	simm.s32 $0x1BFF;
	s21 =	sshll.u32 s6, $0x1;
	s3 =	sadd.s32 s4, s19  }
0x9c: {  	s7 =	simm.s32 $0x0;
	s20 =	sshll.u32 s5, $0x1;
	s5 =	sadd.s32 s21, s3  }
0x9d: {  	[timem:s7], [sflag:s22] =	dma.local [hbm:s5], s20  }
0x9e: {  	_ =	swait.ge [sflag:s22], s20  }
0x9f: {  	s4 =	ssub.s32 $0x0, s20;
	[sflag:s22] =	ssyncset.done $0x0  }
0xa0: {  	[sflag:s22] =	ssyncadd.s32 s4;
	_ =	sdelay $0x1  }
0xa1: {  	s23 =	simm.s32 $0x1B8B  }
0xa2: {  	_ =	swait.ge [sflag:s23], $0x1  }
0xa3: {  	[sflag:s23] =	ssyncset.done $0x0  }
0xa4: {  	s25 =	simm.s32 $0x1B8E;
	s24 =	sld [smem:$0x3FFE];
	[sflag:s23] =	ssyncadd.s32 $0xFFFFFFFF  }
0xa5: {  	s26 =	simm.s32 $execute0_lowered;
	[smem:$0x3FD2] =	sst s25  }
0xa6: {  	s5 =	sshll.u32 s26, $0x1;
	_ =	strace $0x80000046;
	[dreg:$0x1] =	wrdreg $0xFFFFFFFF  }
0xa7: {  	s28 =	simm.s32 $_size_execute0_lowered;
	s3 =	sadd.s32 s3, s5;
	[dreg:$0x0] =	wrdreg $0x0  }
0xa8: {  	s5 =	sshll.u32 s28, $0x1;
	[dreg:$0x2] =	wrdreg s3  }
0xa9: {  	[dreg:$0x3] =	wrdreg s5  }
0xaa: {  	[dreg:$0x4] =	wrdreg $0xC0  }
0xab: {  	_ =	task [dreg:s7], $0x5FFFF  }
0xac: {  	[dreg:$0x1] =	wrdreg $0xFFFFFFFF  }
0xad: {  	[dreg:$0x0] =	wrdreg $0x60  }
0xae: {  	[dreg:$0x2] =	wrdreg s24  }
0xaf: {  	[dreg:$0x3] =	wrdreg s2  }
0xb0: {  	[dreg:$0x4] =	wrdreg $0x9  }
0xb1: {  	_ =	task.clear_ibuf [dreg:s7], $0x5FFFF;
	_ =	strace $0x90000046  }
0xb2: {  	s29 =	simm.s32 $0x9;
	_ =	strace $0x80000048  }
0xb3: {  	_ =	swait.ge [sflag:s29], $0x1  }
0xb4: {  	[sflag:s29] =	ssyncadd.s32 $0xFFFFFFFF  }
0xb5: {  	_ =	strace $0x90000048  }
0xb6: {  	_ =	sfence  }
0xb7: {  	s30 =	sld [smem:$0x0];
	_ =	sdelay $0x2  }
0xb8: {  	s31 =	sshll.u32 s1, $0xD;
	s1 =	sshrl.u32 s1, $0x2  }
0xb9: {  	s3 =	sand.u32 $0x4000, s31;
	s1 =	sadd.s32 s1, s30  }
0xba: {  	s0 =	sor.u32 s3, s0;
	s1 =	sshll.u32 s1, $0x11  }
0xbb: {  	s0 =	sor.u32 s1, s0  }
0xbc: {  	s0 =	sadd.s32 $0x8F2B, s0  }
0xbd: {  	[sflag:s0] =	ssyncadd.remote.s32 $0x1  }
0xbe: {  	_ =	sfence.sel $0xFFFF  }
0xbf: {  	[dreg:$0x0] =	wrdreg $0xFFFFFFFF;
	(pc) =	sbr.abs _section_cstart, $3  }
0xc0: {  	[dreg:$0x1] =	wrdreg $0xFFFFFFFF  }
0xc1: {  	_ =	task.clear_ibuf [dreg:s7], $0x2FFFF;
	_ =	strace $0x9FFFFFFF  }
0xc2: {  	(tm) =	ssettm $0x7FFFFFFF  }
0xc3: {  	_ =	shalt  }
tec
execute0_lowered:
.L_overlay_start_1:
0x0: {  	(tag) =	ssettag $0x1  }
0x1: {  	s0 =	rddreg [dreg:$0x0]  }
0x2: {  	s1 =	rddreg [dreg:$0x1];
	s3 =	simm.s32 $0x0  }
0x3: {  	s2 =	srdreg.scid;
	s4 =	stileid.u32;
	s29 =	simm.s32 $0x11000  }
0x4: {  	s20 =	simm.s32 $0x6;
	s28 =	simm.s32 $0x15000;
	s30 =	simm.s32 $0x7  }
0x5: {  	s31 =	simm.s32 $0x9;
	[smem:$0x7FF] =	sst s3;
	s2 =	sand.u32 $0x1, s2  }
0x6: {  	s5 =	sshll.u32 s4, $0x6;
	s4 =	sadd.s32 $0xE00, s0;
	s6 =	sshll.u32 s2, $0x5  }
0x7: {  	_ =	strace $0x80000047;
	s2 =	ssub.s32 $0x2, s2;
	s5 =	sor.u32 s6, s5  }
0x8: {  	s6 =	sadd.s32 $0x20E00, s0;
	s7 =	sshrl.u32 s2, $0x1;
	s0 =	sadd.s32 $0x600, s0  }
0x9: {  	s8 =	sshll.u32 s5, $0x7;
	[dreg:$0x3] =	wrdreg s0;
	s21 =	ssub.s32 s2, s7  }
0xa: {  	v0 =	vlaneseq.u32;
	s25 =	sor.u32 $0x4, s5;
	s26 =	sor.u32 $0x5, s5;
	s14 =	sor.u32 $0x6, s5  }
0xb: {  	v0 =	vmul.u32 $0x11, v0;
	s15 =	sor.u32 $0x7, s5;
	s22 =	sadd.s32 s4, s8;
	[dreg:$0x8] =	wrdreg s25  }
0xc: {  	[dreg:$0x9] =	wrdreg s26;
	s0 =	smax.u32 s21, $0x1;
	s25 =	simm.s32 $0x5  }
0xd: {  	v1 =	vadd.s32 $0x1, v0;
	v2 =	vadd.s32 $0x2, v0;
	v3 =	vadd.s32 $0x3, v0;
	s26 =	simm.s32 $0x3;
	s21 =	simm.s32 $0x4;
	[dreg:$0x4] =	wrdreg s22  }
0xe: {  	v4 =	vadd.s32 $0x4, v0;
	v5 =	vadd.s32 $0x5, v0;
	v6 =	vadd.s32 $0x6, v0;
	s8 =	simm.s32 $0x0;
	s23 =	sadd.s32 $0x80, s22;
	[dreg:$0xa] =	wrdreg s0  }
0xf: {  	v7 =	vadd.s32 $0x7, v0;
	v8 =	vadd.s32 $0x8, v0;
	v9 =	vadd.s32 $0x9, v0;
	s24 =	sadd.s32 $0x100, s22;
	s2 =	sadd.s32 $0x180, s22;
	[dreg:$0x5] =	wrdreg s23  }
0x10: {  	v10 =	vadd.s32 $0xA, v0;
	v11 =	vadd.s32 $0xB, v0;
	v12 =	vadd.s32 $0xC, v0;
	s22 =	simm.s32 $0x1D000;
	s0 =	simm.s32 $0x8;
	[dreg:$0x6] =	wrdreg s24  }
0x11: {  	v13 =	vadd.s32 $0xD, v0;
	v14 =	vadd.s32 $0xE, v0;
	v15 =	vadd.s32 $0xF, v0;
	[dreg:$0x7] =	wrdreg s2;
	s23 =	simm.s32 $0x80;
	s2 =	simm.s32 $0xA  }
.LBB2_1:
0x12: {  	[dreg:$0xb] =	wrdreg s8  }
0x13: {  	s7 =	rddreg [dreg:$0x3];
	s11 =	simm.s32 $0x19000;
	s12 =	simm.s32 $0xB  }
0x14: {  	[tilespmem:s11], [sflag:$0xB] =	stream.linear.gather [hbm4b:s7+s3], $0x4000, $0x38;
	[tilespmem:$0x1D118] =	vst v63  }
0x15: {  	_ =	swait.ge [sflag:s12], $0x4000  }
0x16: {  	[sflag:s12] =	ssyncset.done $0x0  }
0x17: {  	s13 =	rddreg [dreg:$0x4];
	[sflag:s12] =	ssyncadd.s32 $0xFFFFC000  }
0x18: {  	[tilespmem:s3], [sflag:$0x1] =	stream.linear.gather [hbm4b:s13+s3], $0x400, $0x38;
	[tilespmem:$0x1D118] =	vst v63  }
0x19: {  	s8 =	simm.s32 $0x400;
	s16 =	rddreg [dreg:$0x5]  }
0x1a: {  	[tilespmem:s8], [sflag:$0x2] =	stream.linear.gather [hbm4b:s16+s3], $0x400, $0x38;
	[tilespmem:$0x1D118] =	vst v63  }
0x1b: {  	s9 =	simm.s32 $0x800;
	s17 =	rddreg [dreg:$0x6]  }
0x1c: {  	[tilespmem:s9], [sflag:$0x3] =	stream.linear.gather [hbm4b:s17+s3], $0x400, $0x38;
	[tilespmem:$0x1D118] =	vst v63  }
0x1d: {  	s19 =	simm.s32 $0xC00;
	s24 =	simm.s32 $0x1;
	s18 =	rddreg [dreg:$0x7]  }
0x1e: {  	[tilespmem:s19], [sflag:$0x4] =	stream.linear.gather [hbm4b:s18+s3], $0x400, $0x38;
	[tilespmem:$0x1D118] =	vst v63  }
0x1f: {  	_ =	swait.ge [sflag:s24], $0x400  }
0x20: {  	[sflag:s24] =	ssyncset.done $0x0  }
0x21: {  	s9 =	simm.s32 $0x1000;
	[sflag:s24] =	ssyncadd.s32 $0xFFFFFC00  }
0x22: {  	[tilespmem:s9], [sflag:$0x5] =	stream.indirect.gather [hbm4b:s6+s23], $0x10, s3, s23, $0xb8;
	[tilespmem:$0x1D118] =	vst v63  }
0x23: {  	s10 =	simm.s32 $0x1800  }
0x24: {  	[tilespmem:s10], [sflag:$0x5] =	stream.indirect.gather [hbm4b:s6+s23], $0x10, s23, s23, $0xb8;
	[tilespmem:$0x1D118] =	vst v63  }
0x25: {  	s11 =	simm.s32 $0x100;
	s12 =	simm.s32 $0x2000  }
0x26: {  	[tilespmem:s12], [sflag:$0x5] =	stream.indirect.gather [hbm4b:s6+s23], $0x10, s11, s23, $0xb8;
	[tilespmem:$0x1D118] =	vst v63  }
0x27: {  	s13 =	simm.s32 $0x180;
	s16 =	simm.s32 $0x2800  }
0x28: {  	[tilespmem:s16], [sflag:$0x5] =	stream.indirect.gather [hbm4b:s6+s23], $0x10, s13, s23, $0xb8;
	[tilespmem:$0x1D118] =	vst v63  }
0x29: {  	s17 =	simm.s32 $0x200;
	s18 =	simm.s32 $0x3000  }
0x2a: {  	[tilespmem:s18], [sflag:$0x5] =	stream.indirect.gather [hbm4b:s6+s23], $0x10, s17, s23, $0xb8;
	[tilespmem:$0x1D118] =	vst v63  }
0x2b: {  	s19 =	simm.s32 $0x280;
	s24 =	simm.s32 $0x3800  }
0x2c: {  	[tilespmem:s24], [sflag:$0x5] =	stream.indirect.gather [hbm4b:s6+s23], $0x10, s19, s23, $0xb8;
	[tilespmem:$0x1D118] =	vst v63  }
0x2d: {  	s9 =	simm.s32 $0x300;
	s10 =	simm.s32 $0x4000  }
0x2e: {  	[tilespmem:s10], [sflag:$0x5] =	stream.indirect.gather [hbm4b:s6+s23], $0x10, s9, s23, $0xb8;
	[tilespmem:$0x1D118] =	vst v63  }
0x2f: {  	s11 =	simm.s32 $0x380;
	s12 =	simm.s32 $0x4800;
	s13 =	simm.s32 $0x2  }
0x30: {  	[tilespmem:s12], [sflag:$0x5] =	stream.indirect.gather [hbm4b:s6+s23], $0x10, s11, s23, $0xb8;
	[tilespmem:$0x1D118] =	vst v63  }
0x31: {  	_ =	swait.ge [sflag:s13], $0x400  }
0x32: {  	[sflag:s13] =	ssyncset.done $0x0  }
0x33: {  	s16 =	simm.s32 $0x5000;
	[sflag:s13] =	ssyncadd.s32 $0xFFFFFC00  }
0x34: {  	[tilespmem:s16], [sflag:$0x6] =	stream.indirect.gather [hbm4b:s6+s23], $0x10, s8, s23, $0xb8;
	[tilespmem:$0x1D118] =	vst v63  }
0x35: {  	s17 =	simm.s32 $0x480;
	s18 =	simm.s32 $0x5800  }
0x36: {  	[tilespmem:s18], [sflag:$0x6] =	stream.indirect.gather [hbm4b:s6+s23], $0x10, s17, s23, $0xb8;
	[tilespmem:$0x1D118] =	vst v63  }
0x37: {  	s19 =	simm.s32 $0x500;
	s24 =	simm.s32 $0x6000  }
0x38: {  	[tilespmem:s24], [sflag:$0x6] =	stream.indirect.gather [hbm4b:s6+s23], $0x10, s19, s23, $0xb8;
	[tilespmem:$0x1D118] =	vst v63  }
0x39: {  	s9 =	simm.s32 $0x580;
	s10 =	simm.s32 $0x6800  }
0x3a: {  	[tilespmem:s10], [sflag:$0x6] =	stream.indirect.gather [hbm4b:s6+s23], $0x10, s9, s23, $0xb8;
	[tilespmem:$0x1D118] =	vst v63  }
0x3b: {  	s11 =	simm.s32 $0x600;
	s12 =	simm.s32 $0x7000  }
0x3c: {  	[tilespmem:s12], [sflag:$0x6] =	stream.indirect.gather [hbm4b:s6+s23], $0x10, s11, s23, $0xb8;
	[tilespmem:$0x1D118] =	vst v63  }
0x3d: {  	s13 =	simm.s32 $0x680;
	s16 =	simm.s32 $0x7800  }
0x3e: {  	[tilespmem:s16], [sflag:$0x6] =	stream.indirect.gather [hbm4b:s6+s23], $0x10, s13, s23, $0xb8;
	[tilespmem:$0x1D118] =	vst v63  }
0x3f: {  	s17 =	simm.s32 $0x700;
	s18 =	simm.s32 $0x8000  }
0x40: {  	[tilespmem:s18], [sflag:$0x6] =	stream.indirect.gather [hbm4b:s6+s23], $0x10, s17, s23, $0xb8;
	[tilespmem:$0x1D118] =	vst v63  }
0x41: {  	s19 =	simm.s32 $0x780;
	s24 =	simm.s32 $0x8800;
	s17 =	simm.s32 $0x0  }
0x42: {  	[tilespmem:s24], [sflag:$0x6] =	stream.indirect.gather [hbm4b:s6+s23], $0x10, s19, s23, $0xb8;
	[tilespmem:$0x1D118] =	vst v63  }
.LBB2_2:
0x43: {  	_ =	swait.ge [sflag:s25], $0x4000  }
0x44: {  	s24 =	sshll.u32 s17, $0x2;
	p0 =	seq.s32 s17, $0x7;
	s7 =	rddreg [dreg:$0x8]  }
0x45: {  	s7 =	sadd.s32 @!p0 s24, s7  }
0x46: {  	[sflag:s25] =	ssyncset.done $0x0;
	s7 =	sshll.u32 @!p0 s7, $0x7  }
0x47: {  	s8 =	simm.s32 @!p0 $0x0;
	[sflag:s25] =	ssyncadd.s32 $0xFFFFC000;
	s7 =	sadd.s32 @!p0 s4, s7  }
0x48: {  	[tilespmem:s8], [sflag:$0x1] =	stream.linear.gather @!p0 [hbm4b:s7+s8], $0x400, $0x38;
	[tilespmem:$0x1D118] =	vst v63  }
0x49: {  	_ =	swait.ge [sflag:s26], $0x400  }
0x4a: {  	[sflag:s26] =	ssyncset.done $0x0  }
0x4b: {  	s9 =	simm.s32 $0x800;
	s10 =	simm.s32 $0x9000;
	[sflag:s26] =	ssyncadd.s32 $0xFFFFFC00  }
0x4c: {  	[tilespmem:s10], [sflag:$0x7] =	stream.indirect.gather [hbm4b:s6+s23], $0x10, s9, s23, $0xb8;
	[tilespmem:$0x1D118] =	vst v63  }
0x4d: {  	s11 =	simm.s32 $0x880;
	s12 =	simm.s32 $0x9800  }
0x4e: {  	[tilespmem:s12], [sflag:$0x7] =	stream.indirect.gather [hbm4b:s6+s23], $0x10, s11, s23, $0xb8;
	[tilespmem:$0x1D118] =	vst v63  }
0x4f: {  	s13 =	simm.s32 $0x900;
	s16 =	simm.s32 $0xA000  }
0x50: {  	[tilespmem:s16], [sflag:$0x7] =	stream.indirect.gather [hbm4b:s6+s23], $0x10, s13, s23, $0xb8;
	[tilespmem:$0x1D118] =	vst v63  }
0x51: {  	s18 =	simm.s32 $0x980;
	s19 =	simm.s32 $0xA800  }
0x52: {  	[tilespmem:s19], [sflag:$0x7] =	stream.indirect.gather [hbm4b:s6+s23], $0x10, s18, s23, $0xb8;
	[tilespmem:$0x1D118] =	vst v63  }
0x53: {  	s9 =	simm.s32 $0xA00;
	s10 =	simm.s32 $0xB000  }
0x54: {  	[tilespmem:s10], [sflag:$0x7] =	stream.indirect.gather [hbm4b:s6+s23], $0x10, s9, s23, $0xb8;
	[tilespmem:$0x1D118] =	vst v63  }
0x55: {  	s11 =	simm.s32 $0xA80;
	s12 =	simm.s32 $0xB800  }
0x56: {  	[tilespmem:s12], [sflag:$0x7] =	stream.indirect.gather [hbm4b:s6+s23], $0x10, s11, s23, $0xb8;
	[tilespmem:$0x1D118] =	vst v63  }
0x57: {  	p1 =	seq.s32 s17, $0x0;
	s13 =	simm.s32 $0xB00;
	s16 =	simm.s32 $0xC000  }
0x58: {  	[tilespmem:s16], [sflag:$0x7] =	stream.indirect.gather [hbm4b:s6+s23], $0x10, s13, s23, $0xb8;
	[tilespmem:$0x1D118] =	vst v63  }
0x59: {  	s7 =	simm.s32 @!p1 $0x9;
	s18 =	simm.s32 $0xB80;
	s19 =	simm.s32 $0xC800  }
0x5a: {  	[tilespmem:s19], [sflag:$0x7] =	stream.indirect.gather [hbm4b:s6+s23], $0x10, s18, s23, $0xb8;
	[tilespmem:$0x1D118] =	vst v63  }
0x5b: {  	_ =	swait.ge @!p1 [sflag:s7], $0x4000  }
0x5c: {  	[sflag:s7] =	ssyncset.done @!p1 $0x0  }
0x5d: {  	[sflag:s7] =	ssyncadd.s32 @!p1 $0xFFFFC000;
	s7 =	simm.s32 $0x1080  }
0x5e: {  	s9 =	simm.s32 $0x19080;
	v18 =	vld [tilespmem:s7+$0xFFFFFF80]  }
0x5f: {  	v16 =	vld [tilespmem:s9+$0x20]  }
0x60: {  	v17 =	vld [tilespmem:s7+$0x20]  }
0x61: {  	v19 =	vld [tilespmem:s9+$0x0]  }
0x62: {  	v20 =	vld [tilespmem:s7+$0x0]  }
0x63: {  	v21 =	vld [tilespmem:s9+$0xFFFFFFF0]  }
0x64: {  	v22 =	vld [tilespmem:s7+$0xFFFFFFF0]  }
0x65: {  	v23 =	vld [tilespmem:s9+$0xFFFFFFE0]  }
0x66: {  	v24 =	vld [tilespmem:s7+$0xFFFFFFE0]  }
0x67: {  	v25 =	vld [tilespmem:s9+$0xFFFFFFD0]  }
0x68: {  	v26 =	vld [tilespmem:s7+$0xFFFFFFD0]  }
0x69: {  	v27 =	vld [tilespmem:s9+$0xFFFFFFC0]  }
0x6a: {  	v28 =	vld [tilespmem:s7+$0xFFFFFFC0]  }
0x6b: {  	v29 =	vld [tilespmem:s9+$0xFFFFFFB0]  }
0x6c: {  	v30 =	vld [tilespmem:s7+$0xFFFFFFB0]  }
0x6d: {  	v31 =	vld [tilespmem:s9+$0xFFFFFFA0]  }
0x6e: {  	v32 =	vld [tilespmem:s7+$0xFFFFFFA0]  }
0x6f: {  	v33 =	vld [tilespmem:s9+$0xFFFFFF90]  }
0x70: {  	v35 =	vld [tilespmem:s9+$0x30]  }
0x71: {  	v36 =	vld [tilespmem:s9+$0x10]  }
0x72: {  	v37 =	vld [tilespmem:s9+$0x40]  }
0x73: {  	v38 =	vld [tilespmem:s9+$0x50]  }
0x74: {  	v39 =	vld [tilespmem:s9+$0x70]  }
0x75: {  	v40 =	vld [tilespmem:s9+$0x60]  }
0x76: {  	v41 =	vld [tilespmem:s7+$0x60]  }
0x77: {  	v42 =	vld [tilespmem:s7+$0x70]  }
0x78: {  	v43 =	vld [tilespmem:s7+$0x50]  }
0x79: {  	v44 =	vld [tilespmem:s7+$0x40]  }
0x7a: {  	v45 =	vld [tilespmem:s7+$0x10]  }
0x7b: {  	v62 =	vld [tilespmem:s7+$0x30];
	v40 =	vadd.f32 v40, v41  }
0x7c: {  	v34 =	vld [tilespmem:s7+$0xFFFFFF90];
	v39 =	vadd.f32 v39, v42  }
0x7d: {  	v63 =	vld [tilespmem:s9+$0xFFFFFF80];
	v38 =	vadd.f32 v38, v43;
	[tilespmem:$0x1D0EE] =	vst v40  }
0x7e: {  	v37 =	vadd.f32 v37, v44;
	[tilespmem:$0x1D0FF] =	vst v39  }
0x7f: {  	v36 =	vadd.f32 v36, v45;
	[tilespmem:$0x1D0DD] =	vst v38  }
0x80: {  	v35 =	vadd.f32 v35, v62;
	[tilespmem:$0x1D0CC] =	vst v37  }
0x81: {  	v16 =	vadd.f32 v16, v17;
	[tilespmem:$0x1D099] =	vst v36  }
0x82: {  	v17 =	vadd.f32 v19, v20;
	[tilespmem:$0x1D0BB] =	vst v35  }
0x83: {  	v19 =	vadd.f32 v33, v34;
	[tilespmem:$0x1D0AA] =	vst v16  }
0x84: {  	v20 =	vadd.f32 v25, v26;
	[tilespmem:$0x1D088] =	vst v17  }
0x85: {  	v16 =	vadd.f32 v31, v32;
	[tilespmem:$0x1D011] =	vst v19  }
0x86: {  	v17 =	vadd.f32 v29, v30;
	[tilespmem:$0x1D055] =	vst v20  }
0x87: {  	v19 =	vadd.f32 v27, v28;
	[tilespmem:$0x1D022] =	vst v16  }
0x88: {  	s8 =	simm.s32 $0x80;
	s16 =	simm.s32 $0x0;
	v18 =	vadd.f32 v63, v18;
	[tilespmem:$0x1D033] =	vst v17  }
0x89: {  	s11 =	simm.s32 $0x0;
	s10 =	sand.u32 $0x70, s16;
	s19 =	sor.u32 $0x2, s24;
	v16 =	vadd.f32 v21, v22;
	[tilespmem:$0x1D044] =	vst v19;
	v17 =	vadd.f32 v23, v24  }
.LBB2_3:
0x8a: {  	s16 =	sadd.s32 $0x10, s16  }
0x8b: {  	[tilespmem:$0x1D066] =	vst v17;
	s7 =	sadd.s32 $0x100, s7;
	s9 =	sadd.s32 $0x100, s9;
	s18 =	smov.u32 s8  }
0x8c: {  	p2 =	sne.s32 s8, $0x1F80;
	s8 =	sadd.s32 $0x80, s8;
	s12 =	sand.u32 $0x70, s16;
	[tilespmem:$0x1D000] =	vst v18  }
0x8d: {  	[tilespmem:$0x1D077] =	vst v16  }
0x8e: {  	v16 =	vld.idx.msk [tilespmem:v8+s22+$0x0], $0xffff  }
0x8f: {  	v17 =	vld.idx.msk [tilespmem:v11+s22+$0x0], $0xffff  }
0x90: {  	v18 =	vld.idx.msk [tilespmem:v15+s22+$0x0], $0xffff  }
0x91: {  	v19 =	vld.idx.msk [tilespmem:v7+s22+$0x0], $0xffff  }
0x92: {  	v20 =	vld.idx.msk [tilespmem:v5+s22+$0x0], $0xffff  }
0x93: {  	v21 =	vld.idx.msk [tilespmem:v14+s22+$0x0], $0xffff  }
0x94: {  	v22 =	vld.idx.msk [tilespmem:v10+s22+$0x0], $0xffff  }
0x95: {  	v23 =	vld.idx.msk [tilespmem:v9+s22+$0x0], $0xffff  }
0x96: {  	v24 =	vld.idx.msk [tilespmem:v13+s22+$0x0], $0xffff  }
0x97: {  	v25 =	vld.idx.msk [tilespmem:v4+s22+$0x0], $0xffff  }
0x98: {  	v26 =	vld.idx.msk [tilespmem:v12+s22+$0x0], $0xffff  }
0x99: {  	v27 =	vld.idx.msk [tilespmem:v6+s22+$0x0], $0xffff  }
0x9a: {  	v28 =	vld.idx.msk [tilespmem:v3+s22+$0x0], $0xffff  }
0x9b: {  	s13 =	sand.u32 $0x1C00, s11;
	s11 =	smov.u32 s18;
	v29 =	vld.idx.msk [tilespmem:v0+s22+$0x0], $0xffff  }
0x9c: {  	s13 =	sor.u32 s10, s13;
	s10 =	smov.u32 s12;
	v30 =	vld.idx.msk [tilespmem:v2+s22+$0x0], $0xffff  }
0x9d: {  	s12 =	sadd.s32 $0x11000, s13;
	v31 =	vld.idx.msk [tilespmem:v1+s22+$0x0], $0xffff  }
0x9e: {  	[tilespmem:s12+$0x2380] =	vst v18  }
0x9f: {  	[tilespmem:s12+$0x2100] =	vst v22  }
0xa0: {  	[tilespmem:s12+$0x2280] =	vst v24  }
0xa1: {  	[tilespmem:s12+$0x2200] =	vst v26  }
0xa2: {  	[tilespmem:s12+$0x2180] =	vst v17  }
0xa3: {  	[tilespmem:s12+$0x300] =	vst v27  }
0xa4: {  	[tilespmem:s12+$0x2000] =	vst v16  }
0xa5: {  	[tilespmem:s12+$0x380] =	vst v19  }
0xa6: {  	[tilespmem:s12+$0x2300] =	vst v21  }
0xa7: {  	[tilespmem:s12+$0x2080] =	vst v23  }
0xa8: {  	[tilespmem:s12+$0x200] =	vst v25  }
0xa9: {  	[tilespmem:s12+$0x100] =	vst v30  }
0xaa: {  	[tilespmem:s12+$0x180] =	vst v28  }
0xab: {  	[tilespmem:s12+$0x280] =	vst v20  }
0xac: {  	[tilespmem:s12+$0x80] =	vst v31  }
0xad: {  	[tilespmem:s13+$0x11000] =	vst v29  }
0xae: {  	v18 =	vld [tilespmem:s7+$0xFFFFFF80]  }
0xaf: {  	v16 =	vld [tilespmem:s9+$0x20]  }
0xb0: {  	v17 =	vld [tilespmem:s7+$0x20]  }
0xb1: {  	v19 =	vld [tilespmem:s9+$0x0]  }
0xb2: {  	v20 =	vld [tilespmem:s7+$0x0]  }
0xb3: {  	v21 =	vld [tilespmem:s9+$0xFFFFFFF0]  }
0xb4: {  	v22 =	vld [tilespmem:s7+$0xFFFFFFF0]  }
0xb5: {  	v23 =	vld [tilespmem:s9+$0xFFFFFFE0];
	v24 =	vadd.f32 v16, v17  }
0xb6: {  	v17 =	vld [tilespmem:s7+$0xFFFFFFE0]  }
0xb7: {  	v25 =	vld [tilespmem:s9+$0xFFFFFFD0];
	v19 =	vadd.f32 v19, v20  }
0xb8: {  	v20 =	vld [tilespmem:s7+$0xFFFFFFD0]  }
0xb9: {  	v26 =	vld [tilespmem:s9+$0xFFFFFFC0];
	v16 =	vadd.f32 v21, v22  }
0xba: {  	v21 =	vld [tilespmem:s7+$0xFFFFFFC0]  }
0xbb: {  	v22 =	vld [tilespmem:s9+$0xFFFFFFB0];
	v17 =	vadd.f32 v23, v17  }
0xbc: {  	v23 =	vld [tilespmem:s7+$0xFFFFFFB0]  }
0xbd: {  	v27 =	vld [tilespmem:s9+$0xFFFFFFA0];
	v20 =	vadd.f32 v25, v20  }
0xbe: {  	v25 =	vld [tilespmem:s7+$0xFFFFFFA0]  }
0xbf: {  	v28 =	vld [tilespmem:s9+$0xFFFFFF90];
	v21 =	vadd.f32 v26, v21  }
0xc0: {  	v26 =	vld [tilespmem:s7+$0xFFFFFF90]  }
0xc1: {  	v22 =	vadd.f32 v22, v23;
	v23 =	vld [tilespmem:s9+$0x30]  }
0xc2: {  	v29 =	vld [tilespmem:s9+$0x10]  }
0xc3: {  	v25 =	vadd.f32 v27, v25;
	v27 =	vld [tilespmem:s9+$0x40]  }
0xc4: {  	v30 =	vld [tilespmem:s9+$0x50]  }
0xc5: {  	v26 =	vadd.f32 v28, v26;
	v28 =	vld [tilespmem:s9+$0x70]  }
0xc6: {  	v31 =	vld [tilespmem:s9+$0x60]  }
0xc7: {  	v32 =	vld [tilespmem:s7+$0x60]  }
0xc8: {  	v33 =	vld [tilespmem:s7+$0x70]  }
0xc9: {  	v34 =	vld [tilespmem:s7+$0x50]  }
0xca: {  	v35 =	vld [tilespmem:s7+$0x40]  }
0xcb: {  	v36 =	vld [tilespmem:s7+$0x10]  }
0xcc: {  	v37 =	vld [tilespmem:s7+$0x30];
	v31 =	vadd.f32 v31, v32  }
0xcd: {  	v32 =	vld [tilespmem:s9+$0xFFFFFF80];
	v28 =	vadd.f32 v28, v33  }
0xce: {  	v30 =	vadd.f32 v30, v34;
	[tilespmem:$0x1D0EE] =	vst v31  }
0xcf: {  	v27 =	vadd.f32 v27, v35;
	[tilespmem:$0x1D0FF] =	vst v28  }
0xd0: {  	v28 =	vadd.f32 v29, v36;
	[tilespmem:$0x1D0DD] =	vst v30  }
0xd1: {  	v23 =	vadd.f32 v23, v37;
	[tilespmem:$0x1D0CC] =	vst v27  }
0xd2: {  	v18 =	vadd.f32 v32, v18;
	[tilespmem:$0x1D099] =	vst v28  }
0xd3: {  	[tilespmem:$0x1D0BB] =	vst v23  }
0xd4: {  	[tilespmem:$0x1D0AA] =	vst v24  }
0xd5: {  	[tilespmem:$0x1D088] =	vst v19  }
.Ltmp0:
0xd6: {  	[tilespmem:$0x1D011] =	vst v26;
	(pc) =	sbr.rel @p2 .LBB2_3-.Ltmp0, $4  }
0xd7: {  	[tilespmem:$0x1D022] =	vst v25  }
0xd8: {  	[tilespmem:$0x1D033] =	vst v22  }
0xd9: {  	[tilespmem:$0x1D044] =	vst v21  }
0xda: {  	[tilespmem:$0x1D055] =	vst v20  }
0xdb: {  	_ = 	snop  }
0xdc: {  	[tilespmem:$0x1D066] =	vst v17  }
0xdd: {  	[tilespmem:$0x1D000] =	vst v18  }
0xde: {  	[tilespmem:$0x1D077] =	vst v16  }
0xdf: {  	v16 =	vld.idx.msk [tilespmem:v8+s22+$0x0], $0xffff  }
0xe0: {  	v17 =	vld.idx.msk [tilespmem:v11+s22+$0x0], $0xffff  }
0xe1: {  	v18 =	vld.idx.msk [tilespmem:v15+s22+$0x0], $0xffff  }
0xe2: {  	v19 =	vld.idx.msk [tilespmem:v7+s22+$0x0], $0xffff  }
0xe3: {  	v20 =	vld.idx.msk [tilespmem:v5+s22+$0x0], $0xffff  }
0xe4: {  	v21 =	vld.idx.msk [tilespmem:v14+s22+$0x0], $0xffff  }
0xe5: {  	v22 =	vld.idx.msk [tilespmem:v10+s22+$0x0], $0xffff  }
0xe6: {  	v23 =	vld.idx.msk [tilespmem:v9+s22+$0x0], $0xffff  }
0xe7: {  	v24 =	vld.idx.msk [tilespmem:v13+s22+$0x0], $0xffff  }
0xe8: {  	v25 =	vld.idx.msk [tilespmem:v4+s22+$0x0], $0xffff  }
0xe9: {  	v26 =	vld.idx.msk [tilespmem:v12+s22+$0x0], $0xffff  }
0xea: {  	v27 =	vld.idx.msk [tilespmem:v6+s22+$0x0], $0xffff  }
0xeb: {  	s7 =	sand.u32 $0x1C00, s11;
	v28 =	vld.idx.msk [tilespmem:v3+s22+$0x0], $0xffff  }
0xec: {  	v29 =	vld.idx.msk [tilespmem:v0+s22+$0x0], $0xffff;
	s7 =	sor.u32 s10, s7  }
0xed: {  	v30 =	vld.idx.msk [tilespmem:v2+s22+$0x0], $0xffff;
	s8 =	sadd.s32 $0x11000, s7  }
0xee: {  	v31 =	vld.idx.msk [tilespmem:v1+s22+$0x0], $0xffff;
	[tilespmem:s8+$0x2380] =	vst v18  }
0xef: {  	[tilespmem:s8+$0x2100] =	vst v22  }
0xf0: {  	[tilespmem:s8+$0x2280] =	vst v24  }
0xf1: {  	[tilespmem:s8+$0x2200] =	vst v26  }
0xf2: {  	[tilespmem:s8+$0x2180] =	vst v17  }
0xf3: {  	[tilespmem:s8+$0x300] =	vst v27  }
0xf4: {  	[tilespmem:s8+$0x2000] =	vst v16  }
0xf5: {  	[tilespmem:s8+$0x380] =	vst v19  }
0xf6: {  	[tilespmem:s8+$0x2300] =	vst v21  }
0xf7: {  	[tilespmem:s8+$0x2080] =	vst v23  }
0xf8: {  	[tilespmem:s8+$0x200] =	vst v25  }
0xf9: {  	[tilespmem:s8+$0x100] =	vst v30  }
0xfa: {  	[tilespmem:s8+$0x180] =	vst v28  }
0xfb: {  	s9 =	sadd.s32 s5, s24;
	[tilespmem:s8+$0x280] =	vst v20  }
0xfc: {  	s16 =	sshll.u32 s9, $0xB;
	[tilespmem:s8+$0x80] =	vst v31  }
0xfd: {  	s18 =	sadd.s32 s1, s16;
	[tilespmem:s7+$0x11000] =	vst v29  }
0xfe: {  	[hbm4b:s18+s3] =	stream.linear.scatter [tilespmem:s29], [sflag:$0x9], $0x4000, $0x38;
	[tilespmem:$0x1D118] =	vst v63  }
0xff: {  	_ =	swait.ge [sflag:s20], $0x4000  }
0x100: {  	s7 =	rddreg [dreg:$0x9]  }
0x101: {  	s7 =	sadd.s32 @!p0 s24, s7  }
0x102: {  	s9 =	simm.s32 @!p0 $0x400;
	[sflag:s20] =	ssyncset.done $0x0;
	s7 =	sshll.u32 @!p0 s7, $0x7  }
0x103: {  	s8 =	simm.s32 @!p0 $0x0;
	[sflag:s20] =	ssyncadd.s32 $0xFFFFC000;
	s7 =	sadd.s32 @!p0 s4, s7  }
0x104: {  	[tilespmem:s9], [sflag:$0x2] =	stream.linear.gather @!p0 [hbm4b:s7+s8], $0x400, $0x38;
	[tilespmem:$0x1D118] =	vst v63  }
0x105: {  	_ =	swait.ge [sflag:s21], $0x400  }
0x106: {  	[sflag:s21] =	ssyncset.done $0x0  }
0x107: {  	s8 =	simm.s32 $0xC00;
	s9 =	simm.s32 $0xD000;
	[sflag:s21] =	ssyncadd.s32 $0xFFFFFC00  }
0x108: {  	[tilespmem:s9], [sflag:$0x8] =	stream.indirect.gather [hbm4b:s6+s23], $0x10, s8, s23, $0xb8;
	[tilespmem:$0x1D118] =	vst v63  }
0x109: {  	s11 =	simm.s32 $0xD800;
	s10 =	simm.s32 $0xC80  }
0x10a: {  	[tilespmem:s11], [sflag:$0x8] =	stream.indirect.gather [hbm4b:s6+s23], $0x10, s10, s23, $0xb8;
	[tilespmem:$0x1D118] =	vst v63  }
0x10b: {  	s12 =	simm.s32 $0xD00;
	s13 =	simm.s32 $0xE000  }
0x10c: {  	[tilespmem:s13], [sflag:$0x8] =	stream.indirect.gather [hbm4b:s6+s23], $0x10, s12, s23, $0xb8;
	[tilespmem:$0x1D118] =	vst v63  }
0x10d: {  	s16 =	simm.s32 $0xD80;
	s18 =	simm.s32 $0xE800  }
0x10e: {  	[tilespmem:s18], [sflag:$0x8] =	stream.indirect.gather [hbm4b:s6+s23], $0x10, s16, s23, $0xb8;
	[tilespmem:$0x1D118] =	vst v63  }
0x10f: {  	s8 =	simm.s32 $0xE00;
	s9 =	simm.s32 $0xF000  }
0x110: {  	[tilespmem:s9], [sflag:$0x8] =	stream.indirect.gather [hbm4b:s6+s23], $0x10, s8, s23, $0xb8;
	[tilespmem:$0x1D118] =	vst v63  }
0x111: {  	s10 =	simm.s32 $0xE80;
	s11 =	simm.s32 $0xF800  }
0x112: {  	[tilespmem:s11], [sflag:$0x8] =	stream.indirect.gather [hbm4b:s6+s23], $0x10, s10, s23, $0xb8;
	[tilespmem:$0x1D118] =	vst v63  }
0x113: {  	s12 =	simm.s32 $0xF00;
	s13 =	simm.s32 $0x10000  }
0x114: {  	[tilespmem:s13], [sflag:$0x8] =	stream.indirect.gather [hbm4b:s6+s23], $0x10, s12, s23, $0xb8;
	[tilespmem:$0x1D118] =	vst v63  }
0x115: {  	s16 =	simm.s32 $0xF80;
	s18 =	simm.s32 $0x10800;
	s9 =	simm.s32 @!p1 $0xA  }
0x116: {  	[tilespmem:s18], [sflag:$0x8] =	stream.indirect.gather [hbm4b:s6+s23], $0x10, s16, s23, $0xb8;
	[tilespmem:$0x1D118] =	vst v63  }
0x117: {  	s7 =	sor.u32 $0x3, s24;
	_ =	swait.ge @!p1 [sflag:s9], $0x4000  }
0x118: {  	s8 =	sor.u32 $0x1, s24;
	s10 =	simm.s32 $0x0;
	[sflag:s9] =	ssyncset.done @!p1 $0x0  }
0x119: {  	s11 =	simm.s32 $0x0;
	[sflag:s9] =	ssyncadd.s32 @!p1 $0xFFFFC000;
	s9 =	simm.s32 $0x0  }
.LBB2_5:
0x11a: {  	s12 =	sshra.s32 s11, $0x2  }
0x11b: {  	v16 =	vld [tilespmem:s12+$0x5000]  }
0x11c: {  	v17 =	vld [tilespmem:s12+$0x19000]  }
0x11d: {  	v18 =	vld [tilespmem:s12+$0x5010]  }
0x11e: {  	v19 =	vld [tilespmem:s12+$0x19010]  }
0x11f: {  	v20 =	vld [tilespmem:s12+$0x5020]  }
0x120: {  	v21 =	vld [tilespmem:s12+$0x19020]  }
0x121: {  	v22 =	vld [tilespmem:s12+$0x5030]  }
0x122: {  	v23 =	vld [tilespmem:s12+$0x19030]  }
0x123: {  	v24 =	vld [tilespmem:s12+$0x5040]  }
0x124: {  	v25 =	vld [tilespmem:s12+$0x19040]  }
0x125: {  	v26 =	vld [tilespmem:s12+$0x5050]  }
0x126: {  	v27 =	vld [tilespmem:s12+$0x19050]  }
0x127: {  	v28 =	vld [tilespmem:s12+$0x5060]  }
0x128: {  	v29 =	vld [tilespmem:s12+$0x19060]  }
0x129: {  	v30 =	vld [tilespmem:s12+$0x5070]  }
0x12a: {  	v31 =	vld [tilespmem:s12+$0x19070]  }
0x12b: {  	v32 =	vld [tilespmem:s12+$0x5080]  }
0x12c: {  	v33 =	vld [tilespmem:s12+$0x19080]  }
0x12d: {  	v34 =	vld [tilespmem:s12+$0x5090]  }
0x12e: {  	v35 =	vld [tilespmem:s12+$0x19090]  }
0x12f: {  	v36 =	vld [tilespmem:s12+$0x50A0]  }
0x130: {  	v37 =	vld [tilespmem:s12+$0x190A0]  }
0x131: {  	v38 =	vld [tilespmem:s12+$0x50B0]  }
0x132: {  	v39 =	vld [tilespmem:s12+$0x190B0]  }
0x133: {  	v40 =	vld [tilespmem:s12+$0x50C0]  }
0x134: {  	v41 =	vld [tilespmem:s12+$0x190C0]  }
0x135: {  	v42 =	vld [tilespmem:s12+$0x50D0]  }
0x136: {  	v43 =	vld [tilespmem:s12+$0x190D0]  }
0x137: {  	v44 =	vld [tilespmem:s12+$0x50E0]  }
0x138: {  	v45 =	vld [tilespmem:s12+$0x190E0];
	v16 =	vadd.f32 v17, v16  }
0x139: {  	v63 =	vld [tilespmem:s12+$0x190F0];
	v18 =	vadd.f32 v19, v18  }
0x13a: {  	v17 =	vld [tilespmem:s12+$0x50F0];
	v20 =	vadd.f32 v21, v20;
	[tilespmem:$0x1D000] =	vst v16  }
0x13b: {  	v25 =	vadd.f32 v25, v24;
	[tilespmem:$0x1D011] =	vst v18  }
0x13c: {  	v27 =	vadd.f32 v27, v26;
	[tilespmem:$0x1D022] =	vst v20  }
0x13d: {  	v46 =	vadd.f32 v31, v30;
	[tilespmem:$0x1D044] =	vst v25  }
0x13e: {  	v47 =	vadd.f32 v33, v32;
	[tilespmem:$0x1D055] =	vst v27  }
0x13f: {  	v16 =	vadd.f32 v23, v22;
	[tilespmem:$0x1D077] =	vst v46  }
0x140: {  	v48 =	vadd.f32 v37, v36;
	[tilespmem:$0x1D088] =	vst v47  }
0x141: {  	[tilespmem:$0x1D033] =	vst v16;
	v16 =	vadd.f32 v29, v28  }
0x142: {  	v49 =	vadd.f32 v39, v38;
	[tilespmem:$0x1D0AA] =	vst v48  }
0x143: {  	[tilespmem:$0x1D066] =	vst v16;
	v16 =	vadd.f32 v35, v34  }
0x144: {  	v50 =	vadd.f32 v43, v42;
	[tilespmem:$0x1D0BB] =	vst v49  }
0x145: {  	[tilespmem:$0x1D099] =	vst v16;
	v16 =	vadd.f32 v41, v40  }
0x146: {  	v51 =	vadd.f32 v45, v44;
	[tilespmem:$0x1D0DD] =	vst v50  }
0x147: {  	[tilespmem:$0x1D0CC] =	vst v16;
	v16 =	vadd.f32 v63, v17  }
0x148: {  	[tilespmem:$0x1D0EE] =	vst v51  }
0x149: {  	[tilespmem:$0x1D0FF] =	vst v16  }
0x14a: {  	v16 =	vld.idx.msk [tilespmem:v0+s22+$0x0], $0xffff  }
0x14b: {  	v17 =	vld.idx.msk [tilespmem:v1+s22+$0x0], $0xffff  }
0x14c: {  	v18 =	vld.idx.msk [tilespmem:v2+s22+$0x0], $0xffff  }
0x14d: {  	v52 =	vld.idx.msk [tilespmem:v3+s22+$0x0], $0xffff  }
0x14e: {  	v20 =	vld.idx.msk [tilespmem:v4+s22+$0x0], $0xffff  }
0x14f: {  	v53 =	vld.idx.msk [tilespmem:v5+s22+$0x0], $0xffff  }
0x150: {  	v54 =	vld.idx.msk [tilespmem:v6+s22+$0x0], $0xffff  }
0x151: {  	v55 =	vld.idx.msk [tilespmem:v7+s22+$0x0], $0xffff  }
0x152: {  	v56 =	vld.idx.msk [tilespmem:v8+s22+$0x0], $0xffff  }
0x153: {  	v57 =	vld.idx.msk [tilespmem:v9+s22+$0x0], $0xffff  }
0x154: {  	v58 =	vld.idx.msk [tilespmem:v10+s22+$0x0], $0xffff  }
0x155: {  	v59 =	vld.idx.msk [tilespmem:v11+s22+$0x0], $0xffff  }
0x156: {  	v60 =	vld.idx.msk [tilespmem:v12+s22+$0x0], $0xffff  }
0x157: {  	s18 =	sand.u32 $0x1C00, s9;
	s13 =	sand.u32 $0x70, s10;
	v61 =	vld.idx.msk [tilespmem:v13+s22+$0x0], $0xffff  }
0x158: {  	s12 =	sor.u32 s13, s18;
	v62 =	vld.idx.msk [tilespmem:v14+s22+$0x0], $0xffff  }
0x159: {  	s13 =	sadd.s32 $0x15000, s12;
	v63 =	vld.idx.msk [tilespmem:v15+s22+$0x0], $0xffff;
	[tilespmem:s12+$0x15000] =	vst v16  }
0x15a: {  	[tilespmem:s13+$0x80] =	vst v17  }
0x15b: {  	[tilespmem:s13+$0x100] =	vst v18  }
0x15c: {  	[tilespmem:s13+$0x180] =	vst v52  }
0x15d: {  	[tilespmem:s13+$0x200] =	vst v20  }
0x15e: {  	[tilespmem:s13+$0x280] =	vst v53  }
0x15f: {  	[tilespmem:s13+$0x300] =	vst v54  }
0x160: {  	[tilespmem:s13+$0x380] =	vst v55  }
0x161: {  	[tilespmem:s13+$0x2000] =	vst v56  }
0x162: {  	[tilespmem:s13+$0x2080] =	vst v57  }
0x163: {  	p1 =	sne.s32 s11, $0xFC00;
	[tilespmem:s13+$0x2100] =	vst v58  }
.Ltmp1:
0x164: {  	[tilespmem:s13+$0x2180] =	vst v59;
	(pc) =	sbr.rel @p1 .LBB2_5-.Ltmp1, $4  }
0x165: {  	[tilespmem:s13+$0x2200] =	vst v60  }
0x166: {  	[tilespmem:s13+$0x2280] =	vst v61  }
0x167: {  	[tilespmem:s13+$0x2300] =	vst v62  }
0x168: {  	s10 =	sadd.s32 $0x10, s10;
	s9 =	sadd.s32 $0x80, s9;
	s11 =	sadd.s32 $0x400, s11;
	[tilespmem:s13+$0x2380] =	vst v63  }
0x169: {  	s8 =	sadd.s32 s5, s8  }
0x16a: {  	s8 =	sshll.u32 s8, $0xB  }
0x16b: {  	s8 =	sadd.s32 s1, s8  }
0x16c: {  	[hbm4b:s8+s3] =	stream.linear.scatter [tilespmem:s28], [sflag:$0xA], $0x4000, $0x38;
	[tilespmem:$0x1D118] =	vst v63  }
0x16d: {  	s8 =	sadd.s32 @!p0 s24, s14;
	_ =	swait.ge [sflag:s30], $0x4000  }
0x16e: {  	s9 =	simm.s32 @!p0 $0x0;
	s8 =	sshll.u32 @!p0 s8, $0x7;
	[sflag:s30] =	ssyncset.done $0x0  }
0x16f: {  	s10 =	simm.s32 @!p0 $0x800;
	s8 =	sadd.s32 @!p0 s4, s8;
	[sflag:s30] =	ssyncadd.s32 $0xFFFFC000  }
0x170: {  	[tilespmem:s10], [sflag:$0x3] =	stream.linear.gather @!p0 [hbm4b:s8+s9], $0x400, $0x38;
	[tilespmem:$0x1D118] =	vst v63  }
0x171: {  	s8 =	simm.s32 @!p0 $0x1  }
0x172: {  	_ =	swait.ge @!p0 [sflag:s8], $0x400  }
0x173: {  	[sflag:s8] =	ssyncset.done @!p0 $0x0  }
0x174: {  	s10 =	simm.s32 @!p0 $0x1000;
	[sflag:s8] =	ssyncadd.s32 @!p0 $0xFFFFFC00;
	s8 =	simm.s32 @!p0 $0x80  }
0x175: {  	[tilespmem:s10], [sflag:$0x5] =	stream.indirect.gather @!p0 [hbm4b:s6+s8], $0x10, s9, s8, $0xb8;
	[tilespmem:$0x1D118] =	vst v63  }
0x176: {  	s9 =	simm.s32 @!p0 $0x1800  }
0x177: {  	[tilespmem:s9], [sflag:$0x5] =	stream.indirect.gather @!p0 [hbm4b:s6+s8], $0x10, s8, s8, $0xb8;
	[tilespmem:$0x1D118] =	vst v63  }
0x178: {  	s10 =	simm.s32 @!p0 $0x2000;
	s9 =	simm.s32 @!p0 $0x100  }
0x179: {  	[tilespmem:s10], [sflag:$0x5] =	stream.indirect.gather @!p0 [hbm4b:s6+s8], $0x10, s9, s8, $0xb8;
	[tilespmem:$0x1D118] =	vst v63  }
0x17a: {  	s9 =	simm.s32 @!p0 $0x180;
	s10 =	simm.s32 @!p0 $0x2800  }
0x17b: {  	[tilespmem:s10], [sflag:$0x5] =	stream.indirect.gather @!p0 [hbm4b:s6+s8], $0x10, s9, s8, $0xb8;
	[tilespmem:$0x1D118] =	vst v63  }
0x17c: {  	s9 =	simm.s32 @!p0 $0x200;
	s10 =	simm.s32 @!p0 $0x3000  }
0x17d: {  	[tilespmem:s10], [sflag:$0x5] =	stream.indirect.gather @!p0 [hbm4b:s6+s8], $0x10, s9, s8, $0xb8;
	[tilespmem:$0x1D118] =	vst v63  }
0x17e: {  	s9 =	simm.s32 @!p0 $0x280;
	s10 =	simm.s32 @!p0 $0x3800  }
0x17f: {  	[tilespmem:s10], [sflag:$0x5] =	stream.indirect.gather @!p0 [hbm4b:s6+s8], $0x10, s9, s8, $0xb8;
	[tilespmem:$0x1D118] =	vst v63  }
0x180: {  	s9 =	simm.s32 @!p0 $0x300;
	s10 =	simm.s32 @!p0 $0x4000  }
0x181: {  	[tilespmem:s10], [sflag:$0x5] =	stream.indirect.gather @!p0 [hbm4b:s6+s8], $0x10, s9, s8, $0xb8;
	[tilespmem:$0x1D118] =	vst v63  }
0x182: {  	s9 =	simm.s32 @!p0 $0x380;
	s10 =	simm.s32 @!p0 $0x4800  }
0x183: {  	[tilespmem:s10], [sflag:$0x5] =	stream.indirect.gather @!p0 [hbm4b:s6+s8], $0x10, s9, s8, $0xb8;
	[tilespmem:$0x1D118] =	vst v63  }
0x184: {  	_ =	swait.ge [sflag:s31], $0x4000  }
0x185: {  	s8 =	simm.s32 $0x0;
	[sflag:s31] =	ssyncset.done $0x0  }
0x186: {  	s9 =	simm.s32 $0x0;
	s10 =	simm.s32 $0x0;
	[sflag:s31] =	ssyncadd.s32 $0xFFFFC000  }
.LBB2_7:
0x187: {  	s11 =	sshra.s32 s10, $0x2  }
0x188: {  	v16 =	vld [tilespmem:s11+$0x9000]  }
0x189: {  	v17 =	vld [tilespmem:s11+$0x19000]  }
0x18a: {  	v18 =	vld [tilespmem:s11+$0x9010]  }
0x18b: {  	v19 =	vld [tilespmem:s11+$0x19010]  }
0x18c: {  	v20 =	vld [tilespmem:s11+$0x9020]  }
0x18d: {  	v21 =	vld [tilespmem:s11+$0x19020]  }
0x18e: {  	v22 =	vld [tilespmem:s11+$0x9030]  }
0x18f: {  	v23 =	vld [tilespmem:s11+$0x19030]  }
0x190: {  	v24 =	vld [tilespmem:s11+$0x9040]  }
0x191: {  	v25 =	vld [tilespmem:s11+$0x19040]  }
0x192: {  	v26 =	vld [tilespmem:s11+$0x9050]  }
0x193: {  	v27 =	vld [tilespmem:s11+$0x19050]  }
0x194: {  	v28 =	vld [tilespmem:s11+$0x9060]  }
0x195: {  	v29 =	vld [tilespmem:s11+$0x19060]  }
0x196: {  	v30 =	vld [tilespmem:s11+$0x9070]  }
0x197: {  	v31 =	vld [tilespmem:s11+$0x19070]  }
0x198: {  	v32 =	vld [tilespmem:s11+$0x9080]  }
0x199: {  	v33 =	vld [tilespmem:s11+$0x19080]  }
0x19a: {  	v34 =	vld [tilespmem:s11+$0x9090]  }
0x19b: {  	v35 =	vld [tilespmem:s11+$0x19090]  }
0x19c: {  	v36 =	vld [tilespmem:s11+$0x90A0]  }
0x19d: {  	v37 =	vld [tilespmem:s11+$0x190A0]  }
0x19e: {  	v38 =	vld [tilespmem:s11+$0x90B0]  }
0x19f: {  	v39 =	vld [tilespmem:s11+$0x190B0]  }
0x1a0: {  	v40 =	vld [tilespmem:s11+$0x90C0]  }
0x1a1: {  	v41 =	vld [tilespmem:s11+$0x190C0]  }
0x1a2: {  	v42 =	vld [tilespmem:s11+$0x90D0]  }
0x1a3: {  	v43 =	vld [tilespmem:s11+$0x190D0]  }
0x1a4: {  	v44 =	vld [tilespmem:s11+$0x90E0]  }
0x1a5: {  	v45 =	vld [tilespmem:s11+$0x190E0];
	v16 =	vadd.f32 v17, v16  }
0x1a6: {  	v63 =	vld [tilespmem:s11+$0x190F0];
	v18 =	vadd.f32 v19, v18  }
0x1a7: {  	v17 =	vld [tilespmem:s11+$0x90F0];
	v20 =	vadd.f32 v21, v20;
	[tilespmem:$0x1D000] =	vst v16  }
0x1a8: {  	v25 =	vadd.f32 v25, v24;
	[tilespmem:$0x1D011] =	vst v18  }
0x1a9: {  	v27 =	vadd.f32 v27, v26;
	[tilespmem:$0x1D022] =	vst v20  }
0x1aa: {  	v46 =	vadd.f32 v31, v30;
	[tilespmem:$0x1D044] =	vst v25  }
0x1ab: {  	v47 =	vadd.f32 v33, v32;
	[tilespmem:$0x1D055] =	vst v27  }
0x1ac: {  	v16 =	vadd.f32 v23, v22;
	[tilespmem:$0x1D077] =	vst v46  }
0x1ad: {  	v48 =	vadd.f32 v37, v36;
	[tilespmem:$0x1D088] =	vst v47  }
0x1ae: {  	[tilespmem:$0x1D033] =	vst v16;
	v16 =	vadd.f32 v29, v28  }
0x1af: {  	v49 =	vadd.f32 v39, v38;
	[tilespmem:$0x1D0AA] =	vst v48  }
0x1b0: {  	[tilespmem:$0x1D066] =	vst v16;
	v16 =	vadd.f32 v35, v34  }
0x1b1: {  	v50 =	vadd.f32 v43, v42;
	[tilespmem:$0x1D0BB] =	vst v49  }
0x1b2: {  	[tilespmem:$0x1D099] =	vst v16;
	v16 =	vadd.f32 v41, v40  }
0x1b3: {  	v51 =	vadd.f32 v45, v44;
	[tilespmem:$0x1D0DD] =	vst v50  }
0x1b4: {  	[tilespmem:$0x1D0CC] =	vst v16;
	v16 =	vadd.f32 v63, v17  }
0x1b5: {  	[tilespmem:$0x1D0EE] =	vst v51  }
0x1b6: {  	[tilespmem:$0x1D0FF] =	vst v16  }
0x1b7: {  	v16 =	vld.idx.msk [tilespmem:v0+s22+$0x0], $0xffff  }
0x1b8: {  	v17 =	vld.idx.msk [tilespmem:v1+s22+$0x0], $0xffff  }
0x1b9: {  	v18 =	vld.idx.msk [tilespmem:v2+s22+$0x0], $0xffff  }
0x1ba: {  	v52 =	vld.idx.msk [tilespmem:v3+s22+$0x0], $0xffff  }
0x1bb: {  	v20 =	vld.idx.msk [tilespmem:v4+s22+$0x0], $0xffff  }
0x1bc: {  	v53 =	vld.idx.msk [tilespmem:v5+s22+$0x0], $0xffff  }
0x1bd: {  	v54 =	vld.idx.msk [tilespmem:v6+s22+$0x0], $0xffff  }
0x1be: {  	v55 =	vld.idx.msk [tilespmem:v7+s22+$0x0], $0xffff  }
0x1bf: {  	v56 =	vld.idx.msk [tilespmem:v8+s22+$0x0], $0xffff  }
0x1c0: {  	v57 =	vld.idx.msk [tilespmem:v9+s22+$0x0], $0xffff  }
0x1c1: {  	v58 =	vld.idx.msk [tilespmem:v10+s22+$0x0], $0xffff  }
0x1c2: {  	v59 =	vld.idx.msk [tilespmem:v11+s22+$0x0], $0xffff  }
0x1c3: {  	v60 =	vld.idx.msk [tilespmem:v12+s22+$0x0], $0xffff  }
0x1c4: {  	s18 =	sand.u32 $0x1C00, s8;
	s12 =	sand.u32 $0x70, s9;
	v61 =	vld.idx.msk [tilespmem:v13+s22+$0x0], $0xffff  }
0x1c5: {  	s11 =	sor.u32 s12, s18;
	v62 =	vld.idx.msk [tilespmem:v14+s22+$0x0], $0xffff  }
0x1c6: {  	s12 =	sadd.s32 $0x11000, s11;
	v63 =	vld.idx.msk [tilespmem:v15+s22+$0x0], $0xffff;
	[tilespmem:s11+$0x11000] =	vst v16  }
0x1c7: {  	[tilespmem:s12+$0x80] =	vst v17  }
0x1c8: {  	[tilespmem:s12+$0x100] =	vst v18  }
0x1c9: {  	[tilespmem:s12+$0x180] =	vst v52  }
0x1ca: {  	[tilespmem:s12+$0x200] =	vst v20  }
0x1cb: {  	[tilespmem:s12+$0x280] =	vst v53  }
0x1cc: {  	[tilespmem:s12+$0x300] =	vst v54  }
0x1cd: {  	[tilespmem:s12+$0x380] =	vst v55  }
0x1ce: {  	[tilespmem:s12+$0x2000] =	vst v56  }
0x1cf: {  	[tilespmem:s12+$0x2080] =	vst v57  }
0x1d0: {  	p1 =	sne.s32 s10, $0xFC00;
	[tilespmem:s12+$0x2100] =	vst v58  }
.Ltmp2:
0x1d1: {  	[tilespmem:s12+$0x2180] =	vst v59;
	(pc) =	sbr.rel @p1 .LBB2_7-.Ltmp2, $4  }
0x1d2: {  	[tilespmem:s12+$0x2200] =	vst v60  }
0x1d3: {  	[tilespmem:s12+$0x2280] =	vst v61  }
0x1d4: {  	[tilespmem:s12+$0x2300] =	vst v62  }
0x1d5: {  	s9 =	sadd.s32 $0x10, s9;
	s8 =	sadd.s32 $0x80, s8;
	s10 =	sadd.s32 $0x400, s10;
	[tilespmem:s12+$0x2380] =	vst v63  }
0x1d6: {  	s8 =	sadd.s32 s5, s19  }
0x1d7: {  	s8 =	sshll.u32 s8, $0xB  }
0x1d8: {  	s8 =	sadd.s32 s1, s8  }
0x1d9: {  	[hbm4b:s8+s3] =	stream.linear.scatter [tilespmem:s29], [sflag:$0x9], $0x4000, $0x38;
	[tilespmem:$0x1D118] =	vst v63  }
0x1da: {  	s8 =	sadd.s32 @!p0 s24, s15;
	_ =	swait.ge [sflag:s0], $0x4000  }
0x1db: {  	s9 =	simm.s32 @!p0 $0x0;
	s8 =	sshll.u32 @!p0 s8, $0x7;
	[sflag:s0] =	ssyncset.done $0x0  }
0x1dc: {  	s10 =	simm.s32 @!p0 $0xC00;
	s8 =	sadd.s32 @!p0 s4, s8;
	[sflag:s0] =	ssyncadd.s32 $0xFFFFC000  }
0x1dd: {  	[tilespmem:s10], [sflag:$0x4] =	stream.linear.gather @!p0 [hbm4b:s8+s9], $0x400, $0x38;
	[tilespmem:$0x1D118] =	vst v63  }
0x1de: {  	s8 =	simm.s32 @!p0 $0x2  }
0x1df: {  	_ =	swait.ge @!p0 [sflag:s8], $0x400  }
0x1e0: {  	s9 =	simm.s32 @!p0 $0x400;
	[sflag:s8] =	ssyncset.done @!p0 $0x0  }
0x1e1: {  	s10 =	simm.s32 @!p0 $0x5000;
	[sflag:s8] =	ssyncadd.s32 @!p0 $0xFFFFFC00;
	s8 =	simm.s32 @!p0 $0x80  }
0x1e2: {  	[tilespmem:s10], [sflag:$0x6] =	stream.indirect.gather @!p0 [hbm4b:s6+s8], $0x10, s9, s8, $0xb8;
	[tilespmem:$0x1D118] =	vst v63  }
0x1e3: {  	s9 =	simm.s32 @!p0 $0x480;
	s10 =	simm.s32 @!p0 $0x5800  }
0x1e4: {  	[tilespmem:s10], [sflag:$0x6] =	stream.indirect.gather @!p0 [hbm4b:s6+s8], $0x10, s9, s8, $0xb8;
	[tilespmem:$0x1D118] =	vst v63  }
0x1e5: {  	s9 =	simm.s32 @!p0 $0x500;
	s10 =	simm.s32 @!p0 $0x6000  }
0x1e6: {  	[tilespmem:s10], [sflag:$0x6] =	stream.indirect.gather @!p0 [hbm4b:s6+s8], $0x10, s9, s8, $0xb8;
	[tilespmem:$0x1D118] =	vst v63  }
0x1e7: {  	s9 =	simm.s32 @!p0 $0x580;
	s10 =	simm.s32 @!p0 $0x6800  }
0x1e8: {  	[tilespmem:s10], [sflag:$0x6] =	stream.indirect.gather @!p0 [hbm4b:s6+s8], $0x10, s9, s8, $0xb8;
	[tilespmem:$0x1D118] =	vst v63  }
0x1e9: {  	s9 =	simm.s32 @!p0 $0x600;
	s10 =	simm.s32 @!p0 $0x7000  }
0x1ea: {  	[tilespmem:s10], [sflag:$0x6] =	stream.indirect.gather @!p0 [hbm4b:s6+s8], $0x10, s9, s8, $0xb8;
	[tilespmem:$0x1D118] =	vst v63  }
0x1eb: {  	s9 =	simm.s32 @!p0 $0x680;
	s10 =	simm.s32 @!p0 $0x7800  }
0x1ec: {  	[tilespmem:s10], [sflag:$0x6] =	stream.indirect.gather @!p0 [hbm4b:s6+s8], $0x10, s9, s8, $0xb8;
	[tilespmem:$0x1D118] =	vst v63  }
0x1ed: {  	s9 =	simm.s32 @!p0 $0x700;
	s10 =	simm.s32 @!p0 $0x8000  }
0x1ee: {  	[tilespmem:s10], [sflag:$0x6] =	stream.indirect.gather @!p0 [hbm4b:s6+s8], $0x10, s9, s8, $0xb8;
	[tilespmem:$0x1D118] =	vst v63  }
0x1ef: {  	s9 =	simm.s32 @!p0 $0x780;
	s10 =	simm.s32 @!p0 $0x8800  }
0x1f0: {  	[tilespmem:s10], [sflag:$0x6] =	stream.indirect.gather @!p0 [hbm4b:s6+s8], $0x10, s9, s8, $0xb8;
	[tilespmem:$0x1D118] =	vst v63  }
0x1f1: {  	_ =	swait.ge [sflag:s2], $0x4000  }
0x1f2: {  	s8 =	simm.s32 $0x0;
	[sflag:s2] =	ssyncset.done $0x0  }
0x1f3: {  	s9 =	simm.s32 $0x0;
	s10 =	simm.s32 $0x0;
	[sflag:s2] =	ssyncadd.s32 $0xFFFFC000  }
.LBB2_9:
0x1f4: {  	s11 =	sshra.s32 s10, $0x2  }
0x1f5: {  	v16 =	vld [tilespmem:s11+$0xD000]  }
0x1f6: {  	v17 =	vld [tilespmem:s11+$0x19000]  }
0x1f7: {  	v18 =	vld [tilespmem:s11+$0xD010]  }
0x1f8: {  	v19 =	vld [tilespmem:s11+$0x19010]  }
0x1f9: {  	v20 =	vld [tilespmem:s11+$0xD020]  }
0x1fa: {  	v21 =	vld [tilespmem:s11+$0x19020]  }
0x1fb: {  	v22 =	vld [tilespmem:s11+$0xD030]  }
0x1fc: {  	v23 =	vld [tilespmem:s11+$0x19030]  }
0x1fd: {  	v24 =	vld [tilespmem:s11+$0xD040]  }
0x1fe: {  	v25 =	vld [tilespmem:s11+$0x19040]  }
0x1ff: {  	v26 =	vld [tilespmem:s11+$0xD050]  }
0x200: {  	v27 =	vld [tilespmem:s11+$0x19050]  }
0x201: {  	v28 =	vld [tilespmem:s11+$0xD060]  }
0x202: {  	v29 =	vld [tilespmem:s11+$0x19060]  }
0x203: {  	v30 =	vld [tilespmem:s11+$0xD070]  }
0x204: {  	v31 =	vld [tilespmem:s11+$0x19070]  }
0x205: {  	v32 =	vld [tilespmem:s11+$0xD080]  }
0x206: {  	v33 =	vld [tilespmem:s11+$0x19080]  }
0x207: {  	v34 =	vld [tilespmem:s11+$0xD090]  }
0x208: {  	v35 =	vld [tilespmem:s11+$0x19090]  }
0x209: {  	v36 =	vld [tilespmem:s11+$0xD0A0]  }
0x20a: {  	v37 =	vld [tilespmem:s11+$0x190A0]  }
0x20b: {  	v38 =	vld [tilespmem:s11+$0xD0B0]  }
0x20c: {  	v39 =	vld [tilespmem:s11+$0x190B0]  }
0x20d: {  	v40 =	vld [tilespmem:s11+$0xD0C0]  }
0x20e: {  	v41 =	vld [tilespmem:s11+$0x190C0]  }
0x20f: {  	v42 =	vld [tilespmem:s11+$0xD0D0]  }
0x210: {  	v43 =	vld [tilespmem:s11+$0x190D0]  }
0x211: {  	v44 =	vld [tilespmem:s11+$0xD0E0]  }
0x212: {  	v45 =	vld [tilespmem:s11+$0x190E0];
	v16 =	vadd.f32 v17, v16  }
0x213: {  	v63 =	vld [tilespmem:s11+$0x190F0];
	v18 =	vadd.f32 v19, v18  }
0x214: {  	v17 =	vld [tilespmem:s11+$0xD0F0];
	v20 =	vadd.f32 v21, v20;
	[tilespmem:$0x1D000] =	vst v16  }
0x215: {  	v25 =	vadd.f32 v25, v24;
	[tilespmem:$0x1D011] =	vst v18  }
0x216: {  	v27 =	vadd.f32 v27, v26;
	[tilespmem:$0x1D022] =	vst v20  }
0x217: {  	v46 =	vadd.f32 v31, v30;
	[tilespmem:$0x1D044] =	vst v25  }
0x218: {  	v47 =	vadd.f32 v33, v32;
	[tilespmem:$0x1D055] =	vst v27  }
0x219: {  	v16 =	vadd.f32 v23, v22;
	[tilespmem:$0x1D077] =	vst v46  }
0x21a: {  	v48 =	vadd.f32 v37, v36;
	[tilespmem:$0x1D088] =	vst v47  }
0x21b: {  	[tilespmem:$0x1D033] =	vst v16;
	v16 =	vadd.f32 v29, v28  }
0x21c: {  	v49 =	vadd.f32 v39, v38;
	[tilespmem:$0x1D0AA] =	vst v48  }
0x21d: {  	[tilespmem:$0x1D066] =	vst v16;
	v16 =	vadd.f32 v35, v34  }
0x21e: {  	v50 =	vadd.f32 v43, v42;
	[tilespmem:$0x1D0BB] =	vst v49  }
0x21f: {  	[tilespmem:$0x1D099] =	vst v16;
	v16 =	vadd.f32 v41, v40  }
0x220: {  	v51 =	vadd.f32 v45, v44;
	[tilespmem:$0x1D0DD] =	vst v50  }
0x221: {  	[tilespmem:$0x1D0CC] =	vst v16;
	v16 =	vadd.f32 v63, v17  }
0x222: {  	[tilespmem:$0x1D0EE] =	vst v51  }
0x223: {  	[tilespmem:$0x1D0FF] =	vst v16  }
0x224: {  	v16 =	vld.idx.msk [tilespmem:v0+s22+$0x0], $0xffff  }
0x225: {  	v17 =	vld.idx.msk [tilespmem:v1+s22+$0x0], $0xffff  }
0x226: {  	v18 =	vld.idx.msk [tilespmem:v2+s22+$0x0], $0xffff  }
0x227: {  	v52 =	vld.idx.msk [tilespmem:v3+s22+$0x0], $0xffff  }
0x228: {  	v20 =	vld.idx.msk [tilespmem:v4+s22+$0x0], $0xffff  }
0x229: {  	v53 =	vld.idx.msk [tilespmem:v5+s22+$0x0], $0xffff  }
0x22a: {  	v54 =	vld.idx.msk [tilespmem:v6+s22+$0x0], $0xffff  }
0x22b: {  	v55 =	vld.idx.msk [tilespmem:v7+s22+$0x0], $0xffff  }
0x22c: {  	v56 =	vld.idx.msk [tilespmem:v8+s22+$0x0], $0xffff  }
0x22d: {  	v57 =	vld.idx.msk [tilespmem:v9+s22+$0x0], $0xffff  }
0x22e: {  	v58 =	vld.idx.msk [tilespmem:v10+s22+$0x0], $0xffff  }
0x22f: {  	v59 =	vld.idx.msk [tilespmem:v11+s22+$0x0], $0xffff  }
0x230: {  	v60 =	vld.idx.msk [tilespmem:v12+s22+$0x0], $0xffff  }
0x231: {  	s24 =	sand.u32 $0x1C00, s8;
	s12 =	sand.u32 $0x70, s9;
	v61 =	vld.idx.msk [tilespmem:v13+s22+$0x0], $0xffff  }
0x232: {  	s11 =	sor.u32 s12, s24;
	v62 =	vld.idx.msk [tilespmem:v14+s22+$0x0], $0xffff  }
0x233: {  	s12 =	sadd.s32 $0x15000, s11;
	v63 =	vld.idx.msk [tilespmem:v15+s22+$0x0], $0xffff;
	[tilespmem:s11+$0x15000] =	vst v16  }
0x234: {  	[tilespmem:s12+$0x80] =	vst v17  }
0x235: {  	[tilespmem:s12+$0x100] =	vst v18  }
0x236: {  	[tilespmem:s12+$0x180] =	vst v52  }
0x237: {  	[tilespmem:s12+$0x200] =	vst v20  }
0x238: {  	[tilespmem:s12+$0x280] =	vst v53  }
0x239: {  	[tilespmem:s12+$0x300] =	vst v54  }
0x23a: {  	[tilespmem:s12+$0x380] =	vst v55  }
0x23b: {  	[tilespmem:s12+$0x2000] =	vst v56  }
0x23c: {  	[tilespmem:s12+$0x2080] =	vst v57  }
0x23d: {  	p0 =	sne.s32 s10, $0xFC00;
	[tilespmem:s12+$0x2100] =	vst v58  }
.Ltmp3:
0x23e: {  	[tilespmem:s12+$0x2180] =	vst v59;
	(pc) =	sbr.rel @p0 .LBB2_9-.Ltmp3, $4  }
0x23f: {  	[tilespmem:s12+$0x2200] =	vst v60  }
0x240: {  	[tilespmem:s12+$0x2280] =	vst v61  }
0x241: {  	[tilespmem:s12+$0x2300] =	vst v62  }
0x242: {  	s9 =	sadd.s32 $0x10, s9;
	s8 =	sadd.s32 $0x80, s8;
	s10 =	sadd.s32 $0x400, s10;
	[tilespmem:s12+$0x2380] =	vst v63  }
0x243: {  	s17 =	sadd.s32 $0x1, s17  }
0x244: {  	p0 =	sne.s32 s17, $0x8  }
.Ltmp4:
0x245: {  	_ = 	snop;
	(pc) =	sbr.rel @p0 .LBB2_2-.Ltmp4, $4  }
0x246: {  	s7 =	sadd.s32 s5, s7  }
0x247: {  	s7 =	sshll.u32 s7, $0xB  }
0x248: {  	s7 =	sadd.s32 s1, s7  }
0x249: {  	[hbm4b:s7+s3] =	stream.linear.scatter [tilespmem:s28], [sflag:$0xA], $0x4000, $0x38;
	[tilespmem:$0x1D118] =	vst v63  }
0x24a: {  	_ =	swait.ge [sflag:s31], $0x4000  }
0x24b: {  	[sflag:s31] =	ssyncset.done $0x0  }
0x24c: {  	[sflag:s31] =	ssyncadd.s32 $0xFFFFC000  }
0x24d: {  	_ =	swait.ge [sflag:s2], $0x4000  }
0x24e: {  	s8 =	rddreg [dreg:$0xb]  }
0x24f: {  	s7 =	rddreg [dreg:$0xa];
	s8 =	sadd.s32 $0x1, s8  }
0x250: {  	p0 =	sne.s32 s8, s7  }
.Ltmp5:
0x251: {  	_ = 	snop;
	(pc) =	sbr.rel @p0 .LBB2_1-.Ltmp5, $3  }
0x252: {  	_ =	sdelay $0x1  }
0x253: {  	[sflag:s2] =	ssyncset.done $0x0  }
0x254: {  	[sflag:s2] =	ssyncadd.s32 $0xFFFFC000  }
0x255: {  	_ =	sfence.sel $0x180000  }
0x256: {  	[bflag:$0x0] =	sbarrier.arrive $0xFFFF  }
0x257: {  	_ =	strace $0x90000047  }
0x258: {  	s0 =	stileid.u32;
	[bflag:$0x2] =	sbarrier.arrive $0xFFFF  }
0x259: {  	p0 =	sne.s32 s0, $0x0;
	s0 =	rddreg [dreg:$0x2]  }
0x25a: {  	s0 =	sadd.s32 @!p0 $0x100000, s0  }
0x25b: {  	[sflag:s0] =	ssyncadd.tile.s32 @!p0 $0x1;
	_ =	shalt  }
.Lfunc_end2:
_tile_overlayer_lowered:
.L_overlay_start_2:
0x25c: {  	(tag) =	ssettag $0x2  }
0x25d: {  	s0 =	rddreg [dreg:$0x0];
	s2 =	stileid.u32  }
0x25e: {  	s1 =	rddreg [dreg:$0x1];
	p0 =	sne.s32 s2, $0x0  }
0x25f: {  	s3 =	rddreg [dreg:$0x2];
	[bflag:$0x3] =	sbarrier.arrive $0xFFFF;
	s2 =	simm.s32 @!p0 $0x1C0B  }
0x260: {  	[timem:s3], [sflag:s2] =	dma.local @!p0 [hbm:s0], s1  }
0x261: {  	s0 =	simm.s32 @!p0 $0xB  }
0x262: {  	_ =	swait.ge @!p0 [sflag:s0], s1  }
0x263: {  	s1 =	ssub.s32 @!p0 $0x0, s1;
	[sflag:s0] =	ssyncset.done @!p0 $0x0  }
0x264: {  	[sflag:s0] =	ssyncadd.s32 @!p0 s1  }
0x265: {  	[bflag:$0x3] =	sbarrier.arrive $0xFFFF  }
0x266: {  	_ =	shalt  }

</sc_bundles>
